<compile_context>
chip_gen: v7x
topology: tpu7x:2x2x1
jax: 0.10.2.dev20260603
libtpu: 0.0.44.dev20260713+nightly
codegen_flags: <defaults>
</compile_context>

<pallas_src>
import jax
import jax.numpy as jnp
from jax import lax
from jax.experimental import pallas as pl
from jax.experimental.pallas import tpu as pltpu
from jax.experimental.pallas import tpu_sc as plsc

_BATCH = 16384
_HIST = 50
_DIM = 64
_B = _BATCH * _HIST
_NHALF = 2
_BH = _B // _NHALF
_NC = 2
_NS = 16
_NW = _NC * _NS
_B_PER_W = _BH // _NW
_C = 64
_NCHUNKS = _B_PER_W // _C
_NSLOT = 8
_K = 4
_NGROUPS = _NCHUNKS // _NSLOT


def _gather_body(table_hbm, idx_hbm, out_hbm, idx_all, rows, *sems):
    gsem = sems[:_NSLOT]
    ssem = sems[_NSLOT:]
    wid = lax.axis_index("s") * _NC + lax.axis_index("c")
    base = wid * _B_PER_W

    pltpu.sync_copy(idx_hbm.at[wid], idx_all)

    def start_gather(slot, chunk):
        pltpu.async_copy(table_hbm.at[idx_all.at[chunk]], rows.at[slot],
                         gsem[slot])

    def wait_gather(slot):
        pltpu.make_async_copy(table_hbm.at[idx_all.at[0]], rows.at[slot],
                              gsem[slot]).wait()

    def start_store(slot, chunk):
        pltpu.async_copy(rows.at[slot],
                         out_hbm.at[pl.ds(base + chunk * _C, _C)],
                         ssem[slot])

    def wait_store(slot):
        pltpu.make_async_copy(rows.at[slot], out_hbm.at[pl.ds(base, _C)],
                              ssem[slot]).wait()


    for t in range(_K):
        start_gather(t, t)

    for b in range(_NSLOT):
        wait_gather(b)
        start_store(b, b)
        su = (b + _K) % _NSLOT
        if b >= _NSLOT - _K:
            wait_store(su)
        start_gather(su, b + _K)

    def group(g, carry):
        for b in range(_NSLOT):
            t = g * _NSLOT + b
            wait_gather(b)
            start_store(b, t)
            su = (b + _K) % _NSLOT
            wait_store(su)
            start_gather(su, t + _K)
        return carry

    lax.fori_loop(1, _NGROUPS - 1, group, 0)

    for b in range(_NSLOT):
        t = (_NGROUPS - 1) * _NSLOT + b
        wait_gather(b)
        start_store(b, t)
        if b < _NSLOT - _K:
            su = (b + _K) % _NSLOT
            wait_store(su)
            start_gather(su, t + _K)

    for b in range(_NSLOT):
        wait_store(b)


@jax.jit
def kernel(x, table):
    mesh = plsc.VectorSubcoreMesh(core_axis_name="c", subcore_axis_name="s")
    call = pl.kernel(
        _gather_body,
        mesh=mesh,
        out_type=jax.ShapeDtypeStruct((_BH, _DIM), jnp.float32),
        scratch_types=[
            pltpu.VMEM((_NCHUNKS, _C), jnp.int32),
            pltpu.VMEM((_NSLOT, _C, _DIM), jnp.float32),
        ] + [pltpu.SemaphoreType.DMA] * (2 * _NSLOT),
        compiler_params=pltpu.CompilerParams(use_tc_tiling_on_sc=False),
    )
    idx = x.reshape(_NHALF, _NW, _NCHUNKS, _C)
    halves = [
        call(table, idx[h]).reshape(_BATCH // _NHALF, _HIST, _DIM)
        for h in range(_NHALF)
    ]
    return jnp.concatenate(halves, axis=0)

# --- scband reference (transcript-rebuilt; emitter-appended) ---
"""Pipeline reference for scband-embeddings-17394617549325 (READ-ONLY COPY).

The authoritative reference and input builder live on the scoring server;
editing this copy changes nothing except your own understanding.
"""

import jax, jax.numpy as jnp
import numpy as np

VOCAB = 1000000
EMBED_DIM = 64
BATCH = 16384
HIST = 50

def setup_inputs(seed: int = 0) -> dict:
    key = jax.random.key(seed)
    k1, k2 = jax.random.split(key)
    x = jax.random.randint(k1, (BATCH, HIST), 0, VOCAB, dtype=jnp.int64 if jax.config.jax_enable_x64 else jnp.int32)
    table = jax.random.normal(k2, (VOCAB, EMBED_DIM), dtype=jnp.float32) * 0.05
    return {"x": x, "table": table}

def reference(x, table):
    # Embeddings.call: lut(x); scale=False so no sqrt(d) scaling.
    # mask_zero=True only affects downstream masking semantics, not the
    # lookup values themselves, so the faithful forward is a plain gather.
    out = jnp.take(table, x, axis=0)
    return out

if __name__ == "__main__":
    import jax
    _d = setup_inputs()
    print(jax.jit(kernel)(*tuple(_d.values())))

</pallas_src>

<mosaic_0001>
#map = affine_map<(d0, d1) -> (0, 0)>
#map1 = affine_map<(d0, d1) -> (0, 0, 0)>
module attributes {stable_mosaic.version = 14 : i64} {
  func.func @_gather_body(%arg0: i32, %arg1: i32, %arg2: memref<1000000x64xf32, #tpu.memory_space<hbm>>, %arg3: memref<32x200x64xi32, #tpu.memory_space<hbm>>, %arg4: memref<409600x64xf32, #tpu.memory_space<hbm>>, %arg5: memref<200x64xi32, #tpu.memory_space<vmem>>, %arg6: memref<8x64x64xf32, #tpu.memory_space<vmem>>, %arg7: memref<!tpu.dma_semaphore, #tpu.memory_space<semaphore_mem>>, %arg8: memref<!tpu.dma_semaphore, #tpu.memory_space<semaphore_mem>>, %arg9: memref<!tpu.dma_semaphore, #tpu.memory_space<semaphore_mem>>, %arg10: memref<!tpu.dma_semaphore, #tpu.memory_space<semaphore_mem>>, %arg11: memref<!tpu.dma_semaphore, #tpu.memory_space<semaphore_mem>>, %arg12: memref<!tpu.dma_semaphore, #tpu.memory_space<semaphore_mem>>, %arg13: memref<!tpu.dma_semaphore, #tpu.memory_space<semaphore_mem>>, %arg14: memref<!tpu.dma_semaphore, #tpu.memory_space<semaphore_mem>>, %arg15: memref<!tpu.dma_semaphore, #tpu.memory_space<semaphore_mem>>, %arg16: memref<!tpu.dma_semaphore, #tpu.memory_space<semaphore_mem>>, %arg17: memref<!tpu.dma_semaphore, #tpu.memory_space<semaphore_mem>>, %arg18: memref<!tpu.dma_semaphore, #tpu.memory_space<semaphore_mem>>, %arg19: memref<!tpu.dma_semaphore, #tpu.memory_space<semaphore_mem>>, %arg20: memref<!tpu.dma_semaphore, #tpu.memory_space<semaphore_mem>>, %arg21: memref<!tpu.dma_semaphore, #tpu.memory_space<semaphore_mem>>, %arg22: memref<!tpu.dma_semaphore, #tpu.memory_space<semaphore_mem>>) attributes {dimension_semantics = [#tpu.dimension_semantics<core_parallel>, #tpu.dimension_semantics<subcore_parallel>], iteration_bounds = array<i64: 2, 16>, scalar_prefetch = 0 : i64, scratch_operands = 18 : i64, tpu.core_type = #tpu.core_type<sc_vector_subcore>, window_params = [{transform_indices = #map}, {transform_indices = #map1}, {transform_indices = #map}]} {
    %mul3A = arith.constant 2 : i32
    %mul3A_0 = arith.muli %arg1, %mul3A : i32
    %add3A = arith.addi %mul3A_0, %arg0 : i32
    %mul3A_1 = arith.constant 12800 : i32
    %mul3A_2 = arith.muli %add3A, %mul3A_1 : i32
    "tpu.region"() ({
      %run_scoped3A = tpu.sem_alloc : memref<!tpu.dma_semaphore, #tpu.memory_space<semaphore_mem>>
      %dma_start3A_838 = arith.constant 0 : i32
      %dma_start3A_839 = arith.constant 0 : i32
      %dma_start3A_840 = tpu.memref_slice %arg3[%add3A, %dma_start3A_838, %dma_start3A_839] : memref<32x200x64xi32, #tpu.memory_space<hbm>> -> memref<1x200x64xi32, #tpu.memory_space<hbm>>
      %dma_start3A_841 = tpu.memref_squeeze %dma_start3A_840 : memref<1x200x64xi32, #tpu.memory_space<hbm>> -> memref<200x64xi32, #tpu.memory_space<hbm>>
      %dma_start3A_842 = arith.constant 0 : i32
      %dma_start3A_843 = arith.constant 0 : i32
      %dma_start3A_844 = tpu.memref_slice %arg3[%add3A, %dma_start3A_842, %dma_start3A_843] : memref<32x200x64xi32, #tpu.memory_space<hbm>> -> memref<1x200x64xi32, #tpu.memory_space<hbm>>
      %dma_start3A_845 = tpu.memref_squeeze %dma_start3A_844 : memref<1x200x64xi32, #tpu.memory_space<hbm>> -> memref<200x64xi32, #tpu.memory_space<hbm>>
      tpu.enqueue_dma source(%dma_start3A_845 : memref<200x64xi32, #tpu.memory_space<hbm>>) target(%arg5 : memref<200x64xi32, #tpu.memory_space<vmem>>) target_semaphore(%run_scoped3A : memref<!tpu.dma_semaphore, #tpu.memory_space<semaphore_mem>>)
      %dma_wait3A_846 = arith.constant 0 : i32
      %dma_wait3A_847 = arith.constant 0 : i32
      %dma_wait3A_848 = tpu.memref_slice %arg3[%add3A, %dma_wait3A_846, %dma_wait3A_847] : memref<32x200x64xi32, #tpu.memory_space<hbm>> -> memref<1x200x64xi32, #tpu.memory_space<hbm>>
      %dma_wait3A_849 = tpu.memref_squeeze %dma_wait3A_848 : memref<1x200x64xi32, #tpu.memory_space<hbm>> -> memref<200x64xi32, #tpu.memory_space<hbm>>
      %dma_wait3A_850 = arith.constant 0 : i32
      %dma_wait3A_851 = arith.constant 0 : i32
      %dma_wait3A_852 = tpu.memref_slice %arg3[%add3A, %dma_wait3A_850, %dma_wait3A_851] : memref<32x200x64xi32, #tpu.memory_space<hbm>> -> memref<1x200x64xi32, #tpu.memory_space<hbm>>
      %dma_wait3A_853 = tpu.memref_squeeze %dma_wait3A_852 : memref<1x200x64xi32, #tpu.memory_space<hbm>> -> memref<200x64xi32, #tpu.memory_space<hbm>>
      tpu.wait_dma2 semaphore(%run_scoped3A : memref<!tpu.dma_semaphore, #tpu.memory_space<semaphore_mem>>) src(%dma_wait3A_853 : memref<200x64xi32, #tpu.memory_space<hbm>>) dst(%arg5 : memref<200x64xi32, #tpu.memory_space<vmem>>)
      tpu.yield
    }) : () -> ()
    %dma_start3A = arith.constant 0 : i32
    %dma_start3A_3 = arith.constant 0 : i32
    %dma_start3A_4 = arith.constant 0 : i32
    %dma_start3A_5 = arith.constant 0 : i32
    %dma_start3A_6 = tpu.memref_slice %arg6[%dma_start3A_3, %dma_start3A_4, %dma_start3A_5] : memref<8x64x64xf32, #tpu.memory_space<vmem>> -> memref<1x64x64xf32, #tpu.memory_space<vmem>>
    %dma_start3A_7 = tpu.memref_squeeze %dma_start3A_6 : memref<1x64x64xf32, #tpu.memory_space<vmem>> -> memref<64x64xf32, #tpu.memory_space<vmem>>
    %dma_start3A_8 = arith.constant 0 : i32
    %dma_start3A_9 = tpu.memref_slice %arg5[%dma_start3A, %dma_start3A_8] : memref<200x64xi32, #tpu.memory_space<vmem>> -> memref<1x64xi32, #tpu.memory_space<vmem>>
    %dma_start3A_10 = tpu.memref_squeeze %dma_start3A_9 : memref<1x64xi32, #tpu.memory_space<vmem>> -> memref<64xi32, #tpu.memory_space<vmem>>
    %dma_start3A_11 = arith.constant 0 : i32
    %dma_start3A_12 = arith.constant 0 : i32
    %dma_start3A_13 = tpu.memref_slice %arg2[%dma_start3A_11, %dma_start3A_12] : memref<1000000x64xf32, #tpu.memory_space<hbm>> -> memref<1000000x64xf32, #tpu.memory_space<hbm>>
    tpu.enqueue_indirect_dma source(%dma_start3A_13 : memref<1000000x64xf32, #tpu.memory_space<hbm>>) target(%dma_start3A_7 : memref<64x64xf32, #tpu.memory_space<vmem>>) offsets(%dma_start3A_10 : memref<64xi32, #tpu.memory_space<vmem>>) semaphore(%arg7 : memref<!tpu.dma_semaphore, #tpu.memory_space<semaphore_mem>>)
    %dma_start3A_14 = arith.constant 1 : i32
    %dma_start3A_15 = arith.constant 1 : i32
    %dma_start3A_16 = arith.constant 0 : i32
    %dma_start3A_17 = arith.constant 0 : i32
    %dma_start3A_18 = tpu.memref_slice %arg6[%dma_start3A_15, %dma_start3A_16, %dma_start3A_17] : memref<8x64x64xf32, #tpu.memory_space<vmem>> -> memref<1x64x64xf32, #tpu.memory_space<vmem>>
    %dma_start3A_19 = tpu.memref_squeeze %dma_start3A_18 : memref<1x64x64xf32, #tpu.memory_space<vmem>> -> memref<64x64xf32, #tpu.memory_space<vmem>>
    %dma_start3A_20 = arith.constant 0 : i32
    %dma_start3A_21 = tpu.memref_slice %arg5[%dma_start3A_14, %dma_start3A_20] : memref<200x64xi32, #tpu.memory_space<vmem>> -> memref<1x64xi32, #tpu.memory_space<vmem>>
    %dma_start3A_22 = tpu.memref_squeeze %dma_start3A_21 : memref<1x64xi32, #tpu.memory_space<vmem>> -> memref<64xi32, #tpu.memory_space<vmem>>
    %dma_start3A_23 = arith.constant 0 : i32
    %dma_start3A_24 = arith.constant 0 : i32
    %dma_start3A_25 = tpu.memref_slice %arg2[%dma_start3A_23, %dma_start3A_24] : memref<1000000x64xf32, #tpu.memory_space<hbm>> -> memref<1000000x64xf32, #tpu.memory_space<hbm>>
    tpu.enqueue_indirect_dma source(%dma_start3A_25 : memref<1000000x64xf32, #tpu.memory_space<hbm>>) target(%dma_start3A_19 : memref<64x64xf32, #tpu.memory_space<vmem>>) offsets(%dma_start3A_22 : memref<64xi32, #tpu.memory_space<vmem>>) semaphore(%arg8 : memref<!tpu.dma_semaphore, #tpu.memory_space<semaphore_mem>>)
    %dma_start3A_26 = arith.constant 2 : i32
    %dma_start3A_27 = arith.constant 2 : i32
    %dma_start3A_28 = arith.constant 0 : i32
    %dma_start3A_29 = arith.constant 0 : i32
    %dma_start3A_30 = tpu.memref_slice %arg6[%dma_start3A_27, %dma_start3A_28, %dma_start3A_29] : memref<8x64x64xf32, #tpu.memory_space<vmem>> -> memref<1x64x64xf32, #tpu.memory_space<vmem>>
    %dma_start3A_31 = tpu.memref_squeeze %dma_start3A_30 : memref<1x64x64xf32, #tpu.memory_space<vmem>> -> memref<64x64xf32, #tpu.memory_space<vmem>>
    %dma_start3A_32 = arith.constant 0 : i32
    %dma_start3A_33 = tpu.memref_slice %arg5[%dma_start3A_26, %dma_start3A_32] : memref<200x64xi32, #tpu.memory_space<vmem>> -> memref<1x64xi32, #tpu.memory_space<vmem>>
    %dma_start3A_34 = tpu.memref_squeeze %dma_start3A_33 : memref<1x64xi32, #tpu.memory_space<vmem>> -> memref<64xi32, #tpu.memory_space<vmem>>
    %dma_start3A_35 = arith.constant 0 : i32
    %dma_start3A_36 = arith.constant 0 : i32
    %dma_start3A_37 = tpu.memref_slice %arg2[%dma_start3A_35, %dma_start3A_36] : memref<1000000x64xf32, #tpu.memory_space<hbm>> -> memref<1000000x64xf32, #tpu.memory_space<hbm>>
    tpu.enqueue_indirect_dma source(%dma_start3A_37 : memref<1000000x64xf32, #tpu.memory_space<hbm>>) target(%dma_start3A_31 : memref<64x64xf32, #tpu.memory_space<vmem>>) offsets(%dma_start3A_34 : memref<64xi32, #tpu.memory_space<vmem>>) semaphore(%arg9 : memref<!tpu.dma_semaphore, #tpu.memory_space<semaphore_mem>>)
    %dma_start3A_38 = arith.constant 3 : i32
    %dma_start3A_39 = arith.constant 3 : i32
    %dma_start3A_40 = arith.constant 0 : i32
    %dma_start3A_41 = arith.constant 0 : i32
    %dma_start3A_42 = tpu.memref_slice %arg6[%dma_start3A_39, %dma_start3A_40, %dma_start3A_41] : memref<8x64x64xf32, #tpu.memory_space<vmem>> -> memref<1x64x64xf32, #tpu.memory_space<vmem>>
    %dma_start3A_43 = tpu.memref_squeeze %dma_start3A_42 : memref<1x64x64xf32, #tpu.memory_space<vmem>> -> memref<64x64xf32, #tpu.memory_space<vmem>>
    %dma_start3A_44 = arith.constant 0 : i32
    %dma_start3A_45 = tpu.memref_slice %arg5[%dma_start3A_38, %dma_start3A_44] : memref<200x64xi32, #tpu.memory_space<vmem>> -> memref<1x64xi32, #tpu.memory_space<vmem>>
    %dma_start3A_46 = tpu.memref_squeeze %dma_start3A_45 : memref<1x64xi32, #tpu.memory_space<vmem>> -> memref<64xi32, #tpu.memory_space<vmem>>
    %dma_start3A_47 = arith.constant 0 : i32
    %dma_start3A_48 = arith.constant 0 : i32
    %dma_start3A_49 = tpu.memref_slice %arg2[%dma_start3A_47, %dma_start3A_48] : memref<1000000x64xf32, #tpu.memory_space<hbm>> -> memref<1000000x64xf32, #tpu.memory_space<hbm>>
    tpu.enqueue_indirect_dma source(%dma_start3A_49 : memref<1000000x64xf32, #tpu.memory_space<hbm>>) target(%dma_start3A_43 : memref<64x64xf32, #tpu.memory_space<vmem>>) offsets(%dma_start3A_46 : memref<64xi32, #tpu.memory_space<vmem>>) semaphore(%arg10 : memref<!tpu.dma_semaphore, #tpu.memory_space<semaphore_mem>>)
    %dma_wait3A = arith.constant 0 : i32
    %dma_wait3A_50 = arith.constant 0 : i32
    %dma_wait3A_51 = arith.constant 0 : i32
    %dma_wait3A_52 = arith.constant 0 : i32
    %dma_wait3A_53 = tpu.memref_slice %arg6[%dma_wait3A_50, %dma_wait3A_51, %dma_wait3A_52] : memref<8x64x64xf32, #tpu.memory_space<vmem>> -> memref<1x64x64xf32, #tpu.memory_space<vmem>>
    %dma_wait3A_54 = tpu.memref_squeeze %dma_wait3A_53 : memref<1x64x64xf32, #tpu.memory_space<vmem>> -> memref<64x64xf32, #tpu.memory_space<vmem>>
    %dma_wait3A_55 = arith.constant 0 : i32
    %dma_wait3A_56 = tpu.memref_slice %arg5[%dma_wait3A, %dma_wait3A_55] : memref<200x64xi32, #tpu.memory_space<vmem>> -> memref<1x64xi32, #tpu.memory_space<vmem>>
    %dma_wait3A_57 = tpu.memref_squeeze %dma_wait3A_56 : memref<1x64xi32, #tpu.memory_space<vmem>> -> memref<64xi32, #tpu.memory_space<vmem>>
    %dma_wait3A_58 = arith.constant 0 : i32
    %dma_wait3A_59 = arith.constant 0 : i32
    %dma_wait3A_60 = tpu.memref_slice %arg2[%dma_wait3A_58, %dma_wait3A_59] : memref<1000000x64xf32, #tpu.memory_space<hbm>> -> memref<1000000x64xf32, #tpu.memory_space<hbm>>
    tpu.wait_indirect_dma semaphore(%arg7 : memref<!tpu.dma_semaphore, #tpu.memory_space<semaphore_mem>>) src(%dma_wait3A_60 : memref<1000000x64xf32, #tpu.memory_space<hbm>>) dst(%dma_wait3A_54 : memref<64x64xf32, #tpu.memory_space<vmem>>)
    %add3A_61 = arith.constant 0 : i32
    %add3A_62 = arith.addi %mul3A_2, %add3A_61 : i32
    %dma_start3A_63 = arith.constant 0 : i32
    %dma_start3A_64 = arith.constant 0 : i32
    %dma_start3A_65 = arith.constant 0 : i32
    %dma_start3A_66 = tpu.memref_slice %arg6[%dma_start3A_63, %dma_start3A_64, %dma_start3A_65] : memref<8x64x64xf32, #tpu.memory_space<vmem>> -> memref<1x64x64xf32, #tpu.memory_space<vmem>>
    %dma_start3A_67 = tpu.memref_squeeze %dma_start3A_66 : memref<1x64x64xf32, #tpu.memory_space<vmem>> -> memref<64x64xf32, #tpu.memory_space<vmem>>
    %dma_start3A_68 = arith.constant 0 : i32
    %dma_start3A_69 = tpu.memref_slice %arg4[%add3A_62, %dma_start3A_68] : memref<409600x64xf32, #tpu.memory_space<hbm>> -> memref<64x64xf32, #tpu.memory_space<hbm>>
    %dma_start3A_70 = arith.constant 0 : i32
    %dma_start3A_71 = tpu.memref_slice %arg4[%add3A_62, %dma_start3A_70] : memref<409600x64xf32, #tpu.memory_space<hbm>> -> memref<64x64xf32, #tpu.memory_space<hbm>>
    %dma_start3A_72 = arith.constant 0 : i32
    %dma_start3A_73 = arith.constant 0 : i32
    %dma_start3A_74 = tpu.memref_slice %arg6[%dma_start3A_63, %dma_start3A_72, %dma_start3A_73] : memref<8x64x64xf32, #tpu.memory_space<vmem>> -> memref<1x64x64xf32, #tpu.memory_space<vmem>>
    %dma_start3A_75 = tpu.memref_squeeze %dma_start3A_74 : memref<1x64x64xf32, #tpu.memory_space<vmem>> -> memref<64x64xf32, #tpu.memory_space<vmem>>
    tpu.enqueue_dma source(%dma_start3A_75 : memref<64x64xf32, #tpu.memory_space<vmem>>) target(%dma_start3A_71 : memref<64x64xf32, #tpu.memory_space<hbm>>) target_semaphore(%arg15 : memref<!tpu.dma_semaphore, #tpu.memory_space<semaphore_mem>>)
    %dma_start3A_76 = arith.constant 4 : i32
    %dma_start3A_77 = arith.constant 4 : i32
    %dma_start3A_78 = arith.constant 0 : i32
    %dma_start3A_79 = arith.constant 0 : i32
    %dma_start3A_80 = tpu.memref_slice %arg6[%dma_start3A_77, %dma_start3A_78, %dma_start3A_79] : memref<8x64x64xf32, #tpu.memory_space<vmem>> -> memref<1x64x64xf32, #tpu.memory_space<vmem>>
    %dma_start3A_81 = tpu.memref_squeeze %dma_start3A_80 : memref<1x64x64xf32, #tpu.memory_space<vmem>> -> memref<64x64xf32, #tpu.memory_space<vmem>>
    %dma_start3A_82 = arith.constant 0 : i32
    %dma_start3A_83 = tpu.memref_slice %arg5[%dma_start3A_76, %dma_start3A_82] : memref<200x64xi32, #tpu.memory_space<vmem>> -> memref<1x64xi32, #tpu.memory_space<vmem>>
    %dma_start3A_84 = tpu.memref_squeeze %dma_start3A_83 : memref<1x64xi32, #tpu.memory_space<vmem>> -> memref<64xi32, #tpu.memory_space<vmem>>
    %dma_start3A_85 = arith.constant 0 : i32
    %dma_start3A_86 = arith.constant 0 : i32
    %dma_start3A_87 = tpu.memref_slice %arg2[%dma_start3A_85, %dma_start3A_86] : memref<1000000x64xf32, #tpu.memory_space<hbm>> -> memref<1000000x64xf32, #tpu.memory_space<hbm>>
    tpu.enqueue_indirect_dma source(%dma_start3A_87 : memref<1000000x64xf32, #tpu.memory_space<hbm>>) target(%dma_start3A_81 : memref<64x64xf32, #tpu.memory_space<vmem>>) offsets(%dma_start3A_84 : memref<64xi32, #tpu.memory_space<vmem>>) semaphore(%arg11 : memref<!tpu.dma_semaphore, #tpu.memory_space<semaphore_mem>>)
    %dma_wait3A_88 = arith.constant 0 : i32
    %dma_wait3A_89 = arith.constant 1 : i32
    %dma_wait3A_90 = arith.constant 0 : i32
    %dma_wait3A_91 = arith.constant 0 : i32
    %dma_wait3A_92 = tpu.memref_slice %arg6[%dma_wait3A_89, %dma_wait3A_90, %dma_wait3A_91] : memref<8x64x64xf32, #tpu.memory_space<vmem>> -> memref<1x64x64xf32, #tpu.memory_space<vmem>>
    %dma_wait3A_93 = tpu.memref_squeeze %dma_wait3A_92 : memref<1x64x64xf32, #tpu.memory_space<vmem>> -> memref<64x64xf32, #tpu.memory_space<vmem>>
    %dma_wait3A_94 = arith.constant 0 : i32
    %dma_wait3A_95 = tpu.memref_slice %arg5[%dma_wait3A_88, %dma_wait3A_94] : memref<200x64xi32, #tpu.memory_space<vmem>> -> memref<1x64xi32, #tpu.memory_space<vmem>>
    %dma_wait3A_96 = tpu.memref_squeeze %dma_wait3A_95 : memref<1x64xi32, #tpu.memory_space<vmem>> -> memref<64xi32, #tpu.memory_space<vmem>>
    %dma_wait3A_97 = arith.constant 0 : i32
    %dma_wait3A_98 = arith.constant 0 : i32
    %dma_wait3A_99 = tpu.memref_slice %arg2[%dma_wait3A_97, %dma_wait3A_98] : memref<1000000x64xf32, #tpu.memory_space<hbm>> -> memref<1000000x64xf32, #tpu.memory_space<hbm>>
    tpu.wait_indirect_dma semaphore(%arg8 : memref<!tpu.dma_semaphore, #tpu.memory_space<semaphore_mem>>) src(%dma_wait3A_99 : memref<1000000x64xf32, #tpu.memory_space<hbm>>) dst(%dma_wait3A_93 : memref<64x64xf32, #tpu.memory_space<vmem>>)
    %add3A_100 = arith.constant 64 : i32
    %add3A_101 = arith.addi %mul3A_2, %add3A_100 : i32
    %dma_start3A_102 = arith.constant 1 : i32
    %dma_start3A_103 = arith.constant 0 : i32
    %dma_start3A_104 = arith.constant 0 : i32
    %dma_start3A_105 = tpu.memref_slice %arg6[%dma_start3A_102, %dma_start3A_103, %dma_start3A_104] : memref<8x64x64xf32, #tpu.memory_space<vmem>> -> memref<1x64x64xf32, #tpu.memory_space<vmem>>
    %dma_start3A_106 = tpu.memref_squeeze %dma_start3A_105 : memref<1x64x64xf32, #tpu.memory_space<vmem>> -> memref<64x64xf32, #tpu.memory_space<vmem>>
    %dma_start3A_107 = arith.constant 0 : i32
    %dma_start3A_108 = tpu.memref_slice %arg4[%add3A_101, %dma_start3A_107] : memref<409600x64xf32, #tpu.memory_space<hbm>> -> memref<64x64xf32, #tpu.memory_space<hbm>>
    %dma_start3A_109 = arith.constant 0 : i32
    %dma_start3A_110 = tpu.memref_slice %arg4[%add3A_101, %dma_start3A_109] : memref<409600x64xf32, #tpu.memory_space<hbm>> -> memref<64x64xf32, #tpu.memory_space<hbm>>
    %dma_start3A_111 = arith.constant 0 : i32
    %dma_start3A_112 = arith.constant 0 : i32
    %dma_start3A_113 = tpu.memref_slice %arg6[%dma_start3A_102, %dma_start3A_111, %dma_start3A_112] : memref<8x64x64xf32, #tpu.memory_space<vmem>> -> memref<1x64x64xf32, #tpu.memory_space<vmem>>
    %dma_start3A_114 = tpu.memref_squeeze %dma_start3A_113 : memref<1x64x64xf32, #tpu.memory_space<vmem>> -> memref<64x64xf32, #tpu.memory_space<vmem>>
    tpu.enqueue_dma source(%dma_start3A_114 : memref<64x64xf32, #tpu.memory_space<vmem>>) target(%dma_start3A_110 : memref<64x64xf32, #tpu.memory_space<hbm>>) target_semaphore(%arg16 : memref<!tpu.dma_semaphore, #tpu.memory_space<semaphore_mem>>)
    %dma_start3A_115 = arith.constant 5 : i32
    %dma_start3A_116 = arith.constant 5 : i32
    %dma_start3A_117 = arith.constant 0 : i32
    %dma_start3A_118 = arith.constant 0 : i32
    %dma_start3A_119 = tpu.memref_slice %arg6[%dma_start3A_116, %dma_start3A_117, %dma_start3A_118] : memref<8x64x64xf32, #tpu.memory_space<vmem>> -> memref<1x64x64xf32, #tpu.memory_space<vmem>>
    %dma_start3A_120 = tpu.memref_squeeze %dma_start3A_119 : memref<1x64x64xf32, #tpu.memory_space<vmem>> -> memref<64x64xf32, #tpu.memory_space<vmem>>
    %dma_start3A_121 = arith.constant 0 : i32
    %dma_start3A_122 = tpu.memref_slice %arg5[%dma_start3A_115, %dma_start3A_121] : memref<200x64xi32, #tpu.memory_space<vmem>> -> memref<1x64xi32, #tpu.memory_space<vmem>>
    %dma_start3A_123 = tpu.memref_squeeze %dma_start3A_122 : memref<1x64xi32, #tpu.memory_space<vmem>> -> memref<64xi32, #tpu.memory_space<vmem>>
    %dma_start3A_124 = arith.constant 0 : i32
    %dma_start3A_125 = arith.constant 0 : i32
    %dma_start3A_126 = tpu.memref_slice %arg2[%dma_start3A_124, %dma_start3A_125] : memref<1000000x64xf32, #tpu.memory_space<hbm>> -> memref<1000000x64xf32, #tpu.memory_space<hbm>>
    tpu.enqueue_indirect_dma source(%dma_start3A_126 : memref<1000000x64xf32, #tpu.memory_space<hbm>>) target(%dma_start3A_120 : memref<64x64xf32, #tpu.memory_space<vmem>>) offsets(%dma_start3A_123 : memref<64xi32, #tpu.memory_space<vmem>>) semaphore(%arg12 : memref<!tpu.dma_semaphore, #tpu.memory_space<semaphore_mem>>)
    %dma_wait3A_127 = arith.constant 0 : i32
    %dma_wait3A_128 = arith.constant 2 : i32
    %dma_wait3A_129 = arith.constant 0 : i32
    %dma_wait3A_130 = arith.constant 0 : i32
    %dma_wait3A_131 = tpu.memref_slice %arg6[%dma_wait3A_128, %dma_wait3A_129, %dma_wait3A_130] : memref<8x64x64xf32, #tpu.memory_space<vmem>> -> memref<1x64x64xf32, #tpu.memory_space<vmem>>
    %dma_wait3A_132 = tpu.memref_squeeze %dma_wait3A_131 : memref<1x64x64xf32, #tpu.memory_space<vmem>> -> memref<64x64xf32, #tpu.memory_space<vmem>>
    %dma_wait3A_133 = arith.constant 0 : i32
    %dma_wait3A_134 = tpu.memref_slice %arg5[%dma_wait3A_127, %dma_wait3A_133] : memref<200x64xi32, #tpu.memory_space<vmem>> -> memref<1x64xi32, #tpu.memory_space<vmem>>
    %dma_wait3A_135 = tpu.memref_squeeze %dma_wait3A_134 : memref<1x64xi32, #tpu.memory_space<vmem>> -> memref<64xi32, #tpu.memory_space<vmem>>
    %dma_wait3A_136 = arith.constant 0 : i32
    %dma_wait3A_137 = arith.constant 0 : i32
    %dma_wait3A_138 = tpu.memref_slice %arg2[%dma_wait3A_136, %dma_wait3A_137] : memref<1000000x64xf32, #tpu.memory_space<hbm>> -> memref<1000000x64xf32, #tpu.memory_space<hbm>>
    tpu.wait_indirect_dma semaphore(%arg9 : memref<!tpu.dma_semaphore, #tpu.memory_space<semaphore_mem>>) src(%dma_wait3A_138 : memref<1000000x64xf32, #tpu.memory_space<hbm>>) dst(%dma_wait3A_132 : memref<64x64xf32, #tpu.memory_space<vmem>>)
    %add3A_139 = arith.constant 128 : i32
    %add3A_140 = arith.addi %mul3A_2, %add3A_139 : i32
    %dma_start3A_141 = arith.constant 2 : i32
    %dma_start3A_142 = arith.constant 0 : i32
    %dma_start3A_143 = arith.constant 0 : i32
    %dma_start3A_144 = tpu.memref_slice %arg6[%dma_start3A_141, %dma_start3A_142, %dma_start3A_143] : memref<8x64x64xf32, #tpu.memory_space<vmem>> -> memref<1x64x64xf32, #tpu.memory_space<vmem>>
    %dma_start3A_145 = tpu.memref_squeeze %dma_start3A_144 : memref<1x64x64xf32, #tpu.memory_space<vmem>> -> memref<64x64xf32, #tpu.memory_space<vmem>>
    %dma_start3A_146 = arith.constant 0 : i32
    %dma_start3A_147 = tpu.memref_slice %arg4[%add3A_140, %dma_start3A_146] : memref<409600x64xf32, #tpu.memory_space<hbm>> -> memref<64x64xf32, #tpu.memory_space<hbm>>
    %dma_start3A_148 = arith.constant 0 : i32
    %dma_start3A_149 = tpu.memref_slice %arg4[%add3A_140, %dma_start3A_148] : memref<409600x64xf32, #tpu.memory_space<hbm>> -> memref<64x64xf32, #tpu.memory_space<hbm>>
    %dma_start3A_150 = arith.constant 0 : i32
    %dma_start3A_151 = arith.constant 0 : i32
    %dma_start3A_152 = tpu.memref_slice %arg6[%dma_start3A_141, %dma_start3A_150, %dma_start3A_151] : memref<8x64x64xf32, #tpu.memory_space<vmem>> -> memref<1x64x64xf32, #tpu.memory_space<vmem>>
    %dma_start3A_153 = tpu.memref_squeeze %dma_start3A_152 : memref<1x64x64xf32, #tpu.memory_space<vmem>> -> memref<64x64xf32, #tpu.memory_space<vmem>>
    tpu.enqueue_dma source(%dma_start3A_153 : memref<64x64xf32, #tpu.memory_space<vmem>>) target(%dma_start3A_149 : memref<64x64xf32, #tpu.memory_space<hbm>>) target_semaphore(%arg17 : memref<!tpu.dma_semaphore, #tpu.memory_space<semaphore_mem>>)
    %dma_start3A_154 = arith.constant 6 : i32
    %dma_start3A_155 = arith.constant 6 : i32
    %dma_start3A_156 = arith.constant 0 : i32
    %dma_start3A_157 = arith.constant 0 : i32
    %dma_start3A_158 = tpu.memref_slice %arg6[%dma_start3A_155, %dma_start3A_156, %dma_start3A_157] : memref<8x64x64xf32, #tpu.memory_space<vmem>> -> memref<1x64x64xf32, #tpu.memory_space<vmem>>
    %dma_start3A_159 = tpu.memref_squeeze %dma_start3A_158 : memref<1x64x64xf32, #tpu.memory_space<vmem>> -> memref<64x64xf32, #tpu.memory_space<vmem>>
    %dma_start3A_160 = arith.constant 0 : i32
    %dma_start3A_161 = tpu.memref_slice %arg5[%dma_start3A_154, %dma_start3A_160] : memref<200x64xi32, #tpu.memory_space<vmem>> -> memref<1x64xi32, #tpu.memory_space<vmem>>
    %dma_start3A_162 = tpu.memref_squeeze %dma_start3A_161 : memref<1x64xi32, #tpu.memory_space<vmem>> -> memref<64xi32, #tpu.memory_space<vmem>>
    %dma_start3A_163 = arith.constant 0 : i32
    %dma_start3A_164 = arith.constant 0 : i32
    %dma_start3A_165 = tpu.memref_slice %arg2[%dma_start3A_163, %dma_start3A_164] : memref<1000000x64xf32, #tpu.memory_space<hbm>> -> memref<1000000x64xf32, #tpu.memory_space<hbm>>
    tpu.enqueue_indirect_dma source(%dma_start3A_165 : memref<1000000x64xf32, #tpu.memory_space<hbm>>) target(%dma_start3A_159 : memref<64x64xf32, #tpu.memory_space<vmem>>) offsets(%dma_start3A_162 : memref<64xi32, #tpu.memory_space<vmem>>) semaphore(%arg13 : memref<!tpu.dma_semaphore, #tpu.memory_space<semaphore_mem>>)
    %dma_wait3A_166 = arith.constant 0 : i32
    %dma_wait3A_167 = arith.constant 3 : i32
    %dma_wait3A_168 = arith.constant 0 : i32
    %dma_wait3A_169 = arith.constant 0 : i32
    %dma_wait3A_170 = tpu.memref_slice %arg6[%dma_wait3A_167, %dma_wait3A_168, %dma_wait3A_169] : memref<8x64x64xf32, #tpu.memory_space<vmem>> -> memref<1x64x64xf32, #tpu.memory_space<vmem>>
    %dma_wait3A_171 = tpu.memref_squeeze %dma_wait3A_170 : memref<1x64x64xf32, #tpu.memory_space<vmem>> -> memref<64x64xf32, #tpu.memory_space<vmem>>
    %dma_wait3A_172 = arith.constant 0 : i32
    %dma_wait3A_173 = tpu.memref_slice %arg5[%dma_wait3A_166, %dma_wait3A_172] : memref<200x64xi32, #tpu.memory_space<vmem>> -> memref<1x64xi32, #tpu.memory_space<vmem>>
    %dma_wait3A_174 = tpu.memref_squeeze %dma_wait3A_173 : memref<1x64xi32, #tpu.memory_space<vmem>> -> memref<64xi32, #tpu.memory_space<vmem>>
    %dma_wait3A_175 = arith.constant 0 : i32
    %dma_wait3A_176 = arith.constant 0 : i32
    %dma_wait3A_177 = tpu.memref_slice %arg2[%dma_wait3A_175, %dma_wait3A_176] : memref<1000000x64xf32, #tpu.memory_space<hbm>> -> memref<1000000x64xf32, #tpu.memory_space<hbm>>
    tpu.wait_indirect_dma semaphore(%arg10 : memref<!tpu.dma_semaphore, #tpu.memory_space<semaphore_mem>>) src(%dma_wait3A_177 : memref<1000000x64xf32, #tpu.memory_space<hbm>>) dst(%dma_wait3A_171 : memref<64x64xf32, #tpu.memory_space<vmem>>)
    %add3A_178 = arith.constant 192 : i32
    %add3A_179 = arith.addi %mul3A_2, %add3A_178 : i32
    %dma_start3A_180 = arith.constant 3 : i32
    %dma_start3A_181 = arith.constant 0 : i32
    %dma_start3A_182 = arith.constant 0 : i32
    %dma_start3A_183 = tpu.memref_slice %arg6[%dma_start3A_180, %dma_start3A_181, %dma_start3A_182] : memref<8x64x64xf32, #tpu.memory_space<vmem>> -> memref<1x64x64xf32, #tpu.memory_space<vmem>>
    %dma_start3A_184 = tpu.memref_squeeze %dma_start3A_183 : memref<1x64x64xf32, #tpu.memory_space<vmem>> -> memref<64x64xf32, #tpu.memory_space<vmem>>
    %dma_start3A_185 = arith.constant 0 : i32
    %dma_start3A_186 = tpu.memref_slice %arg4[%add3A_179, %dma_start3A_185] : memref<409600x64xf32, #tpu.memory_space<hbm>> -> memref<64x64xf32, #tpu.memory_space<hbm>>
    %dma_start3A_187 = arith.constant 0 : i32
    %dma_start3A_188 = tpu.memref_slice %arg4[%add3A_179, %dma_start3A_187] : memref<409600x64xf32, #tpu.memory_space<hbm>> -> memref<64x64xf32, #tpu.memory_space<hbm>>
    %dma_start3A_189 = arith.constant 0 : i32
    %dma_start3A_190 = arith.constant 0 : i32
    %dma_start3A_191 = tpu.memref_slice %arg6[%dma_start3A_180, %dma_start3A_189, %dma_start3A_190] : memref<8x64x64xf32, #tpu.memory_space<vmem>> -> memref<1x64x64xf32, #tpu.memory_space<vmem>>
    %dma_start3A_192 = tpu.memref_squeeze %dma_start3A_191 : memref<1x64x64xf32, #tpu.memory_space<vmem>> -> memref<64x64xf32, #tpu.memory_space<vmem>>
    tpu.enqueue_dma source(%dma_start3A_192 : memref<64x64xf32, #tpu.memory_space<vmem>>) target(%dma_start3A_188 : memref<64x64xf32, #tpu.memory_space<hbm>>) target_semaphore(%arg18 : memref<!tpu.dma_semaphore, #tpu.memory_space<semaphore_mem>>)
    %dma_start3A_193 = arith.constant 7 : i32
    %dma_start3A_194 = arith.constant 7 : i32
    %dma_start3A_195 = arith.constant 0 : i32
    %dma_start3A_196 = arith.constant 0 : i32
    %dma_start3A_197 = tpu.memref_slice %arg6[%dma_start3A_194, %dma_start3A_195, %dma_start3A_196] : memref<8x64x64xf32, #tpu.memory_space<vmem>> -> memref<1x64x64xf32, #tpu.memory_space<vmem>>
    %dma_start3A_198 = tpu.memref_squeeze %dma_start3A_197 : memref<1x64x64xf32, #tpu.memory_space<vmem>> -> memref<64x64xf32, #tpu.memory_space<vmem>>
    %dma_start3A_199 = arith.constant 0 : i32
    %dma_start3A_200 = tpu.memref_slice %arg5[%dma_start3A_193, %dma_start3A_199] : memref<200x64xi32, #tpu.memory_space<vmem>> -> memref<1x64xi32, #tpu.memory_space<vmem>>
    %dma_start3A_201 = tpu.memref_squeeze %dma_start3A_200 : memref<1x64xi32, #tpu.memory_space<vmem>> -> memref<64xi32, #tpu.memory_space<vmem>>
    %dma_start3A_202 = arith.constant 0 : i32
    %dma_start3A_203 = arith.constant 0 : i32
    %dma_start3A_204 = tpu.memref_slice %arg2[%dma_start3A_202, %dma_start3A_203] : memref<1000000x64xf32, #tpu.memory_space<hbm>> -> memref<1000000x64xf32, #tpu.memory_space<hbm>>
    tpu.enqueue_indirect_dma source(%dma_start3A_204 : memref<1000000x64xf32, #tpu.memory_space<hbm>>) target(%dma_start3A_198 : memref<64x64xf32, #tpu.memory_space<vmem>>) offsets(%dma_start3A_201 : memref<64xi32, #tpu.memory_space<vmem>>) semaphore(%arg14 : memref<!tpu.dma_semaphore, #tpu.memory_space<semaphore_mem>>)
    %dma_wait3A_205 = arith.constant 0 : i32
    %dma_wait3A_206 = arith.constant 4 : i32
    %dma_wait3A_207 = arith.constant 0 : i32
    %dma_wait3A_208 = arith.constant 0 : i32
    %dma_wait3A_209 = tpu.memref_slice %arg6[%dma_wait3A_206, %dma_wait3A_207, %dma_wait3A_208] : memref<8x64x64xf32, #tpu.memory_space<vmem>> -> memref<1x64x64xf32, #tpu.memory_space<vmem>>
    %dma_wait3A_210 = tpu.memref_squeeze %dma_wait3A_209 : memref<1x64x64xf32, #tpu.memory_space<vmem>> -> memref<64x64xf32, #tpu.memory_space<vmem>>
    %dma_wait3A_211 = arith.constant 0 : i32
    %dma_wait3A_212 = tpu.memref_slice %arg5[%dma_wait3A_205, %dma_wait3A_211] : memref<200x64xi32, #tpu.memory_space<vmem>> -> memref<1x64xi32, #tpu.memory_space<vmem>>
    %dma_wait3A_213 = tpu.memref_squeeze %dma_wait3A_212 : memref<1x64xi32, #tpu.memory_space<vmem>> -> memref<64xi32, #tpu.memory_space<vmem>>
    %dma_wait3A_214 = arith.constant 0 : i32
    %dma_wait3A_215 = arith.constant 0 : i32
    %dma_wait3A_216 = tpu.memref_slice %arg2[%dma_wait3A_214, %dma_wait3A_215] : memref<1000000x64xf32, #tpu.memory_space<hbm>> -> memref<1000000x64xf32, #tpu.memory_space<hbm>>
    tpu.wait_indirect_dma semaphore(%arg11 : memref<!tpu.dma_semaphore, #tpu.memory_space<semaphore_mem>>) src(%dma_wait3A_216 : memref<1000000x64xf32, #tpu.memory_space<hbm>>) dst(%dma_wait3A_210 : memref<64x64xf32, #tpu.memory_space<vmem>>)
    %add3A_217 = arith.constant 256 : i32
    %add3A_218 = arith.addi %mul3A_2, %add3A_217 : i32
    %dma_start3A_219 = arith.constant 4 : i32
    %dma_start3A_220 = arith.constant 0 : i32
    %dma_start3A_221 = arith.constant 0 : i32
    %dma_start3A_222 = tpu.memref_slice %arg6[%dma_start3A_219, %dma_start3A_220, %dma_start3A_221] : memref<8x64x64xf32, #tpu.memory_space<vmem>> -> memref<1x64x64xf32, #tpu.memory_space<vmem>>
    %dma_start3A_223 = tpu.memref_squeeze %dma_start3A_222 : memref<1x64x64xf32, #tpu.memory_space<vmem>> -> memref<64x64xf32, #tpu.memory_space<vmem>>
    %dma_start3A_224 = arith.constant 0 : i32
    %dma_start3A_225 = tpu.memref_slice %arg4[%add3A_218, %dma_start3A_224] : memref<409600x64xf32, #tpu.memory_space<hbm>> -> memref<64x64xf32, #tpu.memory_space<hbm>>
    %dma_start3A_226 = arith.constant 0 : i32
    %dma_start3A_227 = tpu.memref_slice %arg4[%add3A_218, %dma_start3A_226] : memref<409600x64xf32, #tpu.memory_space<hbm>> -> memref<64x64xf32, #tpu.memory_space<hbm>>
    %dma_start3A_228 = arith.constant 0 : i32
    %dma_start3A_229 = arith.constant 0 : i32
    %dma_start3A_230 = tpu.memref_slice %arg6[%dma_start3A_219, %dma_start3A_228, %dma_start3A_229] : memref<8x64x64xf32, #tpu.memory_space<vmem>> -> memref<1x64x64xf32, #tpu.memory_space<vmem>>
    %dma_start3A_231 = tpu.memref_squeeze %dma_start3A_230 : memref<1x64x64xf32, #tpu.memory_space<vmem>> -> memref<64x64xf32, #tpu.memory_space<vmem>>
    tpu.enqueue_dma source(%dma_start3A_231 : memref<64x64xf32, #tpu.memory_space<vmem>>) target(%dma_start3A_227 : memref<64x64xf32, #tpu.memory_space<hbm>>) target_semaphore(%arg19 : memref<!tpu.dma_semaphore, #tpu.memory_space<semaphore_mem>>)
    %dma_wait3A_232 = arith.constant 0 : i32
    %dma_wait3A_233 = arith.constant 0 : i32
    %dma_wait3A_234 = arith.constant 0 : i32
    %dma_wait3A_235 = tpu.memref_slice %arg6[%dma_wait3A_232, %dma_wait3A_233, %dma_wait3A_234] : memref<8x64x64xf32, #tpu.memory_space<vmem>> -> memref<1x64x64xf32, #tpu.memory_space<vmem>>
    %dma_wait3A_236 = tpu.memref_squeeze %dma_wait3A_235 : memref<1x64x64xf32, #tpu.memory_space<vmem>> -> memref<64x64xf32, #tpu.memory_space<vmem>>
    %dma_wait3A_237 = arith.constant 0 : i32
    %dma_wait3A_238 = tpu.memref_slice %arg4[%mul3A_2, %dma_wait3A_237] : memref<409600x64xf32, #tpu.memory_space<hbm>> -> memref<64x64xf32, #tpu.memory_space<hbm>>
    %dma_wait3A_239 = arith.constant 0 : i32
    %dma_wait3A_240 = tpu.memref_slice %arg4[%mul3A_2, %dma_wait3A_239] : memref<409600x64xf32, #tpu.memory_space<hbm>> -> memref<64x64xf32, #tpu.memory_space<hbm>>
    %dma_wait3A_241 = arith.constant 0 : i32
    %dma_wait3A_242 = arith.constant 0 : i32
    %dma_wait3A_243 = tpu.memref_slice %arg6[%dma_wait3A_232, %dma_wait3A_241, %dma_wait3A_242] : memref<8x64x64xf32, #tpu.memory_space<vmem>> -> memref<1x64x64xf32, #tpu.memory_space<vmem>>
    %dma_wait3A_244 = tpu.memref_squeeze %dma_wait3A_243 : memref<1x64x64xf32, #tpu.memory_space<vmem>> -> memref<64x64xf32, #tpu.memory_space<vmem>>
    tpu.wait_dma2 semaphore(%arg15 : memref<!tpu.dma_semaphore, #tpu.memory_space<semaphore_mem>>) src(%dma_wait3A_244 : memref<64x64xf32, #tpu.memory_space<vmem>>) dst(%dma_wait3A_240 : memref<64x64xf32, #tpu.memory_space<hbm>>)
    %dma_start3A_245 = arith.constant 8 : i32
    %dma_start3A_246 = arith.constant 0 : i32
    %dma_start3A_247 = arith.constant 0 : i32
    %dma_start3A_248 = arith.constant 0 : i32
    %dma_start3A_249 = tpu.memref_slice %arg6[%dma_start3A_246, %dma_start3A_247, %dma_start3A_248] : memref<8x64x64xf32, #tpu.memory_space<vmem>> -> memref<1x64x64xf32, #tpu.memory_space<vmem>>
    %dma_start3A_250 = tpu.memref_squeeze %dma_start3A_249 : memref<1x64x64xf32, #tpu.memory_space<vmem>> -> memref<64x64xf32, #tpu.memory_space<vmem>>
    %dma_start3A_251 = arith.constant 0 : i32
    %dma_start3A_252 = tpu.memref_slice %arg5[%dma_start3A_245, %dma_start3A_251] : memref<200x64xi32, #tpu.memory_space<vmem>> -> memref<1x64xi32, #tpu.memory_space<vmem>>
    %dma_start3A_253 = tpu.memref_squeeze %dma_start3A_252 : memref<1x64xi32, #tpu.memory_space<vmem>> -> memref<64xi32, #tpu.memory_space<vmem>>
    %dma_start3A_254 = arith.constant 0 : i32
    %dma_start3A_255 = arith.constant 0 : i32
    %dma_start3A_256 = tpu.memref_slice %arg2[%dma_start3A_254, %dma_start3A_255] : memref<1000000x64xf32, #tpu.memory_space<hbm>> -> memref<1000000x64xf32, #tpu.memory_space<hbm>>
    tpu.enqueue_indirect_dma source(%dma_start3A_256 : memref<1000000x64xf32, #tpu.memory_space<hbm>>) target(%dma_start3A_250 : memref<64x64xf32, #tpu.memory_space<vmem>>) offsets(%dma_start3A_253 : memref<64xi32, #tpu.memory_space<vmem>>) semaphore(%arg7 : memref<!tpu.dma_semaphore, #tpu.memory_space<semaphore_mem>>)
    %dma_wait3A_257 = arith.constant 0 : i32
    %dma_wait3A_258 = arith.constant 5 : i32
    %dma_wait3A_259 = arith.constant 0 : i32
    %dma_wait3A_260 = arith.constant 0 : i32
    %dma_wait3A_261 = tpu.memref_slice %arg6[%dma_wait3A_258, %dma_wait3A_259, %dma_wait3A_260] : memref<8x64x64xf32, #tpu.memory_space<vmem>> -> memref<1x64x64xf32, #tpu.memory_space<vmem>>
    %dma_wait3A_262 = tpu.memref_squeeze %dma_wait3A_261 : memref<1x64x64xf32, #tpu.memory_space<vmem>> -> memref<64x64xf32, #tpu.memory_space<vmem>>
    %dma_wait3A_263 = arith.constant 0 : i32
    %dma_wait3A_264 = tpu.memref_slice %arg5[%dma_wait3A_257, %dma_wait3A_263] : memref<200x64xi32, #tpu.memory_space<vmem>> -> memref<1x64xi32, #tpu.memory_space<vmem>>
    %dma_wait3A_265 = tpu.memref_squeeze %dma_wait3A_264 : memref<1x64xi32, #tpu.memory_space<vmem>> -> memref<64xi32, #tpu.memory_space<vmem>>
    %dma_wait3A_266 = arith.constant 0 : i32
    %dma_wait3A_267 = arith.constant 0 : i32
    %dma_wait3A_268 = tpu.memref_slice %arg2[%dma_wait3A_266, %dma_wait3A_267] : memref<1000000x64xf32, #tpu.memory_space<hbm>> -> memref<1000000x64xf32, #tpu.memory_space<hbm>>
    tpu.wait_indirect_dma semaphore(%arg12 : memref<!tpu.dma_semaphore, #tpu.memory_space<semaphore_mem>>) src(%dma_wait3A_268 : memref<1000000x64xf32, #tpu.memory_space<hbm>>) dst(%dma_wait3A_262 : memref<64x64xf32, #tpu.memory_space<vmem>>)
    %add3A_269 = arith.constant 320 : i32
    %add3A_270 = arith.addi %mul3A_2, %add3A_269 : i32
    %dma_start3A_271 = arith.constant 5 : i32
    %dma_start3A_272 = arith.constant 0 : i32
    %dma_start3A_273 = arith.constant 0 : i32
    %dma_start3A_274 = tpu.memref_slice %arg6[%dma_start3A_271, %dma_start3A_272, %dma_start3A_273] : memref<8x64x64xf32, #tpu.memory_space<vmem>> -> memref<1x64x64xf32, #tpu.memory_space<vmem>>
    %dma_start3A_275 = tpu.memref_squeeze %dma_start3A_274 : memref<1x64x64xf32, #tpu.memory_space<vmem>> -> memref<64x64xf32, #tpu.memory_space<vmem>>
    %dma_start3A_276 = arith.constant 0 : i32
    %dma_start3A_277 = tpu.memref_slice %arg4[%add3A_270, %dma_start3A_276] : memref<409600x64xf32, #tpu.memory_space<hbm>> -> memref<64x64xf32, #tpu.memory_space<hbm>>
    %dma_start3A_278 = arith.constant 0 : i32
    %dma_start3A_279 = tpu.memref_slice %arg4[%add3A_270, %dma_start3A_278] : memref<409600x64xf32, #tpu.memory_space<hbm>> -> memref<64x64xf32, #tpu.memory_space<hbm>>
    %dma_start3A_280 = arith.constant 0 : i32
    %dma_start3A_281 = arith.constant 0 : i32
    %dma_start3A_282 = tpu.memref_slice %arg6[%dma_start3A_271, %dma_start3A_280, %dma_start3A_281] : memref<8x64x64xf32, #tpu.memory_space<vmem>> -> memref<1x64x64xf32, #tpu.memory_space<vmem>>
    %dma_start3A_283 = tpu.memref_squeeze %dma_start3A_282 : memref<1x64x64xf32, #tpu.memory_space<vmem>> -> memref<64x64xf32, #tpu.memory_space<vmem>>
    tpu.enqueue_dma source(%dma_start3A_283 : memref<64x64xf32, #tpu.memory_space<vmem>>) target(%dma_start3A_279 : memref<64x64xf32, #tpu.memory_space<hbm>>) target_semaphore(%arg20 : memref<!tpu.dma_semaphore, #tpu.memory_space<semaphore_mem>>)
    %dma_wait3A_284 = arith.constant 1 : i32
    %dma_wait3A_285 = arith.constant 0 : i32
    %dma_wait3A_286 = arith.constant 0 : i32
    %dma_wait3A_287 = tpu.memref_slice %arg6[%dma_wait3A_284, %dma_wait3A_285, %dma_wait3A_286] : memref<8x64x64xf32, #tpu.memory_space<vmem>> -> memref<1x64x64xf32, #tpu.memory_space<vmem>>
    %dma_wait3A_288 = tpu.memref_squeeze %dma_wait3A_287 : memref<1x64x64xf32, #tpu.memory_space<vmem>> -> memref<64x64xf32, #tpu.memory_space<vmem>>
    %dma_wait3A_289 = arith.constant 0 : i32
    %dma_wait3A_290 = tpu.memref_slice %arg4[%mul3A_2, %dma_wait3A_289] : memref<409600x64xf32, #tpu.memory_space<hbm>> -> memref<64x64xf32, #tpu.memory_space<hbm>>
    %dma_wait3A_291 = arith.constant 0 : i32
    %dma_wait3A_292 = tpu.memref_slice %arg4[%mul3A_2, %dma_wait3A_291] : memref<409600x64xf32, #tpu.memory_space<hbm>> -> memref<64x64xf32, #tpu.memory_space<hbm>>
    %dma_wait3A_293 = arith.constant 0 : i32
    %dma_wait3A_294 = arith.constant 0 : i32
    %dma_wait3A_295 = tpu.memref_slice %arg6[%dma_wait3A_284, %dma_wait3A_293, %dma_wait3A_294] : memref<8x64x64xf32, #tpu.memory_space<vmem>> -> memref<1x64x64xf32, #tpu.memory_space<vmem>>
    %dma_wait3A_296 = tpu.memref_squeeze %dma_wait3A_295 : memref<1x64x64xf32, #tpu.memory_space<vmem>> -> memref<64x64xf32, #tpu.memory_space<vmem>>
    tpu.wait_dma2 semaphore(%arg16 : memref<!tpu.dma_semaphore, #tpu.memory_space<semaphore_mem>>) src(%dma_wait3A_296 : memref<64x64xf32, #tpu.memory_space<vmem>>) dst(%dma_wait3A_292 : memref<64x64xf32, #tpu.memory_space<hbm>>)
    %dma_start3A_297 = arith.constant 9 : i32
    %dma_start3A_298 = arith.constant 1 : i32
    %dma_start3A_299 = arith.constant 0 : i32
    %dma_start3A_300 = arith.constant 0 : i32
    %dma_start3A_301 = tpu.memref_slice %arg6[%dma_start3A_298, %dma_start3A_299, %dma_start3A_300] : memref<8x64x64xf32, #tpu.memory_space<vmem>> -> memref<1x64x64xf32, #tpu.memory_space<vmem>>
    %dma_start3A_302 = tpu.memref_squeeze %dma_start3A_301 : memref<1x64x64xf32, #tpu.memory_space<vmem>> -> memref<64x64xf32, #tpu.memory_space<vmem>>
    %dma_start3A_303 = arith.constant 0 : i32
    %dma_start3A_304 = tpu.memref_slice %arg5[%dma_start3A_297, %dma_start3A_303] : memref<200x64xi32, #tpu.memory_space<vmem>> -> memref<1x64xi32, #tpu.memory_space<vmem>>
    %dma_start3A_305 = tpu.memref_squeeze %dma_start3A_304 : memref<1x64xi32, #tpu.memory_space<vmem>> -> memref<64xi32, #tpu.memory_space<vmem>>
    %dma_start3A_306 = arith.constant 0 : i32
    %dma_start3A_307 = arith.constant 0 : i32
    %dma_start3A_308 = tpu.memref_slice %arg2[%dma_start3A_306, %dma_start3A_307] : memref<1000000x64xf32, #tpu.memory_space<hbm>> -> memref<1000000x64xf32, #tpu.memory_space<hbm>>
    tpu.enqueue_indirect_dma source(%dma_start3A_308 : memref<1000000x64xf32, #tpu.memory_space<hbm>>) target(%dma_start3A_302 : memref<64x64xf32, #tpu.memory_space<vmem>>) offsets(%dma_start3A_305 : memref<64xi32, #tpu.memory_space<vmem>>) semaphore(%arg8 : memref<!tpu.dma_semaphore, #tpu.memory_space<semaphore_mem>>)
    %dma_wait3A_309 = arith.constant 0 : i32
    %dma_wait3A_310 = arith.constant 6 : i32
    %dma_wait3A_311 = arith.constant 0 : i32
    %dma_wait3A_312 = arith.constant 0 : i32
    %dma_wait3A_313 = tpu.memref_slice %arg6[%dma_wait3A_310, %dma_wait3A_311, %dma_wait3A_312] : memref<8x64x64xf32, #tpu.memory_space<vmem>> -> memref<1x64x64xf32, #tpu.memory_space<vmem>>
    %dma_wait3A_314 = tpu.memref_squeeze %dma_wait3A_313 : memref<1x64x64xf32, #tpu.memory_space<vmem>> -> memref<64x64xf32, #tpu.memory_space<vmem>>
    %dma_wait3A_315 = arith.constant 0 : i32
    %dma_wait3A_316 = tpu.memref_slice %arg5[%dma_wait3A_309, %dma_wait3A_315] : memref<200x64xi32, #tpu.memory_space<vmem>> -> memref<1x64xi32, #tpu.memory_space<vmem>>
    %dma_wait3A_317 = tpu.memref_squeeze %dma_wait3A_316 : memref<1x64xi32, #tpu.memory_space<vmem>> -> memref<64xi32, #tpu.memory_space<vmem>>
    %dma_wait3A_318 = arith.constant 0 : i32
    %dma_wait3A_319 = arith.constant 0 : i32
    %dma_wait3A_320 = tpu.memref_slice %arg2[%dma_wait3A_318, %dma_wait3A_319] : memref<1000000x64xf32, #tpu.memory_space<hbm>> -> memref<1000000x64xf32, #tpu.memory_space<hbm>>
    tpu.wait_indirect_dma semaphore(%arg13 : memref<!tpu.dma_semaphore, #tpu.memory_space<semaphore_mem>>) src(%dma_wait3A_320 : memref<1000000x64xf32, #tpu.memory_space<hbm>>) dst(%dma_wait3A_314 : memref<64x64xf32, #tpu.memory_space<vmem>>)
    %add3A_321 = arith.constant 384 : i32
    %add3A_322 = arith.addi %mul3A_2, %add3A_321 : i32
    %dma_start3A_323 = arith.constant 6 : i32
    %dma_start3A_324 = arith.constant 0 : i32
    %dma_start3A_325 = arith.constant 0 : i32
    %dma_start3A_326 = tpu.memref_slice %arg6[%dma_start3A_323, %dma_start3A_324, %dma_start3A_325] : memref<8x64x64xf32, #tpu.memory_space<vmem>> -> memref<1x64x64xf32, #tpu.memory_space<vmem>>
    %dma_start3A_327 = tpu.memref_squeeze %dma_start3A_326 : memref<1x64x64xf32, #tpu.memory_space<vmem>> -> memref<64x64xf32, #tpu.memory_space<vmem>>
    %dma_start3A_328 = arith.constant 0 : i32
    %dma_start3A_329 = tpu.memref_slice %arg4[%add3A_322, %dma_start3A_328] : memref<409600x64xf32, #tpu.memory_space<hbm>> -> memref<64x64xf32, #tpu.memory_space<hbm>>
    %dma_start3A_330 = arith.constant 0 : i32
    %dma_start3A_331 = tpu.memref_slice %arg4[%add3A_322, %dma_start3A_330] : memref<409600x64xf32, #tpu.memory_space<hbm>> -> memref<64x64xf32, #tpu.memory_space<hbm>>
    %dma_start3A_332 = arith.constant 0 : i32
    %dma_start3A_333 = arith.constant 0 : i32
    %dma_start3A_334 = tpu.memref_slice %arg6[%dma_start3A_323, %dma_start3A_332, %dma_start3A_333] : memref<8x64x64xf32, #tpu.memory_space<vmem>> -> memref<1x64x64xf32, #tpu.memory_space<vmem>>
    %dma_start3A_335 = tpu.memref_squeeze %dma_start3A_334 : memref<1x64x64xf32, #tpu.memory_space<vmem>> -> memref<64x64xf32, #tpu.memory_space<vmem>>
    tpu.enqueue_dma source(%dma_start3A_335 : memref<64x64xf32, #tpu.memory_space<vmem>>) target(%dma_start3A_331 : memref<64x64xf32, #tpu.memory_space<hbm>>) target_semaphore(%arg21 : memref<!tpu.dma_semaphore, #tpu.memory_space<semaphore_mem>>)
    %dma_wait3A_336 = arith.constant 2 : i32
    %dma_wait3A_337 = arith.constant 0 : i32
    %dma_wait3A_338 = arith.constant 0 : i32
    %dma_wait3A_339 = tpu.memref_slice %arg6[%dma_wait3A_336, %dma_wait3A_337, %dma_wait3A_338] : memref<8x64x64xf32, #tpu.memory_space<vmem>> -> memref<1x64x64xf32, #tpu.memory_space<vmem>>
    %dma_wait3A_340 = tpu.memref_squeeze %dma_wait3A_339 : memref<1x64x64xf32, #tpu.memory_space<vmem>> -> memref<64x64xf32, #tpu.memory_space<vmem>>
    %dma_wait3A_341 = arith.constant 0 : i32
    %dma_wait3A_342 = tpu.memref_slice %arg4[%mul3A_2, %dma_wait3A_341] : memref<409600x64xf32, #tpu.memory_space<hbm>> -> memref<64x64xf32, #tpu.memory_space<hbm>>
    %dma_wait3A_343 = arith.constant 0 : i32
    %dma_wait3A_344 = tpu.memref_slice %arg4[%mul3A_2, %dma_wait3A_343] : memref<409600x64xf32, #tpu.memory_space<hbm>> -> memref<64x64xf32, #tpu.memory_space<hbm>>
    %dma_wait3A_345 = arith.constant 0 : i32
    %dma_wait3A_346 = arith.constant 0 : i32
    %dma_wait3A_347 = tpu.memref_slice %arg6[%dma_wait3A_336, %dma_wait3A_345, %dma_wait3A_346] : memref<8x64x64xf32, #tpu.memory_space<vmem>> -> memref<1x64x64xf32, #tpu.memory_space<vmem>>
    %dma_wait3A_348 = tpu.memref_squeeze %dma_wait3A_347 : memref<1x64x64xf32, #tpu.memory_space<vmem>> -> memref<64x64xf32, #tpu.memory_space<vmem>>
    tpu.wait_dma2 semaphore(%arg17 : memref<!tpu.dma_semaphore, #tpu.memory_space<semaphore_mem>>) src(%dma_wait3A_348 : memref<64x64xf32, #tpu.memory_space<vmem>>) dst(%dma_wait3A_344 : memref<64x64xf32, #tpu.memory_space<hbm>>)
    %dma_start3A_349 = arith.constant 10 : i32
    %dma_start3A_350 = arith.constant 2 : i32
    %dma_start3A_351 = arith.constant 0 : i32
    %dma_start3A_352 = arith.constant 0 : i32
    %dma_start3A_353 = tpu.memref_slice %arg6[%dma_start3A_350, %dma_start3A_351, %dma_start3A_352] : memref<8x64x64xf32, #tpu.memory_space<vmem>> -> memref<1x64x64xf32, #tpu.memory_space<vmem>>
    %dma_start3A_354 = tpu.memref_squeeze %dma_start3A_353 : memref<1x64x64xf32, #tpu.memory_space<vmem>> -> memref<64x64xf32, #tpu.memory_space<vmem>>
    %dma_start3A_355 = arith.constant 0 : i32
    %dma_start3A_356 = tpu.memref_slice %arg5[%dma_start3A_349, %dma_start3A_355] : memref<200x64xi32, #tpu.memory_space<vmem>> -> memref<1x64xi32, #tpu.memory_space<vmem>>
    %dma_start3A_357 = tpu.memref_squeeze %dma_start3A_356 : memref<1x64xi32, #tpu.memory_space<vmem>> -> memref<64xi32, #tpu.memory_space<vmem>>
    %dma_start3A_358 = arith.constant 0 : i32
    %dma_start3A_359 = arith.constant 0 : i32
    %dma_start3A_360 = tpu.memref_slice %arg2[%dma_start3A_358, %dma_start3A_359] : memref<1000000x64xf32, #tpu.memory_space<hbm>> -> memref<1000000x64xf32, #tpu.memory_space<hbm>>
    tpu.enqueue_indirect_dma source(%dma_start3A_360 : memref<1000000x64xf32, #tpu.memory_space<hbm>>) target(%dma_start3A_354 : memref<64x64xf32, #tpu.memory_space<vmem>>) offsets(%dma_start3A_357 : memref<64xi32, #tpu.memory_space<vmem>>) semaphore(%arg9 : memref<!tpu.dma_semaphore, #tpu.memory_space<semaphore_mem>>)
    %dma_wait3A_361 = arith.constant 0 : i32
    %dma_wait3A_362 = arith.constant 7 : i32
    %dma_wait3A_363 = arith.constant 0 : i32
    %dma_wait3A_364 = arith.constant 0 : i32
    %dma_wait3A_365 = tpu.memref_slice %arg6[%dma_wait3A_362, %dma_wait3A_363, %dma_wait3A_364] : memref<8x64x64xf32, #tpu.memory_space<vmem>> -> memref<1x64x64xf32, #tpu.memory_space<vmem>>
    %dma_wait3A_366 = tpu.memref_squeeze %dma_wait3A_365 : memref<1x64x64xf32, #tpu.memory_space<vmem>> -> memref<64x64xf32, #tpu.memory_space<vmem>>
    %dma_wait3A_367 = arith.constant 0 : i32
    %dma_wait3A_368 = tpu.memref_slice %arg5[%dma_wait3A_361, %dma_wait3A_367] : memref<200x64xi32, #tpu.memory_space<vmem>> -> memref<1x64xi32, #tpu.memory_space<vmem>>
    %dma_wait3A_369 = tpu.memref_squeeze %dma_wait3A_368 : memref<1x64xi32, #tpu.memory_space<vmem>> -> memref<64xi32, #tpu.memory_space<vmem>>
    %dma_wait3A_370 = arith.constant 0 : i32
    %dma_wait3A_371 = arith.constant 0 : i32
    %dma_wait3A_372 = tpu.memref_slice %arg2[%dma_wait3A_370, %dma_wait3A_371] : memref<1000000x64xf32, #tpu.memory_space<hbm>> -> memref<1000000x64xf32, #tpu.memory_space<hbm>>
    tpu.wait_indirect_dma semaphore(%arg14 : memref<!tpu.dma_semaphore, #tpu.memory_space<semaphore_mem>>) src(%dma_wait3A_372 : memref<1000000x64xf32, #tpu.memory_space<hbm>>) dst(%dma_wait3A_366 : memref<64x64xf32, #tpu.memory_space<vmem>>)
    %add3A_373 = arith.constant 448 : i32
    %add3A_374 = arith.addi %mul3A_2, %add3A_373 : i32
    %dma_start3A_375 = arith.constant 7 : i32
    %dma_start3A_376 = arith.constant 0 : i32
    %dma_start3A_377 = arith.constant 0 : i32
    %dma_start3A_378 = tpu.memref_slice %arg6[%dma_start3A_375, %dma_start3A_376, %dma_start3A_377] : memref<8x64x64xf32, #tpu.memory_space<vmem>> -> memref<1x64x64xf32, #tpu.memory_space<vmem>>
    %dma_start3A_379 = tpu.memref_squeeze %dma_start3A_378 : memref<1x64x64xf32, #tpu.memory_space<vmem>> -> memref<64x64xf32, #tpu.memory_space<vmem>>
    %dma_start3A_380 = arith.constant 0 : i32
    %dma_start3A_381 = tpu.memref_slice %arg4[%add3A_374, %dma_start3A_380] : memref<409600x64xf32, #tpu.memory_space<hbm>> -> memref<64x64xf32, #tpu.memory_space<hbm>>
    %dma_start3A_382 = arith.constant 0 : i32
    %dma_start3A_383 = tpu.memref_slice %arg4[%add3A_374, %dma_start3A_382] : memref<409600x64xf32, #tpu.memory_space<hbm>> -> memref<64x64xf32, #tpu.memory_space<hbm>>
    %dma_start3A_384 = arith.constant 0 : i32
    %dma_start3A_385 = arith.constant 0 : i32
    %dma_start3A_386 = tpu.memref_slice %arg6[%dma_start3A_375, %dma_start3A_384, %dma_start3A_385] : memref<8x64x64xf32, #tpu.memory_space<vmem>> -> memref<1x64x64xf32, #tpu.memory_space<vmem>>
    %dma_start3A_387 = tpu.memref_squeeze %dma_start3A_386 : memref<1x64x64xf32, #tpu.memory_space<vmem>> -> memref<64x64xf32, #tpu.memory_space<vmem>>
    tpu.enqueue_dma source(%dma_start3A_387 : memref<64x64xf32, #tpu.memory_space<vmem>>) target(%dma_start3A_383 : memref<64x64xf32, #tpu.memory_space<hbm>>) target_semaphore(%arg22 : memref<!tpu.dma_semaphore, #tpu.memory_space<semaphore_mem>>)
    %dma_wait3A_388 = arith.constant 3 : i32
    %dma_wait3A_389 = arith.constant 0 : i32
    %dma_wait3A_390 = arith.constant 0 : i32
    %dma_wait3A_391 = tpu.memref_slice %arg6[%dma_wait3A_388, %dma_wait3A_389, %dma_wait3A_390] : memref<8x64x64xf32, #tpu.memory_space<vmem>> -> memref<1x64x64xf32, #tpu.memory_space<vmem>>
    %dma_wait3A_392 = tpu.memref_squeeze %dma_wait3A_391 : memref<1x64x64xf32, #tpu.memory_space<vmem>> -> memref<64x64xf32, #tpu.memory_space<vmem>>
    %dma_wait3A_393 = arith.constant 0 : i32
    %dma_wait3A_394 = tpu.memref_slice %arg4[%mul3A_2, %dma_wait3A_393] : memref<409600x64xf32, #tpu.memory_space<hbm>> -> memref<64x64xf32, #tpu.memory_space<hbm>>
    %dma_wait3A_395 = arith.constant 0 : i32
    %dma_wait3A_396 = tpu.memref_slice %arg4[%mul3A_2, %dma_wait3A_395] : memref<409600x64xf32, #tpu.memory_space<hbm>> -> memref<64x64xf32, #tpu.memory_space<hbm>>
    %dma_wait3A_397 = arith.constant 0 : i32
    %dma_wait3A_398 = arith.constant 0 : i32
    %dma_wait3A_399 = tpu.memref_slice %arg6[%dma_wait3A_388, %dma_wait3A_397, %dma_wait3A_398] : memref<8x64x64xf32, #tpu.memory_space<vmem>> -> memref<1x64x64xf32, #tpu.memory_space<vmem>>
    %dma_wait3A_400 = tpu.memref_squeeze %dma_wait3A_399 : memref<1x64x64xf32, #tpu.memory_space<vmem>> -> memref<64x64xf32, #tpu.memory_space<vmem>>
    tpu.wait_dma2 semaphore(%arg18 : memref<!tpu.dma_semaphore, #tpu.memory_space<semaphore_mem>>) src(%dma_wait3A_400 : memref<64x64xf32, #tpu.memory_space<vmem>>) dst(%dma_wait3A_396 : memref<64x64xf32, #tpu.memory_space<hbm>>)
    %dma_start3A_401 = arith.constant 11 : i32
    %dma_start3A_402 = arith.constant 3 : i32
    %dma_start3A_403 = arith.constant 0 : i32
    %dma_start3A_404 = arith.constant 0 : i32
    %dma_start3A_405 = tpu.memref_slice %arg6[%dma_start3A_402, %dma_start3A_403, %dma_start3A_404] : memref<8x64x64xf32, #tpu.memory_space<vmem>> -> memref<1x64x64xf32, #tpu.memory_space<vmem>>
    %dma_start3A_406 = tpu.memref_squeeze %dma_start3A_405 : memref<1x64x64xf32, #tpu.memory_space<vmem>> -> memref<64x64xf32, #tpu.memory_space<vmem>>
    %dma_start3A_407 = arith.constant 0 : i32
    %dma_start3A_408 = tpu.memref_slice %arg5[%dma_start3A_401, %dma_start3A_407] : memref<200x64xi32, #tpu.memory_space<vmem>> -> memref<1x64xi32, #tpu.memory_space<vmem>>
    %dma_start3A_409 = tpu.memref_squeeze %dma_start3A_408 : memref<1x64xi32, #tpu.memory_space<vmem>> -> memref<64xi32, #tpu.memory_space<vmem>>
    %dma_start3A_410 = arith.constant 0 : i32
    %dma_start3A_411 = arith.constant 0 : i32
    %dma_start3A_412 = tpu.memref_slice %arg2[%dma_start3A_410, %dma_start3A_411] : memref<1000000x64xf32, #tpu.memory_space<hbm>> -> memref<1000000x64xf32, #tpu.memory_space<hbm>>
    tpu.enqueue_indirect_dma source(%dma_start3A_412 : memref<1000000x64xf32, #tpu.memory_space<hbm>>) target(%dma_start3A_406 : memref<64x64xf32, #tpu.memory_space<vmem>>) offsets(%dma_start3A_409 : memref<64xi32, #tpu.memory_space<vmem>>) semaphore(%arg10 : memref<!tpu.dma_semaphore, #tpu.memory_space<semaphore_mem>>)
    %scan3A = arith.constant 0 : i32
    %scan3A_413 = arith.constant 1 : i32
    %scan3A_414 = arith.constant 23 : i32
    %scan3A_415 = arith.addi %scan3A_413, %scan3A_414 : i32
    %scan3A_416 = arith.constant 1 : i32
    scf.for %scan3A_838 = %scan3A_413 to %scan3A_415 step %scan3A_416  : i32 {
      %mul3A_839 = arith.constant 8 : i32
      %mul3A_840 = arith.muli %scan3A_838, %mul3A_839 : i32
      %add3A_841 = arith.constant 0 : i32
      %add3A_842 = arith.addi %mul3A_840, %add3A_841 : i32
      %dma_wait3A_843 = arith.constant 0 : i32
      %dma_wait3A_844 = arith.constant 0 : i32
      %dma_wait3A_845 = arith.constant 0 : i32
      %dma_wait3A_846 = arith.constant 0 : i32
      %dma_wait3A_847 = tpu.memref_slice %arg6[%dma_wait3A_844, %dma_wait3A_845, %dma_wait3A_846] : memref<8x64x64xf32, #tpu.memory_space<vmem>> -> memref<1x64x64xf32, #tpu.memory_space<vmem>>
      %dma_wait3A_848 = tpu.memref_squeeze %dma_wait3A_847 : memref<1x64x64xf32, #tpu.memory_space<vmem>> -> memref<64x64xf32, #tpu.memory_space<vmem>>
      %dma_wait3A_849 = arith.constant 0 : i32
      %dma_wait3A_850 = tpu.memref_slice %arg5[%dma_wait3A_843, %dma_wait3A_849] : memref<200x64xi32, #tpu.memory_space<vmem>> -> memref<1x64xi32, #tpu.memory_space<vmem>>
      %dma_wait3A_851 = tpu.memref_squeeze %dma_wait3A_850 : memref<1x64xi32, #tpu.memory_space<vmem>> -> memref<64xi32, #tpu.memory_space<vmem>>
      %dma_wait3A_852 = arith.constant 0 : i32
      %dma_wait3A_853 = arith.constant 0 : i32
      %dma_wait3A_854 = tpu.memref_slice %arg2[%dma_wait3A_852, %dma_wait3A_853] : memref<1000000x64xf32, #tpu.memory_space<hbm>> -> memref<1000000x64xf32, #tpu.memory_space<hbm>>
      tpu.wait_indirect_dma semaphore(%arg7 : memref<!tpu.dma_semaphore, #tpu.memory_space<semaphore_mem>>) src(%dma_wait3A_854 : memref<1000000x64xf32, #tpu.memory_space<hbm>>) dst(%dma_wait3A_848 : memref<64x64xf32, #tpu.memory_space<vmem>>)
      %mul3A_855 = arith.constant 64 : i32
      %mul3A_856 = arith.muli %add3A_842, %mul3A_855 : i32
      %add3A_857 = arith.addi %mul3A_2, %mul3A_856 : i32
      %dma_start3A_858 = arith.constant 0 : i32
      %dma_start3A_859 = arith.constant 0 : i32
      %dma_start3A_860 = arith.constant 0 : i32
      %dma_start3A_861 = tpu.memref_slice %arg6[%dma_start3A_858, %dma_start3A_859, %dma_start3A_860] : memref<8x64x64xf32, #tpu.memory_space<vmem>> -> memref<1x64x64xf32, #tpu.memory_space<vmem>>
      %dma_start3A_862 = tpu.memref_squeeze %dma_start3A_861 : memref<1x64x64xf32, #tpu.memory_space<vmem>> -> memref<64x64xf32, #tpu.memory_space<vmem>>
      %dma_start3A_863 = arith.constant 0 : i32
      %dma_start3A_864 = tpu.memref_slice %arg4[%add3A_857, %dma_start3A_863] : memref<409600x64xf32, #tpu.memory_space<hbm>> -> memref<64x64xf32, #tpu.memory_space<hbm>>
      %dma_start3A_865 = arith.constant 0 : i32
      %dma_start3A_866 = tpu.memref_slice %arg4[%add3A_857, %dma_start3A_865] : memref<409600x64xf32, #tpu.memory_space<hbm>> -> memref<64x64xf32, #tpu.memory_space<hbm>>
      %dma_start3A_867 = arith.constant 0 : i32
      %dma_start3A_868 = arith.constant 0 : i32
      %dma_start3A_869 = tpu.memref_slice %arg6[%dma_start3A_858, %dma_start3A_867, %dma_start3A_868] : memref<8x64x64xf32, #tpu.memory_space<vmem>> -> memref<1x64x64xf32, #tpu.memory_space<vmem>>
      %dma_start3A_870 = tpu.memref_squeeze %dma_start3A_869 : memref<1x64x64xf32, #tpu.memory_space<vmem>> -> memref<64x64xf32, #tpu.memory_space<vmem>>
      tpu.enqueue_dma source(%dma_start3A_870 : memref<64x64xf32, #tpu.memory_space<vmem>>) target(%dma_start3A_866 : memref<64x64xf32, #tpu.memory_space<hbm>>) target_semaphore(%arg15 : memref<!tpu.dma_semaphore, #tpu.memory_space<semaphore_mem>>)
      %dma_wait3A_871 = arith.constant 4 : i32
      %dma_wait3A_872 = arith.constant 0 : i32
      %dma_wait3A_873 = arith.constant 0 : i32
      %dma_wait3A_874 = tpu.memref_slice %arg6[%dma_wait3A_871, %dma_wait3A_872, %dma_wait3A_873] : memref<8x64x64xf32, #tpu.memory_space<vmem>> -> memref<1x64x64xf32, #tpu.memory_space<vmem>>
      %dma_wait3A_875 = tpu.memref_squeeze %dma_wait3A_874 : memref<1x64x64xf32, #tpu.memory_space<vmem>> -> memref<64x64xf32, #tpu.memory_space<vmem>>
      %dma_wait3A_876 = arith.constant 0 : i32
      %dma_wait3A_877 = tpu.memref_slice %arg4[%mul3A_2, %dma_wait3A_876] : memref<409600x64xf32, #tpu.memory_space<hbm>> -> memref<64x64xf32, #tpu.memory_space<hbm>>
      %dma_wait3A_878 = arith.constant 0 : i32
      %dma_wait3A_879 = tpu.memref_slice %arg4[%mul3A_2, %dma_wait3A_878] : memref<409600x64xf32, #tpu.memory_space<hbm>> -> memref<64x64xf32, #tpu.memory_space<hbm>>
      %dma_wait3A_880 = arith.constant 0 : i32
      %dma_wait3A_881 = arith.constant 0 : i32
      %dma_wait3A_882 = tpu.memref_slice %arg6[%dma_wait3A_871, %dma_wait3A_880, %dma_wait3A_881] : memref<8x64x64xf32, #tpu.memory_space<vmem>> -> memref<1x64x64xf32, #tpu.memory_space<vmem>>
      %dma_wait3A_883 = tpu.memref_squeeze %dma_wait3A_882 : memref<1x64x64xf32, #tpu.memory_space<vmem>> -> memref<64x64xf32, #tpu.memory_space<vmem>>
      tpu.wait_dma2 semaphore(%arg19 : memref<!tpu.dma_semaphore, #tpu.memory_space<semaphore_mem>>) src(%dma_wait3A_883 : memref<64x64xf32, #tpu.memory_space<vmem>>) dst(%dma_wait3A_879 : memref<64x64xf32, #tpu.memory_space<hbm>>)
      %add3A_884 = arith.constant 4 : i32
      %add3A_885 = arith.addi %add3A_842, %add3A_884 : i32
      %dma_start3A_886 = arith.constant 4 : i32
      %dma_start3A_887 = arith.constant 0 : i32
      %dma_start3A_888 = arith.constant 0 : i32
      %dma_start3A_889 = tpu.memref_slice %arg6[%dma_start3A_886, %dma_start3A_887, %dma_start3A_888] : memref<8x64x64xf32, #tpu.memory_space<vmem>> -> memref<1x64x64xf32, #tpu.memory_space<vmem>>
      %dma_start3A_890 = tpu.memref_squeeze %dma_start3A_889 : memref<1x64x64xf32, #tpu.memory_space<vmem>> -> memref<64x64xf32, #tpu.memory_space<vmem>>
      %dma_start3A_891 = arith.constant 0 : i32
      %dma_start3A_892 = tpu.memref_slice %arg5[%add3A_885, %dma_start3A_891] : memref<200x64xi32, #tpu.memory_space<vmem>> -> memref<1x64xi32, #tpu.memory_space<vmem>>
      %dma_start3A_893 = tpu.memref_squeeze %dma_start3A_892 : memref<1x64xi32, #tpu.memory_space<vmem>> -> memref<64xi32, #tpu.memory_space<vmem>>
      %dma_start3A_894 = arith.constant 0 : i32
      %dma_start3A_895 = arith.constant 0 : i32
      %dma_start3A_896 = tpu.memref_slice %arg2[%dma_start3A_894, %dma_start3A_895] : memref<1000000x64xf32, #tpu.memory_space<hbm>> -> memref<1000000x64xf32, #tpu.memory_space<hbm>>
      tpu.enqueue_indirect_dma source(%dma_start3A_896 : memref<1000000x64xf32, #tpu.memory_space<hbm>>) target(%dma_start3A_890 : memref<64x64xf32, #tpu.memory_space<vmem>>) offsets(%dma_start3A_893 : memref<64xi32, #tpu.memory_space<vmem>>) semaphore(%arg11 : memref<!tpu.dma_semaphore, #tpu.memory_space<semaphore_mem>>)
      %mul3A_897 = arith.constant 8 : i32
      %mul3A_898 = arith.muli %scan3A_838, %mul3A_897 : i32
      %add3A_899 = arith.constant 1 : i32
      %add3A_900 = arith.addi %mul3A_898, %add3A_899 : i32
      %dma_wait3A_901 = arith.constant 0 : i32
      %dma_wait3A_902 = arith.constant 1 : i32
      %dma_wait3A_903 = arith.constant 0 : i32
      %dma_wait3A_904 = arith.constant 0 : i32
      %dma_wait3A_905 = tpu.memref_slice %arg6[%dma_wait3A_902, %dma_wait3A_903, %dma_wait3A_904] : memref<8x64x64xf32, #tpu.memory_space<vmem>> -> memref<1x64x64xf32, #tpu.memory_space<vmem>>
      %dma_wait3A_906 = tpu.memref_squeeze %dma_wait3A_905 : memref<1x64x64xf32, #tpu.memory_space<vmem>> -> memref<64x64xf32, #tpu.memory_space<vmem>>
      %dma_wait3A_907 = arith.constant 0 : i32
      %dma_wait3A_908 = tpu.memref_slice %arg5[%dma_wait3A_901, %dma_wait3A_907] : memref<200x64xi32, #tpu.memory_space<vmem>> -> memref<1x64xi32, #tpu.memory_space<vmem>>
      %dma_wait3A_909 = tpu.memref_squeeze %dma_wait3A_908 : memref<1x64xi32, #tpu.memory_space<vmem>> -> memref<64xi32, #tpu.memory_space<vmem>>
      %dma_wait3A_910 = arith.constant 0 : i32
      %dma_wait3A_911 = arith.constant 0 : i32
      %dma_wait3A_912 = tpu.memref_slice %arg2[%dma_wait3A_910, %dma_wait3A_911] : memref<1000000x64xf32, #tpu.memory_space<hbm>> -> memref<1000000x64xf32, #tpu.memory_space<hbm>>
      tpu.wait_indirect_dma semaphore(%arg8 : memref<!tpu.dma_semaphore, #tpu.memory_space<semaphore_mem>>) src(%dma_wait3A_912 : memref<1000000x64xf32, #tpu.memory_space<hbm>>) dst(%dma_wait3A_906 : memref<64x64xf32, #tpu.memory_space<vmem>>)
      %mul3A_913 = arith.constant 64 : i32
      %mul3A_914 = arith.muli %add3A_900, %mul3A_913 : i32
      %add3A_915 = arith.addi %mul3A_2, %mul3A_914 : i32
      %dma_start3A_916 = arith.constant 1 : i32
      %dma_start3A_917 = arith.constant 0 : i32
      %dma_start3A_918 = arith.constant 0 : i32
      %dma_start3A_919 = tpu.memref_slice %arg6[%dma_start3A_916, %dma_start3A_917, %dma_start3A_918] : memref<8x64x64xf32, #tpu.memory_space<vmem>> -> memref<1x64x64xf32, #tpu.memory_space<vmem>>
      %dma_start3A_920 = tpu.memref_squeeze %dma_start3A_919 : memref<1x64x64xf32, #tpu.memory_space<vmem>> -> memref<64x64xf32, #tpu.memory_space<vmem>>
      %dma_start3A_921 = arith.constant 0 : i32
      %dma_start3A_922 = tpu.memref_slice %arg4[%add3A_915, %dma_start3A_921] : memref<409600x64xf32, #tpu.memory_space<hbm>> -> memref<64x64xf32, #tpu.memory_space<hbm>>
      %dma_start3A_923 = arith.constant 0 : i32
      %dma_start3A_924 = tpu.memref_slice %arg4[%add3A_915, %dma_start3A_923] : memref<409600x64xf32, #tpu.memory_space<hbm>> -> memref<64x64xf32, #tpu.memory_space<hbm>>
      %dma_start3A_925 = arith.constant 0 : i32
      %dma_start3A_926 = arith.constant 0 : i32
      %dma_start3A_927 = tpu.memref_slice %arg6[%dma_start3A_916, %dma_start3A_925, %dma_start3A_926] : memref<8x64x64xf32, #tpu.memory_space<vmem>> -> memref<1x64x64xf32, #tpu.memory_space<vmem>>
      %dma_start3A_928 = tpu.memref_squeeze %dma_start3A_927 : memref<1x64x64xf32, #tpu.memory_space<vmem>> -> memref<64x64xf32, #tpu.memory_space<vmem>>
      tpu.enqueue_dma source(%dma_start3A_928 : memref<64x64xf32, #tpu.memory_space<vmem>>) target(%dma_start3A_924 : memref<64x64xf32, #tpu.memory_space<hbm>>) target_semaphore(%arg16 : memref<!tpu.dma_semaphore, #tpu.memory_space<semaphore_mem>>)
      %dma_wait3A_929 = arith.constant 5 : i32
      %dma_wait3A_930 = arith.constant 0 : i32
      %dma_wait3A_931 = arith.constant 0 : i32
      %dma_wait3A_932 = tpu.memref_slice %arg6[%dma_wait3A_929, %dma_wait3A_930, %dma_wait3A_931] : memref<8x64x64xf32, #tpu.memory_space<vmem>> -> memref<1x64x64xf32, #tpu.memory_space<vmem>>
      %dma_wait3A_933 = tpu.memref_squeeze %dma_wait3A_932 : memref<1x64x64xf32, #tpu.memory_space<vmem>> -> memref<64x64xf32, #tpu.memory_space<vmem>>
      %dma_wait3A_934 = arith.constant 0 : i32
      %dma_wait3A_935 = tpu.memref_slice %arg4[%mul3A_2, %dma_wait3A_934] : memref<409600x64xf32, #tpu.memory_space<hbm>> -> memref<64x64xf32, #tpu.memory_space<hbm>>
      %dma_wait3A_936 = arith.constant 0 : i32
      %dma_wait3A_937 = tpu.memref_slice %arg4[%mul3A_2, %dma_wait3A_936] : memref<409600x64xf32, #tpu.memory_space<hbm>> -> memref<64x64xf32, #tpu.memory_space<hbm>>
      %dma_wait3A_938 = arith.constant 0 : i32
      %dma_wait3A_939 = arith.constant 0 : i32
      %dma_wait3A_940 = tpu.memref_slice %arg6[%dma_wait3A_929, %dma_wait3A_938, %dma_wait3A_939] : memref<8x64x64xf32, #tpu.memory_space<vmem>> -> memref<1x64x64xf32, #tpu.memory_space<vmem>>
      %dma_wait3A_941 = tpu.memref_squeeze %dma_wait3A_940 : memref<1x64x64xf32, #tpu.memory_space<vmem>> -> memref<64x64xf32, #tpu.memory_space<vmem>>
      tpu.wait_dma2 semaphore(%arg20 : memref<!tpu.dma_semaphore, #tpu.memory_space<semaphore_mem>>) src(%dma_wait3A_941 : memref<64x64xf32, #tpu.memory_space<vmem>>) dst(%dma_wait3A_937 : memref<64x64xf32, #tpu.memory_space<hbm>>)
      %add3A_942 = arith.constant 4 : i32
      %add3A_943 = arith.addi %add3A_900, %add3A_942 : i32
      %dma_start3A_944 = arith.constant 5 : i32
      %dma_start3A_945 = arith.constant 0 : i32
      %dma_start3A_946 = arith.constant 0 : i32
      %dma_start3A_947 = tpu.memref_slice %arg6[%dma_start3A_944, %dma_start3A_945, %dma_start3A_946] : memref<8x64x64xf32, #tpu.memory_space<vmem>> -> memref<1x64x64xf32, #tpu.memory_space<vmem>>
      %dma_start3A_948 = tpu.memref_squeeze %dma_start3A_947 : memref<1x64x64xf32, #tpu.memory_space<vmem>> -> memref<64x64xf32, #tpu.memory_space<vmem>>
      %dma_start3A_949 = arith.constant 0 : i32
      %dma_start3A_950 = tpu.memref_slice %arg5[%add3A_943, %dma_start3A_949] : memref<200x64xi32, #tpu.memory_space<vmem>> -> memref<1x64xi32, #tpu.memory_space<vmem>>
      %dma_start3A_951 = tpu.memref_squeeze %dma_start3A_950 : memref<1x64xi32, #tpu.memory_space<vmem>> -> memref<64xi32, #tpu.memory_space<vmem>>
      %dma_start3A_952 = arith.constant 0 : i32
      %dma_start3A_953 = arith.constant 0 : i32
      %dma_start3A_954 = tpu.memref_slice %arg2[%dma_start3A_952, %dma_start3A_953] : memref<1000000x64xf32, #tpu.memory_space<hbm>> -> memref<1000000x64xf32, #tpu.memory_space<hbm>>
      tpu.enqueue_indirect_dma source(%dma_start3A_954 : memref<1000000x64xf32, #tpu.memory_space<hbm>>) target(%dma_start3A_948 : memref<64x64xf32, #tpu.memory_space<vmem>>) offsets(%dma_start3A_951 : memref<64xi32, #tpu.memory_space<vmem>>) semaphore(%arg12 : memref<!tpu.dma_semaphore, #tpu.memory_space<semaphore_mem>>)
      %mul3A_955 = arith.constant 8 : i32
      %mul3A_956 = arith.muli %scan3A_838, %mul3A_955 : i32
      %add3A_957 = arith.constant 2 : i32
      %add3A_958 = arith.addi %mul3A_956, %add3A_957 : i32
      %dma_wait3A_959 = arith.constant 0 : i32
      %dma_wait3A_960 = arith.constant 2 : i32
      %dma_wait3A_961 = arith.constant 0 : i32
      %dma_wait3A_962 = arith.constant 0 : i32
      %dma_wait3A_963 = tpu.memref_slice %arg6[%dma_wait3A_960, %dma_wait3A_961, %dma_wait3A_962] : memref<8x64x64xf32, #tpu.memory_space<vmem>> -> memref<1x64x64xf32, #tpu.memory_space<vmem>>
      %dma_wait3A_964 = tpu.memref_squeeze %dma_wait3A_963 : memref<1x64x64xf32, #tpu.memory_space<vmem>> -> memref<64x64xf32, #tpu.memory_space<vmem>>
      %dma_wait3A_965 = arith.constant 0 : i32
      %dma_wait3A_966 = tpu.memref_slice %arg5[%dma_wait3A_959, %dma_wait3A_965] : memref<200x64xi32, #tpu.memory_space<vmem>> -> memref<1x64xi32, #tpu.memory_space<vmem>>
      %dma_wait3A_967 = tpu.memref_squeeze %dma_wait3A_966 : memref<1x64xi32, #tpu.memory_space<vmem>> -> memref<64xi32, #tpu.memory_space<vmem>>
      %dma_wait3A_968 = arith.constant 0 : i32
      %dma_wait3A_969 = arith.constant 0 : i32
      %dma_wait3A_970 = tpu.memref_slice %arg2[%dma_wait3A_968, %dma_wait3A_969] : memref<1000000x64xf32, #tpu.memory_space<hbm>> -> memref<1000000x64xf32, #tpu.memory_space<hbm>>
      tpu.wait_indirect_dma semaphore(%arg9 : memref<!tpu.dma_semaphore, #tpu.memory_space<semaphore_mem>>) src(%dma_wait3A_970 : memref<1000000x64xf32, #tpu.memory_space<hbm>>) dst(%dma_wait3A_964 : memref<64x64xf32, #tpu.memory_space<vmem>>)
      %mul3A_971 = arith.constant 64 : i32
      %mul3A_972 = arith.muli %add3A_958, %mul3A_971 : i32
      %add3A_973 = arith.addi %mul3A_2, %mul3A_972 : i32
      %dma_start3A_974 = arith.constant 2 : i32
      %dma_start3A_975 = arith.constant 0 : i32
      %dma_start3A_976 = arith.constant 0 : i32
      %dma_start3A_977 = tpu.memref_slice %arg6[%dma_start3A_974, %dma_start3A_975, %dma_start3A_976] : memref<8x64x64xf32, #tpu.memory_space<vmem>> -> memref<1x64x64xf32, #tpu.memory_space<vmem>>
      %dma_start3A_978 = tpu.memref_squeeze %dma_start3A_977 : memref<1x64x64xf32, #tpu.memory_space<vmem>> -> memref<64x64xf32, #tpu.memory_space<vmem>>
      %dma_start3A_979 = arith.constant 0 : i32
      %dma_start3A_980 = tpu.memref_slice %arg4[%add3A_973, %dma_start3A_979] : memref<409600x64xf32, #tpu.memory_space<hbm>> -> memref<64x64xf32, #tpu.memory_space<hbm>>
      %dma_start3A_981 = arith.constant 0 : i32
      %dma_start3A_982 = tpu.memref_slice %arg4[%add3A_973, %dma_start3A_981] : memref<409600x64xf32, #tpu.memory_space<hbm>> -> memref<64x64xf32, #tpu.memory_space<hbm>>
      %dma_start3A_983 = arith.constant 0 : i32
      %dma_start3A_984 = arith.constant 0 : i32
      %dma_start3A_985 = tpu.memref_slice %arg6[%dma_start3A_974, %dma_start3A_983, %dma_start3A_984] : memref<8x64x64xf32, #tpu.memory_space<vmem>> -> memref<1x64x64xf32, #tpu.memory_space<vmem>>
      %dma_start3A_986 = tpu.memref_squeeze %dma_start3A_985 : memref<1x64x64xf32, #tpu.memory_space<vmem>> -> memref<64x64xf32, #tpu.memory_space<vmem>>
      tpu.enqueue_dma source(%dma_start3A_986 : memref<64x64xf32, #tpu.memory_space<vmem>>) target(%dma_start3A_982 : memref<64x64xf32, #tpu.memory_space<hbm>>) target_semaphore(%arg17 : memref<!tpu.dma_semaphore, #tpu.memory_space<semaphore_mem>>)
      %dma_wait3A_987 = arith.constant 6 : i32
      %dma_wait3A_988 = arith.constant 0 : i32
      %dma_wait3A_989 = arith.constant 0 : i32
      %dma_wait3A_990 = tpu.memref_slice %arg6[%dma_wait3A_987, %dma_wait3A_988, %dma_wait3A_989] : memref<8x64x64xf32, #tpu.memory_space<vmem>> -> memref<1x64x64xf32, #tpu.memory_space<vmem>>
      %dma_wait3A_991 = tpu.memref_squeeze %dma_wait3A_990 : memref<1x64x64xf32, #tpu.memory_space<vmem>> -> memref<64x64xf32, #tpu.memory_space<vmem>>
      %dma_wait3A_992 = arith.constant 0 : i32
      %dma_wait3A_993 = tpu.memref_slice %arg4[%mul3A_2, %dma_wait3A_992] : memref<409600x64xf32, #tpu.memory_space<hbm>> -> memref<64x64xf32, #tpu.memory_space<hbm>>
      %dma_wait3A_994 = arith.constant 0 : i32
      %dma_wait3A_995 = tpu.memref_slice %arg4[%mul3A_2, %dma_wait3A_994] : memref<409600x64xf32, #tpu.memory_space<hbm>> -> memref<64x64xf32, #tpu.memory_space<hbm>>
      %dma_wait3A_996 = arith.constant 0 : i32
      %dma_wait3A_997 = arith.constant 0 : i32
      %dma_wait3A_998 = tpu.memref_slice %arg6[%dma_wait3A_987, %dma_wait3A_996, %dma_wait3A_997] : memref<8x64x64xf32, #tpu.memory_space<vmem>> -> memref<1x64x64xf32, #tpu.memory_space<vmem>>
      %dma_wait3A_999 = tpu.memref_squeeze %dma_wait3A_998 : memref<1x64x64xf32, #tpu.memory_space<vmem>> -> memref<64x64xf32, #tpu.memory_space<vmem>>
      tpu.wait_dma2 semaphore(%arg21 : memref<!tpu.dma_semaphore, #tpu.memory_space<semaphore_mem>>) src(%dma_wait3A_999 : memref<64x64xf32, #tpu.memory_space<vmem>>) dst(%dma_wait3A_995 : memref<64x64xf32, #tpu.memory_space<hbm>>)
      %add3A_1000 = arith.constant 4 : i32
      %add3A_1001 = arith.addi %add3A_958, %add3A_1000 : i32
      %dma_start3A_1002 = arith.constant 6 : i32
      %dma_start3A_1003 = arith.constant 0 : i32
      %dma_start3A_1004 = arith.constant 0 : i32
      %dma_start3A_1005 = tpu.memref_slice %arg6[%dma_start3A_1002, %dma_start3A_1003, %dma_start3A_1004] : memref<8x64x64xf32, #tpu.memory_space<vmem>> -> memref<1x64x64xf32, #tpu.memory_space<vmem>>
      %dma_start3A_1006 = tpu.memref_squeeze %dma_start3A_1005 : memref<1x64x64xf32, #tpu.memory_space<vmem>> -> memref<64x64xf32, #tpu.memory_space<vmem>>
      %dma_start3A_1007 = arith.constant 0 : i32
      %dma_start3A_1008 = tpu.memref_slice %arg5[%add3A_1001, %dma_start3A_1007] : memref<200x64xi32, #tpu.memory_space<vmem>> -> memref<1x64xi32, #tpu.memory_space<vmem>>
      %dma_start3A_1009 = tpu.memref_squeeze %dma_start3A_1008 : memref<1x64xi32, #tpu.memory_space<vmem>> -> memref<64xi32, #tpu.memory_space<vmem>>
      %dma_start3A_1010 = arith.constant 0 : i32
      %dma_start3A_1011 = arith.constant 0 : i32
      %dma_start3A_1012 = tpu.memref_slice %arg2[%dma_start3A_1010, %dma_start3A_1011] : memref<1000000x64xf32, #tpu.memory_space<hbm>> -> memref<1000000x64xf32, #tpu.memory_space<hbm>>
      tpu.enqueue_indirect_dma source(%dma_start3A_1012 : memref<1000000x64xf32, #tpu.memory_space<hbm>>) target(%dma_start3A_1006 : memref<64x64xf32, #tpu.memory_space<vmem>>) offsets(%dma_start3A_1009 : memref<64xi32, #tpu.memory_space<vmem>>) semaphore(%arg13 : memref<!tpu.dma_semaphore, #tpu.memory_space<semaphore_mem>>)
      %mul3A_1013 = arith.constant 8 : i32
      %mul3A_1014 = arith.muli %scan3A_838, %mul3A_1013 : i32
      %add3A_1015 = arith.constant 3 : i32
      %add3A_1016 = arith.addi %mul3A_1014, %add3A_1015 : i32
      %dma_wait3A_1017 = arith.constant 0 : i32
      %dma_wait3A_1018 = arith.constant 3 : i32
      %dma_wait3A_1019 = arith.constant 0 : i32
      %dma_wait3A_1020 = arith.constant 0 : i32
      %dma_wait3A_1021 = tpu.memref_slice %arg6[%dma_wait3A_1018, %dma_wait3A_1019, %dma_wait3A_1020] : memref<8x64x64xf32, #tpu.memory_space<vmem>> -> memref<1x64x64xf32, #tpu.memory_space<vmem>>
      %dma_wait3A_1022 = tpu.memref_squeeze %dma_wait3A_1021 : memref<1x64x64xf32, #tpu.memory_space<vmem>> -> memref<64x64xf32, #tpu.memory_space<vmem>>
      %dma_wait3A_1023 = arith.constant 0 : i32
      %dma_wait3A_1024 = tpu.memref_slice %arg5[%dma_wait3A_1017, %dma_wait3A_1023] : memref<200x64xi32, #tpu.memory_space<vmem>> -> memref<1x64xi32, #tpu.memory_space<vmem>>
      %dma_wait3A_1025 = tpu.memref_squeeze %dma_wait3A_1024 : memref<1x64xi32, #tpu.memory_space<vmem>> -> memref<64xi32, #tpu.memory_space<vmem>>
      %dma_wait3A_1026 = arith.constant 0 : i32
      %dma_wait3A_1027 = arith.constant 0 : i32
      %dma_wait3A_1028 = tpu.memref_slice %arg2[%dma_wait3A_1026, %dma_wait3A_1027] : memref<1000000x64xf32, #tpu.memory_space<hbm>> -> memref<1000000x64xf32, #tpu.memory_space<hbm>>
      tpu.wait_indirect_dma semaphore(%arg10 : memref<!tpu.dma_semaphore, #tpu.memory_space<semaphore_mem>>) src(%dma_wait3A_1028 : memref<1000000x64xf32, #tpu.memory_space<hbm>>) dst(%dma_wait3A_1022 : memref<64x64xf32, #tpu.memory_space<vmem>>)
      %mul3A_1029 = arith.constant 64 : i32
      %mul3A_1030 = arith.muli %add3A_1016, %mul3A_1029 : i32
      %add3A_1031 = arith.addi %mul3A_2, %mul3A_1030 : i32
      %dma_start3A_1032 = arith.constant 3 : i32
      %dma_start3A_1033 = arith.constant 0 : i32
      %dma_start3A_1034 = arith.constant 0 : i32
      %dma_start3A_1035 = tpu.memref_slice %arg6[%dma_start3A_1032, %dma_start3A_1033, %dma_start3A_1034] : memref<8x64x64xf32, #tpu.memory_space<vmem>> -> memref<1x64x64xf32, #tpu.memory_space<vmem>>
      %dma_start3A_1036 = tpu.memref_squeeze %dma_start3A_1035 : memref<1x64x64xf32, #tpu.memory_space<vmem>> -> memref<64x64xf32, #tpu.memory_space<vmem>>
      %dma_start3A_1037 = arith.constant 0 : i32
      %dma_start3A_1038 = tpu.memref_slice %arg4[%add3A_1031, %dma_start3A_1037] : memref<409600x64xf32, #tpu.memory_space<hbm>> -> memref<64x64xf32, #tpu.memory_space<hbm>>
      %dma_start3A_1039 = arith.constant 0 : i32
      %dma_start3A_1040 = tpu.memref_slice %arg4[%add3A_1031, %dma_start3A_1039] : memref<409600x64xf32, #tpu.memory_space<hbm>> -> memref<64x64xf32, #tpu.memory_space<hbm>>
      %dma_start3A_1041 = arith.constant 0 : i32
      %dma_start3A_1042 = arith.constant 0 : i32
      %dma_start3A_1043 = tpu.memref_slice %arg6[%dma_start3A_1032, %dma_start3A_1041, %dma_start3A_1042] : memref<8x64x64xf32, #tpu.memory_space<vmem>> -> memref<1x64x64xf32, #tpu.memory_space<vmem>>
      %dma_start3A_1044 = tpu.memref_squeeze %dma_start3A_1043 : memref<1x64x64xf32, #tpu.memory_space<vmem>> -> memref<64x64xf32, #tpu.memory_space<vmem>>
      tpu.enqueue_dma source(%dma_start3A_1044 : memref<64x64xf32, #tpu.memory_space<vmem>>) target(%dma_start3A_1040 : memref<64x64xf32, #tpu.memory_space<hbm>>) target_semaphore(%arg18 : memref<!tpu.dma_semaphore, #tpu.memory_space<semaphore_mem>>)
      %dma_wait3A_1045 = arith.constant 7 : i32
      %dma_wait3A_1046 = arith.constant 0 : i32
      %dma_wait3A_1047 = arith.constant 0 : i32
      %dma_wait3A_1048 = tpu.memref_slice %arg6[%dma_wait3A_1045, %dma_wait3A_1046, %dma_wait3A_1047] : memref<8x64x64xf32, #tpu.memory_space<vmem>> -> memref<1x64x64xf32, #tpu.memory_space<vmem>>
      %dma_wait3A_1049 = tpu.memref_squeeze %dma_wait3A_1048 : memref<1x64x64xf32, #tpu.memory_space<vmem>> -> memref<64x64xf32, #tpu.memory_space<vmem>>
      %dma_wait3A_1050 = arith.constant 0 : i32
      %dma_wait3A_1051 = tpu.memref_slice %arg4[%mul3A_2, %dma_wait3A_1050] : memref<409600x64xf32, #tpu.memory_space<hbm>> -> memref<64x64xf32, #tpu.memory_space<hbm>>
      %dma_wait3A_1052 = arith.constant 0 : i32
      %dma_wait3A_1053 = tpu.memref_slice %arg4[%mul3A_2, %dma_wait3A_1052] : memref<409600x64xf32, #tpu.memory_space<hbm>> -> memref<64x64xf32, #tpu.memory_space<hbm>>
      %dma_wait3A_1054 = arith.constant 0 : i32
      %dma_wait3A_1055 = arith.constant 0 : i32
      %dma_wait3A_1056 = tpu.memref_slice %arg6[%dma_wait3A_1045, %dma_wait3A_1054, %dma_wait3A_1055] : memref<8x64x64xf32, #tpu.memory_space<vmem>> -> memref<1x64x64xf32, #tpu.memory_space<vmem>>
      %dma_wait3A_1057 = tpu.memref_squeeze %dma_wait3A_1056 : memref<1x64x64xf32, #tpu.memory_space<vmem>> -> memref<64x64xf32, #tpu.memory_space<vmem>>
      tpu.wait_dma2 semaphore(%arg22 : memref<!tpu.dma_semaphore, #tpu.memory_space<semaphore_mem>>) src(%dma_wait3A_1057 : memref<64x64xf32, #tpu.memory_space<vmem>>) dst(%dma_wait3A_1053 : memref<64x64xf32, #tpu.memory_space<hbm>>)
      %add3A_1058 = arith.constant 4 : i32
      %add3A_1059 = arith.addi %add3A_1016, %add3A_1058 : i32
      %dma_start3A_1060 = arith.constant 7 : i32
      %dma_start3A_1061 = arith.constant 0 : i32
      %dma_start3A_1062 = arith.constant 0 : i32
      %dma_start3A_1063 = tpu.memref_slice %arg6[%dma_start3A_1060, %dma_start3A_1061, %dma_start3A_1062] : memref<8x64x64xf32, #tpu.memory_space<vmem>> -> memref<1x64x64xf32, #tpu.memory_space<vmem>>
      %dma_start3A_1064 = tpu.memref_squeeze %dma_start3A_1063 : memref<1x64x64xf32, #tpu.memory_space<vmem>> -> memref<64x64xf32, #tpu.memory_space<vmem>>
      %dma_start3A_1065 = arith.constant 0 : i32
      %dma_start3A_1066 = tpu.memref_slice %arg5[%add3A_1059, %dma_start3A_1065] : memref<200x64xi32, #tpu.memory_space<vmem>> -> memref<1x64xi32, #tpu.memory_space<vmem>>
      %dma_start3A_1067 = tpu.memref_squeeze %dma_start3A_1066 : memref<1x64xi32, #tpu.memory_space<vmem>> -> memref<64xi32, #tpu.memory_space<vmem>>
      %dma_start3A_1068 = arith.constant 0 : i32
      %dma_start3A_1069 = arith.constant 0 : i32
      %dma_start3A_1070 = tpu.memref_slice %arg2[%dma_start3A_1068, %dma_start3A_1069] : memref<1000000x64xf32, #tpu.memory_space<hbm>> -> memref<1000000x64xf32, #tpu.memory_space<hbm>>
      tpu.enqueue_indirect_dma source(%dma_start3A_1070 : memref<1000000x64xf32, #tpu.memory_space<hbm>>) target(%dma_start3A_1064 : memref<64x64xf32, #tpu.memory_space<vmem>>) offsets(%dma_start3A_1067 : memref<64xi32, #tpu.memory_space<vmem>>) semaphore(%arg14 : memref<!tpu.dma_semaphore, #tpu.memory_space<semaphore_mem>>)
      %mul3A_1071 = arith.constant 8 : i32
      %mul3A_1072 = arith.muli %scan3A_838, %mul3A_1071 : i32
      %add3A_1073 = arith.constant 4 : i32
      %add3A_1074 = arith.addi %mul3A_1072, %add3A_1073 : i32
      %dma_wait3A_1075 = arith.constant 0 : i32
      %dma_wait3A_1076 = arith.constant 4 : i32
      %dma_wait3A_1077 = arith.constant 0 : i32
      %dma_wait3A_1078 = arith.constant 0 : i32
      %dma_wait3A_1079 = tpu.memref_slice %arg6[%dma_wait3A_1076, %dma_wait3A_1077, %dma_wait3A_1078] : memref<8x64x64xf32, #tpu.memory_space<vmem>> -> memref<1x64x64xf32, #tpu.memory_space<vmem>>
      %dma_wait3A_1080 = tpu.memref_squeeze %dma_wait3A_1079 : memref<1x64x64xf32, #tpu.memory_space<vmem>> -> memref<64x64xf32, #tpu.memory_space<vmem>>
      %dma_wait3A_1081 = arith.constant 0 : i32
      %dma_wait3A_1082 = tpu.memref_slice %arg5[%dma_wait3A_1075, %dma_wait3A_1081] : memref<200x64xi32, #tpu.memory_space<vmem>> -> memref<1x64xi32, #tpu.memory_space<vmem>>
      %dma_wait3A_1083 = tpu.memref_squeeze %dma_wait3A_1082 : memref<1x64xi32, #tpu.memory_space<vmem>> -> memref<64xi32, #tpu.memory_space<vmem>>
      %dma_wait3A_1084 = arith.constant 0 : i32
      %dma_wait3A_1085 = arith.constant 0 : i32
      %dma_wait3A_1086 = tpu.memref_slice %arg2[%dma_wait3A_1084, %dma_wait3A_1085] : memref<1000000x64xf32, #tpu.memory_space<hbm>> -> memref<1000000x64xf32, #tpu.memory_space<hbm>>
      tpu.wait_indirect_dma semaphore(%arg11 : memref<!tpu.dma_semaphore, #tpu.memory_space<semaphore_mem>>) src(%dma_wait3A_1086 : memref<1000000x64xf32, #tpu.memory_space<hbm>>) dst(%dma_wait3A_1080 : memref<64x64xf32, #tpu.memory_space<vmem>>)
      %mul3A_1087 = arith.constant 64 : i32
      %mul3A_1088 = arith.muli %add3A_1074, %mul3A_1087 : i32
      %add3A_1089 = arith.addi %mul3A_2, %mul3A_1088 : i32
      %dma_start3A_1090 = arith.constant 4 : i32
      %dma_start3A_1091 = arith.constant 0 : i32
      %dma_start3A_1092 = arith.constant 0 : i32
      %dma_start3A_1093 = tpu.memref_slice %arg6[%dma_start3A_1090, %dma_start3A_1091, %dma_start3A_1092] : memref<8x64x64xf32, #tpu.memory_space<vmem>> -> memref<1x64x64xf32, #tpu.memory_space<vmem>>
      %dma_start3A_1094 = tpu.memref_squeeze %dma_start3A_1093 : memref<1x64x64xf32, #tpu.memory_space<vmem>> -> memref<64x64xf32, #tpu.memory_space<vmem>>
      %dma_start3A_1095 = arith.constant 0 : i32
      %dma_start3A_1096 = tpu.memref_slice %arg4[%add3A_1089, %dma_start3A_1095] : memref<409600x64xf32, #tpu.memory_space<hbm>> -> memref<64x64xf32, #tpu.memory_space<hbm>>
      %dma_start3A_1097 = arith.constant 0 : i32
      %dma_start3A_1098 = tpu.memref_slice %arg4[%add3A_1089, %dma_start3A_1097] : memref<409600x64xf32, #tpu.memory_space<hbm>> -> memref<64x64xf32, #tpu.memory_space<hbm>>
      %dma_start3A_1099 = arith.constant 0 : i32
      %dma_start3A_1100 = arith.constant 0 : i32
      %dma_start3A_1101 = tpu.memref_slice %arg6[%dma_start3A_1090, %dma_start3A_1099, %dma_start3A_1100] : memref<8x64x64xf32, #tpu.memory_space<vmem>> -> memref<1x64x64xf32, #tpu.memory_space<vmem>>
      %dma_start3A_1102 = tpu.memref_squeeze %dma_start3A_1101 : memref<1x64x64xf32, #tpu.memory_space<vmem>> -> memref<64x64xf32, #tpu.memory_space<vmem>>
      tpu.enqueue_dma source(%dma_start3A_1102 : memref<64x64xf32, #tpu.memory_space<vmem>>) target(%dma_start3A_1098 : memref<64x64xf32, #tpu.memory_space<hbm>>) target_semaphore(%arg19 : memref<!tpu.dma_semaphore, #tpu.memory_space<semaphore_mem>>)
      %dma_wait3A_1103 = arith.constant 0 : i32
      %dma_wait3A_1104 = arith.constant 0 : i32
      %dma_wait3A_1105 = arith.constant 0 : i32
      %dma_wait3A_1106 = tpu.memref_slice %arg6[%dma_wait3A_1103, %dma_wait3A_1104, %dma_wait3A_1105] : memref<8x64x64xf32, #tpu.memory_space<vmem>> -> memref<1x64x64xf32, #tpu.memory_space<vmem>>
      %dma_wait3A_1107 = tpu.memref_squeeze %dma_wait3A_1106 : memref<1x64x64xf32, #tpu.memory_space<vmem>> -> memref<64x64xf32, #tpu.memory_space<vmem>>
      %dma_wait3A_1108 = arith.constant 0 : i32
      %dma_wait3A_1109 = tpu.memref_slice %arg4[%mul3A_2, %dma_wait3A_1108] : memref<409600x64xf32, #tpu.memory_space<hbm>> -> memref<64x64xf32, #tpu.memory_space<hbm>>
      %dma_wait3A_1110 = arith.constant 0 : i32
      %dma_wait3A_1111 = tpu.memref_slice %arg4[%mul3A_2, %dma_wait3A_1110] : memref<409600x64xf32, #tpu.memory_space<hbm>> -> memref<64x64xf32, #tpu.memory_space<hbm>>
      %dma_wait3A_1112 = arith.constant 0 : i32
      %dma_wait3A_1113 = arith.constant 0 : i32
      %dma_wait3A_1114 = tpu.memref_slice %arg6[%dma_wait3A_1103, %dma_wait3A_1112, %dma_wait3A_1113] : memref<8x64x64xf32, #tpu.memory_space<vmem>> -> memref<1x64x64xf32, #tpu.memory_space<vmem>>
      %dma_wait3A_1115 = tpu.memref_squeeze %dma_wait3A_1114 : memref<1x64x64xf32, #tpu.memory_space<vmem>> -> memref<64x64xf32, #tpu.memory_space<vmem>>
      tpu.wait_dma2 semaphore(%arg15 : memref<!tpu.dma_semaphore, #tpu.memory_space<semaphore_mem>>) src(%dma_wait3A_1115 : memref<64x64xf32, #tpu.memory_space<vmem>>) dst(%dma_wait3A_1111 : memref<64x64xf32, #tpu.memory_space<hbm>>)
      %add3A_1116 = arith.constant 4 : i32
      %add3A_1117 = arith.addi %add3A_1074, %add3A_1116 : i32
      %dma_start3A_1118 = arith.constant 0 : i32
      %dma_start3A_1119 = arith.constant 0 : i32
      %dma_start3A_1120 = arith.constant 0 : i32
      %dma_start3A_1121 = tpu.memref_slice %arg6[%dma_start3A_1118, %dma_start3A_1119, %dma_start3A_1120] : memref<8x64x64xf32, #tpu.memory_space<vmem>> -> memref<1x64x64xf32, #tpu.memory_space<vmem>>
      %dma_start3A_1122 = tpu.memref_squeeze %dma_start3A_1121 : memref<1x64x64xf32, #tpu.memory_space<vmem>> -> memref<64x64xf32, #tpu.memory_space<vmem>>
      %dma_start3A_1123 = arith.constant 0 : i32
      %dma_start3A_1124 = tpu.memref_slice %arg5[%add3A_1117, %dma_start3A_1123] : memref<200x64xi32, #tpu.memory_space<vmem>> -> memref<1x64xi32, #tpu.memory_space<vmem>>
      %dma_start3A_1125 = tpu.memref_squeeze %dma_start3A_1124 : memref<1x64xi32, #tpu.memory_space<vmem>> -> memref<64xi32, #tpu.memory_space<vmem>>
      %dma_start3A_1126 = arith.constant 0 : i32
      %dma_start3A_1127 = arith.constant 0 : i32
      %dma_start3A_1128 = tpu.memref_slice %arg2[%dma_start3A_1126, %dma_start3A_1127] : memref<1000000x64xf32, #tpu.memory_space<hbm>> -> memref<1000000x64xf32, #tpu.memory_space<hbm>>
      tpu.enqueue_indirect_dma source(%dma_start3A_1128 : memref<1000000x64xf32, #tpu.memory_space<hbm>>) target(%dma_start3A_1122 : memref<64x64xf32, #tpu.memory_space<vmem>>) offsets(%dma_start3A_1125 : memref<64xi32, #tpu.memory_space<vmem>>) semaphore(%arg7 : memref<!tpu.dma_semaphore, #tpu.memory_space<semaphore_mem>>)
      %mul3A_1129 = arith.constant 8 : i32
      %mul3A_1130 = arith.muli %scan3A_838, %mul3A_1129 : i32
      %add3A_1131 = arith.constant 5 : i32
      %add3A_1132 = arith.addi %mul3A_1130, %add3A_1131 : i32
      %dma_wait3A_1133 = arith.constant 0 : i32
      %dma_wait3A_1134 = arith.constant 5 : i32
      %dma_wait3A_1135 = arith.constant 0 : i32
      %dma_wait3A_1136 = arith.constant 0 : i32
      %dma_wait3A_1137 = tpu.memref_slice %arg6[%dma_wait3A_1134, %dma_wait3A_1135, %dma_wait3A_1136] : memref<8x64x64xf32, #tpu.memory_space<vmem>> -> memref<1x64x64xf32, #tpu.memory_space<vmem>>
      %dma_wait3A_1138 = tpu.memref_squeeze %dma_wait3A_1137 : memref<1x64x64xf32, #tpu.memory_space<vmem>> -> memref<64x64xf32, #tpu.memory_space<vmem>>
      %dma_wait3A_1139 = arith.constant 0 : i32
      %dma_wait3A_1140 = tpu.memref_slice %arg5[%dma_wait3A_1133, %dma_wait3A_1139] : memref<200x64xi32, #tpu.memory_space<vmem>> -> memref<1x64xi32, #tpu.memory_space<vmem>>
      %dma_wait3A_1141 = tpu.memref_squeeze %dma_wait3A_1140 : memref<1x64xi32, #tpu.memory_space<vmem>> -> memref<64xi32, #tpu.memory_space<vmem>>
      %dma_wait3A_1142 = arith.constant 0 : i32
      %dma_wait3A_1143 = arith.constant 0 : i32
      %dma_wait3A_1144 = tpu.memref_slice %arg2[%dma_wait3A_1142, %dma_wait3A_1143] : memref<1000000x64xf32, #tpu.memory_space<hbm>> -> memref<1000000x64xf32, #tpu.memory_space<hbm>>
      tpu.wait_indirect_dma semaphore(%arg12 : memref<!tpu.dma_semaphore, #tpu.memory_space<semaphore_mem>>) src(%dma_wait3A_1144 : memref<1000000x64xf32, #tpu.memory_space<hbm>>) dst(%dma_wait3A_1138 : memref<64x64xf32, #tpu.memory_space<vmem>>)
      %mul3A_1145 = arith.constant 64 : i32
      %mul3A_1146 = arith.muli %add3A_1132, %mul3A_1145 : i32
      %add3A_1147 = arith.addi %mul3A_2, %mul3A_1146 : i32
      %dma_start3A_1148 = arith.constant 5 : i32
      %dma_start3A_1149 = arith.constant 0 : i32
      %dma_start3A_1150 = arith.constant 0 : i32
      %dma_start3A_1151 = tpu.memref_slice %arg6[%dma_start3A_1148, %dma_start3A_1149, %dma_start3A_1150] : memref<8x64x64xf32, #tpu.memory_space<vmem>> -> memref<1x64x64xf32, #tpu.memory_space<vmem>>
      %dma_start3A_1152 = tpu.memref_squeeze %dma_start3A_1151 : memref<1x64x64xf32, #tpu.memory_space<vmem>> -> memref<64x64xf32, #tpu.memory_space<vmem>>
      %dma_start3A_1153 = arith.constant 0 : i32
      %dma_start3A_1154 = tpu.memref_slice %arg4[%add3A_1147, %dma_start3A_1153] : memref<409600x64xf32, #tpu.memory_space<hbm>> -> memref<64x64xf32, #tpu.memory_space<hbm>>
      %dma_start3A_1155 = arith.constant 0 : i32
      %dma_start3A_1156 = tpu.memref_slice %arg4[%add3A_1147, %dma_start3A_1155] : memref<409600x64xf32, #tpu.memory_space<hbm>> -> memref<64x64xf32, #tpu.memory_space<hbm>>
      %dma_start3A_1157 = arith.constant 0 : i32
      %dma_start3A_1158 = arith.constant 0 : i32
      %dma_start3A_1159 = tpu.memref_slice %arg6[%dma_start3A_1148, %dma_start3A_1157, %dma_start3A_1158] : memref<8x64x64xf32, #tpu.memory_space<vmem>> -> memref<1x64x64xf32, #tpu.memory_space<vmem>>
      %dma_start3A_1160 = tpu.memref_squeeze %dma_start3A_1159 : memref<1x64x64xf32, #tpu.memory_space<vmem>> -> memref<64x64xf32, #tpu.memory_space<vmem>>
      tpu.enqueue_dma source(%dma_start3A_1160 : memref<64x64xf32, #tpu.memory_space<vmem>>) target(%dma_start3A_1156 : memref<64x64xf32, #tpu.memory_space<hbm>>) target_semaphore(%arg20 : memref<!tpu.dma_semaphore, #tpu.memory_space<semaphore_mem>>)
      %dma_wait3A_1161 = arith.constant 1 : i32
      %dma_wait3A_1162 = arith.constant 0 : i32
      %dma_wait3A_1163 = arith.constant 0 : i32
      %dma_wait3A_1164 = tpu.memref_slice %arg6[%dma_wait3A_1161, %dma_wait3A_1162, %dma_wait3A_1163] : memref<8x64x64xf32, #tpu.memory_space<vmem>> -> memref<1x64x64xf32, #tpu.memory_space<vmem>>
      %dma_wait3A_1165 = tpu.memref_squeeze %dma_wait3A_1164 : memref<1x64x64xf32, #tpu.memory_space<vmem>> -> memref<64x64xf32, #tpu.memory_space<vmem>>
      %dma_wait3A_1166 = arith.constant 0 : i32
      %dma_wait3A_1167 = tpu.memref_slice %arg4[%mul3A_2, %dma_wait3A_1166] : memref<409600x64xf32, #tpu.memory_space<hbm>> -> memref<64x64xf32, #tpu.memory_space<hbm>>
      %dma_wait3A_1168 = arith.constant 0 : i32
      %dma_wait3A_1169 = tpu.memref_slice %arg4[%mul3A_2, %dma_wait3A_1168] : memref<409600x64xf32, #tpu.memory_space<hbm>> -> memref<64x64xf32, #tpu.memory_space<hbm>>
      %dma_wait3A_1170 = arith.constant 0 : i32
      %dma_wait3A_1171 = arith.constant 0 : i32
      %dma_wait3A_1172 = tpu.memref_slice %arg6[%dma_wait3A_1161, %dma_wait3A_1170, %dma_wait3A_1171] : memref<8x64x64xf32, #tpu.memory_space<vmem>> -> memref<1x64x64xf32, #tpu.memory_space<vmem>>
      %dma_wait3A_1173 = tpu.memref_squeeze %dma_wait3A_1172 : memref<1x64x64xf32, #tpu.memory_space<vmem>> -> memref<64x64xf32, #tpu.memory_space<vmem>>
      tpu.wait_dma2 semaphore(%arg16 : memref<!tpu.dma_semaphore, #tpu.memory_space<semaphore_mem>>) src(%dma_wait3A_1173 : memref<64x64xf32, #tpu.memory_space<vmem>>) dst(%dma_wait3A_1169 : memref<64x64xf32, #tpu.memory_space<hbm>>)
      %add3A_1174 = arith.constant 4 : i32
      %add3A_1175 = arith.addi %add3A_1132, %add3A_1174 : i32
      %dma_start3A_1176 = arith.constant 1 : i32
      %dma_start3A_1177 = arith.constant 0 : i32
      %dma_start3A_1178 = arith.constant 0 : i32
      %dma_start3A_1179 = tpu.memref_slice %arg6[%dma_start3A_1176, %dma_start3A_1177, %dma_start3A_1178] : memref<8x64x64xf32, #tpu.memory_space<vmem>> -> memref<1x64x64xf32, #tpu.memory_space<vmem>>
      %dma_start3A_1180 = tpu.memref_squeeze %dma_start3A_1179 : memref<1x64x64xf32, #tpu.memory_space<vmem>> -> memref<64x64xf32, #tpu.memory_space<vmem>>
      %dma_start3A_1181 = arith.constant 0 : i32
      %dma_start3A_1182 = tpu.memref_slice %arg5[%add3A_1175, %dma_start3A_1181] : memref<200x64xi32, #tpu.memory_space<vmem>> -> memref<1x64xi32, #tpu.memory_space<vmem>>
      %dma_start3A_1183 = tpu.memref_squeeze %dma_start3A_1182 : memref<1x64xi32, #tpu.memory_space<vmem>> -> memref<64xi32, #tpu.memory_space<vmem>>
      %dma_start3A_1184 = arith.constant 0 : i32
      %dma_start3A_1185 = arith.constant 0 : i32
      %dma_start3A_1186 = tpu.memref_slice %arg2[%dma_start3A_1184, %dma_start3A_1185] : memref<1000000x64xf32, #tpu.memory_space<hbm>> -> memref<1000000x64xf32, #tpu.memory_space<hbm>>
      tpu.enqueue_indirect_dma source(%dma_start3A_1186 : memref<1000000x64xf32, #tpu.memory_space<hbm>>) target(%dma_start3A_1180 : memref<64x64xf32, #tpu.memory_space<vmem>>) offsets(%dma_start3A_1183 : memref<64xi32, #tpu.memory_space<vmem>>) semaphore(%arg8 : memref<!tpu.dma_semaphore, #tpu.memory_space<semaphore_mem>>)
      %mul3A_1187 = arith.constant 8 : i32
      %mul3A_1188 = arith.muli %scan3A_838, %mul3A_1187 : i32
      %add3A_1189 = arith.constant 6 : i32
      %add3A_1190 = arith.addi %mul3A_1188, %add3A_1189 : i32
      %dma_wait3A_1191 = arith.constant 0 : i32
      %dma_wait3A_1192 = arith.constant 6 : i32
      %dma_wait3A_1193 = arith.constant 0 : i32
      %dma_wait3A_1194 = arith.constant 0 : i32
      %dma_wait3A_1195 = tpu.memref_slice %arg6[%dma_wait3A_1192, %dma_wait3A_1193, %dma_wait3A_1194] : memref<8x64x64xf32, #tpu.memory_space<vmem>> -> memref<1x64x64xf32, #tpu.memory_space<vmem>>
      %dma_wait3A_1196 = tpu.memref_squeeze %dma_wait3A_1195 : memref<1x64x64xf32, #tpu.memory_space<vmem>> -> memref<64x64xf32, #tpu.memory_space<vmem>>
      %dma_wait3A_1197 = arith.constant 0 : i32
      %dma_wait3A_1198 = tpu.memref_slice %arg5[%dma_wait3A_1191, %dma_wait3A_1197] : memref<200x64xi32, #tpu.memory_space<vmem>> -> memref<1x64xi32, #tpu.memory_space<vmem>>
      %dma_wait3A_1199 = tpu.memref_squeeze %dma_wait3A_1198 : memref<1x64xi32, #tpu.memory_space<vmem>> -> memref<64xi32, #tpu.memory_space<vmem>>
      %dma_wait3A_1200 = arith.constant 0 : i32
      %dma_wait3A_1201 = arith.constant 0 : i32
      %dma_wait3A_1202 = tpu.memref_slice %arg2[%dma_wait3A_1200, %dma_wait3A_1201] : memref<1000000x64xf32, #tpu.memory_space<hbm>> -> memref<1000000x64xf32, #tpu.memory_space<hbm>>
      tpu.wait_indirect_dma semaphore(%arg13 : memref<!tpu.dma_semaphore, #tpu.memory_space<semaphore_mem>>) src(%dma_wait3A_1202 : memref<1000000x64xf32, #tpu.memory_space<hbm>>) dst(%dma_wait3A_1196 : memref<64x64xf32, #tpu.memory_space<vmem>>)
      %mul3A_1203 = arith.constant 64 : i32
      %mul3A_1204 = arith.muli %add3A_1190, %mul3A_1203 : i32
      %add3A_1205 = arith.addi %mul3A_2, %mul3A_1204 : i32
      %dma_start3A_1206 = arith.constant 6 : i32
      %dma_start3A_1207 = arith.constant 0 : i32
      %dma_start3A_1208 = arith.constant 0 : i32
      %dma_start3A_1209 = tpu.memref_slice %arg6[%dma_start3A_1206, %dma_start3A_1207, %dma_start3A_1208] : memref<8x64x64xf32, #tpu.memory_space<vmem>> -> memref<1x64x64xf32, #tpu.memory_space<vmem>>
      %dma_start3A_1210 = tpu.memref_squeeze %dma_start3A_1209 : memref<1x64x64xf32, #tpu.memory_space<vmem>> -> memref<64x64xf32, #tpu.memory_space<vmem>>
      %dma_start3A_1211 = arith.constant 0 : i32
      %dma_start3A_1212 = tpu.memref_slice %arg4[%add3A_1205, %dma_start3A_1211] : memref<409600x64xf32, #tpu.memory_space<hbm>> -> memref<64x64xf32, #tpu.memory_space<hbm>>
      %dma_start3A_1213 = arith.constant 0 : i32
      %dma_start3A_1214 = tpu.memref_slice %arg4[%add3A_1205, %dma_start3A_1213] : memref<409600x64xf32, #tpu.memory_space<hbm>> -> memref<64x64xf32, #tpu.memory_space<hbm>>
      %dma_start3A_1215 = arith.constant 0 : i32
      %dma_start3A_1216 = arith.constant 0 : i32
      %dma_start3A_1217 = tpu.memref_slice %arg6[%dma_start3A_1206, %dma_start3A_1215, %dma_start3A_1216] : memref<8x64x64xf32, #tpu.memory_space<vmem>> -> memref<1x64x64xf32, #tpu.memory_space<vmem>>
      %dma_start3A_1218 = tpu.memref_squeeze %dma_start3A_1217 : memref<1x64x64xf32, #tpu.memory_space<vmem>> -> memref<64x64xf32, #tpu.memory_space<vmem>>
      tpu.enqueue_dma source(%dma_start3A_1218 : memref<64x64xf32, #tpu.memory_space<vmem>>) target(%dma_start3A_1214 : memref<64x64xf32, #tpu.memory_space<hbm>>) target_semaphore(%arg21 : memref<!tpu.dma_semaphore, #tpu.memory_space<semaphore_mem>>)
      %dma_wait3A_1219 = arith.constant 2 : i32
      %dma_wait3A_1220 = arith.constant 0 : i32
      %dma_wait3A_1221 = arith.constant 0 : i32
      %dma_wait3A_1222 = tpu.memref_slice %arg6[%dma_wait3A_1219, %dma_wait3A_1220, %dma_wait3A_1221] : memref<8x64x64xf32, #tpu.memory_space<vmem>> -> memref<1x64x64xf32, #tpu.memory_space<vmem>>
      %dma_wait3A_1223 = tpu.memref_squeeze %dma_wait3A_1222 : memref<1x64x64xf32, #tpu.memory_space<vmem>> -> memref<64x64xf32, #tpu.memory_space<vmem>>
      %dma_wait3A_1224 = arith.constant 0 : i32
      %dma_wait3A_1225 = tpu.memref_slice %arg4[%mul3A_2, %dma_wait3A_1224] : memref<409600x64xf32, #tpu.memory_space<hbm>> -> memref<64x64xf32, #tpu.memory_space<hbm>>
      %dma_wait3A_1226 = arith.constant 0 : i32
      %dma_wait3A_1227 = tpu.memref_slice %arg4[%mul3A_2, %dma_wait3A_1226] : memref<409600x64xf32, #tpu.memory_space<hbm>> -> memref<64x64xf32, #tpu.memory_space<hbm>>
      %dma_wait3A_1228 = arith.constant 0 : i32
      %dma_wait3A_1229 = arith.constant 0 : i32
      %dma_wait3A_1230 = tpu.memref_slice %arg6[%dma_wait3A_1219, %dma_wait3A_1228, %dma_wait3A_1229] : memref<8x64x64xf32, #tpu.memory_space<vmem>> -> memref<1x64x64xf32, #tpu.memory_space<vmem>>
      %dma_wait3A_1231 = tpu.memref_squeeze %dma_wait3A_1230 : memref<1x64x64xf32, #tpu.memory_space<vmem>> -> memref<64x64xf32, #tpu.memory_space<vmem>>
      tpu.wait_dma2 semaphore(%arg17 : memref<!tpu.dma_semaphore, #tpu.memory_space<semaphore_mem>>) src(%dma_wait3A_1231 : memref<64x64xf32, #tpu.memory_space<vmem>>) dst(%dma_wait3A_1227 : memref<64x64xf32, #tpu.memory_space<hbm>>)
      %add3A_1232 = arith.constant 4 : i32
      %add3A_1233 = arith.addi %add3A_1190, %add3A_1232 : i32
      %dma_start3A_1234 = arith.constant 2 : i32
      %dma_start3A_1235 = arith.constant 0 : i32
      %dma_start3A_1236 = arith.constant 0 : i32
      %dma_start3A_1237 = tpu.memref_slice %arg6[%dma_start3A_1234, %dma_start3A_1235, %dma_start3A_1236] : memref<8x64x64xf32, #tpu.memory_space<vmem>> -> memref<1x64x64xf32, #tpu.memory_space<vmem>>
      %dma_start3A_1238 = tpu.memref_squeeze %dma_start3A_1237 : memref<1x64x64xf32, #tpu.memory_space<vmem>> -> memref<64x64xf32, #tpu.memory_space<vmem>>
      %dma_start3A_1239 = arith.constant 0 : i32
      %dma_start3A_1240 = tpu.memref_slice %arg5[%add3A_1233, %dma_start3A_1239] : memref<200x64xi32, #tpu.memory_space<vmem>> -> memref<1x64xi32, #tpu.memory_space<vmem>>
      %dma_start3A_1241 = tpu.memref_squeeze %dma_start3A_1240 : memref<1x64xi32, #tpu.memory_space<vmem>> -> memref<64xi32, #tpu.memory_space<vmem>>
      %dma_start3A_1242 = arith.constant 0 : i32
      %dma_start3A_1243 = arith.constant 0 : i32
      %dma_start3A_1244 = tpu.memref_slice %arg2[%dma_start3A_1242, %dma_start3A_1243] : memref<1000000x64xf32, #tpu.memory_space<hbm>> -> memref<1000000x64xf32, #tpu.memory_space<hbm>>
      tpu.enqueue_indirect_dma source(%dma_start3A_1244 : memref<1000000x64xf32, #tpu.memory_space<hbm>>) target(%dma_start3A_1238 : memref<64x64xf32, #tpu.memory_space<vmem>>) offsets(%dma_start3A_1241 : memref<64xi32, #tpu.memory_space<vmem>>) semaphore(%arg9 : memref<!tpu.dma_semaphore, #tpu.memory_space<semaphore_mem>>)
      %mul3A_1245 = arith.constant 8 : i32
      %mul3A_1246 = arith.muli %scan3A_838, %mul3A_1245 : i32
      %add3A_1247 = arith.constant 7 : i32
      %add3A_1248 = arith.addi %mul3A_1246, %add3A_1247 : i32
      %dma_wait3A_1249 = arith.constant 0 : i32
      %dma_wait3A_1250 = arith.constant 7 : i32
      %dma_wait3A_1251 = arith.constant 0 : i32
      %dma_wait3A_1252 = arith.constant 0 : i32
      %dma_wait3A_1253 = tpu.memref_slice %arg6[%dma_wait3A_1250, %dma_wait3A_1251, %dma_wait3A_1252] : memref<8x64x64xf32, #tpu.memory_space<vmem>> -> memref<1x64x64xf32, #tpu.memory_space<vmem>>
      %dma_wait3A_1254 = tpu.memref_squeeze %dma_wait3A_1253 : memref<1x64x64xf32, #tpu.memory_space<vmem>> -> memref<64x64xf32, #tpu.memory_space<vmem>>
      %dma_wait3A_1255 = arith.constant 0 : i32
      %dma_wait3A_1256 = tpu.memref_slice %arg5[%dma_wait3A_1249, %dma_wait3A_1255] : memref<200x64xi32, #tpu.memory_space<vmem>> -> memref<1x64xi32, #tpu.memory_space<vmem>>
      %dma_wait3A_1257 = tpu.memref_squeeze %dma_wait3A_1256 : memref<1x64xi32, #tpu.memory_space<vmem>> -> memref<64xi32, #tpu.memory_space<vmem>>
      %dma_wait3A_1258 = arith.constant 0 : i32
      %dma_wait3A_1259 = arith.constant 0 : i32
      %dma_wait3A_1260 = tpu.memref_slice %arg2[%dma_wait3A_1258, %dma_wait3A_1259] : memref<1000000x64xf32, #tpu.memory_space<hbm>> -> memref<1000000x64xf32, #tpu.memory_space<hbm>>
      tpu.wait_indirect_dma semaphore(%arg14 : memref<!tpu.dma_semaphore, #tpu.memory_space<semaphore_mem>>) src(%dma_wait3A_1260 : memref<1000000x64xf32, #tpu.memory_space<hbm>>) dst(%dma_wait3A_1254 : memref<64x64xf32, #tpu.memory_space<vmem>>)
      %mul3A_1261 = arith.constant 64 : i32
      %mul3A_1262 = arith.muli %add3A_1248, %mul3A_1261 : i32
      %add3A_1263 = arith.addi %mul3A_2, %mul3A_1262 : i32
      %dma_start3A_1264 = arith.constant 7 : i32
      %dma_start3A_1265 = arith.constant 0 : i32
      %dma_start3A_1266 = arith.constant 0 : i32
      %dma_start3A_1267 = tpu.memref_slice %arg6[%dma_start3A_1264, %dma_start3A_1265, %dma_start3A_1266] : memref<8x64x64xf32, #tpu.memory_space<vmem>> -> memref<1x64x64xf32, #tpu.memory_space<vmem>>
      %dma_start3A_1268 = tpu.memref_squeeze %dma_start3A_1267 : memref<1x64x64xf32, #tpu.memory_space<vmem>> -> memref<64x64xf32, #tpu.memory_space<vmem>>
      %dma_start3A_1269 = arith.constant 0 : i32
      %dma_start3A_1270 = tpu.memref_slice %arg4[%add3A_1263, %dma_start3A_1269] : memref<409600x64xf32, #tpu.memory_space<hbm>> -> memref<64x64xf32, #tpu.memory_space<hbm>>
      %dma_start3A_1271 = arith.constant 0 : i32
      %dma_start3A_1272 = tpu.memref_slice %arg4[%add3A_1263, %dma_start3A_1271] : memref<409600x64xf32, #tpu.memory_space<hbm>> -> memref<64x64xf32, #tpu.memory_space<hbm>>
      %dma_start3A_1273 = arith.constant 0 : i32
      %dma_start3A_1274 = arith.constant 0 : i32
      %dma_start3A_1275 = tpu.memref_slice %arg6[%dma_start3A_1264, %dma_start3A_1273, %dma_start3A_1274] : memref<8x64x64xf32, #tpu.memory_space<vmem>> -> memref<1x64x64xf32, #tpu.memory_space<vmem>>
      %dma_start3A_1276 = tpu.memref_squeeze %dma_start3A_1275 : memref<1x64x64xf32, #tpu.memory_space<vmem>> -> memref<64x64xf32, #tpu.memory_space<vmem>>
      tpu.enqueue_dma source(%dma_start3A_1276 : memref<64x64xf32, #tpu.memory_space<vmem>>) target(%dma_start3A_1272 : memref<64x64xf32, #tpu.memory_space<hbm>>) target_semaphore(%arg22 : memref<!tpu.dma_semaphore, #tpu.memory_space<semaphore_mem>>)
      %dma_wait3A_1277 = arith.constant 3 : i32
      %dma_wait3A_1278 = arith.constant 0 : i32
      %dma_wait3A_1279 = arith.constant 0 : i32
      %dma_wait3A_1280 = tpu.memref_slice %arg6[%dma_wait3A_1277, %dma_wait3A_1278, %dma_wait3A_1279] : memref<8x64x64xf32, #tpu.memory_space<vmem>> -> memref<1x64x64xf32, #tpu.memory_space<vmem>>
      %dma_wait3A_1281 = tpu.memref_squeeze %dma_wait3A_1280 : memref<1x64x64xf32, #tpu.memory_space<vmem>> -> memref<64x64xf32, #tpu.memory_space<vmem>>
      %dma_wait3A_1282 = arith.constant 0 : i32
      %dma_wait3A_1283 = tpu.memref_slice %arg4[%mul3A_2, %dma_wait3A_1282] : memref<409600x64xf32, #tpu.memory_space<hbm>> -> memref<64x64xf32, #tpu.memory_space<hbm>>
      %dma_wait3A_1284 = arith.constant 0 : i32
      %dma_wait3A_1285 = tpu.memref_slice %arg4[%mul3A_2, %dma_wait3A_1284] : memref<409600x64xf32, #tpu.memory_space<hbm>> -> memref<64x64xf32, #tpu.memory_space<hbm>>
      %dma_wait3A_1286 = arith.constant 0 : i32
      %dma_wait3A_1287 = arith.constant 0 : i32
      %dma_wait3A_1288 = tpu.memref_slice %arg6[%dma_wait3A_1277, %dma_wait3A_1286, %dma_wait3A_1287] : memref<8x64x64xf32, #tpu.memory_space<vmem>> -> memref<1x64x64xf32, #tpu.memory_space<vmem>>
      %dma_wait3A_1289 = tpu.memref_squeeze %dma_wait3A_1288 : memref<1x64x64xf32, #tpu.memory_space<vmem>> -> memref<64x64xf32, #tpu.memory_space<vmem>>
      tpu.wait_dma2 semaphore(%arg18 : memref<!tpu.dma_semaphore, #tpu.memory_space<semaphore_mem>>) src(%dma_wait3A_1289 : memref<64x64xf32, #tpu.memory_space<vmem>>) dst(%dma_wait3A_1285 : memref<64x64xf32, #tpu.memory_space<hbm>>)
      %add3A_1290 = arith.constant 4 : i32
      %add3A_1291 = arith.addi %add3A_1248, %add3A_1290 : i32
      %dma_start3A_1292 = arith.constant 3 : i32
      %dma_start3A_1293 = arith.constant 0 : i32
      %dma_start3A_1294 = arith.constant 0 : i32
      %dma_start3A_1295 = tpu.memref_slice %arg6[%dma_start3A_1292, %dma_start3A_1293, %dma_start3A_1294] : memref<8x64x64xf32, #tpu.memory_space<vmem>> -> memref<1x64x64xf32, #tpu.memory_space<vmem>>
      %dma_start3A_1296 = tpu.memref_squeeze %dma_start3A_1295 : memref<1x64x64xf32, #tpu.memory_space<vmem>> -> memref<64x64xf32, #tpu.memory_space<vmem>>
      %dma_start3A_1297 = arith.constant 0 : i32
      %dma_start3A_1298 = tpu.memref_slice %arg5[%add3A_1291, %dma_start3A_1297] : memref<200x64xi32, #tpu.memory_space<vmem>> -> memref<1x64xi32, #tpu.memory_space<vmem>>
      %dma_start3A_1299 = tpu.memref_squeeze %dma_start3A_1298 : memref<1x64xi32, #tpu.memory_space<vmem>> -> memref<64xi32, #tpu.memory_space<vmem>>
      %dma_start3A_1300 = arith.constant 0 : i32
      %dma_start3A_1301 = arith.constant 0 : i32
      %dma_start3A_1302 = tpu.memref_slice %arg2[%dma_start3A_1300, %dma_start3A_1301] : memref<1000000x64xf32, #tpu.memory_space<hbm>> -> memref<1000000x64xf32, #tpu.memory_space<hbm>>
      tpu.enqueue_indirect_dma source(%dma_start3A_1302 : memref<1000000x64xf32, #tpu.memory_space<hbm>>) target(%dma_start3A_1296 : memref<64x64xf32, #tpu.memory_space<vmem>>) offsets(%dma_start3A_1299 : memref<64xi32, #tpu.memory_space<vmem>>) semaphore(%arg10 : memref<!tpu.dma_semaphore, #tpu.memory_space<semaphore_mem>>)
    }
    %scan3A_417 = arith.constant 23 : i32
    %dma_wait3A_418 = arith.constant 0 : i32
    %dma_wait3A_419 = arith.constant 0 : i32
    %dma_wait3A_420 = arith.constant 0 : i32
    %dma_wait3A_421 = arith.constant 0 : i32
    %dma_wait3A_422 = tpu.memref_slice %arg6[%dma_wait3A_419, %dma_wait3A_420, %dma_wait3A_421] : memref<8x64x64xf32, #tpu.memory_space<vmem>> -> memref<1x64x64xf32, #tpu.memory_space<vmem>>
    %dma_wait3A_423 = tpu.memref_squeeze %dma_wait3A_422 : memref<1x64x64xf32, #tpu.memory_space<vmem>> -> memref<64x64xf32, #tpu.memory_space<vmem>>
    %dma_wait3A_424 = arith.constant 0 : i32
    %dma_wait3A_425 = tpu.memref_slice %arg5[%dma_wait3A_418, %dma_wait3A_424] : memref<200x64xi32, #tpu.memory_space<vmem>> -> memref<1x64xi32, #tpu.memory_space<vmem>>
    %dma_wait3A_426 = tpu.memref_squeeze %dma_wait3A_425 : memref<1x64xi32, #tpu.memory_space<vmem>> -> memref<64xi32, #tpu.memory_space<vmem>>
    %dma_wait3A_427 = arith.constant 0 : i32
    %dma_wait3A_428 = arith.constant 0 : i32
    %dma_wait3A_429 = tpu.memref_slice %arg2[%dma_wait3A_427, %dma_wait3A_428] : memref<1000000x64xf32, #tpu.memory_space<hbm>> -> memref<1000000x64xf32, #tpu.memory_space<hbm>>
    tpu.wait_indirect_dma semaphore(%arg7 : memref<!tpu.dma_semaphore, #tpu.memory_space<semaphore_mem>>) src(%dma_wait3A_429 : memref<1000000x64xf32, #tpu.memory_space<hbm>>) dst(%dma_wait3A_423 : memref<64x64xf32, #tpu.memory_space<vmem>>)
    %add3A_430 = arith.constant 12288 : i32
    %add3A_431 = arith.addi %mul3A_2, %add3A_430 : i32
    %dma_start3A_432 = arith.constant 0 : i32
    %dma_start3A_433 = arith.constant 0 : i32
    %dma_start3A_434 = arith.constant 0 : i32
    %dma_start3A_435 = tpu.memref_slice %arg6[%dma_start3A_432, %dma_start3A_433, %dma_start3A_434] : memref<8x64x64xf32, #tpu.memory_space<vmem>> -> memref<1x64x64xf32, #tpu.memory_space<vmem>>
    %dma_start3A_436 = tpu.memref_squeeze %dma_start3A_435 : memref<1x64x64xf32, #tpu.memory_space<vmem>> -> memref<64x64xf32, #tpu.memory_space<vmem>>
    %dma_start3A_437 = arith.constant 0 : i32
    %dma_start3A_438 = tpu.memref_slice %arg4[%add3A_431, %dma_start3A_437] : memref<409600x64xf32, #tpu.memory_space<hbm>> -> memref<64x64xf32, #tpu.memory_space<hbm>>
    %dma_start3A_439 = arith.constant 0 : i32
    %dma_start3A_440 = tpu.memref_slice %arg4[%add3A_431, %dma_start3A_439] : memref<409600x64xf32, #tpu.memory_space<hbm>> -> memref<64x64xf32, #tpu.memory_space<hbm>>
    %dma_start3A_441 = arith.constant 0 : i32
    %dma_start3A_442 = arith.constant 0 : i32
    %dma_start3A_443 = tpu.memref_slice %arg6[%dma_start3A_432, %dma_start3A_441, %dma_start3A_442] : memref<8x64x64xf32, #tpu.memory_space<vmem>> -> memref<1x64x64xf32, #tpu.memory_space<vmem>>
    %dma_start3A_444 = tpu.memref_squeeze %dma_start3A_443 : memref<1x64x64xf32, #tpu.memory_space<vmem>> -> memref<64x64xf32, #tpu.memory_space<vmem>>
    tpu.enqueue_dma source(%dma_start3A_444 : memref<64x64xf32, #tpu.memory_space<vmem>>) target(%dma_start3A_440 : memref<64x64xf32, #tpu.memory_space<hbm>>) target_semaphore(%arg15 : memref<!tpu.dma_semaphore, #tpu.memory_space<semaphore_mem>>)
    %dma_wait3A_445 = arith.constant 4 : i32
    %dma_wait3A_446 = arith.constant 0 : i32
    %dma_wait3A_447 = arith.constant 0 : i32
    %dma_wait3A_448 = tpu.memref_slice %arg6[%dma_wait3A_445, %dma_wait3A_446, %dma_wait3A_447] : memref<8x64x64xf32, #tpu.memory_space<vmem>> -> memref<1x64x64xf32, #tpu.memory_space<vmem>>
    %dma_wait3A_449 = tpu.memref_squeeze %dma_wait3A_448 : memref<1x64x64xf32, #tpu.memory_space<vmem>> -> memref<64x64xf32, #tpu.memory_space<vmem>>
    %dma_wait3A_450 = arith.constant 0 : i32
    %dma_wait3A_451 = tpu.memref_slice %arg4[%mul3A_2, %dma_wait3A_450] : memref<409600x64xf32, #tpu.memory_space<hbm>> -> memref<64x64xf32, #tpu.memory_space<hbm>>
    %dma_wait3A_452 = arith.constant 0 : i32
    %dma_wait3A_453 = tpu.memref_slice %arg4[%mul3A_2, %dma_wait3A_452] : memref<409600x64xf32, #tpu.memory_space<hbm>> -> memref<64x64xf32, #tpu.memory_space<hbm>>
    %dma_wait3A_454 = arith.constant 0 : i32
    %dma_wait3A_455 = arith.constant 0 : i32
    %dma_wait3A_456 = tpu.memref_slice %arg6[%dma_wait3A_445, %dma_wait3A_454, %dma_wait3A_455] : memref<8x64x64xf32, #tpu.memory_space<vmem>> -> memref<1x64x64xf32, #tpu.memory_space<vmem>>
    %dma_wait3A_457 = tpu.memref_squeeze %dma_wait3A_456 : memref<1x64x64xf32, #tpu.memory_space<vmem>> -> memref<64x64xf32, #tpu.memory_space<vmem>>
    tpu.wait_dma2 semaphore(%arg19 : memref<!tpu.dma_semaphore, #tpu.memory_space<semaphore_mem>>) src(%dma_wait3A_457 : memref<64x64xf32, #tpu.memory_space<vmem>>) dst(%dma_wait3A_453 : memref<64x64xf32, #tpu.memory_space<hbm>>)
    %dma_start3A_458 = arith.constant 196 : i32
    %dma_start3A_459 = arith.constant 4 : i32
    %dma_start3A_460 = arith.constant 0 : i32
    %dma_start3A_461 = arith.constant 0 : i32
    %dma_start3A_462 = tpu.memref_slice %arg6[%dma_start3A_459, %dma_start3A_460, %dma_start3A_461] : memref<8x64x64xf32, #tpu.memory_space<vmem>> -> memref<1x64x64xf32, #tpu.memory_space<vmem>>
    %dma_start3A_463 = tpu.memref_squeeze %dma_start3A_462 : memref<1x64x64xf32, #tpu.memory_space<vmem>> -> memref<64x64xf32, #tpu.memory_space<vmem>>
    %dma_start3A_464 = arith.constant 0 : i32
    %dma_start3A_465 = tpu.memref_slice %arg5[%dma_start3A_458, %dma_start3A_464] : memref<200x64xi32, #tpu.memory_space<vmem>> -> memref<1x64xi32, #tpu.memory_space<vmem>>
    %dma_start3A_466 = tpu.memref_squeeze %dma_start3A_465 : memref<1x64xi32, #tpu.memory_space<vmem>> -> memref<64xi32, #tpu.memory_space<vmem>>
    %dma_start3A_467 = arith.constant 0 : i32
    %dma_start3A_468 = arith.constant 0 : i32
    %dma_start3A_469 = tpu.memref_slice %arg2[%dma_start3A_467, %dma_start3A_468] : memref<1000000x64xf32, #tpu.memory_space<hbm>> -> memref<1000000x64xf32, #tpu.memory_space<hbm>>
    tpu.enqueue_indirect_dma source(%dma_start3A_469 : memref<1000000x64xf32, #tpu.memory_space<hbm>>) target(%dma_start3A_463 : memref<64x64xf32, #tpu.memory_space<vmem>>) offsets(%dma_start3A_466 : memref<64xi32, #tpu.memory_space<vmem>>) semaphore(%arg11 : memref<!tpu.dma_semaphore, #tpu.memory_space<semaphore_mem>>)
    %dma_wait3A_470 = arith.constant 0 : i32
    %dma_wait3A_471 = arith.constant 1 : i32
    %dma_wait3A_472 = arith.constant 0 : i32
    %dma_wait3A_473 = arith.constant 0 : i32
    %dma_wait3A_474 = tpu.memref_slice %arg6[%dma_wait3A_471, %dma_wait3A_472, %dma_wait3A_473] : memref<8x64x64xf32, #tpu.memory_space<vmem>> -> memref<1x64x64xf32, #tpu.memory_space<vmem>>
    %dma_wait3A_475 = tpu.memref_squeeze %dma_wait3A_474 : memref<1x64x64xf32, #tpu.memory_space<vmem>> -> memref<64x64xf32, #tpu.memory_space<vmem>>
    %dma_wait3A_476 = arith.constant 0 : i32
    %dma_wait3A_477 = tpu.memref_slice %arg5[%dma_wait3A_470, %dma_wait3A_476] : memref<200x64xi32, #tpu.memory_space<vmem>> -> memref<1x64xi32, #tpu.memory_space<vmem>>
    %dma_wait3A_478 = tpu.memref_squeeze %dma_wait3A_477 : memref<1x64xi32, #tpu.memory_space<vmem>> -> memref<64xi32, #tpu.memory_space<vmem>>
    %dma_wait3A_479 = arith.constant 0 : i32
    %dma_wait3A_480 = arith.constant 0 : i32
    %dma_wait3A_481 = tpu.memref_slice %arg2[%dma_wait3A_479, %dma_wait3A_480] : memref<1000000x64xf32, #tpu.memory_space<hbm>> -> memref<1000000x64xf32, #tpu.memory_space<hbm>>
    tpu.wait_indirect_dma semaphore(%arg8 : memref<!tpu.dma_semaphore, #tpu.memory_space<semaphore_mem>>) src(%dma_wait3A_481 : memref<1000000x64xf32, #tpu.memory_space<hbm>>) dst(%dma_wait3A_475 : memref<64x64xf32, #tpu.memory_space<vmem>>)
    %add3A_482 = arith.constant 12352 : i32
    %add3A_483 = arith.addi %mul3A_2, %add3A_482 : i32
    %dma_start3A_484 = arith.constant 1 : i32
    %dma_start3A_485 = arith.constant 0 : i32
    %dma_start3A_486 = arith.constant 0 : i32
    %dma_start3A_487 = tpu.memref_slice %arg6[%dma_start3A_484, %dma_start3A_485, %dma_start3A_486] : memref<8x64x64xf32, #tpu.memory_space<vmem>> -> memref<1x64x64xf32, #tpu.memory_space<vmem>>
    %dma_start3A_488 = tpu.memref_squeeze %dma_start3A_487 : memref<1x64x64xf32, #tpu.memory_space<vmem>> -> memref<64x64xf32, #tpu.memory_space<vmem>>
    %dma_start3A_489 = arith.constant 0 : i32
    %dma_start3A_490 = tpu.memref_slice %arg4[%add3A_483, %dma_start3A_489] : memref<409600x64xf32, #tpu.memory_space<hbm>> -> memref<64x64xf32, #tpu.memory_space<hbm>>
    %dma_start3A_491 = arith.constant 0 : i32
    %dma_start3A_492 = tpu.memref_slice %arg4[%add3A_483, %dma_start3A_491] : memref<409600x64xf32, #tpu.memory_space<hbm>> -> memref<64x64xf32, #tpu.memory_space<hbm>>
    %dma_start3A_493 = arith.constant 0 : i32
    %dma_start3A_494 = arith.constant 0 : i32
    %dma_start3A_495 = tpu.memref_slice %arg6[%dma_start3A_484, %dma_start3A_493, %dma_start3A_494] : memref<8x64x64xf32, #tpu.memory_space<vmem>> -> memref<1x64x64xf32, #tpu.memory_space<vmem>>
    %dma_start3A_496 = tpu.memref_squeeze %dma_start3A_495 : memref<1x64x64xf32, #tpu.memory_space<vmem>> -> memref<64x64xf32, #tpu.memory_space<vmem>>
    tpu.enqueue_dma source(%dma_start3A_496 : memref<64x64xf32, #tpu.memory_space<vmem>>) target(%dma_start3A_492 : memref<64x64xf32, #tpu.memory_space<hbm>>) target_semaphore(%arg16 : memref<!tpu.dma_semaphore, #tpu.memory_space<semaphore_mem>>)
    %dma_wait3A_497 = arith.constant 5 : i32
    %dma_wait3A_498 = arith.constant 0 : i32
    %dma_wait3A_499 = arith.constant 0 : i32
    %dma_wait3A_500 = tpu.memref_slice %arg6[%dma_wait3A_497, %dma_wait3A_498, %dma_wait3A_499] : memref<8x64x64xf32, #tpu.memory_space<vmem>> -> memref<1x64x64xf32, #tpu.memory_space<vmem>>
    %dma_wait3A_501 = tpu.memref_squeeze %dma_wait3A_500 : memref<1x64x64xf32, #tpu.memory_space<vmem>> -> memref<64x64xf32, #tpu.memory_space<vmem>>
    %dma_wait3A_502 = arith.constant 0 : i32
    %dma_wait3A_503 = tpu.memref_slice %arg4[%mul3A_2, %dma_wait3A_502] : memref<409600x64xf32, #tpu.memory_space<hbm>> -> memref<64x64xf32, #tpu.memory_space<hbm>>
    %dma_wait3A_504 = arith.constant 0 : i32
    %dma_wait3A_505 = tpu.memref_slice %arg4[%mul3A_2, %dma_wait3A_504] : memref<409600x64xf32, #tpu.memory_space<hbm>> -> memref<64x64xf32, #tpu.memory_space<hbm>>
    %dma_wait3A_506 = arith.constant 0 : i32
    %dma_wait3A_507 = arith.constant 0 : i32
    %dma_wait3A_508 = tpu.memref_slice %arg6[%dma_wait3A_497, %dma_wait3A_506, %dma_wait3A_507] : memref<8x64x64xf32, #tpu.memory_space<vmem>> -> memref<1x64x64xf32, #tpu.memory_space<vmem>>
    %dma_wait3A_509 = tpu.memref_squeeze %dma_wait3A_508 : memref<1x64x64xf32, #tpu.memory_space<vmem>> -> memref<64x64xf32, #tpu.memory_space<vmem>>
    tpu.wait_dma2 semaphore(%arg20 : memref<!tpu.dma_semaphore, #tpu.memory_space<semaphore_mem>>) src(%dma_wait3A_509 : memref<64x64xf32, #tpu.memory_space<vmem>>) dst(%dma_wait3A_505 : memref<64x64xf32, #tpu.memory_space<hbm>>)
    %dma_start3A_510 = arith.constant 197 : i32
    %dma_start3A_511 = arith.constant 5 : i32
    %dma_start3A_512 = arith.constant 0 : i32
    %dma_start3A_513 = arith.constant 0 : i32
    %dma_start3A_514 = tpu.memref_slice %arg6[%dma_start3A_511, %dma_start3A_512, %dma_start3A_513] : memref<8x64x64xf32, #tpu.memory_space<vmem>> -> memref<1x64x64xf32, #tpu.memory_space<vmem>>
    %dma_start3A_515 = tpu.memref_squeeze %dma_start3A_514 : memref<1x64x64xf32, #tpu.memory_space<vmem>> -> memref<64x64xf32, #tpu.memory_space<vmem>>
    %dma_start3A_516 = arith.constant 0 : i32
    %dma_start3A_517 = tpu.memref_slice %arg5[%dma_start3A_510, %dma_start3A_516] : memref<200x64xi32, #tpu.memory_space<vmem>> -> memref<1x64xi32, #tpu.memory_space<vmem>>
    %dma_start3A_518 = tpu.memref_squeeze %dma_start3A_517 : memref<1x64xi32, #tpu.memory_space<vmem>> -> memref<64xi32, #tpu.memory_space<vmem>>
    %dma_start3A_519 = arith.constant 0 : i32
    %dma_start3A_520 = arith.constant 0 : i32
    %dma_start3A_521 = tpu.memref_slice %arg2[%dma_start3A_519, %dma_start3A_520] : memref<1000000x64xf32, #tpu.memory_space<hbm>> -> memref<1000000x64xf32, #tpu.memory_space<hbm>>
    tpu.enqueue_indirect_dma source(%dma_start3A_521 : memref<1000000x64xf32, #tpu.memory_space<hbm>>) target(%dma_start3A_515 : memref<64x64xf32, #tpu.memory_space<vmem>>) offsets(%dma_start3A_518 : memref<64xi32, #tpu.memory_space<vmem>>) semaphore(%arg12 : memref<!tpu.dma_semaphore, #tpu.memory_space<semaphore_mem>>)
    %dma_wait3A_522 = arith.constant 0 : i32
    %dma_wait3A_523 = arith.constant 2 : i32
    %dma_wait3A_524 = arith.constant 0 : i32
    %dma_wait3A_525 = arith.constant 0 : i32
    %dma_wait3A_526 = tpu.memref_slice %arg6[%dma_wait3A_523, %dma_wait3A_524, %dma_wait3A_525] : memref<8x64x64xf32, #tpu.memory_space<vmem>> -> memref<1x64x64xf32, #tpu.memory_space<vmem>>
    %dma_wait3A_527 = tpu.memref_squeeze %dma_wait3A_526 : memref<1x64x64xf32, #tpu.memory_space<vmem>> -> memref<64x64xf32, #tpu.memory_space<vmem>>
    %dma_wait3A_528 = arith.constant 0 : i32
    %dma_wait3A_529 = tpu.memref_slice %arg5[%dma_wait3A_522, %dma_wait3A_528] : memref<200x64xi32, #tpu.memory_space<vmem>> -> memref<1x64xi32, #tpu.memory_space<vmem>>
    %dma_wait3A_530 = tpu.memref_squeeze %dma_wait3A_529 : memref<1x64xi32, #tpu.memory_space<vmem>> -> memref<64xi32, #tpu.memory_space<vmem>>
    %dma_wait3A_531 = arith.constant 0 : i32
    %dma_wait3A_532 = arith.constant 0 : i32
    %dma_wait3A_533 = tpu.memref_slice %arg2[%dma_wait3A_531, %dma_wait3A_532] : memref<1000000x64xf32, #tpu.memory_space<hbm>> -> memref<1000000x64xf32, #tpu.memory_space<hbm>>
    tpu.wait_indirect_dma semaphore(%arg9 : memref<!tpu.dma_semaphore, #tpu.memory_space<semaphore_mem>>) src(%dma_wait3A_533 : memref<1000000x64xf32, #tpu.memory_space<hbm>>) dst(%dma_wait3A_527 : memref<64x64xf32, #tpu.memory_space<vmem>>)
    %add3A_534 = arith.constant 12416 : i32
    %add3A_535 = arith.addi %mul3A_2, %add3A_534 : i32
    %dma_start3A_536 = arith.constant 2 : i32
    %dma_start3A_537 = arith.constant 0 : i32
    %dma_start3A_538 = arith.constant 0 : i32
    %dma_start3A_539 = tpu.memref_slice %arg6[%dma_start3A_536, %dma_start3A_537, %dma_start3A_538] : memref<8x64x64xf32, #tpu.memory_space<vmem>> -> memref<1x64x64xf32, #tpu.memory_space<vmem>>
    %dma_start3A_540 = tpu.memref_squeeze %dma_start3A_539 : memref<1x64x64xf32, #tpu.memory_space<vmem>> -> memref<64x64xf32, #tpu.memory_space<vmem>>
    %dma_start3A_541 = arith.constant 0 : i32
    %dma_start3A_542 = tpu.memref_slice %arg4[%add3A_535, %dma_start3A_541] : memref<409600x64xf32, #tpu.memory_space<hbm>> -> memref<64x64xf32, #tpu.memory_space<hbm>>
    %dma_start3A_543 = arith.constant 0 : i32
    %dma_start3A_544 = tpu.memref_slice %arg4[%add3A_535, %dma_start3A_543] : memref<409600x64xf32, #tpu.memory_space<hbm>> -> memref<64x64xf32, #tpu.memory_space<hbm>>
    %dma_start3A_545 = arith.constant 0 : i32
    %dma_start3A_546 = arith.constant 0 : i32
    %dma_start3A_547 = tpu.memref_slice %arg6[%dma_start3A_536, %dma_start3A_545, %dma_start3A_546] : memref<8x64x64xf32, #tpu.memory_space<vmem>> -> memref<1x64x64xf32, #tpu.memory_space<vmem>>
    %dma_start3A_548 = tpu.memref_squeeze %dma_start3A_547 : memref<1x64x64xf32, #tpu.memory_space<vmem>> -> memref<64x64xf32, #tpu.memory_space<vmem>>
    tpu.enqueue_dma source(%dma_start3A_548 : memref<64x64xf32, #tpu.memory_space<vmem>>) target(%dma_start3A_544 : memref<64x64xf32, #tpu.memory_space<hbm>>) target_semaphore(%arg17 : memref<!tpu.dma_semaphore, #tpu.memory_space<semaphore_mem>>)
    %dma_wait3A_549 = arith.constant 6 : i32
    %dma_wait3A_550 = arith.constant 0 : i32
    %dma_wait3A_551 = arith.constant 0 : i32
    %dma_wait3A_552 = tpu.memref_slice %arg6[%dma_wait3A_549, %dma_wait3A_550, %dma_wait3A_551] : memref<8x64x64xf32, #tpu.memory_space<vmem>> -> memref<1x64x64xf32, #tpu.memory_space<vmem>>
    %dma_wait3A_553 = tpu.memref_squeeze %dma_wait3A_552 : memref<1x64x64xf32, #tpu.memory_space<vmem>> -> memref<64x64xf32, #tpu.memory_space<vmem>>
    %dma_wait3A_554 = arith.constant 0 : i32
    %dma_wait3A_555 = tpu.memref_slice %arg4[%mul3A_2, %dma_wait3A_554] : memref<409600x64xf32, #tpu.memory_space<hbm>> -> memref<64x64xf32, #tpu.memory_space<hbm>>
    %dma_wait3A_556 = arith.constant 0 : i32
    %dma_wait3A_557 = tpu.memref_slice %arg4[%mul3A_2, %dma_wait3A_556] : memref<409600x64xf32, #tpu.memory_space<hbm>> -> memref<64x64xf32, #tpu.memory_space<hbm>>
    %dma_wait3A_558 = arith.constant 0 : i32
    %dma_wait3A_559 = arith.constant 0 : i32
    %dma_wait3A_560 = tpu.memref_slice %arg6[%dma_wait3A_549, %dma_wait3A_558, %dma_wait3A_559] : memref<8x64x64xf32, #tpu.memory_space<vmem>> -> memref<1x64x64xf32, #tpu.memory_space<vmem>>
    %dma_wait3A_561 = tpu.memref_squeeze %dma_wait3A_560 : memref<1x64x64xf32, #tpu.memory_space<vmem>> -> memref<64x64xf32, #tpu.memory_space<vmem>>
    tpu.wait_dma2 semaphore(%arg21 : memref<!tpu.dma_semaphore, #tpu.memory_space<semaphore_mem>>) src(%dma_wait3A_561 : memref<64x64xf32, #tpu.memory_space<vmem>>) dst(%dma_wait3A_557 : memref<64x64xf32, #tpu.memory_space<hbm>>)
    %dma_start3A_562 = arith.constant 198 : i32
    %dma_start3A_563 = arith.constant 6 : i32
    %dma_start3A_564 = arith.constant 0 : i32
    %dma_start3A_565 = arith.constant 0 : i32
    %dma_start3A_566 = tpu.memref_slice %arg6[%dma_start3A_563, %dma_start3A_564, %dma_start3A_565] : memref<8x64x64xf32, #tpu.memory_space<vmem>> -> memref<1x64x64xf32, #tpu.memory_space<vmem>>
    %dma_start3A_567 = tpu.memref_squeeze %dma_start3A_566 : memref<1x64x64xf32, #tpu.memory_space<vmem>> -> memref<64x64xf32, #tpu.memory_space<vmem>>
    %dma_start3A_568 = arith.constant 0 : i32
    %dma_start3A_569 = tpu.memref_slice %arg5[%dma_start3A_562, %dma_start3A_568] : memref<200x64xi32, #tpu.memory_space<vmem>> -> memref<1x64xi32, #tpu.memory_space<vmem>>
    %dma_start3A_570 = tpu.memref_squeeze %dma_start3A_569 : memref<1x64xi32, #tpu.memory_space<vmem>> -> memref<64xi32, #tpu.memory_space<vmem>>
    %dma_start3A_571 = arith.constant 0 : i32
    %dma_start3A_572 = arith.constant 0 : i32
    %dma_start3A_573 = tpu.memref_slice %arg2[%dma_start3A_571, %dma_start3A_572] : memref<1000000x64xf32, #tpu.memory_space<hbm>> -> memref<1000000x64xf32, #tpu.memory_space<hbm>>
    tpu.enqueue_indirect_dma source(%dma_start3A_573 : memref<1000000x64xf32, #tpu.memory_space<hbm>>) target(%dma_start3A_567 : memref<64x64xf32, #tpu.memory_space<vmem>>) offsets(%dma_start3A_570 : memref<64xi32, #tpu.memory_space<vmem>>) semaphore(%arg13 : memref<!tpu.dma_semaphore, #tpu.memory_space<semaphore_mem>>)
    %dma_wait3A_574 = arith.constant 0 : i32
    %dma_wait3A_575 = arith.constant 3 : i32
    %dma_wait3A_576 = arith.constant 0 : i32
    %dma_wait3A_577 = arith.constant 0 : i32
    %dma_wait3A_578 = tpu.memref_slice %arg6[%dma_wait3A_575, %dma_wait3A_576, %dma_wait3A_577] : memref<8x64x64xf32, #tpu.memory_space<vmem>> -> memref<1x64x64xf32, #tpu.memory_space<vmem>>
    %dma_wait3A_579 = tpu.memref_squeeze %dma_wait3A_578 : memref<1x64x64xf32, #tpu.memory_space<vmem>> -> memref<64x64xf32, #tpu.memory_space<vmem>>
    %dma_wait3A_580 = arith.constant 0 : i32
    %dma_wait3A_581 = tpu.memref_slice %arg5[%dma_wait3A_574, %dma_wait3A_580] : memref<200x64xi32, #tpu.memory_space<vmem>> -> memref<1x64xi32, #tpu.memory_space<vmem>>
    %dma_wait3A_582 = tpu.memref_squeeze %dma_wait3A_581 : memref<1x64xi32, #tpu.memory_space<vmem>> -> memref<64xi32, #tpu.memory_space<vmem>>
    %dma_wait3A_583 = arith.constant 0 : i32
    %dma_wait3A_584 = arith.constant 0 : i32
    %dma_wait3A_585 = tpu.memref_slice %arg2[%dma_wait3A_583, %dma_wait3A_584] : memref<1000000x64xf32, #tpu.memory_space<hbm>> -> memref<1000000x64xf32, #tpu.memory_space<hbm>>
    tpu.wait_indirect_dma semaphore(%arg10 : memref<!tpu.dma_semaphore, #tpu.memory_space<semaphore_mem>>) src(%dma_wait3A_585 : memref<1000000x64xf32, #tpu.memory_space<hbm>>) dst(%dma_wait3A_579 : memref<64x64xf32, #tpu.memory_space<vmem>>)
    %add3A_586 = arith.constant 12480 : i32
    %add3A_587 = arith.addi %mul3A_2, %add3A_586 : i32
    %dma_start3A_588 = arith.constant 3 : i32
    %dma_start3A_589 = arith.constant 0 : i32
    %dma_start3A_590 = arith.constant 0 : i32
    %dma_start3A_591 = tpu.memref_slice %arg6[%dma_start3A_588, %dma_start3A_589, %dma_start3A_590] : memref<8x64x64xf32, #tpu.memory_space<vmem>> -> memref<1x64x64xf32, #tpu.memory_space<vmem>>
    %dma_start3A_592 = tpu.memref_squeeze %dma_start3A_591 : memref<1x64x64xf32, #tpu.memory_space<vmem>> -> memref<64x64xf32, #tpu.memory_space<vmem>>
    %dma_start3A_593 = arith.constant 0 : i32
    %dma_start3A_594 = tpu.memref_slice %arg4[%add3A_587, %dma_start3A_593] : memref<409600x64xf32, #tpu.memory_space<hbm>> -> memref<64x64xf32, #tpu.memory_space<hbm>>
    %dma_start3A_595 = arith.constant 0 : i32
    %dma_start3A_596 = tpu.memref_slice %arg4[%add3A_587, %dma_start3A_595] : memref<409600x64xf32, #tpu.memory_space<hbm>> -> memref<64x64xf32, #tpu.memory_space<hbm>>
    %dma_start3A_597 = arith.constant 0 : i32
    %dma_start3A_598 = arith.constant 0 : i32
    %dma_start3A_599 = tpu.memref_slice %arg6[%dma_start3A_588, %dma_start3A_597, %dma_start3A_598] : memref<8x64x64xf32, #tpu.memory_space<vmem>> -> memref<1x64x64xf32, #tpu.memory_space<vmem>>
    %dma_start3A_600 = tpu.memref_squeeze %dma_start3A_599 : memref<1x64x64xf32, #tpu.memory_space<vmem>> -> memref<64x64xf32, #tpu.memory_space<vmem>>
    tpu.enqueue_dma source(%dma_start3A_600 : memref<64x64xf32, #tpu.memory_space<vmem>>) target(%dma_start3A_596 : memref<64x64xf32, #tpu.memory_space<hbm>>) target_semaphore(%arg18 : memref<!tpu.dma_semaphore, #tpu.memory_space<semaphore_mem>>)
    %dma_wait3A_601 = arith.constant 7 : i32
    %dma_wait3A_602 = arith.constant 0 : i32
    %dma_wait3A_603 = arith.constant 0 : i32
    %dma_wait3A_604 = tpu.memref_slice %arg6[%dma_wait3A_601, %dma_wait3A_602, %dma_wait3A_603] : memref<8x64x64xf32, #tpu.memory_space<vmem>> -> memref<1x64x64xf32, #tpu.memory_space<vmem>>
    %dma_wait3A_605 = tpu.memref_squeeze %dma_wait3A_604 : memref<1x64x64xf32, #tpu.memory_space<vmem>> -> memref<64x64xf32, #tpu.memory_space<vmem>>
    %dma_wait3A_606 = arith.constant 0 : i32
    %dma_wait3A_607 = tpu.memref_slice %arg4[%mul3A_2, %dma_wait3A_606] : memref<409600x64xf32, #tpu.memory_space<hbm>> -> memref<64x64xf32, #tpu.memory_space<hbm>>
    %dma_wait3A_608 = arith.constant 0 : i32
    %dma_wait3A_609 = tpu.memref_slice %arg4[%mul3A_2, %dma_wait3A_608] : memref<409600x64xf32, #tpu.memory_space<hbm>> -> memref<64x64xf32, #tpu.memory_space<hbm>>
    %dma_wait3A_610 = arith.constant 0 : i32
    %dma_wait3A_611 = arith.constant 0 : i32
    %dma_wait3A_612 = tpu.memref_slice %arg6[%dma_wait3A_601, %dma_wait3A_610, %dma_wait3A_611] : memref<8x64x64xf32, #tpu.memory_space<vmem>> -> memref<1x64x64xf32, #tpu.memory_space<vmem>>
    %dma_wait3A_613 = tpu.memref_squeeze %dma_wait3A_612 : memref<1x64x64xf32, #tpu.memory_space<vmem>> -> memref<64x64xf32, #tpu.memory_space<vmem>>
    tpu.wait_dma2 semaphore(%arg22 : memref<!tpu.dma_semaphore, #tpu.memory_space<semaphore_mem>>) src(%dma_wait3A_613 : memref<64x64xf32, #tpu.memory_space<vmem>>) dst(%dma_wait3A_609 : memref<64x64xf32, #tpu.memory_space<hbm>>)
    %dma_start3A_614 = arith.constant 199 : i32
    %dma_start3A_615 = arith.constant 7 : i32
    %dma_start3A_616 = arith.constant 0 : i32
    %dma_start3A_617 = arith.constant 0 : i32
    %dma_start3A_618 = tpu.memref_slice %arg6[%dma_start3A_615, %dma_start3A_616, %dma_start3A_617] : memref<8x64x64xf32, #tpu.memory_space<vmem>> -> memref<1x64x64xf32, #tpu.memory_space<vmem>>
    %dma_start3A_619 = tpu.memref_squeeze %dma_start3A_618 : memref<1x64x64xf32, #tpu.memory_space<vmem>> -> memref<64x64xf32, #tpu.memory_space<vmem>>
    %dma_start3A_620 = arith.constant 0 : i32
    %dma_start3A_621 = tpu.memref_slice %arg5[%dma_start3A_614, %dma_start3A_620] : memref<200x64xi32, #tpu.memory_space<vmem>> -> memref<1x64xi32, #tpu.memory_space<vmem>>
    %dma_start3A_622 = tpu.memref_squeeze %dma_start3A_621 : memref<1x64xi32, #tpu.memory_space<vmem>> -> memref<64xi32, #tpu.memory_space<vmem>>
    %dma_start3A_623 = arith.constant 0 : i32
    %dma_start3A_624 = arith.constant 0 : i32
    %dma_start3A_625 = tpu.memref_slice %arg2[%dma_start3A_623, %dma_start3A_624] : memref<1000000x64xf32, #tpu.memory_space<hbm>> -> memref<1000000x64xf32, #tpu.memory_space<hbm>>
    tpu.enqueue_indirect_dma source(%dma_start3A_625 : memref<1000000x64xf32, #tpu.memory_space<hbm>>) target(%dma_start3A_619 : memref<64x64xf32, #tpu.memory_space<vmem>>) offsets(%dma_start3A_622 : memref<64xi32, #tpu.memory_space<vmem>>) semaphore(%arg14 : memref<!tpu.dma_semaphore, #tpu.memory_space<semaphore_mem>>)
    %dma_wait3A_626 = arith.constant 0 : i32
    %dma_wait3A_627 = arith.constant 4 : i32
    %dma_wait3A_628 = arith.constant 0 : i32
    %dma_wait3A_629 = arith.constant 0 : i32
    %dma_wait3A_630 = tpu.memref_slice %arg6[%dma_wait3A_627, %dma_wait3A_628, %dma_wait3A_629] : memref<8x64x64xf32, #tpu.memory_space<vmem>> -> memref<1x64x64xf32, #tpu.memory_space<vmem>>
    %dma_wait3A_631 = tpu.memref_squeeze %dma_wait3A_630 : memref<1x64x64xf32, #tpu.memory_space<vmem>> -> memref<64x64xf32, #tpu.memory_space<vmem>>
    %dma_wait3A_632 = arith.constant 0 : i32
    %dma_wait3A_633 = tpu.memref_slice %arg5[%dma_wait3A_626, %dma_wait3A_632] : memref<200x64xi32, #tpu.memory_space<vmem>> -> memref<1x64xi32, #tpu.memory_space<vmem>>
    %dma_wait3A_634 = tpu.memref_squeeze %dma_wait3A_633 : memref<1x64xi32, #tpu.memory_space<vmem>> -> memref<64xi32, #tpu.memory_space<vmem>>
    %dma_wait3A_635 = arith.constant 0 : i32
    %dma_wait3A_636 = arith.constant 0 : i32
    %dma_wait3A_637 = tpu.memref_slice %arg2[%dma_wait3A_635, %dma_wait3A_636] : memref<1000000x64xf32, #tpu.memory_space<hbm>> -> memref<1000000x64xf32, #tpu.memory_space<hbm>>
    tpu.wait_indirect_dma semaphore(%arg11 : memref<!tpu.dma_semaphore, #tpu.memory_space<semaphore_mem>>) src(%dma_wait3A_637 : memref<1000000x64xf32, #tpu.memory_space<hbm>>) dst(%dma_wait3A_631 : memref<64x64xf32, #tpu.memory_space<vmem>>)
    %add3A_638 = arith.constant 12544 : i32
    %add3A_639 = arith.addi %mul3A_2, %add3A_638 : i32
    %dma_start3A_640 = arith.constant 4 : i32
    %dma_start3A_641 = arith.constant 0 : i32
    %dma_start3A_642 = arith.constant 0 : i32
    %dma_start3A_643 = tpu.memref_slice %arg6[%dma_start3A_640, %dma_start3A_641, %dma_start3A_642] : memref<8x64x64xf32, #tpu.memory_space<vmem>> -> memref<1x64x64xf32, #tpu.memory_space<vmem>>
    %dma_start3A_644 = tpu.memref_squeeze %dma_start3A_643 : memref<1x64x64xf32, #tpu.memory_space<vmem>> -> memref<64x64xf32, #tpu.memory_space<vmem>>
    %dma_start3A_645 = arith.constant 0 : i32
    %dma_start3A_646 = tpu.memref_slice %arg4[%add3A_639, %dma_start3A_645] : memref<409600x64xf32, #tpu.memory_space<hbm>> -> memref<64x64xf32, #tpu.memory_space<hbm>>
    %dma_start3A_647 = arith.constant 0 : i32
    %dma_start3A_648 = tpu.memref_slice %arg4[%add3A_639, %dma_start3A_647] : memref<409600x64xf32, #tpu.memory_space<hbm>> -> memref<64x64xf32, #tpu.memory_space<hbm>>
    %dma_start3A_649 = arith.constant 0 : i32
    %dma_start3A_650 = arith.constant 0 : i32
    %dma_start3A_651 = tpu.memref_slice %arg6[%dma_start3A_640, %dma_start3A_649, %dma_start3A_650] : memref<8x64x64xf32, #tpu.memory_space<vmem>> -> memref<1x64x64xf32, #tpu.memory_space<vmem>>
    %dma_start3A_652 = tpu.memref_squeeze %dma_start3A_651 : memref<1x64x64xf32, #tpu.memory_space<vmem>> -> memref<64x64xf32, #tpu.memory_space<vmem>>
    tpu.enqueue_dma source(%dma_start3A_652 : memref<64x64xf32, #tpu.memory_space<vmem>>) target(%dma_start3A_648 : memref<64x64xf32, #tpu.memory_space<hbm>>) target_semaphore(%arg19 : memref<!tpu.dma_semaphore, #tpu.memory_space<semaphore_mem>>)
    %dma_wait3A_653 = arith.constant 0 : i32
    %dma_wait3A_654 = arith.constant 5 : i32
    %dma_wait3A_655 = arith.constant 0 : i32
    %dma_wait3A_656 = arith.constant 0 : i32
    %dma_wait3A_657 = tpu.memref_slice %arg6[%dma_wait3A_654, %dma_wait3A_655, %dma_wait3A_656] : memref<8x64x64xf32, #tpu.memory_space<vmem>> -> memref<1x64x64xf32, #tpu.memory_space<vmem>>
    %dma_wait3A_658 = tpu.memref_squeeze %dma_wait3A_657 : memref<1x64x64xf32, #tpu.memory_space<vmem>> -> memref<64x64xf32, #tpu.memory_space<vmem>>
    %dma_wait3A_659 = arith.constant 0 : i32
    %dma_wait3A_660 = tpu.memref_slice %arg5[%dma_wait3A_653, %dma_wait3A_659] : memref<200x64xi32, #tpu.memory_space<vmem>> -> memref<1x64xi32, #tpu.memory_space<vmem>>
    %dma_wait3A_661 = tpu.memref_squeeze %dma_wait3A_660 : memref<1x64xi32, #tpu.memory_space<vmem>> -> memref<64xi32, #tpu.memory_space<vmem>>
    %dma_wait3A_662 = arith.constant 0 : i32
    %dma_wait3A_663 = arith.constant 0 : i32
    %dma_wait3A_664 = tpu.memref_slice %arg2[%dma_wait3A_662, %dma_wait3A_663] : memref<1000000x64xf32, #tpu.memory_space<hbm>> -> memref<1000000x64xf32, #tpu.memory_space<hbm>>
    tpu.wait_indirect_dma semaphore(%arg12 : memref<!tpu.dma_semaphore, #tpu.memory_space<semaphore_mem>>) src(%dma_wait3A_664 : memref<1000000x64xf32, #tpu.memory_space<hbm>>) dst(%dma_wait3A_658 : memref<64x64xf32, #tpu.memory_space<vmem>>)
    %add3A_665 = arith.constant 12608 : i32
    %add3A_666 = arith.addi %mul3A_2, %add3A_665 : i32
    %dma_start3A_667 = arith.constant 5 : i32
    %dma_start3A_668 = arith.constant 0 : i32
    %dma_start3A_669 = arith.constant 0 : i32
    %dma_start3A_670 = tpu.memref_slice %arg6[%dma_start3A_667, %dma_start3A_668, %dma_start3A_669] : memref<8x64x64xf32, #tpu.memory_space<vmem>> -> memref<1x64x64xf32, #tpu.memory_space<vmem>>
    %dma_start3A_671 = tpu.memref_squeeze %dma_start3A_670 : memref<1x64x64xf32, #tpu.memory_space<vmem>> -> memref<64x64xf32, #tpu.memory_space<vmem>>
    %dma_start3A_672 = arith.constant 0 : i32
    %dma_start3A_673 = tpu.memref_slice %arg4[%add3A_666, %dma_start3A_672] : memref<409600x64xf32, #tpu.memory_space<hbm>> -> memref<64x64xf32, #tpu.memory_space<hbm>>
    %dma_start3A_674 = arith.constant 0 : i32
    %dma_start3A_675 = tpu.memref_slice %arg4[%add3A_666, %dma_start3A_674] : memref<409600x64xf32, #tpu.memory_space<hbm>> -> memref<64x64xf32, #tpu.memory_space<hbm>>
    %dma_start3A_676 = arith.constant 0 : i32
    %dma_start3A_677 = arith.constant 0 : i32
    %dma_start3A_678 = tpu.memref_slice %arg6[%dma_start3A_667, %dma_start3A_676, %dma_start3A_677] : memref<8x64x64xf32, #tpu.memory_space<vmem>> -> memref<1x64x64xf32, #tpu.memory_space<vmem>>
    %dma_start3A_679 = tpu.memref_squeeze %dma_start3A_678 : memref<1x64x64xf32, #tpu.memory_space<vmem>> -> memref<64x64xf32, #tpu.memory_space<vmem>>
    tpu.enqueue_dma source(%dma_start3A_679 : memref<64x64xf32, #tpu.memory_space<vmem>>) target(%dma_start3A_675 : memref<64x64xf32, #tpu.memory_space<hbm>>) target_semaphore(%arg20 : memref<!tpu.dma_semaphore, #tpu.memory_space<semaphore_mem>>)
    %dma_wait3A_680 = arith.constant 0 : i32
    %dma_wait3A_681 = arith.constant 6 : i32
    %dma_wait3A_682 = arith.constant 0 : i32
    %dma_wait3A_683 = arith.constant 0 : i32
    %dma_wait3A_684 = tpu.memref_slice %arg6[%dma_wait3A_681, %dma_wait3A_682, %dma_wait3A_683] : memref<8x64x64xf32, #tpu.memory_space<vmem>> -> memref<1x64x64xf32, #tpu.memory_space<vmem>>
    %dma_wait3A_685 = tpu.memref_squeeze %dma_wait3A_684 : memref<1x64x64xf32, #tpu.memory_space<vmem>> -> memref<64x64xf32, #tpu.memory_space<vmem>>
    %dma_wait3A_686 = arith.constant 0 : i32
    %dma_wait3A_687 = tpu.memref_slice %arg5[%dma_wait3A_680, %dma_wait3A_686] : memref<200x64xi32, #tpu.memory_space<vmem>> -> memref<1x64xi32, #tpu.memory_space<vmem>>
    %dma_wait3A_688 = tpu.memref_squeeze %dma_wait3A_687 : memref<1x64xi32, #tpu.memory_space<vmem>> -> memref<64xi32, #tpu.memory_space<vmem>>
    %dma_wait3A_689 = arith.constant 0 : i32
    %dma_wait3A_690 = arith.constant 0 : i32
    %dma_wait3A_691 = tpu.memref_slice %arg2[%dma_wait3A_689, %dma_wait3A_690] : memref<1000000x64xf32, #tpu.memory_space<hbm>> -> memref<1000000x64xf32, #tpu.memory_space<hbm>>
    tpu.wait_indirect_dma semaphore(%arg13 : memref<!tpu.dma_semaphore, #tpu.memory_space<semaphore_mem>>) src(%dma_wait3A_691 : memref<1000000x64xf32, #tpu.memory_space<hbm>>) dst(%dma_wait3A_685 : memref<64x64xf32, #tpu.memory_space<vmem>>)
    %add3A_692 = arith.constant 12672 : i32
    %add3A_693 = arith.addi %mul3A_2, %add3A_692 : i32
    %dma_start3A_694 = arith.constant 6 : i32
    %dma_start3A_695 = arith.constant 0 : i32
    %dma_start3A_696 = arith.constant 0 : i32
    %dma_start3A_697 = tpu.memref_slice %arg6[%dma_start3A_694, %dma_start3A_695, %dma_start3A_696] : memref<8x64x64xf32, #tpu.memory_space<vmem>> -> memref<1x64x64xf32, #tpu.memory_space<vmem>>
    %dma_start3A_698 = tpu.memref_squeeze %dma_start3A_697 : memref<1x64x64xf32, #tpu.memory_space<vmem>> -> memref<64x64xf32, #tpu.memory_space<vmem>>
    %dma_start3A_699 = arith.constant 0 : i32
    %dma_start3A_700 = tpu.memref_slice %arg4[%add3A_693, %dma_start3A_699] : memref<409600x64xf32, #tpu.memory_space<hbm>> -> memref<64x64xf32, #tpu.memory_space<hbm>>
    %dma_start3A_701 = arith.constant 0 : i32
    %dma_start3A_702 = tpu.memref_slice %arg4[%add3A_693, %dma_start3A_701] : memref<409600x64xf32, #tpu.memory_space<hbm>> -> memref<64x64xf32, #tpu.memory_space<hbm>>
    %dma_start3A_703 = arith.constant 0 : i32
    %dma_start3A_704 = arith.constant 0 : i32
    %dma_start3A_705 = tpu.memref_slice %arg6[%dma_start3A_694, %dma_start3A_703, %dma_start3A_704] : memref<8x64x64xf32, #tpu.memory_space<vmem>> -> memref<1x64x64xf32, #tpu.memory_space<vmem>>
    %dma_start3A_706 = tpu.memref_squeeze %dma_start3A_705 : memref<1x64x64xf32, #tpu.memory_space<vmem>> -> memref<64x64xf32, #tpu.memory_space<vmem>>
    tpu.enqueue_dma source(%dma_start3A_706 : memref<64x64xf32, #tpu.memory_space<vmem>>) target(%dma_start3A_702 : memref<64x64xf32, #tpu.memory_space<hbm>>) target_semaphore(%arg21 : memref<!tpu.dma_semaphore, #tpu.memory_space<semaphore_mem>>)
    %dma_wait3A_707 = arith.constant 0 : i32
    %dma_wait3A_708 = arith.constant 7 : i32
    %dma_wait3A_709 = arith.constant 0 : i32
    %dma_wait3A_710 = arith.constant 0 : i32
    %dma_wait3A_711 = tpu.memref_slice %arg6[%dma_wait3A_708, %dma_wait3A_709, %dma_wait3A_710] : memref<8x64x64xf32, #tpu.memory_space<vmem>> -> memref<1x64x64xf32, #tpu.memory_space<vmem>>
    %dma_wait3A_712 = tpu.memref_squeeze %dma_wait3A_711 : memref<1x64x64xf32, #tpu.memory_space<vmem>> -> memref<64x64xf32, #tpu.memory_space<vmem>>
    %dma_wait3A_713 = arith.constant 0 : i32
    %dma_wait3A_714 = tpu.memref_slice %arg5[%dma_wait3A_707, %dma_wait3A_713] : memref<200x64xi32, #tpu.memory_space<vmem>> -> memref<1x64xi32, #tpu.memory_space<vmem>>
    %dma_wait3A_715 = tpu.memref_squeeze %dma_wait3A_714 : memref<1x64xi32, #tpu.memory_space<vmem>> -> memref<64xi32, #tpu.memory_space<vmem>>
    %dma_wait3A_716 = arith.constant 0 : i32
    %dma_wait3A_717 = arith.constant 0 : i32
    %dma_wait3A_718 = tpu.memref_slice %arg2[%dma_wait3A_716, %dma_wait3A_717] : memref<1000000x64xf32, #tpu.memory_space<hbm>> -> memref<1000000x64xf32, #tpu.memory_space<hbm>>
    tpu.wait_indirect_dma semaphore(%arg14 : memref<!tpu.dma_semaphore, #tpu.memory_space<semaphore_mem>>) src(%dma_wait3A_718 : memref<1000000x64xf32, #tpu.memory_space<hbm>>) dst(%dma_wait3A_712 : memref<64x64xf32, #tpu.memory_space<vmem>>)
    %add3A_719 = arith.constant 12736 : i32
    %add3A_720 = arith.addi %mul3A_2, %add3A_719 : i32
    %dma_start3A_721 = arith.constant 7 : i32
    %dma_start3A_722 = arith.constant 0 : i32
    %dma_start3A_723 = arith.constant 0 : i32
    %dma_start3A_724 = tpu.memref_slice %arg6[%dma_start3A_721, %dma_start3A_722, %dma_start3A_723] : memref<8x64x64xf32, #tpu.memory_space<vmem>> -> memref<1x64x64xf32, #tpu.memory_space<vmem>>
    %dma_start3A_725 = tpu.memref_squeeze %dma_start3A_724 : memref<1x64x64xf32, #tpu.memory_space<vmem>> -> memref<64x64xf32, #tpu.memory_space<vmem>>
    %dma_start3A_726 = arith.constant 0 : i32
    %dma_start3A_727 = tpu.memref_slice %arg4[%add3A_720, %dma_start3A_726] : memref<409600x64xf32, #tpu.memory_space<hbm>> -> memref<64x64xf32, #tpu.memory_space<hbm>>
    %dma_start3A_728 = arith.constant 0 : i32
    %dma_start3A_729 = tpu.memref_slice %arg4[%add3A_720, %dma_start3A_728] : memref<409600x64xf32, #tpu.memory_space<hbm>> -> memref<64x64xf32, #tpu.memory_space<hbm>>
    %dma_start3A_730 = arith.constant 0 : i32
    %dma_start3A_731 = arith.constant 0 : i32
    %dma_start3A_732 = tpu.memref_slice %arg6[%dma_start3A_721, %dma_start3A_730, %dma_start3A_731] : memref<8x64x64xf32, #tpu.memory_space<vmem>> -> memref<1x64x64xf32, #tpu.memory_space<vmem>>
    %dma_start3A_733 = tpu.memref_squeeze %dma_start3A_732 : memref<1x64x64xf32, #tpu.memory_space<vmem>> -> memref<64x64xf32, #tpu.memory_space<vmem>>
    tpu.enqueue_dma source(%dma_start3A_733 : memref<64x64xf32, #tpu.memory_space<vmem>>) target(%dma_start3A_729 : memref<64x64xf32, #tpu.memory_space<hbm>>) target_semaphore(%arg22 : memref<!tpu.dma_semaphore, #tpu.memory_space<semaphore_mem>>)
    %dma_wait3A_734 = arith.constant 0 : i32
    %dma_wait3A_735 = arith.constant 0 : i32
    %dma_wait3A_736 = arith.constant 0 : i32
    %dma_wait3A_737 = tpu.memref_slice %arg6[%dma_wait3A_734, %dma_wait3A_735, %dma_wait3A_736] : memref<8x64x64xf32, #tpu.memory_space<vmem>> -> memref<1x64x64xf32, #tpu.memory_space<vmem>>
    %dma_wait3A_738 = tpu.memref_squeeze %dma_wait3A_737 : memref<1x64x64xf32, #tpu.memory_space<vmem>> -> memref<64x64xf32, #tpu.memory_space<vmem>>
    %dma_wait3A_739 = arith.constant 0 : i32
    %dma_wait3A_740 = tpu.memref_slice %arg4[%mul3A_2, %dma_wait3A_739] : memref<409600x64xf32, #tpu.memory_space<hbm>> -> memref<64x64xf32, #tpu.memory_space<hbm>>
    %dma_wait3A_741 = arith.constant 0 : i32
    %dma_wait3A_742 = tpu.memref_slice %arg4[%mul3A_2, %dma_wait3A_741] : memref<409600x64xf32, #tpu.memory_space<hbm>> -> memref<64x64xf32, #tpu.memory_space<hbm>>
    %dma_wait3A_743 = arith.constant 0 : i32
    %dma_wait3A_744 = arith.constant 0 : i32
    %dma_wait3A_745 = tpu.memref_slice %arg6[%dma_wait3A_734, %dma_wait3A_743, %dma_wait3A_744] : memref<8x64x64xf32, #tpu.memory_space<vmem>> -> memref<1x64x64xf32, #tpu.memory_space<vmem>>
    %dma_wait3A_746 = tpu.memref_squeeze %dma_wait3A_745 : memref<1x64x64xf32, #tpu.memory_space<vmem>> -> memref<64x64xf32, #tpu.memory_space<vmem>>
    tpu.wait_dma2 semaphore(%arg15 : memref<!tpu.dma_semaphore, #tpu.memory_space<semaphore_mem>>) src(%dma_wait3A_746 : memref<64x64xf32, #tpu.memory_space<vmem>>) dst(%dma_wait3A_742 : memref<64x64xf32, #tpu.memory_space<hbm>>)
    %dma_wait3A_747 = arith.constant 1 : i32
    %dma_wait3A_748 = arith.constant 0 : i32
    %dma_wait3A_749 = arith.constant 0 : i32
    %dma_wait3A_750 = tpu.memref_slice %arg6[%dma_wait3A_747, %dma_wait3A_748, %dma_wait3A_749] : memref<8x64x64xf32, #tpu.memory_space<vmem>> -> memref<1x64x64xf32, #tpu.memory_space<vmem>>
    %dma_wait3A_751 = tpu.memref_squeeze %dma_wait3A_750 : memref<1x64x64xf32, #tpu.memory_space<vmem>> -> memref<64x64xf32, #tpu.memory_space<vmem>>
    %dma_wait3A_752 = arith.constant 0 : i32
    %dma_wait3A_753 = tpu.memref_slice %arg4[%mul3A_2, %dma_wait3A_752] : memref<409600x64xf32, #tpu.memory_space<hbm>> -> memref<64x64xf32, #tpu.memory_space<hbm>>
    %dma_wait3A_754 = arith.constant 0 : i32
    %dma_wait3A_755 = tpu.memref_slice %arg4[%mul3A_2, %dma_wait3A_754] : memref<409600x64xf32, #tpu.memory_space<hbm>> -> memref<64x64xf32, #tpu.memory_space<hbm>>
    %dma_wait3A_756 = arith.constant 0 : i32
    %dma_wait3A_757 = arith.constant 0 : i32
    %dma_wait3A_758 = tpu.memref_slice %arg6[%dma_wait3A_747, %dma_wait3A_756, %dma_wait3A_757] : memref<8x64x64xf32, #tpu.memory_space<vmem>> -> memref<1x64x64xf32, #tpu.memory_space<vmem>>
    %dma_wait3A_759 = tpu.memref_squeeze %dma_wait3A_758 : memref<1x64x64xf32, #tpu.memory_space<vmem>> -> memref<64x64xf32, #tpu.memory_space<vmem>>
    tpu.wait_dma2 semaphore(%arg16 : memref<!tpu.dma_semaphore, #tpu.memory_space<semaphore_mem>>) src(%dma_wait3A_759 : memref<64x64xf32, #tpu.memory_space<vmem>>) dst(%dma_wait3A_755 : memref<64x64xf32, #tpu.memory_space<hbm>>)
    %dma_wait3A_760 = arith.constant 2 : i32
    %dma_wait3A_761 = arith.constant 0 : i32
    %dma_wait3A_762 = arith.constant 0 : i32
    %dma_wait3A_763 = tpu.memref_slice %arg6[%dma_wait3A_760, %dma_wait3A_761, %dma_wait3A_762] : memref<8x64x64xf32, #tpu.memory_space<vmem>> -> memref<1x64x64xf32, #tpu.memory_space<vmem>>
    %dma_wait3A_764 = tpu.memref_squeeze %dma_wait3A_763 : memref<1x64x64xf32, #tpu.memory_space<vmem>> -> memref<64x64xf32, #tpu.memory_space<vmem>>
    %dma_wait3A_765 = arith.constant 0 : i32
    %dma_wait3A_766 = tpu.memref_slice %arg4[%mul3A_2, %dma_wait3A_765] : memref<409600x64xf32, #tpu.memory_space<hbm>> -> memref<64x64xf32, #tpu.memory_space<hbm>>
    %dma_wait3A_767 = arith.constant 0 : i32
    %dma_wait3A_768 = tpu.memref_slice %arg4[%mul3A_2, %dma_wait3A_767] : memref<409600x64xf32, #tpu.memory_space<hbm>> -> memref<64x64xf32, #tpu.memory_space<hbm>>
    %dma_wait3A_769 = arith.constant 0 : i32
    %dma_wait3A_770 = arith.constant 0 : i32
    %dma_wait3A_771 = tpu.memref_slice %arg6[%dma_wait3A_760, %dma_wait3A_769, %dma_wait3A_770] : memref<8x64x64xf32, #tpu.memory_space<vmem>> -> memref<1x64x64xf32, #tpu.memory_space<vmem>>
    %dma_wait3A_772 = tpu.memref_squeeze %dma_wait3A_771 : memref<1x64x64xf32, #tpu.memory_space<vmem>> -> memref<64x64xf32, #tpu.memory_space<vmem>>
    tpu.wait_dma2 semaphore(%arg17 : memref<!tpu.dma_semaphore, #tpu.memory_space<semaphore_mem>>) src(%dma_wait3A_772 : memref<64x64xf32, #tpu.memory_space<vmem>>) dst(%dma_wait3A_768 : memref<64x64xf32, #tpu.memory_space<hbm>>)
    %dma_wait3A_773 = arith.constant 3 : i32
    %dma_wait3A_774 = arith.constant 0 : i32
    %dma_wait3A_775 = arith.constant 0 : i32
    %dma_wait3A_776 = tpu.memref_slice %arg6[%dma_wait3A_773, %dma_wait3A_774, %dma_wait3A_775] : memref<8x64x64xf32, #tpu.memory_space<vmem>> -> memref<1x64x64xf32, #tpu.memory_space<vmem>>
    %dma_wait3A_777 = tpu.memref_squeeze %dma_wait3A_776 : memref<1x64x64xf32, #tpu.memory_space<vmem>> -> memref<64x64xf32, #tpu.memory_space<vmem>>
    %dma_wait3A_778 = arith.constant 0 : i32
    %dma_wait3A_779 = tpu.memref_slice %arg4[%mul3A_2, %dma_wait3A_778] : memref<409600x64xf32, #tpu.memory_space<hbm>> -> memref<64x64xf32, #tpu.memory_space<hbm>>
    %dma_wait3A_780 = arith.constant 0 : i32
    %dma_wait3A_781 = tpu.memref_slice %arg4[%mul3A_2, %dma_wait3A_780] : memref<409600x64xf32, #tpu.memory_space<hbm>> -> memref<64x64xf32, #tpu.memory_space<hbm>>
    %dma_wait3A_782 = arith.constant 0 : i32
    %dma_wait3A_783 = arith.constant 0 : i32
    %dma_wait3A_784 = tpu.memref_slice %arg6[%dma_wait3A_773, %dma_wait3A_782, %dma_wait3A_783] : memref<8x64x64xf32, #tpu.memory_space<vmem>> -> memref<1x64x64xf32, #tpu.memory_space<vmem>>
    %dma_wait3A_785 = tpu.memref_squeeze %dma_wait3A_784 : memref<1x64x64xf32, #tpu.memory_space<vmem>> -> memref<64x64xf32, #tpu.memory_space<vmem>>
    tpu.wait_dma2 semaphore(%arg18 : memref<!tpu.dma_semaphore, #tpu.memory_space<semaphore_mem>>) src(%dma_wait3A_785 : memref<64x64xf32, #tpu.memory_space<vmem>>) dst(%dma_wait3A_781 : memref<64x64xf32, #tpu.memory_space<hbm>>)
    %dma_wait3A_786 = arith.constant 4 : i32
    %dma_wait3A_787 = arith.constant 0 : i32
    %dma_wait3A_788 = arith.constant 0 : i32
    %dma_wait3A_789 = tpu.memref_slice %arg6[%dma_wait3A_786, %dma_wait3A_787, %dma_wait3A_788] : memref<8x64x64xf32, #tpu.memory_space<vmem>> -> memref<1x64x64xf32, #tpu.memory_space<vmem>>
    %dma_wait3A_790 = tpu.memref_squeeze %dma_wait3A_789 : memref<1x64x64xf32, #tpu.memory_space<vmem>> -> memref<64x64xf32, #tpu.memory_space<vmem>>
    %dma_wait3A_791 = arith.constant 0 : i32
    %dma_wait3A_792 = tpu.memref_slice %arg4[%mul3A_2, %dma_wait3A_791] : memref<409600x64xf32, #tpu.memory_space<hbm>> -> memref<64x64xf32, #tpu.memory_space<hbm>>
    %dma_wait3A_793 = arith.constant 0 : i32
    %dma_wait3A_794 = tpu.memref_slice %arg4[%mul3A_2, %dma_wait3A_793] : memref<409600x64xf32, #tpu.memory_space<hbm>> -> memref<64x64xf32, #tpu.memory_space<hbm>>
    %dma_wait3A_795 = arith.constant 0 : i32
    %dma_wait3A_796 = arith.constant 0 : i32
    %dma_wait3A_797 = tpu.memref_slice %arg6[%dma_wait3A_786, %dma_wait3A_795, %dma_wait3A_796] : memref<8x64x64xf32, #tpu.memory_space<vmem>> -> memref<1x64x64xf32, #tpu.memory_space<vmem>>
    %dma_wait3A_798 = tpu.memref_squeeze %dma_wait3A_797 : memref<1x64x64xf32, #tpu.memory_space<vmem>> -> memref<64x64xf32, #tpu.memory_space<vmem>>
    tpu.wait_dma2 semaphore(%arg19 : memref<!tpu.dma_semaphore, #tpu.memory_space<semaphore_mem>>) src(%dma_wait3A_798 : memref<64x64xf32, #tpu.memory_space<vmem>>) dst(%dma_wait3A_794 : memref<64x64xf32, #tpu.memory_space<hbm>>)
    %dma_wait3A_799 = arith.constant 5 : i32
    %dma_wait3A_800 = arith.constant 0 : i32
    %dma_wait3A_801 = arith.constant 0 : i32
    %dma_wait3A_802 = tpu.memref_slice %arg6[%dma_wait3A_799, %dma_wait3A_800, %dma_wait3A_801] : memref<8x64x64xf32, #tpu.memory_space<vmem>> -> memref<1x64x64xf32, #tpu.memory_space<vmem>>
    %dma_wait3A_803 = tpu.memref_squeeze %dma_wait3A_802 : memref<1x64x64xf32, #tpu.memory_space<vmem>> -> memref<64x64xf32, #tpu.memory_space<vmem>>
    %dma_wait3A_804 = arith.constant 0 : i32
    %dma_wait3A_805 = tpu.memref_slice %arg4[%mul3A_2, %dma_wait3A_804] : memref<409600x64xf32, #tpu.memory_space<hbm>> -> memref<64x64xf32, #tpu.memory_space<hbm>>
    %dma_wait3A_806 = arith.constant 0 : i32
    %dma_wait3A_807 = tpu.memref_slice %arg4[%mul3A_2, %dma_wait3A_806] : memref<409600x64xf32, #tpu.memory_space<hbm>> -> memref<64x64xf32, #tpu.memory_space<hbm>>
    %dma_wait3A_808 = arith.constant 0 : i32
    %dma_wait3A_809 = arith.constant 0 : i32
    %dma_wait3A_810 = tpu.memref_slice %arg6[%dma_wait3A_799, %dma_wait3A_808, %dma_wait3A_809] : memref<8x64x64xf32, #tpu.memory_space<vmem>> -> memref<1x64x64xf32, #tpu.memory_space<vmem>>
    %dma_wait3A_811 = tpu.memref_squeeze %dma_wait3A_810 : memref<1x64x64xf32, #tpu.memory_space<vmem>> -> memref<64x64xf32, #tpu.memory_space<vmem>>
    tpu.wait_dma2 semaphore(%arg20 : memref<!tpu.dma_semaphore, #tpu.memory_space<semaphore_mem>>) src(%dma_wait3A_811 : memref<64x64xf32, #tpu.memory_space<vmem>>) dst(%dma_wait3A_807 : memref<64x64xf32, #tpu.memory_space<hbm>>)
    %dma_wait3A_812 = arith.constant 6 : i32
    %dma_wait3A_813 = arith.constant 0 : i32
    %dma_wait3A_814 = arith.constant 0 : i32
    %dma_wait3A_815 = tpu.memref_slice %arg6[%dma_wait3A_812, %dma_wait3A_813, %dma_wait3A_814] : memref<8x64x64xf32, #tpu.memory_space<vmem>> -> memref<1x64x64xf32, #tpu.memory_space<vmem>>
    %dma_wait3A_816 = tpu.memref_squeeze %dma_wait3A_815 : memref<1x64x64xf32, #tpu.memory_space<vmem>> -> memref<64x64xf32, #tpu.memory_space<vmem>>
    %dma_wait3A_817 = arith.constant 0 : i32
    %dma_wait3A_818 = tpu.memref_slice %arg4[%mul3A_2, %dma_wait3A_817] : memref<409600x64xf32, #tpu.memory_space<hbm>> -> memref<64x64xf32, #tpu.memory_space<hbm>>
    %dma_wait3A_819 = arith.constant 0 : i32
    %dma_wait3A_820 = tpu.memref_slice %arg4[%mul3A_2, %dma_wait3A_819] : memref<409600x64xf32, #tpu.memory_space<hbm>> -> memref<64x64xf32, #tpu.memory_space<hbm>>
    %dma_wait3A_821 = arith.constant 0 : i32
    %dma_wait3A_822 = arith.constant 0 : i32
    %dma_wait3A_823 = tpu.memref_slice %arg6[%dma_wait3A_812, %dma_wait3A_821, %dma_wait3A_822] : memref<8x64x64xf32, #tpu.memory_space<vmem>> -> memref<1x64x64xf32, #tpu.memory_space<vmem>>
    %dma_wait3A_824 = tpu.memref_squeeze %dma_wait3A_823 : memref<1x64x64xf32, #tpu.memory_space<vmem>> -> memref<64x64xf32, #tpu.memory_space<vmem>>
    tpu.wait_dma2 semaphore(%arg21 : memref<!tpu.dma_semaphore, #tpu.memory_space<semaphore_mem>>) src(%dma_wait3A_824 : memref<64x64xf32, #tpu.memory_space<vmem>>) dst(%dma_wait3A_820 : memref<64x64xf32, #tpu.memory_space<hbm>>)
    %dma_wait3A_825 = arith.constant 7 : i32
    %dma_wait3A_826 = arith.constant 0 : i32
    %dma_wait3A_827 = arith.constant 0 : i32
    %dma_wait3A_828 = tpu.memref_slice %arg6[%dma_wait3A_825, %dma_wait3A_826, %dma_wait3A_827] : memref<8x64x64xf32, #tpu.memory_space<vmem>> -> memref<1x64x64xf32, #tpu.memory_space<vmem>>
    %dma_wait3A_829 = tpu.memref_squeeze %dma_wait3A_828 : memref<1x64x64xf32, #tpu.memory_space<vmem>> -> memref<64x64xf32, #tpu.memory_space<vmem>>
    %dma_wait3A_830 = arith.constant 0 : i32
    %dma_wait3A_831 = tpu.memref_slice %arg4[%mul3A_2, %dma_wait3A_830] : memref<409600x64xf32, #tpu.memory_space<hbm>> -> memref<64x64xf32, #tpu.memory_space<hbm>>
    %dma_wait3A_832 = arith.constant 0 : i32
    %dma_wait3A_833 = tpu.memref_slice %arg4[%mul3A_2, %dma_wait3A_832] : memref<409600x64xf32, #tpu.memory_space<hbm>> -> memref<64x64xf32, #tpu.memory_space<hbm>>
    %dma_wait3A_834 = arith.constant 0 : i32
    %dma_wait3A_835 = arith.constant 0 : i32
    %dma_wait3A_836 = tpu.memref_slice %arg6[%dma_wait3A_825, %dma_wait3A_834, %dma_wait3A_835] : memref<8x64x64xf32, #tpu.memory_space<vmem>> -> memref<1x64x64xf32, #tpu.memory_space<vmem>>
    %dma_wait3A_837 = tpu.memref_squeeze %dma_wait3A_836 : memref<1x64x64xf32, #tpu.memory_space<vmem>> -> memref<64x64xf32, #tpu.memory_space<vmem>>
    tpu.wait_dma2 semaphore(%arg22 : memref<!tpu.dma_semaphore, #tpu.memory_space<semaphore_mem>>) src(%dma_wait3A_837 : memref<64x64xf32, #tpu.memory_space<vmem>>) dst(%dma_wait3A_833 : memref<64x64xf32, #tpu.memory_space<hbm>>)
    return
  }
}

#map = affine_map<(d0, d1) -> (0, 0)>
#map1 = affine_map<(d0, d1) -> (0, 0, 0)>
module attributes {stable_mosaic.version = 14 : i64} {
  func.func @_gather_body(%arg0: i32, %arg1: i32, %arg2: memref<1000000x64xf32, #tpu.memory_space<hbm>>, %arg3: memref<32x200x64xi32, #tpu.memory_space<hbm>>, %arg4: memref<409600x64xf32, #tpu.memory_space<hbm>>, %arg5: memref<200x64xi32, #tpu.memory_space<vmem>>, %arg6: memref<8x64x64xf32, #tpu.memory_space<vmem>>, %arg7: memref<!tpu.dma_semaphore, #tpu.memory_space<semaphore_mem>>, %arg8: memref<!tpu.dma_semaphore, #tpu.memory_space<semaphore_mem>>, %arg9: memref<!tpu.dma_semaphore, #tpu.memory_space<semaphore_mem>>, %arg10: memref<!tpu.dma_semaphore, #tpu.memory_space<semaphore_mem>>, %arg11: memref<!tpu.dma_semaphore, #tpu.memory_space<semaphore_mem>>, %arg12: memref<!tpu.dma_semaphore, #tpu.memory_space<semaphore_mem>>, %arg13: memref<!tpu.dma_semaphore, #tpu.memory_space<semaphore_mem>>, %arg14: memref<!tpu.dma_semaphore, #tpu.memory_space<semaphore_mem>>, %arg15: memref<!tpu.dma_semaphore, #tpu.memory_space<semaphore_mem>>, %arg16: memref<!tpu.dma_semaphore, #tpu.memory_space<semaphore_mem>>, %arg17: memref<!tpu.dma_semaphore, #tpu.memory_space<semaphore_mem>>, %arg18: memref<!tpu.dma_semaphore, #tpu.memory_space<semaphore_mem>>, %arg19: memref<!tpu.dma_semaphore, #tpu.memory_space<semaphore_mem>>, %arg20: memref<!tpu.dma_semaphore, #tpu.memory_space<semaphore_mem>>, %arg21: memref<!tpu.dma_semaphore, #tpu.memory_space<semaphore_mem>>, %arg22: memref<!tpu.dma_semaphore, #tpu.memory_space<semaphore_mem>>) attributes {dimension_semantics = [#tpu.dimension_semantics<core_parallel>, #tpu.dimension_semantics<subcore_parallel>], iteration_bounds = array<i64: 2, 16>, scalar_prefetch = 0 : i64, scratch_operands = 18 : i64, tpu.core_type = #tpu.core_type<sc_vector_subcore>, window_params = [{transform_indices = #map}, {transform_indices = #map1}, {transform_indices = #map}]} {
    %mul3A = arith.constant 2 : i32
    %mul3A_0 = arith.muli %arg1, %mul3A : i32
    %add3A = arith.addi %mul3A_0, %arg0 : i32
    %mul3A_1 = arith.constant 12800 : i32
    %mul3A_2 = arith.muli %add3A, %mul3A_1 : i32
    "tpu.region"() ({
      %run_scoped3A = tpu.sem_alloc : memref<!tpu.dma_semaphore, #tpu.memory_space<semaphore_mem>>
      %dma_start3A_838 = arith.constant 0 : i32
      %dma_start3A_839 = arith.constant 0 : i32
      %dma_start3A_840 = tpu.memref_slice %arg3[%add3A, %dma_start3A_838, %dma_start3A_839] : memref<32x200x64xi32, #tpu.memory_space<hbm>> -> memref<1x200x64xi32, #tpu.memory_space<hbm>>
      %dma_start3A_841 = tpu.memref_squeeze %dma_start3A_840 : memref<1x200x64xi32, #tpu.memory_space<hbm>> -> memref<200x64xi32, #tpu.memory_space<hbm>>
      %dma_start3A_842 = arith.constant 0 : i32
      %dma_start3A_843 = arith.constant 0 : i32
      %dma_start3A_844 = tpu.memref_slice %arg3[%add3A, %dma_start3A_842, %dma_start3A_843] : memref<32x200x64xi32, #tpu.memory_space<hbm>> -> memref<1x200x64xi32, #tpu.memory_space<hbm>>
      %dma_start3A_845 = tpu.memref_squeeze %dma_start3A_844 : memref<1x200x64xi32, #tpu.memory_space<hbm>> -> memref<200x64xi32, #tpu.memory_space<hbm>>
      tpu.enqueue_dma source(%dma_start3A_845 : memref<200x64xi32, #tpu.memory_space<hbm>>) target(%arg5 : memref<200x64xi32, #tpu.memory_space<vmem>>) target_semaphore(%run_scoped3A : memref<!tpu.dma_semaphore, #tpu.memory_space<semaphore_mem>>)
      %dma_wait3A_846 = arith.constant 0 : i32
      %dma_wait3A_847 = arith.constant 0 : i32
      %dma_wait3A_848 = tpu.memref_slice %arg3[%add3A, %dma_wait3A_846, %dma_wait3A_847] : memref<32x200x64xi32, #tpu.memory_space<hbm>> -> memref<1x200x64xi32, #tpu.memory_space<hbm>>
      %dma_wait3A_849 = tpu.memref_squeeze %dma_wait3A_848 : memref<1x200x64xi32, #tpu.memory_space<hbm>> -> memref<200x64xi32, #tpu.memory_space<hbm>>
      %dma_wait3A_850 = arith.constant 0 : i32
      %dma_wait3A_851 = arith.constant 0 : i32
      %dma_wait3A_852 = tpu.memref_slice %arg3[%add3A, %dma_wait3A_850, %dma_wait3A_851] : memref<32x200x64xi32, #tpu.memory_space<hbm>> -> memref<1x200x64xi32, #tpu.memory_space<hbm>>
      %dma_wait3A_853 = tpu.memref_squeeze %dma_wait3A_852 : memref<1x200x64xi32, #tpu.memory_space<hbm>> -> memref<200x64xi32, #tpu.memory_space<hbm>>
      tpu.wait_dma2 semaphore(%run_scoped3A : memref<!tpu.dma_semaphore, #tpu.memory_space<semaphore_mem>>) src(%dma_wait3A_853 : memref<200x64xi32, #tpu.memory_space<hbm>>) dst(%arg5 : memref<200x64xi32, #tpu.memory_space<vmem>>)
      tpu.yield
    }) : () -> ()
    %dma_start3A = arith.constant 0 : i32
    %dma_start3A_3 = arith.constant 0 : i32
    %dma_start3A_4 = arith.constant 0 : i32
    %dma_start3A_5 = arith.constant 0 : i32
    %dma_start3A_6 = tpu.memref_slice %arg6[%dma_start3A_3, %dma_start3A_4, %dma_start3A_5] : memref<8x64x64xf32, #tpu.memory_space<vmem>> -> memref<1x64x64xf32, #tpu.memory_space<vmem>>
    %dma_start3A_7 = tpu.memref_squeeze %dma_start3A_6 : memref<1x64x64xf32, #tpu.memory_space<vmem>> -> memref<64x64xf32, #tpu.memory_space<vmem>>
    %dma_start3A_8 = arith.constant 0 : i32
    %dma_start3A_9 = tpu.memref_slice %arg5[%dma_start3A, %dma_start3A_8] : memref<200x64xi32, #tpu.memory_space<vmem>> -> memref<1x64xi32, #tpu.memory_space<vmem>>
    %dma_start3A_10 = tpu.memref_squeeze %dma_start3A_9 : memref<1x64xi32, #tpu.memory_space<vmem>> -> memref<64xi32, #tpu.memory_space<vmem>>
    %dma_start3A_11 = arith.constant 0 : i32
    %dma_start3A_12 = arith.constant 0 : i32
    %dma_start3A_13 = tpu.memref_slice %arg2[%dma_start3A_11, %dma_start3A_12] : memref<1000000x64xf32, #tpu.memory_space<hbm>> -> memref<1000000x64xf32, #tpu.memory_space<hbm>>
    tpu.enqueue_indirect_dma source(%dma_start3A_13 : memref<1000000x64xf32, #tpu.memory_space<hbm>>) target(%dma_start3A_7 : memref<64x64xf32, #tpu.memory_space<vmem>>) offsets(%dma_start3A_10 : memref<64xi32, #tpu.memory_space<vmem>>) semaphore(%arg7 : memref<!tpu.dma_semaphore, #tpu.memory_space<semaphore_mem>>)
    %dma_start3A_14 = arith.constant 1 : i32
    %dma_start3A_15 = arith.constant 1 : i32
    %dma_start3A_16 = arith.constant 0 : i32
    %dma_start3A_17 = arith.constant 0 : i32
    %dma_start3A_18 = tpu.memref_slice %arg6[%dma_start3A_15, %dma_start3A_16, %dma_start3A_17] : memref<8x64x64xf32, #tpu.memory_space<vmem>> -> memref<1x64x64xf32, #tpu.memory_space<vmem>>
    %dma_start3A_19 = tpu.memref_squeeze %dma_start3A_18 : memref<1x64x64xf32, #tpu.memory_space<vmem>> -> memref<64x64xf32, #tpu.memory_space<vmem>>
    %dma_start3A_20 = arith.constant 0 : i32
    %dma_start3A_21 = tpu.memref_slice %arg5[%dma_start3A_14, %dma_start3A_20] : memref<200x64xi32, #tpu.memory_space<vmem>> -> memref<1x64xi32, #tpu.memory_space<vmem>>
    %dma_start3A_22 = tpu.memref_squeeze %dma_start3A_21 : memref<1x64xi32, #tpu.memory_space<vmem>> -> memref<64xi32, #tpu.memory_space<vmem>>
    %dma_start3A_23 = arith.constant 0 : i32
    %dma_start3A_24 = arith.constant 0 : i32
    %dma_start3A_25 = tpu.memref_slice %arg2[%dma_start3A_23, %dma_start3A_24] : memref<1000000x64xf32, #tpu.memory_space<hbm>> -> memref<1000000x64xf32, #tpu.memory_space<hbm>>
    tpu.enqueue_indirect_dma source(%dma_start3A_25 : memref<1000000x64xf32, #tpu.memory_space<hbm>>) target(%dma_start3A_19 : memref<64x64xf32, #tpu.memory_space<vmem>>) offsets(%dma_start3A_22 : memref<64xi32, #tpu.memory_space<vmem>>) semaphore(%arg8 : memref<!tpu.dma_semaphore, #tpu.memory_space<semaphore_mem>>)
    %dma_start3A_26 = arith.constant 2 : i32
    %dma_start3A_27 = arith.constant 2 : i32
    %dma_start3A_28 = arith.constant 0 : i32
    %dma_start3A_29 = arith.constant 0 : i32
    %dma_start3A_30 = tpu.memref_slice %arg6[%dma_start3A_27, %dma_start3A_28, %dma_start3A_29] : memref<8x64x64xf32, #tpu.memory_space<vmem>> -> memref<1x64x64xf32, #tpu.memory_space<vmem>>
    %dma_start3A_31 = tpu.memref_squeeze %dma_start3A_30 : memref<1x64x64xf32, #tpu.memory_space<vmem>> -> memref<64x64xf32, #tpu.memory_space<vmem>>
    %dma_start3A_32 = arith.constant 0 : i32
    %dma_start3A_33 = tpu.memref_slice %arg5[%dma_start3A_26, %dma_start3A_32] : memref<200x64xi32, #tpu.memory_space<vmem>> -> memref<1x64xi32, #tpu.memory_space<vmem>>
    %dma_start3A_34 = tpu.memref_squeeze %dma_start3A_33 : memref<1x64xi32, #tpu.memory_space<vmem>> -> memref<64xi32, #tpu.memory_space<vmem>>
    %dma_start3A_35 = arith.constant 0 : i32
    %dma_start3A_36 = arith.constant 0 : i32
    %dma_start3A_37 = tpu.memref_slice %arg2[%dma_start3A_35, %dma_start3A_36] : memref<1000000x64xf32, #tpu.memory_space<hbm>> -> memref<1000000x64xf32, #tpu.memory_space<hbm>>
    tpu.enqueue_indirect_dma source(%dma_start3A_37 : memref<1000000x64xf32, #tpu.memory_space<hbm>>) target(%dma_start3A_31 : memref<64x64xf32, #tpu.memory_space<vmem>>) offsets(%dma_start3A_34 : memref<64xi32, #tpu.memory_space<vmem>>) semaphore(%arg9 : memref<!tpu.dma_semaphore, #tpu.memory_space<semaphore_mem>>)
    %dma_start3A_38 = arith.constant 3 : i32
    %dma_start3A_39 = arith.constant 3 : i32
    %dma_start3A_40 = arith.constant 0 : i32
    %dma_start3A_41 = arith.constant 0 : i32
    %dma_start3A_42 = tpu.memref_slice %arg6[%dma_start3A_39, %dma_start3A_40, %dma_start3A_41] : memref<8x64x64xf32, #tpu.memory_space<vmem>> -> memref<1x64x64xf32, #tpu.memory_space<vmem>>
    %dma_start3A_43 = tpu.memref_squeeze %dma_start3A_42 : memref<1x64x64xf32, #tpu.memory_space<vmem>> -> memref<64x64xf32, #tpu.memory_space<vmem>>
    %dma_start3A_44 = arith.constant 0 : i32
    %dma_start3A_45 = tpu.memref_slice %arg5[%dma_start3A_38, %dma_start3A_44] : memref<200x64xi32, #tpu.memory_space<vmem>> -> memref<1x64xi32, #tpu.memory_space<vmem>>
    %dma_start3A_46 = tpu.memref_squeeze %dma_start3A_45 : memref<1x64xi32, #tpu.memory_space<vmem>> -> memref<64xi32, #tpu.memory_space<vmem>>
    %dma_start3A_47 = arith.constant 0 : i32
    %dma_start3A_48 = arith.constant 0 : i32
    %dma_start3A_49 = tpu.memref_slice %arg2[%dma_start3A_47, %dma_start3A_48] : memref<1000000x64xf32, #tpu.memory_space<hbm>> -> memref<1000000x64xf32, #tpu.memory_space<hbm>>
    tpu.enqueue_indirect_dma source(%dma_start3A_49 : memref<1000000x64xf32, #tpu.memory_space<hbm>>) target(%dma_start3A_43 : memref<64x64xf32, #tpu.memory_space<vmem>>) offsets(%dma_start3A_46 : memref<64xi32, #tpu.memory_space<vmem>>) semaphore(%arg10 : memref<!tpu.dma_semaphore, #tpu.memory_space<semaphore_mem>>)
    %dma_wait3A = arith.constant 0 : i32
    %dma_wait3A_50 = arith.constant 0 : i32
    %dma_wait3A_51 = arith.constant 0 : i32
    %dma_wait3A_52 = arith.constant 0 : i32
    %dma_wait3A_53 = tpu.memref_slice %arg6[%dma_wait3A_50, %dma_wait3A_51, %dma_wait3A_52] : memref<8x64x64xf32, #tpu.memory_space<vmem>> -> memref<1x64x64xf32, #tpu.memory_space<vmem>>
    %dma_wait3A_54 = tpu.memref_squeeze %dma_wait3A_53 : memref<1x64x64xf32, #tpu.memory_space<vmem>> -> memref<64x64xf32, #tpu.memory_space<vmem>>
    %dma_wait3A_55 = arith.constant 0 : i32
    %dma_wait3A_56 = tpu.memref_slice %arg5[%dma_wait3A, %dma_wait3A_55] : memref<200x64xi32, #tpu.memory_space<vmem>> -> memref<1x64xi32, #tpu.memory_space<vmem>>
    %dma_wait3A_57 = tpu.memref_squeeze %dma_wait3A_56 : memref<1x64xi32, #tpu.memory_space<vmem>> -> memref<64xi32, #tpu.memory_space<vmem>>
    %dma_wait3A_58 = arith.constant 0 : i32
    %dma_wait3A_59 = arith.constant 0 : i32
    %dma_wait3A_60 = tpu.memref_slice %arg2[%dma_wait3A_58, %dma_wait3A_59] : memref<1000000x64xf32, #tpu.memory_space<hbm>> -> memref<1000000x64xf32, #tpu.memory_space<hbm>>
    tpu.wait_indirect_dma semaphore(%arg7 : memref<!tpu.dma_semaphore, #tpu.memory_space<semaphore_mem>>) src(%dma_wait3A_60 : memref<1000000x64xf32, #tpu.memory_space<hbm>>) dst(%dma_wait3A_54 : memref<64x64xf32, #tpu.memory_space<vmem>>)
    %add3A_61 = arith.constant 0 : i32
    %add3A_62 = arith.addi %mul3A_2, %add3A_61 : i32
    %dma_start3A_63 = arith.constant 0 : i32
    %dma_start3A_64 = arith.constant 0 : i32
    %dma_start3A_65 = arith.constant 0 : i32
    %dma_start3A_66 = tpu.memref_slice %arg6[%dma_start3A_63, %dma_start3A_64, %dma_start3A_65] : memref<8x64x64xf32, #tpu.memory_space<vmem>> -> memref<1x64x64xf32, #tpu.memory_space<vmem>>
    %dma_start3A_67 = tpu.memref_squeeze %dma_start3A_66 : memref<1x64x64xf32, #tpu.memory_space<vmem>> -> memref<64x64xf32, #tpu.memory_space<vmem>>
    %dma_start3A_68 = arith.constant 0 : i32
    %dma_start3A_69 = tpu.memref_slice %arg4[%add3A_62, %dma_start3A_68] : memref<409600x64xf32, #tpu.memory_space<hbm>> -> memref<64x64xf32, #tpu.memory_space<hbm>>
    %dma_start3A_70 = arith.constant 0 : i32
    %dma_start3A_71 = tpu.memref_slice %arg4[%add3A_62, %dma_start3A_70] : memref<409600x64xf32, #tpu.memory_space<hbm>> -> memref<64x64xf32, #tpu.memory_space<hbm>>
    %dma_start3A_72 = arith.constant 0 : i32
    %dma_start3A_73 = arith.constant 0 : i32
    %dma_start3A_74 = tpu.memref_slice %arg6[%dma_start3A_63, %dma_start3A_72, %dma_start3A_73] : memref<8x64x64xf32, #tpu.memory_space<vmem>> -> memref<1x64x64xf32, #tpu.memory_space<vmem>>
    %dma_start3A_75 = tpu.memref_squeeze %dma_start3A_74 : memref<1x64x64xf32, #tpu.memory_space<vmem>> -> memref<64x64xf32, #tpu.memory_space<vmem>>
    tpu.enqueue_dma source(%dma_start3A_75 : memref<64x64xf32, #tpu.memory_space<vmem>>) target(%dma_start3A_71 : memref<64x64xf32, #tpu.memory_space<hbm>>) target_semaphore(%arg15 : memref<!tpu.dma_semaphore, #tpu.memory_space<semaphore_mem>>)
    %dma_start3A_76 = arith.constant 4 : i32
    %dma_start3A_77 = arith.constant 4 : i32
    %dma_start3A_78 = arith.constant 0 : i32
    %dma_start3A_79 = arith.constant 0 : i32
    %dma_start3A_80 = tpu.memref_slice %arg6[%dma_start3A_77, %dma_start3A_78, %dma_start3A_79] : memref<8x64x64xf32, #tpu.memory_space<vmem>> -> memref<1x64x64xf32, #tpu.memory_space<vmem>>
    %dma_start3A_81 = tpu.memref_squeeze %dma_start3A_80 : memref<1x64x64xf32, #tpu.memory_space<vmem>> -> memref<64x64xf32, #tpu.memory_space<vmem>>
    %dma_start3A_82 = arith.constant 0 : i32
    %dma_start3A_83 = tpu.memref_slice %arg5[%dma_start3A_76, %dma_start3A_82] : memref<200x64xi32, #tpu.memory_space<vmem>> -> memref<1x64xi32, #tpu.memory_space<vmem>>
    %dma_start3A_84 = tpu.memref_squeeze %dma_start3A_83 : memref<1x64xi32, #tpu.memory_space<vmem>> -> memref<64xi32, #tpu.memory_space<vmem>>
    %dma_start3A_85 = arith.constant 0 : i32
    %dma_start3A_86 = arith.constant 0 : i32
    %dma_start3A_87 = tpu.memref_slice %arg2[%dma_start3A_85, %dma_start3A_86] : memref<1000000x64xf32, #tpu.memory_space<hbm>> -> memref<1000000x64xf32, #tpu.memory_space<hbm>>
    tpu.enqueue_indirect_dma source(%dma_start3A_87 : memref<1000000x64xf32, #tpu.memory_space<hbm>>) target(%dma_start3A_81 : memref<64x64xf32, #tpu.memory_space<vmem>>) offsets(%dma_start3A_84 : memref<64xi32, #tpu.memory_space<vmem>>) semaphore(%arg11 : memref<!tpu.dma_semaphore, #tpu.memory_space<semaphore_mem>>)
    %dma_wait3A_88 = arith.constant 0 : i32
    %dma_wait3A_89 = arith.constant 1 : i32
    %dma_wait3A_90 = arith.constant 0 : i32
    %dma_wait3A_91 = arith.constant 0 : i32
    %dma_wait3A_92 = tpu.memref_slice %arg6[%dma_wait3A_89, %dma_wait3A_90, %dma_wait3A_91] : memref<8x64x64xf32, #tpu.memory_space<vmem>> -> memref<1x64x64xf32, #tpu.memory_space<vmem>>
    %dma_wait3A_93 = tpu.memref_squeeze %dma_wait3A_92 : memref<1x64x64xf32, #tpu.memory_space<vmem>> -> memref<64x64xf32, #tpu.memory_space<vmem>>
    %dma_wait3A_94 = arith.constant 0 : i32
    %dma_wait3A_95 = tpu.memref_slice %arg5[%dma_wait3A_88, %dma_wait3A_94] : memref<200x64xi32, #tpu.memory_space<vmem>> -> memref<1x64xi32, #tpu.memory_space<vmem>>
    %dma_wait3A_96 = tpu.memref_squeeze %dma_wait3A_95 : memref<1x64xi32, #tpu.memory_space<vmem>> -> memref<64xi32, #tpu.memory_space<vmem>>
    %dma_wait3A_97 = arith.constant 0 : i32
    %dma_wait3A_98 = arith.constant 0 : i32
    %dma_wait3A_99 = tpu.memref_slice %arg2[%dma_wait3A_97, %dma_wait3A_98] : memref<1000000x64xf32, #tpu.memory_space<hbm>> -> memref<1000000x64xf32, #tpu.memory_space<hbm>>
    tpu.wait_indirect_dma semaphore(%arg8 : memref<!tpu.dma_semaphore, #tpu.memory_space<semaphore_mem>>) src(%dma_wait3A_99 : memref<1000000x64xf32, #tpu.memory_space<hbm>>) dst(%dma_wait3A_93 : memref<64x64xf32, #tpu.memory_space<vmem>>)
    %add3A_100 = arith.constant 64 : i32
    %add3A_101 = arith.addi %mul3A_2, %add3A_100 : i32
    %dma_start3A_102 = arith.constant 1 : i32
    %dma_start3A_103 = arith.constant 0 : i32
    %dma_start3A_104 = arith.constant 0 : i32
    %dma_start3A_105 = tpu.memref_slice %arg6[%dma_start3A_102, %dma_start3A_103, %dma_start3A_104] : memref<8x64x64xf32, #tpu.memory_space<vmem>> -> memref<1x64x64xf32, #tpu.memory_space<vmem>>
    %dma_start3A_106 = tpu.memref_squeeze %dma_start3A_105 : memref<1x64x64xf32, #tpu.memory_space<vmem>> -> memref<64x64xf32, #tpu.memory_space<vmem>>
    %dma_start3A_107 = arith.constant 0 : i32
    %dma_start3A_108 = tpu.memref_slice %arg4[%add3A_101, %dma_start3A_107] : memref<409600x64xf32, #tpu.memory_space<hbm>> -> memref<64x64xf32, #tpu.memory_space<hbm>>
    %dma_start3A_109 = arith.constant 0 : i32
    %dma_start3A_110 = tpu.memref_slice %arg4[%add3A_101, %dma_start3A_109] : memref<409600x64xf32, #tpu.memory_space<hbm>> -> memref<64x64xf32, #tpu.memory_space<hbm>>
    %dma_start3A_111 = arith.constant 0 : i32
    %dma_start3A_112 = arith.constant 0 : i32
    %dma_start3A_113 = tpu.memref_slice %arg6[%dma_start3A_102, %dma_start3A_111, %dma_start3A_112] : memref<8x64x64xf32, #tpu.memory_space<vmem>> -> memref<1x64x64xf32, #tpu.memory_space<vmem>>
    %dma_start3A_114 = tpu.memref_squeeze %dma_start3A_113 : memref<1x64x64xf32, #tpu.memory_space<vmem>> -> memref<64x64xf32, #tpu.memory_space<vmem>>
    tpu.enqueue_dma source(%dma_start3A_114 : memref<64x64xf32, #tpu.memory_space<vmem>>) target(%dma_start3A_110 : memref<64x64xf32, #tpu.memory_space<hbm>>) target_semaphore(%arg16 : memref<!tpu.dma_semaphore, #tpu.memory_space<semaphore_mem>>)
    %dma_start3A_115 = arith.constant 5 : i32
    %dma_start3A_116 = arith.constant 5 : i32
    %dma_start3A_117 = arith.constant 0 : i32
    %dma_start3A_118 = arith.constant 0 : i32
    %dma_start3A_119 = tpu.memref_slice %arg6[%dma_start3A_116, %dma_start3A_117, %dma_start3A_118] : memref<8x64x64xf32, #tpu.memory_space<vmem>> -> memref<1x64x64xf32, #tpu.memory_space<vmem>>
    %dma_start3A_120 = tpu.memref_squeeze %dma_start3A_119 : memref<1x64x64xf32, #tpu.memory_space<vmem>> -> memref<64x64xf32, #tpu.memory_space<vmem>>
    %dma_start3A_121 = arith.constant 0 : i32
    %dma_start3A_122 = tpu.memref_slice %arg5[%dma_start3A_115, %dma_start3A_121] : memref<200x64xi32, #tpu.memory_space<vmem>> -> memref<1x64xi32, #tpu.memory_space<vmem>>
    %dma_start3A_123 = tpu.memref_squeeze %dma_start3A_122 : memref<1x64xi32, #tpu.memory_space<vmem>> -> memref<64xi32, #tpu.memory_space<vmem>>
    %dma_start3A_124 = arith.constant 0 : i32
    %dma_start3A_125 = arith.constant 0 : i32
    %dma_start3A_126 = tpu.memref_slice %arg2[%dma_start3A_124, %dma_start3A_125] : memref<1000000x64xf32, #tpu.memory_space<hbm>> -> memref<1000000x64xf32, #tpu.memory_space<hbm>>
    tpu.enqueue_indirect_dma source(%dma_start3A_126 : memref<1000000x64xf32, #tpu.memory_space<hbm>>) target(%dma_start3A_120 : memref<64x64xf32, #tpu.memory_space<vmem>>) offsets(%dma_start3A_123 : memref<64xi32, #tpu.memory_space<vmem>>) semaphore(%arg12 : memref<!tpu.dma_semaphore, #tpu.memory_space<semaphore_mem>>)
    %dma_wait3A_127 = arith.constant 0 : i32
    %dma_wait3A_128 = arith.constant 2 : i32
    %dma_wait3A_129 = arith.constant 0 : i32
    %dma_wait3A_130 = arith.constant 0 : i32
    %dma_wait3A_131 = tpu.memref_slice %arg6[%dma_wait3A_128, %dma_wait3A_129, %dma_wait3A_130] : memref<8x64x64xf32, #tpu.memory_space<vmem>> -> memref<1x64x64xf32, #tpu.memory_space<vmem>>
    %dma_wait3A_132 = tpu.memref_squeeze %dma_wait3A_131 : memref<1x64x64xf32, #tpu.memory_space<vmem>> -> memref<64x64xf32, #tpu.memory_space<vmem>>
    %dma_wait3A_133 = arith.constant 0 : i32
    %dma_wait3A_134 = tpu.memref_slice %arg5[%dma_wait3A_127, %dma_wait3A_133] : memref<200x64xi32, #tpu.memory_space<vmem>> -> memref<1x64xi32, #tpu.memory_space<vmem>>
    %dma_wait3A_135 = tpu.memref_squeeze %dma_wait3A_134 : memref<1x64xi32, #tpu.memory_space<vmem>> -> memref<64xi32, #tpu.memory_space<vmem>>
    %dma_wait3A_136 = arith.constant 0 : i32
    %dma_wait3A_137 = arith.constant 0 : i32
    %dma_wait3A_138 = tpu.memref_slice %arg2[%dma_wait3A_136, %dma_wait3A_137] : memref<1000000x64xf32, #tpu.memory_space<hbm>> -> memref<1000000x64xf32, #tpu.memory_space<hbm>>
    tpu.wait_indirect_dma semaphore(%arg9 : memref<!tpu.dma_semaphore, #tpu.memory_space<semaphore_mem>>) src(%dma_wait3A_138 : memref<1000000x64xf32, #tpu.memory_space<hbm>>) dst(%dma_wait3A_132 : memref<64x64xf32, #tpu.memory_space<vmem>>)
    %add3A_139 = arith.constant 128 : i32
    %add3A_140 = arith.addi %mul3A_2, %add3A_139 : i32
    %dma_start3A_141 = arith.constant 2 : i32
    %dma_start3A_142 = arith.constant 0 : i32
    %dma_start3A_143 = arith.constant 0 : i32
    %dma_start3A_144 = tpu.memref_slice %arg6[%dma_start3A_141, %dma_start3A_142, %dma_start3A_143] : memref<8x64x64xf32, #tpu.memory_space<vmem>> -> memref<1x64x64xf32, #tpu.memory_space<vmem>>
    %dma_start3A_145 = tpu.memref_squeeze %dma_start3A_144 : memref<1x64x64xf32, #tpu.memory_space<vmem>> -> memref<64x64xf32, #tpu.memory_space<vmem>>
    %dma_start3A_146 = arith.constant 0 : i32
    %dma_start3A_147 = tpu.memref_slice %arg4[%add3A_140, %dma_start3A_146] : memref<409600x64xf32, #tpu.memory_space<hbm>> -> memref<64x64xf32, #tpu.memory_space<hbm>>
    %dma_start3A_148 = arith.constant 0 : i32
    %dma_start3A_149 = tpu.memref_slice %arg4[%add3A_140, %dma_start3A_148] : memref<409600x64xf32, #tpu.memory_space<hbm>> -> memref<64x64xf32, #tpu.memory_space<hbm>>
    %dma_start3A_150 = arith.constant 0 : i32
    %dma_start3A_151 = arith.constant 0 : i32
    %dma_start3A_152 = tpu.memref_slice %arg6[%dma_start3A_141, %dma_start3A_150, %dma_start3A_151] : memref<8x64x64xf32, #tpu.memory_space<vmem>> -> memref<1x64x64xf32, #tpu.memory_space<vmem>>
    %dma_start3A_153 = tpu.memref_squeeze %dma_start3A_152 : memref<1x64x64xf32, #tpu.memory_space<vmem>> -> memref<64x64xf32, #tpu.memory_space<vmem>>
    tpu.enqueue_dma source(%dma_start3A_153 : memref<64x64xf32, #tpu.memory_space<vmem>>) target(%dma_start3A_149 : memref<64x64xf32, #tpu.memory_space<hbm>>) target_semaphore(%arg17 : memref<!tpu.dma_semaphore, #tpu.memory_space<semaphore_mem>>)
    %dma_start3A_154 = arith.constant 6 : i32
    %dma_start3A_155 = arith.constant 6 : i32
    %dma_start3A_156 = arith.constant 0 : i32
    %dma_start3A_157 = arith.constant 0 : i32
    %dma_start3A_158 = tpu.memref_slice %arg6[%dma_start3A_155, %dma_start3A_156, %dma_start3A_157] : memref<8x64x64xf32, #tpu.memory_space<vmem>> -> memref<1x64x64xf32, #tpu.memory_space<vmem>>
    %dma_start3A_159 = tpu.memref_squeeze %dma_start3A_158 : memref<1x64x64xf32, #tpu.memory_space<vmem>> -> memref<64x64xf32, #tpu.memory_space<vmem>>
    %dma_start3A_160 = arith.constant 0 : i32
    %dma_start3A_161 = tpu.memref_slice %arg5[%dma_start3A_154, %dma_start3A_160] : memref<200x64xi32, #tpu.memory_space<vmem>> -> memref<1x64xi32, #tpu.memory_space<vmem>>
    %dma_start3A_162 = tpu.memref_squeeze %dma_start3A_161 : memref<1x64xi32, #tpu.memory_space<vmem>> -> memref<64xi32, #tpu.memory_space<vmem>>
    %dma_start3A_163 = arith.constant 0 : i32
    %dma_start3A_164 = arith.constant 0 : i32
    %dma_start3A_165 = tpu.memref_slice %arg2[%dma_start3A_163, %dma_start3A_164] : memref<1000000x64xf32, #tpu.memory_space<hbm>> -> memref<1000000x64xf32, #tpu.memory_space<hbm>>
    tpu.enqueue_indirect_dma source(%dma_start3A_165 : memref<1000000x64xf32, #tpu.memory_space<hbm>>) target(%dma_start3A_159 : memref<64x64xf32, #tpu.memory_space<vmem>>) offsets(%dma_start3A_162 : memref<64xi32, #tpu.memory_space<vmem>>) semaphore(%arg13 : memref<!tpu.dma_semaphore, #tpu.memory_space<semaphore_mem>>)
    %dma_wait3A_166 = arith.constant 0 : i32
    %dma_wait3A_167 = arith.constant 3 : i32
    %dma_wait3A_168 = arith.constant 0 : i32
    %dma_wait3A_169 = arith.constant 0 : i32
    %dma_wait3A_170 = tpu.memref_slice %arg6[%dma_wait3A_167, %dma_wait3A_168, %dma_wait3A_169] : memref<8x64x64xf32, #tpu.memory_space<vmem>> -> memref<1x64x64xf32, #tpu.memory_space<vmem>>
    %dma_wait3A_171 = tpu.memref_squeeze %dma_wait3A_170 : memref<1x64x64xf32, #tpu.memory_space<vmem>> -> memref<64x64xf32, #tpu.memory_space<vmem>>
    %dma_wait3A_172 = arith.constant 0 : i32
    %dma_wait3A_173 = tpu.memref_slice %arg5[%dma_wait3A_166, %dma_wait3A_172] : memref<200x64xi32, #tpu.memory_space<vmem>> -> memref<1x64xi32, #tpu.memory_space<vmem>>
    %dma_wait3A_174 = tpu.memref_squeeze %dma_wait3A_173 : memref<1x64xi32, #tpu.memory_space<vmem>> -> memref<64xi32, #tpu.memory_space<vmem>>
    %dma_wait3A_175 = arith.constant 0 : i32
    %dma_wait3A_176 = arith.constant 0 : i32
    %dma_wait3A_177 = tpu.memref_slice %arg2[%dma_wait3A_175, %dma_wait3A_176] : memref<1000000x64xf32, #tpu.memory_space<hbm>> -> memref<1000000x64xf32, #tpu.memory_space<hbm>>
    tpu.wait_indirect_dma semaphore(%arg10 : memref<!tpu.dma_semaphore, #tpu.memory_space<semaphore_mem>>) src(%dma_wait3A_177 : memref<1000000x64xf32, #tpu.memory_space<hbm>>) dst(%dma_wait3A_171 : memref<64x64xf32, #tpu.memory_space<vmem>>)
    %add3A_178 = arith.constant 192 : i32
    %add3A_179 = arith.addi %mul3A_2, %add3A_178 : i32
    %dma_start3A_180 = arith.constant 3 : i32
    %dma_start3A_181 = arith.constant 0 : i32
    %dma_start3A_182 = arith.constant 0 : i32
    %dma_start3A_183 = tpu.memref_slice %arg6[%dma_start3A_180, %dma_start3A_181, %dma_start3A_182] : memref<8x64x64xf32, #tpu.memory_space<vmem>> -> memref<1x64x64xf32, #tpu.memory_space<vmem>>
    %dma_start3A_184 = tpu.memref_squeeze %dma_start3A_183 : memref<1x64x64xf32, #tpu.memory_space<vmem>> -> memref<64x64xf32, #tpu.memory_space<vmem>>
    %dma_start3A_185 = arith.constant 0 : i32
    %dma_start3A_186 = tpu.memref_slice %arg4[%add3A_179, %dma_start3A_185] : memref<409600x64xf32, #tpu.memory_space<hbm>> -> memref<64x64xf32, #tpu.memory_space<hbm>>
    %dma_start3A_187 = arith.constant 0 : i32
    %dma_start3A_188 = tpu.memref_slice %arg4[%add3A_179, %dma_start3A_187] : memref<409600x64xf32, #tpu.memory_space<hbm>> -> memref<64x64xf32, #tpu.memory_space<hbm>>
    %dma_start3A_189 = arith.constant 0 : i32
    %dma_start3A_190 = arith.constant 0 : i32
    %dma_start3A_191 = tpu.memref_slice %arg6[%dma_start3A_180, %dma_start3A_189, %dma_start3A_190] : memref<8x64x64xf32, #tpu.memory_space<vmem>> -> memref<1x64x64xf32, #tpu.memory_space<vmem>>
    %dma_start3A_192 = tpu.memref_squeeze %dma_start3A_191 : memref<1x64x64xf32, #tpu.memory_space<vmem>> -> memref<64x64xf32, #tpu.memory_space<vmem>>
    tpu.enqueue_dma source(%dma_start3A_192 : memref<64x64xf32, #tpu.memory_space<vmem>>) target(%dma_start3A_188 : memref<64x64xf32, #tpu.memory_space<hbm>>) target_semaphore(%arg18 : memref<!tpu.dma_semaphore, #tpu.memory_space<semaphore_mem>>)
    %dma_start3A_193 = arith.constant 7 : i32
    %dma_start3A_194 = arith.constant 7 : i32
    %dma_start3A_195 = arith.constant 0 : i32
    %dma_start3A_196 = arith.constant 0 : i32
    %dma_start3A_197 = tpu.memref_slice %arg6[%dma_start3A_194, %dma_start3A_195, %dma_start3A_196] : memref<8x64x64xf32, #tpu.memory_space<vmem>> -> memref<1x64x64xf32, #tpu.memory_space<vmem>>
    %dma_start3A_198 = tpu.memref_squeeze %dma_start3A_197 : memref<1x64x64xf32, #tpu.memory_space<vmem>> -> memref<64x64xf32, #tpu.memory_space<vmem>>
    %dma_start3A_199 = arith.constant 0 : i32
    %dma_start3A_200 = tpu.memref_slice %arg5[%dma_start3A_193, %dma_start3A_199] : memref<200x64xi32, #tpu.memory_space<vmem>> -> memref<1x64xi32, #tpu.memory_space<vmem>>
    %dma_start3A_201 = tpu.memref_squeeze %dma_start3A_200 : memref<1x64xi32, #tpu.memory_space<vmem>> -> memref<64xi32, #tpu.memory_space<vmem>>
    %dma_start3A_202 = arith.constant 0 : i32
    %dma_start3A_203 = arith.constant 0 : i32
    %dma_start3A_204 = tpu.memref_slice %arg2[%dma_start3A_202, %dma_start3A_203] : memref<1000000x64xf32, #tpu.memory_space<hbm>> -> memref<1000000x64xf32, #tpu.memory_space<hbm>>
    tpu.enqueue_indirect_dma source(%dma_start3A_204 : memref<1000000x64xf32, #tpu.memory_space<hbm>>) target(%dma_start3A_198 : memref<64x64xf32, #tpu.memory_space<vmem>>) offsets(%dma_start3A_201 : memref<64xi32, #tpu.memory_space<vmem>>) semaphore(%arg14 : memref<!tpu.dma_semaphore, #tpu.memory_space<semaphore_mem>>)
    %dma_wait3A_205 = arith.constant 0 : i32
    %dma_wait3A_206 = arith.constant 4 : i32
    %dma_wait3A_207 = arith.constant 0 : i32
    %dma_wait3A_208 = arith.constant 0 : i32
    %dma_wait3A_209 = tpu.memref_slice %arg6[%dma_wait3A_206, %dma_wait3A_207, %dma_wait3A_208] : memref<8x64x64xf32, #tpu.memory_space<vmem>> -> memref<1x64x64xf32, #tpu.memory_space<vmem>>
    %dma_wait3A_210 = tpu.memref_squeeze %dma_wait3A_209 : memref<1x64x64xf32, #tpu.memory_space<vmem>> -> memref<64x64xf32, #tpu.memory_space<vmem>>
    %dma_wait3A_211 = arith.constant 0 : i32
    %dma_wait3A_212 = tpu.memref_slice %arg5[%dma_wait3A_205, %dma_wait3A_211] : memref<200x64xi32, #tpu.memory_space<vmem>> -> memref<1x64xi32, #tpu.memory_space<vmem>>
    %dma_wait3A_213 = tpu.memref_squeeze %dma_wait3A_212 : memref<1x64xi32, #tpu.memory_space<vmem>> -> memref<64xi32, #tpu.memory_space<vmem>>
    %dma_wait3A_214 = arith.constant 0 : i32
    %dma_wait3A_215 = arith.constant 0 : i32
    %dma_wait3A_216 = tpu.memref_slice %arg2[%dma_wait3A_214, %dma_wait3A_215] : memref<1000000x64xf32, #tpu.memory_space<hbm>> -> memref<1000000x64xf32, #tpu.memory_space<hbm>>
    tpu.wait_indirect_dma semaphore(%arg11 : memref<!tpu.dma_semaphore, #tpu.memory_space<semaphore_mem>>) src(%dma_wait3A_216 : memref<1000000x64xf32, #tpu.memory_space<hbm>>) dst(%dma_wait3A_210 : memref<64x64xf32, #tpu.memory_space<vmem>>)
    %add3A_217 = arith.constant 256 : i32
    %add3A_218 = arith.addi %mul3A_2, %add3A_217 : i32
    %dma_start3A_219 = arith.constant 4 : i32
    %dma_start3A_220 = arith.constant 0 : i32
    %dma_start3A_221 = arith.constant 0 : i32
    %dma_start3A_222 = tpu.memref_slice %arg6[%dma_start3A_219, %dma_start3A_220, %dma_start3A_221] : memref<8x64x64xf32, #tpu.memory_space<vmem>> -> memref<1x64x64xf32, #tpu.memory_space<vmem>>
    %dma_start3A_223 = tpu.memref_squeeze %dma_start3A_222 : memref<1x64x64xf32, #tpu.memory_space<vmem>> -> memref<64x64xf32, #tpu.memory_space<vmem>>
    %dma_start3A_224 = arith.constant 0 : i32
    %dma_start3A_225 = tpu.memref_slice %arg4[%add3A_218, %dma_start3A_224] : memref<409600x64xf32, #tpu.memory_space<hbm>> -> memref<64x64xf32, #tpu.memory_space<hbm>>
    %dma_start3A_226 = arith.constant 0 : i32
    %dma_start3A_227 = tpu.memref_slice %arg4[%add3A_218, %dma_start3A_226] : memref<409600x64xf32, #tpu.memory_space<hbm>> -> memref<64x64xf32, #tpu.memory_space<hbm>>
    %dma_start3A_228 = arith.constant 0 : i32
    %dma_start3A_229 = arith.constant 0 : i32
    %dma_start3A_230 = tpu.memref_slice %arg6[%dma_start3A_219, %dma_start3A_228, %dma_start3A_229] : memref<8x64x64xf32, #tpu.memory_space<vmem>> -> memref<1x64x64xf32, #tpu.memory_space<vmem>>
    %dma_start3A_231 = tpu.memref_squeeze %dma_start3A_230 : memref<1x64x64xf32, #tpu.memory_space<vmem>> -> memref<64x64xf32, #tpu.memory_space<vmem>>
    tpu.enqueue_dma source(%dma_start3A_231 : memref<64x64xf32, #tpu.memory_space<vmem>>) target(%dma_start3A_227 : memref<64x64xf32, #tpu.memory_space<hbm>>) target_semaphore(%arg19 : memref<!tpu.dma_semaphore, #tpu.memory_space<semaphore_mem>>)
    %dma_wait3A_232 = arith.constant 0 : i32
    %dma_wait3A_233 = arith.constant 0 : i32
    %dma_wait3A_234 = arith.constant 0 : i32
    %dma_wait3A_235 = tpu.memref_slice %arg6[%dma_wait3A_232, %dma_wait3A_233, %dma_wait3A_234] : memref<8x64x64xf32, #tpu.memory_space<vmem>> -> memref<1x64x64xf32, #tpu.memory_space<vmem>>
    %dma_wait3A_236 = tpu.memref_squeeze %dma_wait3A_235 : memref<1x64x64xf32, #tpu.memory_space<vmem>> -> memref<64x64xf32, #tpu.memory_space<vmem>>
    %dma_wait3A_237 = arith.constant 0 : i32
    %dma_wait3A_238 = tpu.memref_slice %arg4[%mul3A_2, %dma_wait3A_237] : memref<409600x64xf32, #tpu.memory_space<hbm>> -> memref<64x64xf32, #tpu.memory_space<hbm>>
    %dma_wait3A_239 = arith.constant 0 : i32
    %dma_wait3A_240 = tpu.memref_slice %arg4[%mul3A_2, %dma_wait3A_239] : memref<409600x64xf32, #tpu.memory_space<hbm>> -> memref<64x64xf32, #tpu.memory_space<hbm>>
    %dma_wait3A_241 = arith.constant 0 : i32
    %dma_wait3A_242 = arith.constant 0 : i32
    %dma_wait3A_243 = tpu.memref_slice %arg6[%dma_wait3A_232, %dma_wait3A_241, %dma_wait3A_242] : memref<8x64x64xf32, #tpu.memory_space<vmem>> -> memref<1x64x64xf32, #tpu.memory_space<vmem>>
    %dma_wait3A_244 = tpu.memref_squeeze %dma_wait3A_243 : memref<1x64x64xf32, #tpu.memory_space<vmem>> -> memref<64x64xf32, #tpu.memory_space<vmem>>
    tpu.wait_dma2 semaphore(%arg15 : memref<!tpu.dma_semaphore, #tpu.memory_space<semaphore_mem>>) src(%dma_wait3A_244 : memref<64x64xf32, #tpu.memory_space<vmem>>) dst(%dma_wait3A_240 : memref<64x64xf32, #tpu.memory_space<hbm>>)
    %dma_start3A_245 = arith.constant 8 : i32
    %dma_start3A_246 = arith.constant 0 : i32
    %dma_start3A_247 = arith.constant 0 : i32
    %dma_start3A_248 = arith.constant 0 : i32
    %dma_start3A_249 = tpu.memref_slice %arg6[%dma_start3A_246, %dma_start3A_247, %dma_start3A_248] : memref<8x64x64xf32, #tpu.memory_space<vmem>> -> memref<1x64x64xf32, #tpu.memory_space<vmem>>
    %dma_start3A_250 = tpu.memref_squeeze %dma_start3A_249 : memref<1x64x64xf32, #tpu.memory_space<vmem>> -> memref<64x64xf32, #tpu.memory_space<vmem>>
    %dma_start3A_251 = arith.constant 0 : i32
    %dma_start3A_252 = tpu.memref_slice %arg5[%dma_start3A_245, %dma_start3A_251] : memref<200x64xi32, #tpu.memory_space<vmem>> -> memref<1x64xi32, #tpu.memory_space<vmem>>
    %dma_start3A_253 = tpu.memref_squeeze %dma_start3A_252 : memref<1x64xi32, #tpu.memory_space<vmem>> -> memref<64xi32, #tpu.memory_space<vmem>>
    %dma_start3A_254 = arith.constant 0 : i32
    %dma_start3A_255 = arith.constant 0 : i32
    %dma_start3A_256 = tpu.memref_slice %arg2[%dma_start3A_254, %dma_start3A_255] : memref<1000000x64xf32, #tpu.memory_space<hbm>> -> memref<1000000x64xf32, #tpu.memory_space<hbm>>
    tpu.enqueue_indirect_dma source(%dma_start3A_256 : memref<1000000x64xf32, #tpu.memory_space<hbm>>) target(%dma_start3A_250 : memref<64x64xf32, #tpu.memory_space<vmem>>) offsets(%dma_start3A_253 : memref<64xi32, #tpu.memory_space<vmem>>) semaphore(%arg7 : memref<!tpu.dma_semaphore, #tpu.memory_space<semaphore_mem>>)
    %dma_wait3A_257 = arith.constant 0 : i32
    %dma_wait3A_258 = arith.constant 5 : i32
    %dma_wait3A_259 = arith.constant 0 : i32
    %dma_wait3A_260 = arith.constant 0 : i32
    %dma_wait3A_261 = tpu.memref_slice %arg6[%dma_wait3A_258, %dma_wait3A_259, %dma_wait3A_260] : memref<8x64x64xf32, #tpu.memory_space<vmem>> -> memref<1x64x64xf32, #tpu.memory_space<vmem>>
    %dma_wait3A_262 = tpu.memref_squeeze %dma_wait3A_261 : memref<1x64x64xf32, #tpu.memory_space<vmem>> -> memref<64x64xf32, #tpu.memory_space<vmem>>
    %dma_wait3A_263 = arith.constant 0 : i32
    %dma_wait3A_264 = tpu.memref_slice %arg5[%dma_wait3A_257, %dma_wait3A_263] : memref<200x64xi32, #tpu.memory_space<vmem>> -> memref<1x64xi32, #tpu.memory_space<vmem>>
    %dma_wait3A_265 = tpu.memref_squeeze %dma_wait3A_264 : memref<1x64xi32, #tpu.memory_space<vmem>> -> memref<64xi32, #tpu.memory_space<vmem>>
    %dma_wait3A_266 = arith.constant 0 : i32
    %dma_wait3A_267 = arith.constant 0 : i32
    %dma_wait3A_268 = tpu.memref_slice %arg2[%dma_wait3A_266, %dma_wait3A_267] : memref<1000000x64xf32, #tpu.memory_space<hbm>> -> memref<1000000x64xf32, #tpu.memory_space<hbm>>
    tpu.wait_indirect_dma semaphore(%arg12 : memref<!tpu.dma_semaphore, #tpu.memory_space<semaphore_mem>>) src(%dma_wait3A_268 : memref<1000000x64xf32, #tpu.memory_space<hbm>>) dst(%dma_wait3A_262 : memref<64x64xf32, #tpu.memory_space<vmem>>)
    %add3A_269 = arith.constant 320 : i32
    %add3A_270 = arith.addi %mul3A_2, %add3A_269 : i32
    %dma_start3A_271 = arith.constant 5 : i32
    %dma_start3A_272 = arith.constant 0 : i32
    %dma_start3A_273 = arith.constant 0 : i32
    %dma_start3A_274 = tpu.memref_slice %arg6[%dma_start3A_271, %dma_start3A_272, %dma_start3A_273] : memref<8x64x64xf32, #tpu.memory_space<vmem>> -> memref<1x64x64xf32, #tpu.memory_space<vmem>>
    %dma_start3A_275 = tpu.memref_squeeze %dma_start3A_274 : memref<1x64x64xf32, #tpu.memory_space<vmem>> -> memref<64x64xf32, #tpu.memory_space<vmem>>
    %dma_start3A_276 = arith.constant 0 : i32
    %dma_start3A_277 = tpu.memref_slice %arg4[%add3A_270, %dma_start3A_276] : memref<409600x64xf32, #tpu.memory_space<hbm>> -> memref<64x64xf32, #tpu.memory_space<hbm>>
    %dma_start3A_278 = arith.constant 0 : i32
    %dma_start3A_279 = tpu.memref_slice %arg4[%add3A_270, %dma_start3A_278] : memref<409600x64xf32, #tpu.memory_space<hbm>> -> memref<64x64xf32, #tpu.memory_space<hbm>>
    %dma_start3A_280 = arith.constant 0 : i32
    %dma_start3A_281 = arith.constant 0 : i32
    %dma_start3A_282 = tpu.memref_slice %arg6[%dma_start3A_271, %dma_start3A_280, %dma_start3A_281] : memref<8x64x64xf32, #tpu.memory_space<vmem>> -> memref<1x64x64xf32, #tpu.memory_space<vmem>>
    %dma_start3A_283 = tpu.memref_squeeze %dma_start3A_282 : memref<1x64x64xf32, #tpu.memory_space<vmem>> -> memref<64x64xf32, #tpu.memory_space<vmem>>
    tpu.enqueue_dma source(%dma_start3A_283 : memref<64x64xf32, #tpu.memory_space<vmem>>) target(%dma_start3A_279 : memref<64x64xf32, #tpu.memory_space<hbm>>) target_semaphore(%arg20 : memref<!tpu.dma_semaphore, #tpu.memory_space<semaphore_mem>>)
    %dma_wait3A_284 = arith.constant 1 : i32
    %dma_wait3A_285 = arith.constant 0 : i32
    %dma_wait3A_286 = arith.constant 0 : i32
    %dma_wait3A_287 = tpu.memref_slice %arg6[%dma_wait3A_284, %dma_wait3A_285, %dma_wait3A_286] : memref<8x64x64xf32, #tpu.memory_space<vmem>> -> memref<1x64x64xf32, #tpu.memory_space<vmem>>
    %dma_wait3A_288 = tpu.memref_squeeze %dma_wait3A_287 : memref<1x64x64xf32, #tpu.memory_space<vmem>> -> memref<64x64xf32, #tpu.memory_space<vmem>>
    %dma_wait3A_289 = arith.constant 0 : i32
    %dma_wait3A_290 = tpu.memref_slice %arg4[%mul3A_2, %dma_wait3A_289] : memref<409600x64xf32, #tpu.memory_space<hbm>> -> memref<64x64xf32, #tpu.memory_space<hbm>>
    %dma_wait3A_291 = arith.constant 0 : i32
    %dma_wait3A_292 = tpu.memref_slice %arg4[%mul3A_2, %dma_wait3A_291] : memref<409600x64xf32, #tpu.memory_space<hbm>> -> memref<64x64xf32, #tpu.memory_space<hbm>>
    %dma_wait3A_293 = arith.constant 0 : i32
    %dma_wait3A_294 = arith.constant 0 : i32
    %dma_wait3A_295 = tpu.memref_slice %arg6[%dma_wait3A_284, %dma_wait3A_293, %dma_wait3A_294] : memref<8x64x64xf32, #tpu.memory_space<vmem>> -> memref<1x64x64xf32, #tpu.memory_space<vmem>>
    %dma_wait3A_296 = tpu.memref_squeeze %dma_wait3A_295 : memref<1x64x64xf32, #tpu.memory_space<vmem>> -> memref<64x64xf32, #tpu.memory_space<vmem>>
    tpu.wait_dma2 semaphore(%arg16 : memref<!tpu.dma_semaphore, #tpu.memory_space<semaphore_mem>>) src(%dma_wait3A_296 : memref<64x64xf32, #tpu.memory_space<vmem>>) dst(%dma_wait3A_292 : memref<64x64xf32, #tpu.memory_space<hbm>>)
    %dma_start3A_297 = arith.constant 9 : i32
    %dma_start3A_298 = arith.constant 1 : i32
    %dma_start3A_299 = arith.constant 0 : i32
    %dma_start3A_300 = arith.constant 0 : i32
    %dma_start3A_301 = tpu.memref_slice %arg6[%dma_start3A_298, %dma_start3A_299, %dma_start3A_300] : memref<8x64x64xf32, #tpu.memory_space<vmem>> -> memref<1x64x64xf32, #tpu.memory_space<vmem>>
    %dma_start3A_302 = tpu.memref_squeeze %dma_start3A_301 : memref<1x64x64xf32, #tpu.memory_space<vmem>> -> memref<64x64xf32, #tpu.memory_space<vmem>>
    %dma_start3A_303 = arith.constant 0 : i32
    %dma_start3A_304 = tpu.memref_slice %arg5[%dma_start3A_297, %dma_start3A_303] : memref<200x64xi32, #tpu.memory_space<vmem>> -> memref<1x64xi32, #tpu.memory_space<vmem>>
    %dma_start3A_305 = tpu.memref_squeeze %dma_start3A_304 : memref<1x64xi32, #tpu.memory_space<vmem>> -> memref<64xi32, #tpu.memory_space<vmem>>
    %dma_start3A_306 = arith.constant 0 : i32
    %dma_start3A_307 = arith.constant 0 : i32
    %dma_start3A_308 = tpu.memref_slice %arg2[%dma_start3A_306, %dma_start3A_307] : memref<1000000x64xf32, #tpu.memory_space<hbm>> -> memref<1000000x64xf32, #tpu.memory_space<hbm>>
    tpu.enqueue_indirect_dma source(%dma_start3A_308 : memref<1000000x64xf32, #tpu.memory_space<hbm>>) target(%dma_start3A_302 : memref<64x64xf32, #tpu.memory_space<vmem>>) offsets(%dma_start3A_305 : memref<64xi32, #tpu.memory_space<vmem>>) semaphore(%arg8 : memref<!tpu.dma_semaphore, #tpu.memory_space<semaphore_mem>>)
    %dma_wait3A_309 = arith.constant 0 : i32
    %dma_wait3A_310 = arith.constant 6 : i32
    %dma_wait3A_311 = arith.constant 0 : i32
    %dma_wait3A_312 = arith.constant 0 : i32
    %dma_wait3A_313 = tpu.memref_slice %arg6[%dma_wait3A_310, %dma_wait3A_311, %dma_wait3A_312] : memref<8x64x64xf32, #tpu.memory_space<vmem>> -> memref<1x64x64xf32, #tpu.memory_space<vmem>>
    %dma_wait3A_314 = tpu.memref_squeeze %dma_wait3A_313 : memref<1x64x64xf32, #tpu.memory_space<vmem>> -> memref<64x64xf32, #tpu.memory_space<vmem>>
    %dma_wait3A_315 = arith.constant 0 : i32
    %dma_wait3A_316 = tpu.memref_slice %arg5[%dma_wait3A_309, %dma_wait3A_315] : memref<200x64xi32, #tpu.memory_space<vmem>> -> memref<1x64xi32, #tpu.memory_space<vmem>>
    %dma_wait3A_317 = tpu.memref_squeeze %dma_wait3A_316 : memref<1x64xi32, #tpu.memory_space<vmem>> -> memref<64xi32, #tpu.memory_space<vmem>>
    %dma_wait3A_318 = arith.constant 0 : i32
    %dma_wait3A_319 = arith.constant 0 : i32
    %dma_wait3A_320 = tpu.memref_slice %arg2[%dma_wait3A_318, %dma_wait3A_319] : memref<1000000x64xf32, #tpu.memory_space<hbm>> -> memref<1000000x64xf32, #tpu.memory_space<hbm>>
    tpu.wait_indirect_dma semaphore(%arg13 : memref<!tpu.dma_semaphore, #tpu.memory_space<semaphore_mem>>) src(%dma_wait3A_320 : memref<1000000x64xf32, #tpu.memory_space<hbm>>) dst(%dma_wait3A_314 : memref<64x64xf32, #tpu.memory_space<vmem>>)
    %add3A_321 = arith.constant 384 : i32
    %add3A_322 = arith.addi %mul3A_2, %add3A_321 : i32
    %dma_start3A_323 = arith.constant 6 : i32
    %dma_start3A_324 = arith.constant 0 : i32
    %dma_start3A_325 = arith.constant 0 : i32
    %dma_start3A_326 = tpu.memref_slice %arg6[%dma_start3A_323, %dma_start3A_324, %dma_start3A_325] : memref<8x64x64xf32, #tpu.memory_space<vmem>> -> memref<1x64x64xf32, #tpu.memory_space<vmem>>
    %dma_start3A_327 = tpu.memref_squeeze %dma_start3A_326 : memref<1x64x64xf32, #tpu.memory_space<vmem>> -> memref<64x64xf32, #tpu.memory_space<vmem>>
    %dma_start3A_328 = arith.constant 0 : i32
    %dma_start3A_329 = tpu.memref_slice %arg4[%add3A_322, %dma_start3A_328] : memref<409600x64xf32, #tpu.memory_space<hbm>> -> memref<64x64xf32, #tpu.memory_space<hbm>>
    %dma_start3A_330 = arith.constant 0 : i32
    %dma_start3A_331 = tpu.memref_slice %arg4[%add3A_322, %dma_start3A_330] : memref<409600x64xf32, #tpu.memory_space<hbm>> -> memref<64x64xf32, #tpu.memory_space<hbm>>
    %dma_start3A_332 = arith.constant 0 : i32
    %dma_start3A_333 = arith.constant 0 : i32
    %dma_start3A_334 = tpu.memref_slice %arg6[%dma_start3A_323, %dma_start3A_332, %dma_start3A_333] : memref<8x64x64xf32, #tpu.memory_space<vmem>> -> memref<1x64x64xf32, #tpu.memory_space<vmem>>
    %dma_start3A_335 = tpu.memref_squeeze %dma_start3A_334 : memref<1x64x64xf32, #tpu.memory_space<vmem>> -> memref<64x64xf32, #tpu.memory_space<vmem>>
    tpu.enqueue_dma source(%dma_start3A_335 : memref<64x64xf32, #tpu.memory_space<vmem>>) target(%dma_start3A_331 : memref<64x64xf32, #tpu.memory_space<hbm>>) target_semaphore(%arg21 : memref<!tpu.dma_semaphore, #tpu.memory_space<semaphore_mem>>)
    %dma_wait3A_336 = arith.constant 2 : i32
    %dma_wait3A_337 = arith.constant 0 : i32
    %dma_wait3A_338 = arith.constant 0 : i32
    %dma_wait3A_339 = tpu.memref_slice %arg6[%dma_wait3A_336, %dma_wait3A_337, %dma_wait3A_338] : memref<8x64x64xf32, #tpu.memory_space<vmem>> -> memref<1x64x64xf32, #tpu.memory_space<vmem>>
    %dma_wait3A_340 = tpu.memref_squeeze %dma_wait3A_339 : memref<1x64x64xf32, #tpu.memory_space<vmem>> -> memref<64x64xf32, #tpu.memory_space<vmem>>
    %dma_wait3A_341 = arith.constant 0 : i32
    %dma_wait3A_342 = tpu.memref_slice %arg4[%mul3A_2, %dma_wait3A_341] : memref<409600x64xf32, #tpu.memory_space<hbm>> -> memref<64x64xf32, #tpu.memory_space<hbm>>
    %dma_wait3A_343 = arith.constant 0 : i32
    %dma_wait3A_344 = tpu.memref_slice %arg4[%mul3A_2, %dma_wait3A_343] : memref<409600x64xf32, #tpu.memory_space<hbm>> -> memref<64x64xf32, #tpu.memory_space<hbm>>
    %dma_wait3A_345 = arith.constant 0 : i32
    %dma_wait3A_346 = arith.constant 0 : i32
    %dma_wait3A_347 = tpu.memref_slice %arg6[%dma_wait3A_336, %dma_wait3A_345, %dma_wait3A_346] : memref<8x64x64xf32, #tpu.memory_space<vmem>> -> memref<1x64x64xf32, #tpu.memory_space<vmem>>
    %dma_wait3A_348 = tpu.memref_squeeze %dma_wait3A_347 : memref<1x64x64xf32, #tpu.memory_space<vmem>> -> memref<64x64xf32, #tpu.memory_space<vmem>>
    tpu.wait_dma2 semaphore(%arg17 : memref<!tpu.dma_semaphore, #tpu.memory_space<semaphore_mem>>) src(%dma_wait3A_348 : memref<64x64xf32, #tpu.memory_space<vmem>>) dst(%dma_wait3A_344 : memref<64x64xf32, #tpu.memory_space<hbm>>)
    %dma_start3A_349 = arith.constant 10 : i32
    %dma_start3A_350 = arith.constant 2 : i32
    %dma_start3A_351 = arith.constant 0 : i32
    %dma_start3A_352 = arith.constant 0 : i32
    %dma_start3A_353 = tpu.memref_slice %arg6[%dma_start3A_350, %dma_start3A_351, %dma_start3A_352] : memref<8x64x64xf32, #tpu.memory_space<vmem>> -> memref<1x64x64xf32, #tpu.memory_space<vmem>>
    %dma_start3A_354 = tpu.memref_squeeze %dma_start3A_353 : memref<1x64x64xf32, #tpu.memory_space<vmem>> -> memref<64x64xf32, #tpu.memory_space<vmem>>
    %dma_start3A_355 = arith.constant 0 : i32
    %dma_start3A_356 = tpu.memref_slice %arg5[%dma_start3A_349, %dma_start3A_355] : memref<200x64xi32, #tpu.memory_space<vmem>> -> memref<1x64xi32, #tpu.memory_space<vmem>>
    %dma_start3A_357 = tpu.memref_squeeze %dma_start3A_356 : memref<1x64xi32, #tpu.memory_space<vmem>> -> memref<64xi32, #tpu.memory_space<vmem>>
    %dma_start3A_358 = arith.constant 0 : i32
    %dma_start3A_359 = arith.constant 0 : i32
    %dma_start3A_360 = tpu.memref_slice %arg2[%dma_start3A_358, %dma_start3A_359] : memref<1000000x64xf32, #tpu.memory_space<hbm>> -> memref<1000000x64xf32, #tpu.memory_space<hbm>>
    tpu.enqueue_indirect_dma source(%dma_start3A_360 : memref<1000000x64xf32, #tpu.memory_space<hbm>>) target(%dma_start3A_354 : memref<64x64xf32, #tpu.memory_space<vmem>>) offsets(%dma_start3A_357 : memref<64xi32, #tpu.memory_space<vmem>>) semaphore(%arg9 : memref<!tpu.dma_semaphore, #tpu.memory_space<semaphore_mem>>)
    %dma_wait3A_361 = arith.constant 0 : i32
    %dma_wait3A_362 = arith.constant 7 : i32
    %dma_wait3A_363 = arith.constant 0 : i32
    %dma_wait3A_364 = arith.constant 0 : i32
    %dma_wait3A_365 = tpu.memref_slice %arg6[%dma_wait3A_362, %dma_wait3A_363, %dma_wait3A_364] : memref<8x64x64xf32, #tpu.memory_space<vmem>> -> memref<1x64x64xf32, #tpu.memory_space<vmem>>
    %dma_wait3A_366 = tpu.memref_squeeze %dma_wait3A_365 : memref<1x64x64xf32, #tpu.memory_space<vmem>> -> memref<64x64xf32, #tpu.memory_space<vmem>>
    %dma_wait3A_367 = arith.constant 0 : i32
    %dma_wait3A_368 = tpu.memref_slice %arg5[%dma_wait3A_361, %dma_wait3A_367] : memref<200x64xi32, #tpu.memory_space<vmem>> -> memref<1x64xi32, #tpu.memory_space<vmem>>
    %dma_wait3A_369 = tpu.memref_squeeze %dma_wait3A_368 : memref<1x64xi32, #tpu.memory_space<vmem>> -> memref<64xi32, #tpu.memory_space<vmem>>
    %dma_wait3A_370 = arith.constant 0 : i32
    %dma_wait3A_371 = arith.constant 0 : i32
    %dma_wait3A_372 = tpu.memref_slice %arg2[%dma_wait3A_370, %dma_wait3A_371] : memref<1000000x64xf32, #tpu.memory_space<hbm>> -> memref<1000000x64xf32, #tpu.memory_space<hbm>>
    tpu.wait_indirect_dma semaphore(%arg14 : memref<!tpu.dma_semaphore, #tpu.memory_space<semaphore_mem>>) src(%dma_wait3A_372 : memref<1000000x64xf32, #tpu.memory_space<hbm>>) dst(%dma_wait3A_366 : memref<64x64xf32, #tpu.memory_space<vmem>>)
    %add3A_373 = arith.constant 448 : i32
    %add3A_374 = arith.addi %mul3A_2, %add3A_373 : i32
    %dma_start3A_375 = arith.constant 7 : i32
    %dma_start3A_376 = arith.constant 0 : i32
    %dma_start3A_377 = arith.constant 0 : i32
    %dma_start3A_378 = tpu.memref_slice %arg6[%dma_start3A_375, %dma_start3A_376, %dma_start3A_377] : memref<8x64x64xf32, #tpu.memory_space<vmem>> -> memref<1x64x64xf32, #tpu.memory_space<vmem>>
    %dma_start3A_379 = tpu.memref_squeeze %dma_start3A_378 : memref<1x64x64xf32, #tpu.memory_space<vmem>> -> memref<64x64xf32, #tpu.memory_space<vmem>>
    %dma_start3A_380 = arith.constant 0 : i32
    %dma_start3A_381 = tpu.memref_slice %arg4[%add3A_374, %dma_start3A_380] : memref<409600x64xf32, #tpu.memory_space<hbm>> -> memref<64x64xf32, #tpu.memory_space<hbm>>
    %dma_start3A_382 = arith.constant 0 : i32
    %dma_start3A_383 = tpu.memref_slice %arg4[%add3A_374, %dma_start3A_382] : memref<409600x64xf32, #tpu.memory_space<hbm>> -> memref<64x64xf32, #tpu.memory_space<hbm>>
    %dma_start3A_384 = arith.constant 0 : i32
    %dma_start3A_385 = arith.constant 0 : i32
    %dma_start3A_386 = tpu.memref_slice %arg6[%dma_start3A_375, %dma_start3A_384, %dma_start3A_385] : memref<8x64x64xf32, #tpu.memory_space<vmem>> -> memref<1x64x64xf32, #tpu.memory_space<vmem>>
    %dma_start3A_387 = tpu.memref_squeeze %dma_start3A_386 : memref<1x64x64xf32, #tpu.memory_space<vmem>> -> memref<64x64xf32, #tpu.memory_space<vmem>>
    tpu.enqueue_dma source(%dma_start3A_387 : memref<64x64xf32, #tpu.memory_space<vmem>>) target(%dma_start3A_383 : memref<64x64xf32, #tpu.memory_space<hbm>>) target_semaphore(%arg22 : memref<!tpu.dma_semaphore, #tpu.memory_space<semaphore_mem>>)
    %dma_wait3A_388 = arith.constant 3 : i32
    %dma_wait3A_389 = arith.constant 0 : i32
    %dma_wait3A_390 = arith.constant 0 : i32
    %dma_wait3A_391 = tpu.memref_slice %arg6[%dma_wait3A_388, %dma_wait3A_389, %dma_wait3A_390] : memref<8x64x64xf32, #tpu.memory_space<vmem>> -> memref<1x64x64xf32, #tpu.memory_space<vmem>>
    %dma_wait3A_392 = tpu.memref_squeeze %dma_wait3A_391 : memref<1x64x64xf32, #tpu.memory_space<vmem>> -> memref<64x64xf32, #tpu.memory_space<vmem>>
    %dma_wait3A_393 = arith.constant 0 : i32
    %dma_wait3A_394 = tpu.memref_slice %arg4[%mul3A_2, %dma_wait3A_393] : memref<409600x64xf32, #tpu.memory_space<hbm>> -> memref<64x64xf32, #tpu.memory_space<hbm>>
    %dma_wait3A_395 = arith.constant 0 : i32
    %dma_wait3A_396 = tpu.memref_slice %arg4[%mul3A_2, %dma_wait3A_395] : memref<409600x64xf32, #tpu.memory_space<hbm>> -> memref<64x64xf32, #tpu.memory_space<hbm>>
    %dma_wait3A_397 = arith.constant 0 : i32
    %dma_wait3A_398 = arith.constant 0 : i32
    %dma_wait3A_399 = tpu.memref_slice %arg6[%dma_wait3A_388, %dma_wait3A_397, %dma_wait3A_398] : memref<8x64x64xf32, #tpu.memory_space<vmem>> -> memref<1x64x64xf32, #tpu.memory_space<vmem>>
    %dma_wait3A_400 = tpu.memref_squeeze %dma_wait3A_399 : memref<1x64x64xf32, #tpu.memory_space<vmem>> -> memref<64x64xf32, #tpu.memory_space<vmem>>
    tpu.wait_dma2 semaphore(%arg18 : memref<!tpu.dma_semaphore, #tpu.memory_space<semaphore_mem>>) src(%dma_wait3A_400 : memref<64x64xf32, #tpu.memory_space<vmem>>) dst(%dma_wait3A_396 : memref<64x64xf32, #tpu.memory_space<hbm>>)
    %dma_start3A_401 = arith.constant 11 : i32
    %dma_start3A_402 = arith.constant 3 : i32
    %dma_start3A_403 = arith.constant 0 : i32
    %dma_start3A_404 = arith.constant 0 : i32
    %dma_start3A_405 = tpu.memref_slice %arg6[%dma_start3A_402, %dma_start3A_403, %dma_start3A_404] : memref<8x64x64xf32, #tpu.memory_space<vmem>> -> memref<1x64x64xf32, #tpu.memory_space<vmem>>
    %dma_start3A_406 = tpu.memref_squeeze %dma_start3A_405 : memref<1x64x64xf32, #tpu.memory_space<vmem>> -> memref<64x64xf32, #tpu.memory_space<vmem>>
    %dma_start3A_407 = arith.constant 0 : i32
    %dma_start3A_408 = tpu.memref_slice %arg5[%dma_start3A_401, %dma_start3A_407] : memref<200x64xi32, #tpu.memory_space<vmem>> -> memref<1x64xi32, #tpu.memory_space<vmem>>
    %dma_start3A_409 = tpu.memref_squeeze %dma_start3A_408 : memref<1x64xi32, #tpu.memory_space<vmem>> -> memref<64xi32, #tpu.memory_space<vmem>>
    %dma_start3A_410 = arith.constant 0 : i32
    %dma_start3A_411 = arith.constant 0 : i32
    %dma_start3A_412 = tpu.memref_slice %arg2[%dma_start3A_410, %dma_start3A_411] : memref<1000000x64xf32, #tpu.memory_space<hbm>> -> memref<1000000x64xf32, #tpu.memory_space<hbm>>
    tpu.enqueue_indirect_dma source(%dma_start3A_412 : memref<1000000x64xf32, #tpu.memory_space<hbm>>) target(%dma_start3A_406 : memref<64x64xf32, #tpu.memory_space<vmem>>) offsets(%dma_start3A_409 : memref<64xi32, #tpu.memory_space<vmem>>) semaphore(%arg10 : memref<!tpu.dma_semaphore, #tpu.memory_space<semaphore_mem>>)
    %scan3A = arith.constant 0 : i32
    %scan3A_413 = arith.constant 1 : i32
    %scan3A_414 = arith.constant 23 : i32
    %scan3A_415 = arith.addi %scan3A_413, %scan3A_414 : i32
    %scan3A_416 = arith.constant 1 : i32
    scf.for %scan3A_838 = %scan3A_413 to %scan3A_415 step %scan3A_416  : i32 {
      %mul3A_839 = arith.constant 8 : i32
      %mul3A_840 = arith.muli %scan3A_838, %mul3A_839 : i32
      %add3A_841 = arith.constant 0 : i32
      %add3A_842 = arith.addi %mul3A_840, %add3A_841 : i32
      %dma_wait3A_843 = arith.constant 0 : i32
      %dma_wait3A_844 = arith.constant 0 : i32
      %dma_wait3A_845 = arith.constant 0 : i32
      %dma_wait3A_846 = arith.constant 0 : i32
      %dma_wait3A_847 = tpu.memref_slice %arg6[%dma_wait3A_844, %dma_wait3A_845, %dma_wait3A_846] : memref<8x64x64xf32, #tpu.memory_space<vmem>> -> memref<1x64x64xf32, #tpu.memory_space<vmem>>
      %dma_wait3A_848 = tpu.memref_squeeze %dma_wait3A_847 : memref<1x64x64xf32, #tpu.memory_space<vmem>> -> memref<64x64xf32, #tpu.memory_space<vmem>>
      %dma_wait3A_849 = arith.constant 0 : i32
      %dma_wait3A_850 = tpu.memref_slice %arg5[%dma_wait3A_843, %dma_wait3A_849] : memref<200x64xi32, #tpu.memory_space<vmem>> -> memref<1x64xi32, #tpu.memory_space<vmem>>
      %dma_wait3A_851 = tpu.memref_squeeze %dma_wait3A_850 : memref<1x64xi32, #tpu.memory_space<vmem>> -> memref<64xi32, #tpu.memory_space<vmem>>
      %dma_wait3A_852 = arith.constant 0 : i32
      %dma_wait3A_853 = arith.constant 0 : i32
      %dma_wait3A_854 = tpu.memref_slice %arg2[%dma_wait3A_852, %dma_wait3A_853] : memref<1000000x64xf32, #tpu.memory_space<hbm>> -> memref<1000000x64xf32, #tpu.memory_space<hbm>>
      tpu.wait_indirect_dma semaphore(%arg7 : memref<!tpu.dma_semaphore, #tpu.memory_space<semaphore_mem>>) src(%dma_wait3A_854 : memref<1000000x64xf32, #tpu.memory_space<hbm>>) dst(%dma_wait3A_848 : memref<64x64xf32, #tpu.memory_space<vmem>>)
      %mul3A_855 = arith.constant 64 : i32
      %mul3A_856 = arith.muli %add3A_842, %mul3A_855 : i32
      %add3A_857 = arith.addi %mul3A_2, %mul3A_856 : i32
      %dma_start3A_858 = arith.constant 0 : i32
      %dma_start3A_859 = arith.constant 0 : i32
      %dma_start3A_860 = arith.constant 0 : i32
      %dma_start3A_861 = tpu.memref_slice %arg6[%dma_start3A_858, %dma_start3A_859, %dma_start3A_860] : memref<8x64x64xf32, #tpu.memory_space<vmem>> -> memref<1x64x64xf32, #tpu.memory_space<vmem>>
      %dma_start3A_862 = tpu.memref_squeeze %dma_start3A_861 : memref<1x64x64xf32, #tpu.memory_space<vmem>> -> memref<64x64xf32, #tpu.memory_space<vmem>>
      %dma_start3A_863 = arith.constant 0 : i32
      %dma_start3A_864 = tpu.memref_slice %arg4[%add3A_857, %dma_start3A_863] : memref<409600x64xf32, #tpu.memory_space<hbm>> -> memref<64x64xf32, #tpu.memory_space<hbm>>
      %dma_start3A_865 = arith.constant 0 : i32
      %dma_start3A_866 = tpu.memref_slice %arg4[%add3A_857, %dma_start3A_865] : memref<409600x64xf32, #tpu.memory_space<hbm>> -> memref<64x64xf32, #tpu.memory_space<hbm>>
      %dma_start3A_867 = arith.constant 0 : i32
      %dma_start3A_868 = arith.constant 0 : i32
      %dma_start3A_869 = tpu.memref_slice %arg6[%dma_start3A_858, %dma_start3A_867, %dma_start3A_868] : memref<8x64x64xf32, #tpu.memory_space<vmem>> -> memref<1x64x64xf32, #tpu.memory_space<vmem>>
      %dma_start3A_870 = tpu.memref_squeeze %dma_start3A_869 : memref<1x64x64xf32, #tpu.memory_space<vmem>> -> memref<64x64xf32, #tpu.memory_space<vmem>>
      tpu.enqueue_dma source(%dma_start3A_870 : memref<64x64xf32, #tpu.memory_space<vmem>>) target(%dma_start3A_866 : memref<64x64xf32, #tpu.memory_space<hbm>>) target_semaphore(%arg15 : memref<!tpu.dma_semaphore, #tpu.memory_space<semaphore_mem>>)
      %dma_wait3A_871 = arith.constant 4 : i32
      %dma_wait3A_872 = arith.constant 0 : i32
      %dma_wait3A_873 = arith.constant 0 : i32
      %dma_wait3A_874 = tpu.memref_slice %arg6[%dma_wait3A_871, %dma_wait3A_872, %dma_wait3A_873] : memref<8x64x64xf32, #tpu.memory_space<vmem>> -> memref<1x64x64xf32, #tpu.memory_space<vmem>>
      %dma_wait3A_875 = tpu.memref_squeeze %dma_wait3A_874 : memref<1x64x64xf32, #tpu.memory_space<vmem>> -> memref<64x64xf32, #tpu.memory_space<vmem>>
      %dma_wait3A_876 = arith.constant 0 : i32
      %dma_wait3A_877 = tpu.memref_slice %arg4[%mul3A_2, %dma_wait3A_876] : memref<409600x64xf32, #tpu.memory_space<hbm>> -> memref<64x64xf32, #tpu.memory_space<hbm>>
      %dma_wait3A_878 = arith.constant 0 : i32
      %dma_wait3A_879 = tpu.memref_slice %arg4[%mul3A_2, %dma_wait3A_878] : memref<409600x64xf32, #tpu.memory_space<hbm>> -> memref<64x64xf32, #tpu.memory_space<hbm>>
      %dma_wait3A_880 = arith.constant 0 : i32
      %dma_wait3A_881 = arith.constant 0 : i32
      %dma_wait3A_882 = tpu.memref_slice %arg6[%dma_wait3A_871, %dma_wait3A_880, %dma_wait3A_881] : memref<8x64x64xf32, #tpu.memory_space<vmem>> -> memref<1x64x64xf32, #tpu.memory_space<vmem>>
      %dma_wait3A_883 = tpu.memref_squeeze %dma_wait3A_882 : memref<1x64x64xf32, #tpu.memory_space<vmem>> -> memref<64x64xf32, #tpu.memory_space<vmem>>
      tpu.wait_dma2 semaphore(%arg19 : memref<!tpu.dma_semaphore, #tpu.memory_space<semaphore_mem>>) src(%dma_wait3A_883 : memref<64x64xf32, #tpu.memory_space<vmem>>) dst(%dma_wait3A_879 : memref<64x64xf32, #tpu.memory_space<hbm>>)
      %add3A_884 = arith.constant 4 : i32
      %add3A_885 = arith.addi %add3A_842, %add3A_884 : i32
      %dma_start3A_886 = arith.constant 4 : i32
      %dma_start3A_887 = arith.constant 0 : i32
      %dma_start3A_888 = arith.constant 0 : i32
      %dma_start3A_889 = tpu.memref_slice %arg6[%dma_start3A_886, %dma_start3A_887, %dma_start3A_888] : memref<8x64x64xf32, #tpu.memory_space<vmem>> -> memref<1x64x64xf32, #tpu.memory_space<vmem>>
      %dma_start3A_890 = tpu.memref_squeeze %dma_start3A_889 : memref<1x64x64xf32, #tpu.memory_space<vmem>> -> memref<64x64xf32, #tpu.memory_space<vmem>>
      %dma_start3A_891 = arith.constant 0 : i32
      %dma_start3A_892 = tpu.memref_slice %arg5[%add3A_885, %dma_start3A_891] : memref<200x64xi32, #tpu.memory_space<vmem>> -> memref<1x64xi32, #tpu.memory_space<vmem>>
      %dma_start3A_893 = tpu.memref_squeeze %dma_start3A_892 : memref<1x64xi32, #tpu.memory_space<vmem>> -> memref<64xi32, #tpu.memory_space<vmem>>
      %dma_start3A_894 = arith.constant 0 : i32
      %dma_start3A_895 = arith.constant 0 : i32
      %dma_start3A_896 = tpu.memref_slice %arg2[%dma_start3A_894, %dma_start3A_895] : memref<1000000x64xf32, #tpu.memory_space<hbm>> -> memref<1000000x64xf32, #tpu.memory_space<hbm>>
      tpu.enqueue_indirect_dma source(%dma_start3A_896 : memref<1000000x64xf32, #tpu.memory_space<hbm>>) target(%dma_start3A_890 : memref<64x64xf32, #tpu.memory_space<vmem>>) offsets(%dma_start3A_893 : memref<64xi32, #tpu.memory_space<vmem>>) semaphore(%arg11 : memref<!tpu.dma_semaphore, #tpu.memory_space<semaphore_mem>>)
      %mul3A_897 = arith.constant 8 : i32
      %mul3A_898 = arith.muli %scan3A_838, %mul3A_897 : i32
      %add3A_899 = arith.constant 1 : i32
      %add3A_900 = arith.addi %mul3A_898, %add3A_899 : i32
      %dma_wait3A_901 = arith.constant 0 : i32
      %dma_wait3A_902 = arith.constant 1 : i32
      %dma_wait3A_903 = arith.constant 0 : i32
      %dma_wait3A_904 = arith.constant 0 : i32
      %dma_wait3A_905 = tpu.memref_slice %arg6[%dma_wait3A_902, %dma_wait3A_903, %dma_wait3A_904] : memref<8x64x64xf32, #tpu.memory_space<vmem>> -> memref<1x64x64xf32, #tpu.memory_space<vmem>>
      %dma_wait3A_906 = tpu.memref_squeeze %dma_wait3A_905 : memref<1x64x64xf32, #tpu.memory_space<vmem>> -> memref<64x64xf32, #tpu.memory_space<vmem>>
      %dma_wait3A_907 = arith.constant 0 : i32
      %dma_wait3A_908 = tpu.memref_slice %arg5[%dma_wait3A_901, %dma_wait3A_907] : memref<200x64xi32, #tpu.memory_space<vmem>> -> memref<1x64xi32, #tpu.memory_space<vmem>>
      %dma_wait3A_909 = tpu.memref_squeeze %dma_wait3A_908 : memref<1x64xi32, #tpu.memory_space<vmem>> -> memref<64xi32, #tpu.memory_space<vmem>>
      %dma_wait3A_910 = arith.constant 0 : i32
      %dma_wait3A_911 = arith.constant 0 : i32
      %dma_wait3A_912 = tpu.memref_slice %arg2[%dma_wait3A_910, %dma_wait3A_911] : memref<1000000x64xf32, #tpu.memory_space<hbm>> -> memref<1000000x64xf32, #tpu.memory_space<hbm>>
      tpu.wait_indirect_dma semaphore(%arg8 : memref<!tpu.dma_semaphore, #tpu.memory_space<semaphore_mem>>) src(%dma_wait3A_912 : memref<1000000x64xf32, #tpu.memory_space<hbm>>) dst(%dma_wait3A_906 : memref<64x64xf32, #tpu.memory_space<vmem>>)
      %mul3A_913 = arith.constant 64 : i32
      %mul3A_914 = arith.muli %add3A_900, %mul3A_913 : i32
      %add3A_915 = arith.addi %mul3A_2, %mul3A_914 : i32
      %dma_start3A_916 = arith.constant 1 : i32
      %dma_start3A_917 = arith.constant 0 : i32
      %dma_start3A_918 = arith.constant 0 : i32
      %dma_start3A_919 = tpu.memref_slice %arg6[%dma_start3A_916, %dma_start3A_917, %dma_start3A_918] : memref<8x64x64xf32, #tpu.memory_space<vmem>> -> memref<1x64x64xf32, #tpu.memory_space<vmem>>
      %dma_start3A_920 = tpu.memref_squeeze %dma_start3A_919 : memref<1x64x64xf32, #tpu.memory_space<vmem>> -> memref<64x64xf32, #tpu.memory_space<vmem>>
      %dma_start3A_921 = arith.constant 0 : i32
      %dma_start3A_922 = tpu.memref_slice %arg4[%add3A_915, %dma_start3A_921] : memref<409600x64xf32, #tpu.memory_space<hbm>> -> memref<64x64xf32, #tpu.memory_space<hbm>>
      %dma_start3A_923 = arith.constant 0 : i32
      %dma_start3A_924 = tpu.memref_slice %arg4[%add3A_915, %dma_start3A_923] : memref<409600x64xf32, #tpu.memory_space<hbm>> -> memref<64x64xf32, #tpu.memory_space<hbm>>
      %dma_start3A_925 = arith.constant 0 : i32
      %dma_start3A_926 = arith.constant 0 : i32
      %dma_start3A_927 = tpu.memref_slice %arg6[%dma_start3A_916, %dma_start3A_925, %dma_start3A_926] : memref<8x64x64xf32, #tpu.memory_space<vmem>> -> memref<1x64x64xf32, #tpu.memory_space<vmem>>
      %dma_start3A_928 = tpu.memref_squeeze %dma_start3A_927 : memref<1x64x64xf32, #tpu.memory_space<vmem>> -> memref<64x64xf32, #tpu.memory_space<vmem>>
      tpu.enqueue_dma source(%dma_start3A_928 : memref<64x64xf32, #tpu.memory_space<vmem>>) target(%dma_start3A_924 : memref<64x64xf32, #tpu.memory_space<hbm>>) target_semaphore(%arg16 : memref<!tpu.dma_semaphore, #tpu.memory_space<semaphore_mem>>)
      %dma_wait3A_929 = arith.constant 5 : i32
      %dma_wait3A_930 = arith.constant 0 : i32
      %dma_wait3A_931 = arith.constant 0 : i32
      %dma_wait3A_932 = tpu.memref_slice %arg6[%dma_wait3A_929, %dma_wait3A_930, %dma_wait3A_931] : memref<8x64x64xf32, #tpu.memory_space<vmem>> -> memref<1x64x64xf32, #tpu.memory_space<vmem>>
      %dma_wait3A_933 = tpu.memref_squeeze %dma_wait3A_932 : memref<1x64x64xf32, #tpu.memory_space<vmem>> -> memref<64x64xf32, #tpu.memory_space<vmem>>
      %dma_wait3A_934 = arith.constant 0 : i32
      %dma_wait3A_935 = tpu.memref_slice %arg4[%mul3A_2, %dma_wait3A_934] : memref<409600x64xf32, #tpu.memory_space<hbm>> -> memref<64x64xf32, #tpu.memory_space<hbm>>
      %dma_wait3A_936 = arith.constant 0 : i32
      %dma_wait3A_937 = tpu.memref_slice %arg4[%mul3A_2, %dma_wait3A_936] : memref<409600x64xf32, #tpu.memory_space<hbm>> -> memref<64x64xf32, #tpu.memory_space<hbm>>
      %dma_wait3A_938 = arith.constant 0 : i32
      %dma_wait3A_939 = arith.constant 0 : i32
      %dma_wait3A_940 = tpu.memref_slice %arg6[%dma_wait3A_929, %dma_wait3A_938, %dma_wait3A_939] : memref<8x64x64xf32, #tpu.memory_space<vmem>> -> memref<1x64x64xf32, #tpu.memory_space<vmem>>
      %dma_wait3A_941 = tpu.memref_squeeze %dma_wait3A_940 : memref<1x64x64xf32, #tpu.memory_space<vmem>> -> memref<64x64xf32, #tpu.memory_space<vmem>>
      tpu.wait_dma2 semaphore(%arg20 : memref<!tpu.dma_semaphore, #tpu.memory_space<semaphore_mem>>) src(%dma_wait3A_941 : memref<64x64xf32, #tpu.memory_space<vmem>>) dst(%dma_wait3A_937 : memref<64x64xf32, #tpu.memory_space<hbm>>)
      %add3A_942 = arith.constant 4 : i32
      %add3A_943 = arith.addi %add3A_900, %add3A_942 : i32
      %dma_start3A_944 = arith.constant 5 : i32
      %dma_start3A_945 = arith.constant 0 : i32
      %dma_start3A_946 = arith.constant 0 : i32
      %dma_start3A_947 = tpu.memref_slice %arg6[%dma_start3A_944, %dma_start3A_945, %dma_start3A_946] : memref<8x64x64xf32, #tpu.memory_space<vmem>> -> memref<1x64x64xf32, #tpu.memory_space<vmem>>
      %dma_start3A_948 = tpu.memref_squeeze %dma_start3A_947 : memref<1x64x64xf32, #tpu.memory_space<vmem>> -> memref<64x64xf32, #tpu.memory_space<vmem>>
      %dma_start3A_949 = arith.constant 0 : i32
      %dma_start3A_950 = tpu.memref_slice %arg5[%add3A_943, %dma_start3A_949] : memref<200x64xi32, #tpu.memory_space<vmem>> -> memref<1x64xi32, #tpu.memory_space<vmem>>
      %dma_start3A_951 = tpu.memref_squeeze %dma_start3A_950 : memref<1x64xi32, #tpu.memory_space<vmem>> -> memref<64xi32, #tpu.memory_space<vmem>>
      %dma_start3A_952 = arith.constant 0 : i32
      %dma_start3A_953 = arith.constant 0 : i32
      %dma_start3A_954 = tpu.memref_slice %arg2[%dma_start3A_952, %dma_start3A_953] : memref<1000000x64xf32, #tpu.memory_space<hbm>> -> memref<1000000x64xf32, #tpu.memory_space<hbm>>
      tpu.enqueue_indirect_dma source(%dma_start3A_954 : memref<1000000x64xf32, #tpu.memory_space<hbm>>) target(%dma_start3A_948 : memref<64x64xf32, #tpu.memory_space<vmem>>) offsets(%dma_start3A_951 : memref<64xi32, #tpu.memory_space<vmem>>) semaphore(%arg12 : memref<!tpu.dma_semaphore, #tpu.memory_space<semaphore_mem>>)
      %mul3A_955 = arith.constant 8 : i32
      %mul3A_956 = arith.muli %scan3A_838, %mul3A_955 : i32
      %add3A_957 = arith.constant 2 : i32
      %add3A_958 = arith.addi %mul3A_956, %add3A_957 : i32
      %dma_wait3A_959 = arith.constant 0 : i32
      %dma_wait3A_960 = arith.constant 2 : i32
      %dma_wait3A_961 = arith.constant 0 : i32
      %dma_wait3A_962 = arith.constant 0 : i32
      %dma_wait3A_963 = tpu.memref_slice %arg6[%dma_wait3A_960, %dma_wait3A_961, %dma_wait3A_962] : memref<8x64x64xf32, #tpu.memory_space<vmem>> -> memref<1x64x64xf32, #tpu.memory_space<vmem>>
      %dma_wait3A_964 = tpu.memref_squeeze %dma_wait3A_963 : memref<1x64x64xf32, #tpu.memory_space<vmem>> -> memref<64x64xf32, #tpu.memory_space<vmem>>
      %dma_wait3A_965 = arith.constant 0 : i32
      %dma_wait3A_966 = tpu.memref_slice %arg5[%dma_wait3A_959, %dma_wait3A_965] : memref<200x64xi32, #tpu.memory_space<vmem>> -> memref<1x64xi32, #tpu.memory_space<vmem>>
      %dma_wait3A_967 = tpu.memref_squeeze %dma_wait3A_966 : memref<1x64xi32, #tpu.memory_space<vmem>> -> memref<64xi32, #tpu.memory_space<vmem>>
      %dma_wait3A_968 = arith.constant 0 : i32
      %dma_wait3A_969 = arith.constant 0 : i32
      %dma_wait3A_970 = tpu.memref_slice %arg2[%dma_wait3A_968, %dma_wait3A_969] : memref<1000000x64xf32, #tpu.memory_space<hbm>> -> memref<1000000x64xf32, #tpu.memory_space<hbm>>
      tpu.wait_indirect_dma semaphore(%arg9 : memref<!tpu.dma_semaphore, #tpu.memory_space<semaphore_mem>>) src(%dma_wait3A_970 : memref<1000000x64xf32, #tpu.memory_space<hbm>>) dst(%dma_wait3A_964 : memref<64x64xf32, #tpu.memory_space<vmem>>)
      %mul3A_971 = arith.constant 64 : i32
      %mul3A_972 = arith.muli %add3A_958, %mul3A_971 : i32
      %add3A_973 = arith.addi %mul3A_2, %mul3A_972 : i32
      %dma_start3A_974 = arith.constant 2 : i32
      %dma_start3A_975 = arith.constant 0 : i32
      %dma_start3A_976 = arith.constant 0 : i32
      %dma_start3A_977 = tpu.memref_slice %arg6[%dma_start3A_974, %dma_start3A_975, %dma_start3A_976] : memref<8x64x64xf32, #tpu.memory_space<vmem>> -> memref<1x64x64xf32, #tpu.memory_space<vmem>>
      %dma_start3A_978 = tpu.memref_squeeze %dma_start3A_977 : memref<1x64x64xf32, #tpu.memory_space<vmem>> -> memref<64x64xf32, #tpu.memory_space<vmem>>
      %dma_start3A_979 = arith.constant 0 : i32
      %dma_start3A_980 = tpu.memref_slice %arg4[%add3A_973, %dma_start3A_979] : memref<409600x64xf32, #tpu.memory_space<hbm>> -> memref<64x64xf32, #tpu.memory_space<hbm>>
      %dma_start3A_981 = arith.constant 0 : i32
      %dma_start3A_982 = tpu.memref_slice %arg4[%add3A_973, %dma_start3A_981] : memref<409600x64xf32, #tpu.memory_space<hbm>> -> memref<64x64xf32, #tpu.memory_space<hbm>>
      %dma_start3A_983 = arith.constant 0 : i32
      %dma_start3A_984 = arith.constant 0 : i32
      %dma_start3A_985 = tpu.memref_slice %arg6[%dma_start3A_974, %dma_start3A_983, %dma_start3A_984] : memref<8x64x64xf32, #tpu.memory_space<vmem>> -> memref<1x64x64xf32, #tpu.memory_space<vmem>>
      %dma_start3A_986 = tpu.memref_squeeze %dma_start3A_985 : memref<1x64x64xf32, #tpu.memory_space<vmem>> -> memref<64x64xf32, #tpu.memory_space<vmem>>
      tpu.enqueue_dma source(%dma_start3A_986 : memref<64x64xf32, #tpu.memory_space<vmem>>) target(%dma_start3A_982 : memref<64x64xf32, #tpu.memory_space<hbm>>) target_semaphore(%arg17 : memref<!tpu.dma_semaphore, #tpu.memory_space<semaphore_mem>>)
      %dma_wait3A_987 = arith.constant 6 : i32
      %dma_wait3A_988 = arith.constant 0 : i32
      %dma_wait3A_989 = arith.constant 0 : i32
      %dma_wait3A_990 = tpu.memref_slice %arg6[%dma_wait3A_987, %dma_wait3A_988, %dma_wait3A_989] : memref<8x64x64xf32, #tpu.memory_space<vmem>> -> memref<1x64x64xf32, #tpu.memory_space<vmem>>
      %dma_wait3A_991 = tpu.memref_squeeze %dma_wait3A_990 : memref<1x64x64xf32, #tpu.memory_space<vmem>> -> memref<64x64xf32, #tpu.memory_space<vmem>>
      %dma_wait3A_992 = arith.constant 0 : i32
      %dma_wait3A_993 = tpu.memref_slice %arg4[%mul3A_2, %dma_wait3A_992] : memref<409600x64xf32, #tpu.memory_space<hbm>> -> memref<64x64xf32, #tpu.memory_space<hbm>>
      %dma_wait3A_994 = arith.constant 0 : i32
      %dma_wait3A_995 = tpu.memref_slice %arg4[%mul3A_2, %dma_wait3A_994] : memref<409600x64xf32, #tpu.memory_space<hbm>> -> memref<64x64xf32, #tpu.memory_space<hbm>>
      %dma_wait3A_996 = arith.constant 0 : i32
      %dma_wait3A_997 = arith.constant 0 : i32
      %dma_wait3A_998 = tpu.memref_slice %arg6[%dma_wait3A_987, %dma_wait3A_996, %dma_wait3A_997] : memref<8x64x64xf32, #tpu.memory_space<vmem>> -> memref<1x64x64xf32, #tpu.memory_space<vmem>>
      %dma_wait3A_999 = tpu.memref_squeeze %dma_wait3A_998 : memref<1x64x64xf32, #tpu.memory_space<vmem>> -> memref<64x64xf32, #tpu.memory_space<vmem>>
      tpu.wait_dma2 semaphore(%arg21 : memref<!tpu.dma_semaphore, #tpu.memory_space<semaphore_mem>>) src(%dma_wait3A_999 : memref<64x64xf32, #tpu.memory_space<vmem>>) dst(%dma_wait3A_995 : memref<64x64xf32, #tpu.memory_space<hbm>>)
      %add3A_1000 = arith.constant 4 : i32
      %add3A_1001 = arith.addi %add3A_958, %add3A_1000 : i32
      %dma_start3A_1002 = arith.constant 6 : i32
      %dma_start3A_1003 = arith.constant 0 : i32
      %dma_start3A_1004 = arith.constant 0 : i32
      %dma_start3A_1005 = tpu.memref_slice %arg6[%dma_start3A_1002, %dma_start3A_1003, %dma_start3A_1004] : memref<8x64x64xf32, #tpu.memory_space<vmem>> -> memref<1x64x64xf32, #tpu.memory_space<vmem>>
      %dma_start3A_1006 = tpu.memref_squeeze %dma_start3A_1005 : memref<1x64x64xf32, #tpu.memory_space<vmem>> -> memref<64x64xf32, #tpu.memory_space<vmem>>
      %dma_start3A_1007 = arith.constant 0 : i32
      %dma_start3A_1008 = tpu.memref_slice %arg5[%add3A_1001, %dma_start3A_1007] : memref<200x64xi32, #tpu.memory_space<vmem>> -> memref<1x64xi32, #tpu.memory_space<vmem>>
      %dma_start3A_1009 = tpu.memref_squeeze %dma_start3A_1008 : memref<1x64xi32, #tpu.memory_space<vmem>> -> memref<64xi32, #tpu.memory_space<vmem>>
      %dma_start3A_1010 = arith.constant 0 : i32
      %dma_start3A_1011 = arith.constant 0 : i32
      %dma_start3A_1012 = tpu.memref_slice %arg2[%dma_start3A_1010, %dma_start3A_1011] : memref<1000000x64xf32, #tpu.memory_space<hbm>> -> memref<1000000x64xf32, #tpu.memory_space<hbm>>
      tpu.enqueue_indirect_dma source(%dma_start3A_1012 : memref<1000000x64xf32, #tpu.memory_space<hbm>>) target(%dma_start3A_1006 : memref<64x64xf32, #tpu.memory_space<vmem>>) offsets(%dma_start3A_1009 : memref<64xi32, #tpu.memory_space<vmem>>) semaphore(%arg13 : memref<!tpu.dma_semaphore, #tpu.memory_space<semaphore_mem>>)
      %mul3A_1013 = arith.constant 8 : i32
      %mul3A_1014 = arith.muli %scan3A_838, %mul3A_1013 : i32
      %add3A_1015 = arith.constant 3 : i32
      %add3A_1016 = arith.addi %mul3A_1014, %add3A_1015 : i32
      %dma_wait3A_1017 = arith.constant 0 : i32
      %dma_wait3A_1018 = arith.constant 3 : i32
      %dma_wait3A_1019 = arith.constant 0 : i32
      %dma_wait3A_1020 = arith.constant 0 : i32
      %dma_wait3A_1021 = tpu.memref_slice %arg6[%dma_wait3A_1018, %dma_wait3A_1019, %dma_wait3A_1020] : memref<8x64x64xf32, #tpu.memory_space<vmem>> -> memref<1x64x64xf32, #tpu.memory_space<vmem>>
      %dma_wait3A_1022 = tpu.memref_squeeze %dma_wait3A_1021 : memref<1x64x64xf32, #tpu.memory_space<vmem>> -> memref<64x64xf32, #tpu.memory_space<vmem>>
      %dma_wait3A_1023 = arith.constant 0 : i32
      %dma_wait3A_1024 = tpu.memref_slice %arg5[%dma_wait3A_1017, %dma_wait3A_1023] : memref<200x64xi32, #tpu.memory_space<vmem>> -> memref<1x64xi32, #tpu.memory_space<vmem>>
      %dma_wait3A_1025 = tpu.memref_squeeze %dma_wait3A_1024 : memref<1x64xi32, #tpu.memory_space<vmem>> -> memref<64xi32, #tpu.memory_space<vmem>>
      %dma_wait3A_1026 = arith.constant 0 : i32
      %dma_wait3A_1027 = arith.constant 0 : i32
      %dma_wait3A_1028 = tpu.memref_slice %arg2[%dma_wait3A_1026, %dma_wait3A_1027] : memref<1000000x64xf32, #tpu.memory_space<hbm>> -> memref<1000000x64xf32, #tpu.memory_space<hbm>>
      tpu.wait_indirect_dma semaphore(%arg10 : memref<!tpu.dma_semaphore, #tpu.memory_space<semaphore_mem>>) src(%dma_wait3A_1028 : memref<1000000x64xf32, #tpu.memory_space<hbm>>) dst(%dma_wait3A_1022 : memref<64x64xf32, #tpu.memory_space<vmem>>)
      %mul3A_1029 = arith.constant 64 : i32
      %mul3A_1030 = arith.muli %add3A_1016, %mul3A_1029 : i32
      %add3A_1031 = arith.addi %mul3A_2, %mul3A_1030 : i32
      %dma_start3A_1032 = arith.constant 3 : i32
      %dma_start3A_1033 = arith.constant 0 : i32
      %dma_start3A_1034 = arith.constant 0 : i32
      %dma_start3A_1035 = tpu.memref_slice %arg6[%dma_start3A_1032, %dma_start3A_1033, %dma_start3A_1034] : memref<8x64x64xf32, #tpu.memory_space<vmem>> -> memref<1x64x64xf32, #tpu.memory_space<vmem>>
      %dma_start3A_1036 = tpu.memref_squeeze %dma_start3A_1035 : memref<1x64x64xf32, #tpu.memory_space<vmem>> -> memref<64x64xf32, #tpu.memory_space<vmem>>
      %dma_start3A_1037 = arith.constant 0 : i32
      %dma_start3A_1038 = tpu.memref_slice %arg4[%add3A_1031, %dma_start3A_1037] : memref<409600x64xf32, #tpu.memory_space<hbm>> -> memref<64x64xf32, #tpu.memory_space<hbm>>
      %dma_start3A_1039 = arith.constant 0 : i32
      %dma_start3A_1040 = tpu.memref_slice %arg4[%add3A_1031, %dma_start3A_1039] : memref<409600x64xf32, #tpu.memory_space<hbm>> -> memref<64x64xf32, #tpu.memory_space<hbm>>
      %dma_start3A_1041 = arith.constant 0 : i32
      %dma_start3A_1042 = arith.constant 0 : i32
      %dma_start3A_1043 = tpu.memref_slice %arg6[%dma_start3A_1032, %dma_start3A_1041, %dma_start3A_1042] : memref<8x64x64xf32, #tpu.memory_space<vmem>> -> memref<1x64x64xf32, #tpu.memory_space<vmem>>
      %dma_start3A_1044 = tpu.memref_squeeze %dma_start3A_1043 : memref<1x64x64xf32, #tpu.memory_space<vmem>> -> memref<64x64xf32, #tpu.memory_space<vmem>>
      tpu.enqueue_dma source(%dma_start3A_1044 : memref<64x64xf32, #tpu.memory_space<vmem>>) target(%dma_start3A_1040 : memref<64x64xf32, #tpu.memory_space<hbm>>) target_semaphore(%arg18 : memref<!tpu.dma_semaphore, #tpu.memory_space<semaphore_mem>>)
      %dma_wait3A_1045 = arith.constant 7 : i32
      %dma_wait3A_1046 = arith.constant 0 : i32
      %dma_wait3A_1047 = arith.constant 0 : i32
      %dma_wait3A_1048 = tpu.memref_slice %arg6[%dma_wait3A_1045, %dma_wait3A_1046, %dma_wait3A_1047] : memref<8x64x64xf32, #tpu.memory_space<vmem>> -> memref<1x64x64xf32, #tpu.memory_space<vmem>>
      %dma_wait3A_1049 = tpu.memref_squeeze %dma_wait3A_1048 : memref<1x64x64xf32, #tpu.memory_space<vmem>> -> memref<64x64xf32, #tpu.memory_space<vmem>>
      %dma_wait3A_1050 = arith.constant 0 : i32
      %dma_wait3A_1051 = tpu.memref_slice %arg4[%mul3A_2, %dma_wait3A_1050] : memref<409600x64xf32, #tpu.memory_space<hbm>> -> memref<64x64xf32, #tpu.memory_space<hbm>>
      %dma_wait3A_1052 = arith.constant 0 : i32
      %dma_wait3A_1053 = tpu.memref_slice %arg4[%mul3A_2, %dma_wait3A_1052] : memref<409600x64xf32, #tpu.memory_space<hbm>> -> memref<64x64xf32, #tpu.memory_space<hbm>>
      %dma_wait3A_1054 = arith.constant 0 : i32
      %dma_wait3A_1055 = arith.constant 0 : i32
      %dma_wait3A_1056 = tpu.memref_slice %arg6[%dma_wait3A_1045, %dma_wait3A_1054, %dma_wait3A_1055] : memref<8x64x64xf32, #tpu.memory_space<vmem>> -> memref<1x64x64xf32, #tpu.memory_space<vmem>>
      %dma_wait3A_1057 = tpu.memref_squeeze %dma_wait3A_1056 : memref<1x64x64xf32, #tpu.memory_space<vmem>> -> memref<64x64xf32, #tpu.memory_space<vmem>>
      tpu.wait_dma2 semaphore(%arg22 : memref<!tpu.dma_semaphore, #tpu.memory_space<semaphore_mem>>) src(%dma_wait3A_1057 : memref<64x64xf32, #tpu.memory_space<vmem>>) dst(%dma_wait3A_1053 : memref<64x64xf32, #tpu.memory_space<hbm>>)
      %add3A_1058 = arith.constant 4 : i32
      %add3A_1059 = arith.addi %add3A_1016, %add3A_1058 : i32
      %dma_start3A_1060 = arith.constant 7 : i32
      %dma_start3A_1061 = arith.constant 0 : i32
      %dma_start3A_1062 = arith.constant 0 : i32
      %dma_start3A_1063 = tpu.memref_slice %arg6[%dma_start3A_1060, %dma_start3A_1061, %dma_start3A_1062] : memref<8x64x64xf32, #tpu.memory_space<vmem>> -> memref<1x64x64xf32, #tpu.memory_space<vmem>>
      %dma_start3A_1064 = tpu.memref_squeeze %dma_start3A_1063 : memref<1x64x64xf32, #tpu.memory_space<vmem>> -> memref<64x64xf32, #tpu.memory_space<vmem>>
      %dma_start3A_1065 = arith.constant 0 : i32
      %dma_start3A_1066 = tpu.memref_slice %arg5[%add3A_1059, %dma_start3A_1065] : memref<200x64xi32, #tpu.memory_space<vmem>> -> memref<1x64xi32, #tpu.memory_space<vmem>>
      %dma_start3A_1067 = tpu.memref_squeeze %dma_start3A_1066 : memref<1x64xi32, #tpu.memory_space<vmem>> -> memref<64xi32, #tpu.memory_space<vmem>>
      %dma_start3A_1068 = arith.constant 0 : i32
      %dma_start3A_1069 = arith.constant 0 : i32
      %dma_start3A_1070 = tpu.memref_slice %arg2[%dma_start3A_1068, %dma_start3A_1069] : memref<1000000x64xf32, #tpu.memory_space<hbm>> -> memref<1000000x64xf32, #tpu.memory_space<hbm>>
      tpu.enqueue_indirect_dma source(%dma_start3A_1070 : memref<1000000x64xf32, #tpu.memory_space<hbm>>) target(%dma_start3A_1064 : memref<64x64xf32, #tpu.memory_space<vmem>>) offsets(%dma_start3A_1067 : memref<64xi32, #tpu.memory_space<vmem>>) semaphore(%arg14 : memref<!tpu.dma_semaphore, #tpu.memory_space<semaphore_mem>>)
      %mul3A_1071 = arith.constant 8 : i32
      %mul3A_1072 = arith.muli %scan3A_838, %mul3A_1071 : i32
      %add3A_1073 = arith.constant 4 : i32
      %add3A_1074 = arith.addi %mul3A_1072, %add3A_1073 : i32
      %dma_wait3A_1075 = arith.constant 0 : i32
      %dma_wait3A_1076 = arith.constant 4 : i32
      %dma_wait3A_1077 = arith.constant 0 : i32
      %dma_wait3A_1078 = arith.constant 0 : i32
      %dma_wait3A_1079 = tpu.memref_slice %arg6[%dma_wait3A_1076, %dma_wait3A_1077, %dma_wait3A_1078] : memref<8x64x64xf32, #tpu.memory_space<vmem>> -> memref<1x64x64xf32, #tpu.memory_space<vmem>>
      %dma_wait3A_1080 = tpu.memref_squeeze %dma_wait3A_1079 : memref<1x64x64xf32, #tpu.memory_space<vmem>> -> memref<64x64xf32, #tpu.memory_space<vmem>>
      %dma_wait3A_1081 = arith.constant 0 : i32
      %dma_wait3A_1082 = tpu.memref_slice %arg5[%dma_wait3A_1075, %dma_wait3A_1081] : memref<200x64xi32, #tpu.memory_space<vmem>> -> memref<1x64xi32, #tpu.memory_space<vmem>>
      %dma_wait3A_1083 = tpu.memref_squeeze %dma_wait3A_1082 : memref<1x64xi32, #tpu.memory_space<vmem>> -> memref<64xi32, #tpu.memory_space<vmem>>
      %dma_wait3A_1084 = arith.constant 0 : i32
      %dma_wait3A_1085 = arith.constant 0 : i32
      %dma_wait3A_1086 = tpu.memref_slice %arg2[%dma_wait3A_1084, %dma_wait3A_1085] : memref<1000000x64xf32, #tpu.memory_space<hbm>> -> memref<1000000x64xf32, #tpu.memory_space<hbm>>
      tpu.wait_indirect_dma semaphore(%arg11 : memref<!tpu.dma_semaphore, #tpu.memory_space<semaphore_mem>>) src(%dma_wait3A_1086 : memref<1000000x64xf32, #tpu.memory_space<hbm>>) dst(%dma_wait3A_1080 : memref<64x64xf32, #tpu.memory_space<vmem>>)
      %mul3A_1087 = arith.constant 64 : i32
      %mul3A_1088 = arith.muli %add3A_1074, %mul3A_1087 : i32
      %add3A_1089 = arith.addi %mul3A_2, %mul3A_1088 : i32
      %dma_start3A_1090 = arith.constant 4 : i32
      %dma_start3A_1091 = arith.constant 0 : i32
      %dma_start3A_1092 = arith.constant 0 : i32
      %dma_start3A_1093 = tpu.memref_slice %arg6[%dma_start3A_1090, %dma_start3A_1091, %dma_start3A_1092] : memref<8x64x64xf32, #tpu.memory_space<vmem>> -> memref<1x64x64xf32, #tpu.memory_space<vmem>>
      %dma_start3A_1094 = tpu.memref_squeeze %dma_start3A_1093 : memref<1x64x64xf32, #tpu.memory_space<vmem>> -> memref<64x64xf32, #tpu.memory_space<vmem>>
      %dma_start3A_1095 = arith.constant 0 : i32
      %dma_start3A_1096 = tpu.memref_slice %arg4[%add3A_1089, %dma_start3A_1095] : memref<409600x64xf32, #tpu.memory_space<hbm>> -> memref<64x64xf32, #tpu.memory_space<hbm>>
      %dma_start3A_1097 = arith.constant 0 : i32
      %dma_start3A_1098 = tpu.memref_slice %arg4[%add3A_1089, %dma_start3A_1097] : memref<409600x64xf32, #tpu.memory_space<hbm>> -> memref<64x64xf32, #tpu.memory_space<hbm>>
      %dma_start3A_1099 = arith.constant 0 : i32
      %dma_start3A_1100 = arith.constant 0 : i32
      %dma_start3A_1101 = tpu.memref_slice %arg6[%dma_start3A_1090, %dma_start3A_1099, %dma_start3A_1100] : memref<8x64x64xf32, #tpu.memory_space<vmem>> -> memref<1x64x64xf32, #tpu.memory_space<vmem>>
      %dma_start3A_1102 = tpu.memref_squeeze %dma_start3A_1101 : memref<1x64x64xf32, #tpu.memory_space<vmem>> -> memref<64x64xf32, #tpu.memory_space<vmem>>
      tpu.enqueue_dma source(%dma_start3A_1102 : memref<64x64xf32, #tpu.memory_space<vmem>>) target(%dma_start3A_1098 : memref<64x64xf32, #tpu.memory_space<hbm>>) target_semaphore(%arg19 : memref<!tpu.dma_semaphore, #tpu.memory_space<semaphore_mem>>)
      %dma_wait3A_1103 = arith.constant 0 : i32
      %dma_wait3A_1104 = arith.constant 0 : i32
      %dma_wait3A_1105 = arith.constant 0 : i32
      %dma_wait3A_1106 = tpu.memref_slice %arg6[%dma_wait3A_1103, %dma_wait3A_1104, %dma_wait3A_1105] : memref<8x64x64xf32, #tpu.memory_space<vmem>> -> memref<1x64x64xf32, #tpu.memory_space<vmem>>
      %dma_wait3A_1107 = tpu.memref_squeeze %dma_wait3A_1106 : memref<1x64x64xf32, #tpu.memory_space<vmem>> -> memref<64x64xf32, #tpu.memory_space<vmem>>
      %dma_wait3A_1108 = arith.constant 0 : i32
      %dma_wait3A_1109 = tpu.memref_slice %arg4[%mul3A_2, %dma_wait3A_1108] : memref<409600x64xf32, #tpu.memory_space<hbm>> -> memref<64x64xf32, #tpu.memory_space<hbm>>
      %dma_wait3A_1110 = arith.constant 0 : i32
      %dma_wait3A_1111 = tpu.memref_slice %arg4[%mul3A_2, %dma_wait3A_1110] : memref<409600x64xf32, #tpu.memory_space<hbm>> -> memref<64x64xf32, #tpu.memory_space<hbm>>
      %dma_wait3A_1112 = arith.constant 0 : i32
      %dma_wait3A_1113 = arith.constant 0 : i32
      %dma_wait3A_1114 = tpu.memref_slice %arg6[%dma_wait3A_1103, %dma_wait3A_1112, %dma_wait3A_1113] : memref<8x64x64xf32, #tpu.memory_space<vmem>> -> memref<1x64x64xf32, #tpu.memory_space<vmem>>
      %dma_wait3A_1115 = tpu.memref_squeeze %dma_wait3A_1114 : memref<1x64x64xf32, #tpu.memory_space<vmem>> -> memref<64x64xf32, #tpu.memory_space<vmem>>
      tpu.wait_dma2 semaphore(%arg15 : memref<!tpu.dma_semaphore, #tpu.memory_space<semaphore_mem>>) src(%dma_wait3A_1115 : memref<64x64xf32, #tpu.memory_space<vmem>>) dst(%dma_wait3A_1111 : memref<64x64xf32, #tpu.memory_space<hbm>>)
      %add3A_1116 = arith.constant 4 : i32
      %add3A_1117 = arith.addi %add3A_1074, %add3A_1116 : i32
      %dma_start3A_1118 = arith.constant 0 : i32
      %dma_start3A_1119 = arith.constant 0 : i32
      %dma_start3A_1120 = arith.constant 0 : i32
      %dma_start3A_1121 = tpu.memref_slice %arg6[%dma_start3A_1118, %dma_start3A_1119, %dma_start3A_1120] : memref<8x64x64xf32, #tpu.memory_space<vmem>> -> memref<1x64x64xf32, #tpu.memory_space<vmem>>
      %dma_start3A_1122 = tpu.memref_squeeze %dma_start3A_1121 : memref<1x64x64xf32, #tpu.memory_space<vmem>> -> memref<64x64xf32, #tpu.memory_space<vmem>>
      %dma_start3A_1123 = arith.constant 0 : i32
      %dma_start3A_1124 = tpu.memref_slice %arg5[%add3A_1117, %dma_start3A_1123] : memref<200x64xi32, #tpu.memory_space<vmem>> -> memref<1x64xi32, #tpu.memory_space<vmem>>
      %dma_start3A_1125 = tpu.memref_squeeze %dma_start3A_1124 : memref<1x64xi32, #tpu.memory_space<vmem>> -> memref<64xi32, #tpu.memory_space<vmem>>
      %dma_start3A_1126 = arith.constant 0 : i32
      %dma_start3A_1127 = arith.constant 0 : i32
      %dma_start3A_1128 = tpu.memref_slice %arg2[%dma_start3A_1126, %dma_start3A_1127] : memref<1000000x64xf32, #tpu.memory_space<hbm>> -> memref<1000000x64xf32, #tpu.memory_space<hbm>>
      tpu.enqueue_indirect_dma source(%dma_start3A_1128 : memref<1000000x64xf32, #tpu.memory_space<hbm>>) target(%dma_start3A_1122 : memref<64x64xf32, #tpu.memory_space<vmem>>) offsets(%dma_start3A_1125 : memref<64xi32, #tpu.memory_space<vmem>>) semaphore(%arg7 : memref<!tpu.dma_semaphore, #tpu.memory_space<semaphore_mem>>)
      %mul3A_1129 = arith.constant 8 : i32
      %mul3A_1130 = arith.muli %scan3A_838, %mul3A_1129 : i32
      %add3A_1131 = arith.constant 5 : i32
      %add3A_1132 = arith.addi %mul3A_1130, %add3A_1131 : i32
      %dma_wait3A_1133 = arith.constant 0 : i32
      %dma_wait3A_1134 = arith.constant 5 : i32
      %dma_wait3A_1135 = arith.constant 0 : i32
      %dma_wait3A_1136 = arith.constant 0 : i32
      %dma_wait3A_1137 = tpu.memref_slice %arg6[%dma_wait3A_1134, %dma_wait3A_1135, %dma_wait3A_1136] : memref<8x64x64xf32, #tpu.memory_space<vmem>> -> memref<1x64x64xf32, #tpu.memory_space<vmem>>
      %dma_wait3A_1138 = tpu.memref_squeeze %dma_wait3A_1137 : memref<1x64x64xf32, #tpu.memory_space<vmem>> -> memref<64x64xf32, #tpu.memory_space<vmem>>
      %dma_wait3A_1139 = arith.constant 0 : i32
      %dma_wait3A_1140 = tpu.memref_slice %arg5[%dma_wait3A_1133, %dma_wait3A_1139] : memref<200x64xi32, #tpu.memory_space<vmem>> -> memref<1x64xi32, #tpu.memory_space<vmem>>
      %dma_wait3A_1141 = tpu.memref_squeeze %dma_wait3A_1140 : memref<1x64xi32, #tpu.memory_space<vmem>> -> memref<64xi32, #tpu.memory_space<vmem>>
      %dma_wait3A_1142 = arith.constant 0 : i32
      %dma_wait3A_1143 = arith.constant 0 : i32
      %dma_wait3A_1144 = tpu.memref_slice %arg2[%dma_wait3A_1142, %dma_wait3A_1143] : memref<1000000x64xf32, #tpu.memory_space<hbm>> -> memref<1000000x64xf32, #tpu.memory_space<hbm>>
      tpu.wait_indirect_dma semaphore(%arg12 : memref<!tpu.dma_semaphore, #tpu.memory_space<semaphore_mem>>) src(%dma_wait3A_1144 : memref<1000000x64xf32, #tpu.memory_space<hbm>>) dst(%dma_wait3A_1138 : memref<64x64xf32, #tpu.memory_space<vmem>>)
      %mul3A_1145 = arith.constant 64 : i32
      %mul3A_1146 = arith.muli %add3A_1132, %mul3A_1145 : i32
      %add3A_1147 = arith.addi %mul3A_2, %mul3A_1146 : i32
      %dma_start3A_1148 = arith.constant 5 : i32
      %dma_start3A_1149 = arith.constant 0 : i32
      %dma_start3A_1150 = arith.constant 0 : i32
      %dma_start3A_1151 = tpu.memref_slice %arg6[%dma_start3A_1148, %dma_start3A_1149, %dma_start3A_1150] : memref<8x64x64xf32, #tpu.memory_space<vmem>> -> memref<1x64x64xf32, #tpu.memory_space<vmem>>
      %dma_start3A_1152 = tpu.memref_squeeze %dma_start3A_1151 : memref<1x64x64xf32, #tpu.memory_space<vmem>> -> memref<64x64xf32, #tpu.memory_space<vmem>>
      %dma_start3A_1153 = arith.constant 0 : i32
      %dma_start3A_1154 = tpu.memref_slice %arg4[%add3A_1147, %dma_start3A_1153] : memref<409600x64xf32, #tpu.memory_space<hbm>> -> memref<64x64xf32, #tpu.memory_space<hbm>>
      %dma_start3A_1155 = arith.constant 0 : i32
      %dma_start3A_1156 = tpu.memref_slice %arg4[%add3A_1147, %dma_start3A_1155] : memref<409600x64xf32, #tpu.memory_space<hbm>> -> memref<64x64xf32, #tpu.memory_space<hbm>>
      %dma_start3A_1157 = arith.constant 0 : i32
      %dma_start3A_1158 = arith.constant 0 : i32
      %dma_start3A_1159 = tpu.memref_slice %arg6[%dma_start3A_1148, %dma_start3A_1157, %dma_start3A_1158] : memref<8x64x64xf32, #tpu.memory_space<vmem>> -> memref<1x64x64xf32, #tpu.memory_space<vmem>>
      %dma_start3A_1160 = tpu.memref_squeeze %dma_start3A_1159 : memref<1x64x64xf32, #tpu.memory_space<vmem>> -> memref<64x64xf32, #tpu.memory_space<vmem>>
      tpu.enqueue_dma source(%dma_start3A_1160 : memref<64x64xf32, #tpu.memory_space<vmem>>) target(%dma_start3A_1156 : memref<64x64xf32, #tpu.memory_space<hbm>>) target_semaphore(%arg20 : memref<!tpu.dma_semaphore, #tpu.memory_space<semaphore_mem>>)
      %dma_wait3A_1161 = arith.constant 1 : i32
      %dma_wait3A_1162 = arith.constant 0 : i32
      %dma_wait3A_1163 = arith.constant 0 : i32
      %dma_wait3A_1164 = tpu.memref_slice %arg6[%dma_wait3A_1161, %dma_wait3A_1162, %dma_wait3A_1163] : memref<8x64x64xf32, #tpu.memory_space<vmem>> -> memref<1x64x64xf32, #tpu.memory_space<vmem>>
      %dma_wait3A_1165 = tpu.memref_squeeze %dma_wait3A_1164 : memref<1x64x64xf32, #tpu.memory_space<vmem>> -> memref<64x64xf32, #tpu.memory_space<vmem>>
      %dma_wait3A_1166 = arith.constant 0 : i32
      %dma_wait3A_1167 = tpu.memref_slice %arg4[%mul3A_2, %dma_wait3A_1166] : memref<409600x64xf32, #tpu.memory_space<hbm>> -> memref<64x64xf32, #tpu.memory_space<hbm>>
      %dma_wait3A_1168 = arith.constant 0 : i32
      %dma_wait3A_1169 = tpu.memref_slice %arg4[%mul3A_2, %dma_wait3A_1168] : memref<409600x64xf32, #tpu.memory_space<hbm>> -> memref<64x64xf32, #tpu.memory_space<hbm>>
      %dma_wait3A_1170 = arith.constant 0 : i32
      %dma_wait3A_1171 = arith.constant 0 : i32
      %dma_wait3A_1172 = tpu.memref_slice %arg6[%dma_wait3A_1161, %dma_wait3A_1170, %dma_wait3A_1171] : memref<8x64x64xf32, #tpu.memory_space<vmem>> -> memref<1x64x64xf32, #tpu.memory_space<vmem>>
      %dma_wait3A_1173 = tpu.memref_squeeze %dma_wait3A_1172 : memref<1x64x64xf32, #tpu.memory_space<vmem>> -> memref<64x64xf32, #tpu.memory_space<vmem>>
      tpu.wait_dma2 semaphore(%arg16 : memref<!tpu.dma_semaphore, #tpu.memory_space<semaphore_mem>>) src(%dma_wait3A_1173 : memref<64x64xf32, #tpu.memory_space<vmem>>) dst(%dma_wait3A_1169 : memref<64x64xf32, #tpu.memory_space<hbm>>)
      %add3A_1174 = arith.constant 4 : i32
      %add3A_1175 = arith.addi %add3A_1132, %add3A_1174 : i32
      %dma_start3A_1176 = arith.constant 1 : i32
      %dma_start3A_1177 = arith.constant 0 : i32
      %dma_start3A_1178 = arith.constant 0 : i32
      %dma_start3A_1179 = tpu.memref_slice %arg6[%dma_start3A_1176, %dma_start3A_1177, %dma_start3A_1178] : memref<8x64x64xf32, #tpu.memory_space<vmem>> -> memref<1x64x64xf32, #tpu.memory_space<vmem>>
      %dma_start3A_1180 = tpu.memref_squeeze %dma_start3A_1179 : memref<1x64x64xf32, #tpu.memory_space<vmem>> -> memref<64x64xf32, #tpu.memory_space<vmem>>
      %dma_start3A_1181 = arith.constant 0 : i32
      %dma_start3A_1182 = tpu.memref_slice %arg5[%add3A_1175, %dma_start3A_1181] : memref<200x64xi32, #tpu.memory_space<vmem>> -> memref<1x64xi32, #tpu.memory_space<vmem>>
      %dma_start3A_1183 = tpu.memref_squeeze %dma_start3A_1182 : memref<1x64xi32, #tpu.memory_space<vmem>> -> memref<64xi32, #tpu.memory_space<vmem>>
      %dma_start3A_1184 = arith.constant 0 : i32
      %dma_start3A_1185 = arith.constant 0 : i32
      %dma_start3A_1186 = tpu.memref_slice %arg2[%dma_start3A_1184, %dma_start3A_1185] : memref<1000000x64xf32, #tpu.memory_space<hbm>> -> memref<1000000x64xf32, #tpu.memory_space<hbm>>
      tpu.enqueue_indirect_dma source(%dma_start3A_1186 : memref<1000000x64xf32, #tpu.memory_space<hbm>>) target(%dma_start3A_1180 : memref<64x64xf32, #tpu.memory_space<vmem>>) offsets(%dma_start3A_1183 : memref<64xi32, #tpu.memory_space<vmem>>) semaphore(%arg8 : memref<!tpu.dma_semaphore, #tpu.memory_space<semaphore_mem>>)
      %mul3A_1187 = arith.constant 8 : i32
      %mul3A_1188 = arith.muli %scan3A_838, %mul3A_1187 : i32
      %add3A_1189 = arith.constant 6 : i32
      %add3A_1190 = arith.addi %mul3A_1188, %add3A_1189 : i32
      %dma_wait3A_1191 = arith.constant 0 : i32
      %dma_wait3A_1192 = arith.constant 6 : i32
      %dma_wait3A_1193 = arith.constant 0 : i32
      %dma_wait3A_1194 = arith.constant 0 : i32
      %dma_wait3A_1195 = tpu.memref_slice %arg6[%dma_wait3A_1192, %dma_wait3A_1193, %dma_wait3A_1194] : memref<8x64x64xf32, #tpu.memory_space<vmem>> -> memref<1x64x64xf32, #tpu.memory_space<vmem>>
      %dma_wait3A_1196 = tpu.memref_squeeze %dma_wait3A_1195 : memref<1x64x64xf32, #tpu.memory_space<vmem>> -> memref<64x64xf32, #tpu.memory_space<vmem>>
      %dma_wait3A_1197 = arith.constant 0 : i32
      %dma_wait3A_1198 = tpu.memref_slice %arg5[%dma_wait3A_1191, %dma_wait3A_1197] : memref<200x64xi32, #tpu.memory_space<vmem>> -> memref<1x64xi32, #tpu.memory_space<vmem>>
      %dma_wait3A_1199 = tpu.memref_squeeze %dma_wait3A_1198 : memref<1x64xi32, #tpu.memory_space<vmem>> -> memref<64xi32, #tpu.memory_space<vmem>>
      %dma_wait3A_1200 = arith.constant 0 : i32
      %dma_wait3A_1201 = arith.constant 0 : i32
      %dma_wait3A_1202 = tpu.memref_slice %arg2[%dma_wait3A_1200, %dma_wait3A_1201] : memref<1000000x64xf32, #tpu.memory_space<hbm>> -> memref<1000000x64xf32, #tpu.memory_space<hbm>>
      tpu.wait_indirect_dma semaphore(%arg13 : memref<!tpu.dma_semaphore, #tpu.memory_space<semaphore_mem>>) src(%dma_wait3A_1202 : memref<1000000x64xf32, #tpu.memory_space<hbm>>) dst(%dma_wait3A_1196 : memref<64x64xf32, #tpu.memory_space<vmem>>)
      %mul3A_1203 = arith.constant 64 : i32
      %mul3A_1204 = arith.muli %add3A_1190, %mul3A_1203 : i32
      %add3A_1205 = arith.addi %mul3A_2, %mul3A_1204 : i32
      %dma_start3A_1206 = arith.constant 6 : i32
      %dma_start3A_1207 = arith.constant 0 : i32
      %dma_start3A_1208 = arith.constant 0 : i32
      %dma_start3A_1209 = tpu.memref_slice %arg6[%dma_start3A_1206, %dma_start3A_1207, %dma_start3A_1208] : memref<8x64x64xf32, #tpu.memory_space<vmem>> -> memref<1x64x64xf32, #tpu.memory_space<vmem>>
      %dma_start3A_1210 = tpu.memref_squeeze %dma_start3A_1209 : memref<1x64x64xf32, #tpu.memory_space<vmem>> -> memref<64x64xf32, #tpu.memory_space<vmem>>
      %dma_start3A_1211 = arith.constant 0 : i32
      %dma_start3A_1212 = tpu.memref_slice %arg4[%add3A_1205, %dma_start3A_1211] : memref<409600x64xf32, #tpu.memory_space<hbm>> -> memref<64x64xf32, #tpu.memory_space<hbm>>
      %dma_start3A_1213 = arith.constant 0 : i32
      %dma_start3A_1214 = tpu.memref_slice %arg4[%add3A_1205, %dma_start3A_1213] : memref<409600x64xf32, #tpu.memory_space<hbm>> -> memref<64x64xf32, #tpu.memory_space<hbm>>
      %dma_start3A_1215 = arith.constant 0 : i32
      %dma_start3A_1216 = arith.constant 0 : i32
      %dma_start3A_1217 = tpu.memref_slice %arg6[%dma_start3A_1206, %dma_start3A_1215, %dma_start3A_1216] : memref<8x64x64xf32, #tpu.memory_space<vmem>> -> memref<1x64x64xf32, #tpu.memory_space<vmem>>
      %dma_start3A_1218 = tpu.memref_squeeze %dma_start3A_1217 : memref<1x64x64xf32, #tpu.memory_space<vmem>> -> memref<64x64xf32, #tpu.memory_space<vmem>>
      tpu.enqueue_dma source(%dma_start3A_1218 : memref<64x64xf32, #tpu.memory_space<vmem>>) target(%dma_start3A_1214 : memref<64x64xf32, #tpu.memory_space<hbm>>) target_semaphore(%arg21 : memref<!tpu.dma_semaphore, #tpu.memory_space<semaphore_mem>>)
      %dma_wait3A_1219 = arith.constant 2 : i32
      %dma_wait3A_1220 = arith.constant 0 : i32
      %dma_wait3A_1221 = arith.constant 0 : i32
      %dma_wait3A_1222 = tpu.memref_slice %arg6[%dma_wait3A_1219, %dma_wait3A_1220, %dma_wait3A_1221] : memref<8x64x64xf32, #tpu.memory_space<vmem>> -> memref<1x64x64xf32, #tpu.memory_space<vmem>>
      %dma_wait3A_1223 = tpu.memref_squeeze %dma_wait3A_1222 : memref<1x64x64xf32, #tpu.memory_space<vmem>> -> memref<64x64xf32, #tpu.memory_space<vmem>>
      %dma_wait3A_1224 = arith.constant 0 : i32
      %dma_wait3A_1225 = tpu.memref_slice %arg4[%mul3A_2, %dma_wait3A_1224] : memref<409600x64xf32, #tpu.memory_space<hbm>> -> memref<64x64xf32, #tpu.memory_space<hbm>>
      %dma_wait3A_1226 = arith.constant 0 : i32
      %dma_wait3A_1227 = tpu.memref_slice %arg4[%mul3A_2, %dma_wait3A_1226] : memref<409600x64xf32, #tpu.memory_space<hbm>> -> memref<64x64xf32, #tpu.memory_space<hbm>>
      %dma_wait3A_1228 = arith.constant 0 : i32
      %dma_wait3A_1229 = arith.constant 0 : i32
      %dma_wait3A_1230 = tpu.memref_slice %arg6[%dma_wait3A_1219, %dma_wait3A_1228, %dma_wait3A_1229] : memref<8x64x64xf32, #tpu.memory_space<vmem>> -> memref<1x64x64xf32, #tpu.memory_space<vmem>>
      %dma_wait3A_1231 = tpu.memref_squeeze %dma_wait3A_1230 : memref<1x64x64xf32, #tpu.memory_space<vmem>> -> memref<64x64xf32, #tpu.memory_space<vmem>>
      tpu.wait_dma2 semaphore(%arg17 : memref<!tpu.dma_semaphore, #tpu.memory_space<semaphore_mem>>) src(%dma_wait3A_1231 : memref<64x64xf32, #tpu.memory_space<vmem>>) dst(%dma_wait3A_1227 : memref<64x64xf32, #tpu.memory_space<hbm>>)
      %add3A_1232 = arith.constant 4 : i32
      %add3A_1233 = arith.addi %add3A_1190, %add3A_1232 : i32
      %dma_start3A_1234 = arith.constant 2 : i32
      %dma_start3A_1235 = arith.constant 0 : i32
      %dma_start3A_1236 = arith.constant 0 : i32
      %dma_start3A_1237 = tpu.memref_slice %arg6[%dma_start3A_1234, %dma_start3A_1235, %dma_start3A_1236] : memref<8x64x64xf32, #tpu.memory_space<vmem>> -> memref<1x64x64xf32, #tpu.memory_space<vmem>>
      %dma_start3A_1238 = tpu.memref_squeeze %dma_start3A_1237 : memref<1x64x64xf32, #tpu.memory_space<vmem>> -> memref<64x64xf32, #tpu.memory_space<vmem>>
      %dma_start3A_1239 = arith.constant 0 : i32
      %dma_start3A_1240 = tpu.memref_slice %arg5[%add3A_1233, %dma_start3A_1239] : memref<200x64xi32, #tpu.memory_space<vmem>> -> memref<1x64xi32, #tpu.memory_space<vmem>>
      %dma_start3A_1241 = tpu.memref_squeeze %dma_start3A_1240 : memref<1x64xi32, #tpu.memory_space<vmem>> -> memref<64xi32, #tpu.memory_space<vmem>>
      %dma_start3A_1242 = arith.constant 0 : i32
      %dma_start3A_1243 = arith.constant 0 : i32
      %dma_start3A_1244 = tpu.memref_slice %arg2[%dma_start3A_1242, %dma_start3A_1243] : memref<1000000x64xf32, #tpu.memory_space<hbm>> -> memref<1000000x64xf32, #tpu.memory_space<hbm>>
      tpu.enqueue_indirect_dma source(%dma_start3A_1244 : memref<1000000x64xf32, #tpu.memory_space<hbm>>) target(%dma_start3A_1238 : memref<64x64xf32, #tpu.memory_space<vmem>>) offsets(%dma_start3A_1241 : memref<64xi32, #tpu.memory_space<vmem>>) semaphore(%arg9 : memref<!tpu.dma_semaphore, #tpu.memory_space<semaphore_mem>>)
      %mul3A_1245 = arith.constant 8 : i32
      %mul3A_1246 = arith.muli %scan3A_838, %mul3A_1245 : i32
      %add3A_1247 = arith.constant 7 : i32
      %add3A_1248 = arith.addi %mul3A_1246, %add3A_1247 : i32
      %dma_wait3A_1249 = arith.constant 0 : i32
      %dma_wait3A_1250 = arith.constant 7 : i32
      %dma_wait3A_1251 = arith.constant 0 : i32
      %dma_wait3A_1252 = arith.constant 0 : i32
      %dma_wait3A_1253 = tpu.memref_slice %arg6[%dma_wait3A_1250, %dma_wait3A_1251, %dma_wait3A_1252] : memref<8x64x64xf32, #tpu.memory_space<vmem>> -> memref<1x64x64xf32, #tpu.memory_space<vmem>>
      %dma_wait3A_1254 = tpu.memref_squeeze %dma_wait3A_1253 : memref<1x64x64xf32, #tpu.memory_space<vmem>> -> memref<64x64xf32, #tpu.memory_space<vmem>>
      %dma_wait3A_1255 = arith.constant 0 : i32
      %dma_wait3A_1256 = tpu.memref_slice %arg5[%dma_wait3A_1249, %dma_wait3A_1255] : memref<200x64xi32, #tpu.memory_space<vmem>> -> memref<1x64xi32, #tpu.memory_space<vmem>>
      %dma_wait3A_1257 = tpu.memref_squeeze %dma_wait3A_1256 : memref<1x64xi32, #tpu.memory_space<vmem>> -> memref<64xi32, #tpu.memory_space<vmem>>
      %dma_wait3A_1258 = arith.constant 0 : i32
      %dma_wait3A_1259 = arith.constant 0 : i32
      %dma_wait3A_1260 = tpu.memref_slice %arg2[%dma_wait3A_1258, %dma_wait3A_1259] : memref<1000000x64xf32, #tpu.memory_space<hbm>> -> memref<1000000x64xf32, #tpu.memory_space<hbm>>
      tpu.wait_indirect_dma semaphore(%arg14 : memref<!tpu.dma_semaphore, #tpu.memory_space<semaphore_mem>>) src(%dma_wait3A_1260 : memref<1000000x64xf32, #tpu.memory_space<hbm>>) dst(%dma_wait3A_1254 : memref<64x64xf32, #tpu.memory_space<vmem>>)
      %mul3A_1261 = arith.constant 64 : i32
      %mul3A_1262 = arith.muli %add3A_1248, %mul3A_1261 : i32
      %add3A_1263 = arith.addi %mul3A_2, %mul3A_1262 : i32
      %dma_start3A_1264 = arith.constant 7 : i32
      %dma_start3A_1265 = arith.constant 0 : i32
      %dma_start3A_1266 = arith.constant 0 : i32
      %dma_start3A_1267 = tpu.memref_slice %arg6[%dma_start3A_1264, %dma_start3A_1265, %dma_start3A_1266] : memref<8x64x64xf32, #tpu.memory_space<vmem>> -> memref<1x64x64xf32, #tpu.memory_space<vmem>>
      %dma_start3A_1268 = tpu.memref_squeeze %dma_start3A_1267 : memref<1x64x64xf32, #tpu.memory_space<vmem>> -> memref<64x64xf32, #tpu.memory_space<vmem>>
      %dma_start3A_1269 = arith.constant 0 : i32
      %dma_start3A_1270 = tpu.memref_slice %arg4[%add3A_1263, %dma_start3A_1269] : memref<409600x64xf32, #tpu.memory_space<hbm>> -> memref<64x64xf32, #tpu.memory_space<hbm>>
      %dma_start3A_1271 = arith.constant 0 : i32
      %dma_start3A_1272 = tpu.memref_slice %arg4[%add3A_1263, %dma_start3A_1271] : memref<409600x64xf32, #tpu.memory_space<hbm>> -> memref<64x64xf32, #tpu.memory_space<hbm>>
      %dma_start3A_1273 = arith.constant 0 : i32
      %dma_start3A_1274 = arith.constant 0 : i32
      %dma_start3A_1275 = tpu.memref_slice %arg6[%dma_start3A_1264, %dma_start3A_1273, %dma_start3A_1274] : memref<8x64x64xf32, #tpu.memory_space<vmem>> -> memref<1x64x64xf32, #tpu.memory_space<vmem>>
      %dma_start3A_1276 = tpu.memref_squeeze %dma_start3A_1275 : memref<1x64x64xf32, #tpu.memory_space<vmem>> -> memref<64x64xf32, #tpu.memory_space<vmem>>
      tpu.enqueue_dma source(%dma_start3A_1276 : memref<64x64xf32, #tpu.memory_space<vmem>>) target(%dma_start3A_1272 : memref<64x64xf32, #tpu.memory_space<hbm>>) target_semaphore(%arg22 : memref<!tpu.dma_semaphore, #tpu.memory_space<semaphore_mem>>)
      %dma_wait3A_1277 = arith.constant 3 : i32
      %dma_wait3A_1278 = arith.constant 0 : i32
      %dma_wait3A_1279 = arith.constant 0 : i32
      %dma_wait3A_1280 = tpu.memref_slice %arg6[%dma_wait3A_1277, %dma_wait3A_1278, %dma_wait3A_1279] : memref<8x64x64xf32, #tpu.memory_space<vmem>> -> memref<1x64x64xf32, #tpu.memory_space<vmem>>
      %dma_wait3A_1281 = tpu.memref_squeeze %dma_wait3A_1280 : memref<1x64x64xf32, #tpu.memory_space<vmem>> -> memref<64x64xf32, #tpu.memory_space<vmem>>
      %dma_wait3A_1282 = arith.constant 0 : i32
      %dma_wait3A_1283 = tpu.memref_slice %arg4[%mul3A_2, %dma_wait3A_1282] : memref<409600x64xf32, #tpu.memory_space<hbm>> -> memref<64x64xf32, #tpu.memory_space<hbm>>
      %dma_wait3A_1284 = arith.constant 0 : i32
      %dma_wait3A_1285 = tpu.memref_slice %arg4[%mul3A_2, %dma_wait3A_1284] : memref<409600x64xf32, #tpu.memory_space<hbm>> -> memref<64x64xf32, #tpu.memory_space<hbm>>
      %dma_wait3A_1286 = arith.constant 0 : i32
      %dma_wait3A_1287 = arith.constant 0 : i32
      %dma_wait3A_1288 = tpu.memref_slice %arg6[%dma_wait3A_1277, %dma_wait3A_1286, %dma_wait3A_1287] : memref<8x64x64xf32, #tpu.memory_space<vmem>> -> memref<1x64x64xf32, #tpu.memory_space<vmem>>
      %dma_wait3A_1289 = tpu.memref_squeeze %dma_wait3A_1288 : memref<1x64x64xf32, #tpu.memory_space<vmem>> -> memref<64x64xf32, #tpu.memory_space<vmem>>
      tpu.wait_dma2 semaphore(%arg18 : memref<!tpu.dma_semaphore, #tpu.memory_space<semaphore_mem>>) src(%dma_wait3A_1289 : memref<64x64xf32, #tpu.memory_space<vmem>>) dst(%dma_wait3A_1285 : memref<64x64xf32, #tpu.memory_space<hbm>>)
      %add3A_1290 = arith.constant 4 : i32
      %add3A_1291 = arith.addi %add3A_1248, %add3A_1290 : i32
      %dma_start3A_1292 = arith.constant 3 : i32
      %dma_start3A_1293 = arith.constant 0 : i32
      %dma_start3A_1294 = arith.constant 0 : i32
      %dma_start3A_1295 = tpu.memref_slice %arg6[%dma_start3A_1292, %dma_start3A_1293, %dma_start3A_1294] : memref<8x64x64xf32, #tpu.memory_space<vmem>> -> memref<1x64x64xf32, #tpu.memory_space<vmem>>
      %dma_start3A_1296 = tpu.memref_squeeze %dma_start3A_1295 : memref<1x64x64xf32, #tpu.memory_space<vmem>> -> memref<64x64xf32, #tpu.memory_space<vmem>>
      %dma_start3A_1297 = arith.constant 0 : i32
      %dma_start3A_1298 = tpu.memref_slice %arg5[%add3A_1291, %dma_start3A_1297] : memref<200x64xi32, #tpu.memory_space<vmem>> -> memref<1x64xi32, #tpu.memory_space<vmem>>
      %dma_start3A_1299 = tpu.memref_squeeze %dma_start3A_1298 : memref<1x64xi32, #tpu.memory_space<vmem>> -> memref<64xi32, #tpu.memory_space<vmem>>
      %dma_start3A_1300 = arith.constant 0 : i32
      %dma_start3A_1301 = arith.constant 0 : i32
      %dma_start3A_1302 = tpu.memref_slice %arg2[%dma_start3A_1300, %dma_start3A_1301] : memref<1000000x64xf32, #tpu.memory_space<hbm>> -> memref<1000000x64xf32, #tpu.memory_space<hbm>>
      tpu.enqueue_indirect_dma source(%dma_start3A_1302 : memref<1000000x64xf32, #tpu.memory_space<hbm>>) target(%dma_start3A_1296 : memref<64x64xf32, #tpu.memory_space<vmem>>) offsets(%dma_start3A_1299 : memref<64xi32, #tpu.memory_space<vmem>>) semaphore(%arg10 : memref<!tpu.dma_semaphore, #tpu.memory_space<semaphore_mem>>)
    }
    %scan3A_417 = arith.constant 23 : i32
    %dma_wait3A_418 = arith.constant 0 : i32
    %dma_wait3A_419 = arith.constant 0 : i32
    %dma_wait3A_420 = arith.constant 0 : i32
    %dma_wait3A_421 = arith.constant 0 : i32
    %dma_wait3A_422 = tpu.memref_slice %arg6[%dma_wait3A_419, %dma_wait3A_420, %dma_wait3A_421] : memref<8x64x64xf32, #tpu.memory_space<vmem>> -> memref<1x64x64xf32, #tpu.memory_space<vmem>>
    %dma_wait3A_423 = tpu.memref_squeeze %dma_wait3A_422 : memref<1x64x64xf32, #tpu.memory_space<vmem>> -> memref<64x64xf32, #tpu.memory_space<vmem>>
    %dma_wait3A_424 = arith.constant 0 : i32
    %dma_wait3A_425 = tpu.memref_slice %arg5[%dma_wait3A_418, %dma_wait3A_424] : memref<200x64xi32, #tpu.memory_space<vmem>> -> memref<1x64xi32, #tpu.memory_space<vmem>>
    %dma_wait3A_426 = tpu.memref_squeeze %dma_wait3A_425 : memref<1x64xi32, #tpu.memory_space<vmem>> -> memref<64xi32, #tpu.memory_space<vmem>>
    %dma_wait3A_427 = arith.constant 0 : i32
    %dma_wait3A_428 = arith.constant 0 : i32
    %dma_wait3A_429 = tpu.memref_slice %arg2[%dma_wait3A_427, %dma_wait3A_428] : memref<1000000x64xf32, #tpu.memory_space<hbm>> -> memref<1000000x64xf32, #tpu.memory_space<hbm>>
    tpu.wait_indirect_dma semaphore(%arg7 : memref<!tpu.dma_semaphore, #tpu.memory_space<semaphore_mem>>) src(%dma_wait3A_429 : memref<1000000x64xf32, #tpu.memory_space<hbm>>) dst(%dma_wait3A_423 : memref<64x64xf32, #tpu.memory_space<vmem>>)
    %add3A_430 = arith.constant 12288 : i32
    %add3A_431 = arith.addi %mul3A_2, %add3A_430 : i32
    %dma_start3A_432 = arith.constant 0 : i32
    %dma_start3A_433 = arith.constant 0 : i32
    %dma_start3A_434 = arith.constant 0 : i32
    %dma_start3A_435 = tpu.memref_slice %arg6[%dma_start3A_432, %dma_start3A_433, %dma_start3A_434] : memref<8x64x64xf32, #tpu.memory_space<vmem>> -> memref<1x64x64xf32, #tpu.memory_space<vmem>>
    %dma_start3A_436 = tpu.memref_squeeze %dma_start3A_435 : memref<1x64x64xf32, #tpu.memory_space<vmem>> -> memref<64x64xf32, #tpu.memory_space<vmem>>
    %dma_start3A_437 = arith.constant 0 : i32
    %dma_start3A_438 = tpu.memref_slice %arg4[%add3A_431, %dma_start3A_437] : memref<409600x64xf32, #tpu.memory_space<hbm>> -> memref<64x64xf32, #tpu.memory_space<hbm>>
    %dma_start3A_439 = arith.constant 0 : i32
    %dma_start3A_440 = tpu.memref_slice %arg4[%add3A_431, %dma_start3A_439] : memref<409600x64xf32, #tpu.memory_space<hbm>> -> memref<64x64xf32, #tpu.memory_space<hbm>>
    %dma_start3A_441 = arith.constant 0 : i32
    %dma_start3A_442 = arith.constant 0 : i32
    %dma_start3A_443 = tpu.memref_slice %arg6[%dma_start3A_432, %dma_start3A_441, %dma_start3A_442] : memref<8x64x64xf32, #tpu.memory_space<vmem>> -> memref<1x64x64xf32, #tpu.memory_space<vmem>>
    %dma_start3A_444 = tpu.memref_squeeze %dma_start3A_443 : memref<1x64x64xf32, #tpu.memory_space<vmem>> -> memref<64x64xf32, #tpu.memory_space<vmem>>
    tpu.enqueue_dma source(%dma_start3A_444 : memref<64x64xf32, #tpu.memory_space<vmem>>) target(%dma_start3A_440 : memref<64x64xf32, #tpu.memory_space<hbm>>) target_semaphore(%arg15 : memref<!tpu.dma_semaphore, #tpu.memory_space<semaphore_mem>>)
    %dma_wait3A_445 = arith.constant 4 : i32
    %dma_wait3A_446 = arith.constant 0 : i32
    %dma_wait3A_447 = arith.constant 0 : i32
    %dma_wait3A_448 = tpu.memref_slice %arg6[%dma_wait3A_445, %dma_wait3A_446, %dma_wait3A_447] : memref<8x64x64xf32, #tpu.memory_space<vmem>> -> memref<1x64x64xf32, #tpu.memory_space<vmem>>
    %dma_wait3A_449 = tpu.memref_squeeze %dma_wait3A_448 : memref<1x64x64xf32, #tpu.memory_space<vmem>> -> memref<64x64xf32, #tpu.memory_space<vmem>>
    %dma_wait3A_450 = arith.constant 0 : i32
    %dma_wait3A_451 = tpu.memref_slice %arg4[%mul3A_2, %dma_wait3A_450] : memref<409600x64xf32, #tpu.memory_space<hbm>> -> memref<64x64xf32, #tpu.memory_space<hbm>>
    %dma_wait3A_452 = arith.constant 0 : i32
    %dma_wait3A_453 = tpu.memref_slice %arg4[%mul3A_2, %dma_wait3A_452] : memref<409600x64xf32, #tpu.memory_space<hbm>> -> memref<64x64xf32, #tpu.memory_space<hbm>>
    %dma_wait3A_454 = arith.constant 0 : i32
    %dma_wait3A_455 = arith.constant 0 : i32
    %dma_wait3A_456 = tpu.memref_slice %arg6[%dma_wait3A_445, %dma_wait3A_454, %dma_wait3A_455] : memref<8x64x64xf32, #tpu.memory_space<vmem>> -> memref<1x64x64xf32, #tpu.memory_space<vmem>>
    %dma_wait3A_457 = tpu.memref_squeeze %dma_wait3A_456 : memref<1x64x64xf32, #tpu.memory_space<vmem>> -> memref<64x64xf32, #tpu.memory_space<vmem>>
    tpu.wait_dma2 semaphore(%arg19 : memref<!tpu.dma_semaphore, #tpu.memory_space<semaphore_mem>>) src(%dma_wait3A_457 : memref<64x64xf32, #tpu.memory_space<vmem>>) dst(%dma_wait3A_453 : memref<64x64xf32, #tpu.memory_space<hbm>>)
    %dma_start3A_458 = arith.constant 196 : i32
    %dma_start3A_459 = arith.constant 4 : i32
    %dma_start3A_460 = arith.constant 0 : i32
    %dma_start3A_461 = arith.constant 0 : i32
    %dma_start3A_462 = tpu.memref_slice %arg6[%dma_start3A_459, %dma_start3A_460, %dma_start3A_461] : memref<8x64x64xf32, #tpu.memory_space<vmem>> -> memref<1x64x64xf32, #tpu.memory_space<vmem>>
    %dma_start3A_463 = tpu.memref_squeeze %dma_start3A_462 : memref<1x64x64xf32, #tpu.memory_space<vmem>> -> memref<64x64xf32, #tpu.memory_space<vmem>>
    %dma_start3A_464 = arith.constant 0 : i32
    %dma_start3A_465 = tpu.memref_slice %arg5[%dma_start3A_458, %dma_start3A_464] : memref<200x64xi32, #tpu.memory_space<vmem>> -> memref<1x64xi32, #tpu.memory_space<vmem>>
    %dma_start3A_466 = tpu.memref_squeeze %dma_start3A_465 : memref<1x64xi32, #tpu.memory_space<vmem>> -> memref<64xi32, #tpu.memory_space<vmem>>
    %dma_start3A_467 = arith.constant 0 : i32
    %dma_start3A_468 = arith.constant 0 : i32
    %dma_start3A_469 = tpu.memref_slice %arg2[%dma_start3A_467, %dma_start3A_468] : memref<1000000x64xf32, #tpu.memory_space<hbm>> -> memref<1000000x64xf32, #tpu.memory_space<hbm>>
    tpu.enqueue_indirect_dma source(%dma_start3A_469 : memref<1000000x64xf32, #tpu.memory_space<hbm>>) target(%dma_start3A_463 : memref<64x64xf32, #tpu.memory_space<vmem>>) offsets(%dma_start3A_466 : memref<64xi32, #tpu.memory_space<vmem>>) semaphore(%arg11 : memref<!tpu.dma_semaphore, #tpu.memory_space<semaphore_mem>>)
    %dma_wait3A_470 = arith.constant 0 : i32
    %dma_wait3A_471 = arith.constant 1 : i32
    %dma_wait3A_472 = arith.constant 0 : i32
    %dma_wait3A_473 = arith.constant 0 : i32
    %dma_wait3A_474 = tpu.memref_slice %arg6[%dma_wait3A_471, %dma_wait3A_472, %dma_wait3A_473] : memref<8x64x64xf32, #tpu.memory_space<vmem>> -> memref<1x64x64xf32, #tpu.memory_space<vmem>>
    %dma_wait3A_475 = tpu.memref_squeeze %dma_wait3A_474 : memref<1x64x64xf32, #tpu.memory_space<vmem>> -> memref<64x64xf32, #tpu.memory_space<vmem>>
    %dma_wait3A_476 = arith.constant 0 : i32
    %dma_wait3A_477 = tpu.memref_slice %arg5[%dma_wait3A_470, %dma_wait3A_476] : memref<200x64xi32, #tpu.memory_space<vmem>> -> memref<1x64xi32, #tpu.memory_space<vmem>>
    %dma_wait3A_478 = tpu.memref_squeeze %dma_wait3A_477 : memref<1x64xi32, #tpu.memory_space<vmem>> -> memref<64xi32, #tpu.memory_space<vmem>>
    %dma_wait3A_479 = arith.constant 0 : i32
    %dma_wait3A_480 = arith.constant 0 : i32
    %dma_wait3A_481 = tpu.memref_slice %arg2[%dma_wait3A_479, %dma_wait3A_480] : memref<1000000x64xf32, #tpu.memory_space<hbm>> -> memref<1000000x64xf32, #tpu.memory_space<hbm>>
    tpu.wait_indirect_dma semaphore(%arg8 : memref<!tpu.dma_semaphore, #tpu.memory_space<semaphore_mem>>) src(%dma_wait3A_481 : memref<1000000x64xf32, #tpu.memory_space<hbm>>) dst(%dma_wait3A_475 : memref<64x64xf32, #tpu.memory_space<vmem>>)
    %add3A_482 = arith.constant 12352 : i32
    %add3A_483 = arith.addi %mul3A_2, %add3A_482 : i32
    %dma_start3A_484 = arith.constant 1 : i32
    %dma_start3A_485 = arith.constant 0 : i32
    %dma_start3A_486 = arith.constant 0 : i32
    %dma_start3A_487 = tpu.memref_slice %arg6[%dma_start3A_484, %dma_start3A_485, %dma_start3A_486] : memref<8x64x64xf32, #tpu.memory_space<vmem>> -> memref<1x64x64xf32, #tpu.memory_space<vmem>>
    %dma_start3A_488 = tpu.memref_squeeze %dma_start3A_487 : memref<1x64x64xf32, #tpu.memory_space<vmem>> -> memref<64x64xf32, #tpu.memory_space<vmem>>
    %dma_start3A_489 = arith.constant 0 : i32
    %dma_start3A_490 = tpu.memref_slice %arg4[%add3A_483, %dma_start3A_489] : memref<409600x64xf32, #tpu.memory_space<hbm>> -> memref<64x64xf32, #tpu.memory_space<hbm>>
    %dma_start3A_491 = arith.constant 0 : i32
    %dma_start3A_492 = tpu.memref_slice %arg4[%add3A_483, %dma_start3A_491] : memref<409600x64xf32, #tpu.memory_space<hbm>> -> memref<64x64xf32, #tpu.memory_space<hbm>>
    %dma_start3A_493 = arith.constant 0 : i32
    %dma_start3A_494 = arith.constant 0 : i32
    %dma_start3A_495 = tpu.memref_slice %arg6[%dma_start3A_484, %dma_start3A_493, %dma_start3A_494] : memref<8x64x64xf32, #tpu.memory_space<vmem>> -> memref<1x64x64xf32, #tpu.memory_space<vmem>>
    %dma_start3A_496 = tpu.memref_squeeze %dma_start3A_495 : memref<1x64x64xf32, #tpu.memory_space<vmem>> -> memref<64x64xf32, #tpu.memory_space<vmem>>
    tpu.enqueue_dma source(%dma_start3A_496 : memref<64x64xf32, #tpu.memory_space<vmem>>) target(%dma_start3A_492 : memref<64x64xf32, #tpu.memory_space<hbm>>) target_semaphore(%arg16 : memref<!tpu.dma_semaphore, #tpu.memory_space<semaphore_mem>>)
    %dma_wait3A_497 = arith.constant 5 : i32
    %dma_wait3A_498 = arith.constant 0 : i32
    %dma_wait3A_499 = arith.constant 0 : i32
    %dma_wait3A_500 = tpu.memref_slice %arg6[%dma_wait3A_497, %dma_wait3A_498, %dma_wait3A_499] : memref<8x64x64xf32, #tpu.memory_space<vmem>> -> memref<1x64x64xf32, #tpu.memory_space<vmem>>
    %dma_wait3A_501 = tpu.memref_squeeze %dma_wait3A_500 : memref<1x64x64xf32, #tpu.memory_space<vmem>> -> memref<64x64xf32, #tpu.memory_space<vmem>>
    %dma_wait3A_502 = arith.constant 0 : i32
    %dma_wait3A_503 = tpu.memref_slice %arg4[%mul3A_2, %dma_wait3A_502] : memref<409600x64xf32, #tpu.memory_space<hbm>> -> memref<64x64xf32, #tpu.memory_space<hbm>>
    %dma_wait3A_504 = arith.constant 0 : i32
    %dma_wait3A_505 = tpu.memref_slice %arg4[%mul3A_2, %dma_wait3A_504] : memref<409600x64xf32, #tpu.memory_space<hbm>> -> memref<64x64xf32, #tpu.memory_space<hbm>>
    %dma_wait3A_506 = arith.constant 0 : i32
    %dma_wait3A_507 = arith.constant 0 : i32
    %dma_wait3A_508 = tpu.memref_slice %arg6[%dma_wait3A_497, %dma_wait3A_506, %dma_wait3A_507] : memref<8x64x64xf32, #tpu.memory_space<vmem>> -> memref<1x64x64xf32, #tpu.memory_space<vmem>>
    %dma_wait3A_509 = tpu.memref_squeeze %dma_wait3A_508 : memref<1x64x64xf32, #tpu.memory_space<vmem>> -> memref<64x64xf32, #tpu.memory_space<vmem>>
    tpu.wait_dma2 semaphore(%arg20 : memref<!tpu.dma_semaphore, #tpu.memory_space<semaphore_mem>>) src(%dma_wait3A_509 : memref<64x64xf32, #tpu.memory_space<vmem>>) dst(%dma_wait3A_505 : memref<64x64xf32, #tpu.memory_space<hbm>>)
    %dma_start3A_510 = arith.constant 197 : i32
    %dma_start3A_511 = arith.constant 5 : i32
    %dma_start3A_512 = arith.constant 0 : i32
    %dma_start3A_513 = arith.constant 0 : i32
    %dma_start3A_514 = tpu.memref_slice %arg6[%dma_start3A_511, %dma_start3A_512, %dma_start3A_513] : memref<8x64x64xf32, #tpu.memory_space<vmem>> -> memref<1x64x64xf32, #tpu.memory_space<vmem>>
    %dma_start3A_515 = tpu.memref_squeeze %dma_start3A_514 : memref<1x64x64xf32, #tpu.memory_space<vmem>> -> memref<64x64xf32, #tpu.memory_space<vmem>>
    %dma_start3A_516 = arith.constant 0 : i32
    %dma_start3A_517 = tpu.memref_slice %arg5[%dma_start3A_510, %dma_start3A_516] : memref<200x64xi32, #tpu.memory_space<vmem>> -> memref<1x64xi32, #tpu.memory_space<vmem>>
    %dma_start3A_518 = tpu.memref_squeeze %dma_start3A_517 : memref<1x64xi32, #tpu.memory_space<vmem>> -> memref<64xi32, #tpu.memory_space<vmem>>
    %dma_start3A_519 = arith.constant 0 : i32
    %dma_start3A_520 = arith.constant 0 : i32
    %dma_start3A_521 = tpu.memref_slice %arg2[%dma_start3A_519, %dma_start3A_520] : memref<1000000x64xf32, #tpu.memory_space<hbm>> -> memref<1000000x64xf32, #tpu.memory_space<hbm>>
    tpu.enqueue_indirect_dma source(%dma_start3A_521 : memref<1000000x64xf32, #tpu.memory_space<hbm>>) target(%dma_start3A_515 : memref<64x64xf32, #tpu.memory_space<vmem>>) offsets(%dma_start3A_518 : memref<64xi32, #tpu.memory_space<vmem>>) semaphore(%arg12 : memref<!tpu.dma_semaphore, #tpu.memory_space<semaphore_mem>>)
    %dma_wait3A_522 = arith.constant 0 : i32
    %dma_wait3A_523 = arith.constant 2 : i32
    %dma_wait3A_524 = arith.constant 0 : i32
    %dma_wait3A_525 = arith.constant 0 : i32
    %dma_wait3A_526 = tpu.memref_slice %arg6[%dma_wait3A_523, %dma_wait3A_524, %dma_wait3A_525] : memref<8x64x64xf32, #tpu.memory_space<vmem>> -> memref<1x64x64xf32, #tpu.memory_space<vmem>>
    %dma_wait3A_527 = tpu.memref_squeeze %dma_wait3A_526 : memref<1x64x64xf32, #tpu.memory_space<vmem>> -> memref<64x64xf32, #tpu.memory_space<vmem>>
    %dma_wait3A_528 = arith.constant 0 : i32
    %dma_wait3A_529 = tpu.memref_slice %arg5[%dma_wait3A_522, %dma_wait3A_528] : memref<200x64xi32, #tpu.memory_space<vmem>> -> memref<1x64xi32, #tpu.memory_space<vmem>>
    %dma_wait3A_530 = tpu.memref_squeeze %dma_wait3A_529 : memref<1x64xi32, #tpu.memory_space<vmem>> -> memref<64xi32, #tpu.memory_space<vmem>>
    %dma_wait3A_531 = arith.constant 0 : i32
    %dma_wait3A_532 = arith.constant 0 : i32
    %dma_wait3A_533 = tpu.memref_slice %arg2[%dma_wait3A_531, %dma_wait3A_532] : memref<1000000x64xf32, #tpu.memory_space<hbm>> -> memref<1000000x64xf32, #tpu.memory_space<hbm>>
    tpu.wait_indirect_dma semaphore(%arg9 : memref<!tpu.dma_semaphore, #tpu.memory_space<semaphore_mem>>) src(%dma_wait3A_533 : memref<1000000x64xf32, #tpu.memory_space<hbm>>) dst(%dma_wait3A_527 : memref<64x64xf32, #tpu.memory_space<vmem>>)
    %add3A_534 = arith.constant 12416 : i32
    %add3A_535 = arith.addi %mul3A_2, %add3A_534 : i32
    %dma_start3A_536 = arith.constant 2 : i32
    %dma_start3A_537 = arith.constant 0 : i32
    %dma_start3A_538 = arith.constant 0 : i32
    %dma_start3A_539 = tpu.memref_slice %arg6[%dma_start3A_536, %dma_start3A_537, %dma_start3A_538] : memref<8x64x64xf32, #tpu.memory_space<vmem>> -> memref<1x64x64xf32, #tpu.memory_space<vmem>>
    %dma_start3A_540 = tpu.memref_squeeze %dma_start3A_539 : memref<1x64x64xf32, #tpu.memory_space<vmem>> -> memref<64x64xf32, #tpu.memory_space<vmem>>
    %dma_start3A_541 = arith.constant 0 : i32
    %dma_start3A_542 = tpu.memref_slice %arg4[%add3A_535, %dma_start3A_541] : memref<409600x64xf32, #tpu.memory_space<hbm>> -> memref<64x64xf32, #tpu.memory_space<hbm>>
    %dma_start3A_543 = arith.constant 0 : i32
    %dma_start3A_544 = tpu.memref_slice %arg4[%add3A_535, %dma_start3A_543] : memref<409600x64xf32, #tpu.memory_space<hbm>> -> memref<64x64xf32, #tpu.memory_space<hbm>>
    %dma_start3A_545 = arith.constant 0 : i32
    %dma_start3A_546 = arith.constant 0 : i32
    %dma_start3A_547 = tpu.memref_slice %arg6[%dma_start3A_536, %dma_start3A_545, %dma_start3A_546] : memref<8x64x64xf32, #tpu.memory_space<vmem>> -> memref<1x64x64xf32, #tpu.memory_space<vmem>>
    %dma_start3A_548 = tpu.memref_squeeze %dma_start3A_547 : memref<1x64x64xf32, #tpu.memory_space<vmem>> -> memref<64x64xf32, #tpu.memory_space<vmem>>
    tpu.enqueue_dma source(%dma_start3A_548 : memref<64x64xf32, #tpu.memory_space<vmem>>) target(%dma_start3A_544 : memref<64x64xf32, #tpu.memory_space<hbm>>) target_semaphore(%arg17 : memref<!tpu.dma_semaphore, #tpu.memory_space<semaphore_mem>>)
    %dma_wait3A_549 = arith.constant 6 : i32
    %dma_wait3A_550 = arith.constant 0 : i32
    %dma_wait3A_551 = arith.constant 0 : i32
    %dma_wait3A_552 = tpu.memref_slice %arg6[%dma_wait3A_549, %dma_wait3A_550, %dma_wait3A_551] : memref<8x64x64xf32, #tpu.memory_space<vmem>> -> memref<1x64x64xf32, #tpu.memory_space<vmem>>
    %dma_wait3A_553 = tpu.memref_squeeze %dma_wait3A_552 : memref<1x64x64xf32, #tpu.memory_space<vmem>> -> memref<64x64xf32, #tpu.memory_space<vmem>>
    %dma_wait3A_554 = arith.constant 0 : i32
    %dma_wait3A_555 = tpu.memref_slice %arg4[%mul3A_2, %dma_wait3A_554] : memref<409600x64xf32, #tpu.memory_space<hbm>> -> memref<64x64xf32, #tpu.memory_space<hbm>>
    %dma_wait3A_556 = arith.constant 0 : i32
    %dma_wait3A_557 = tpu.memref_slice %arg4[%mul3A_2, %dma_wait3A_556] : memref<409600x64xf32, #tpu.memory_space<hbm>> -> memref<64x64xf32, #tpu.memory_space<hbm>>
    %dma_wait3A_558 = arith.constant 0 : i32
    %dma_wait3A_559 = arith.constant 0 : i32
    %dma_wait3A_560 = tpu.memref_slice %arg6[%dma_wait3A_549, %dma_wait3A_558, %dma_wait3A_559] : memref<8x64x64xf32, #tpu.memory_space<vmem>> -> memref<1x64x64xf32, #tpu.memory_space<vmem>>
    %dma_wait3A_561 = tpu.memref_squeeze %dma_wait3A_560 : memref<1x64x64xf32, #tpu.memory_space<vmem>> -> memref<64x64xf32, #tpu.memory_space<vmem>>
    tpu.wait_dma2 semaphore(%arg21 : memref<!tpu.dma_semaphore, #tpu.memory_space<semaphore_mem>>) src(%dma_wait3A_561 : memref<64x64xf32, #tpu.memory_space<vmem>>) dst(%dma_wait3A_557 : memref<64x64xf32, #tpu.memory_space<hbm>>)
    %dma_start3A_562 = arith.constant 198 : i32
    %dma_start3A_563 = arith.constant 6 : i32
    %dma_start3A_564 = arith.constant 0 : i32
    %dma_start3A_565 = arith.constant 0 : i32
    %dma_start3A_566 = tpu.memref_slice %arg6[%dma_start3A_563, %dma_start3A_564, %dma_start3A_565] : memref<8x64x64xf32, #tpu.memory_space<vmem>> -> memref<1x64x64xf32, #tpu.memory_space<vmem>>
    %dma_start3A_567 = tpu.memref_squeeze %dma_start3A_566 : memref<1x64x64xf32, #tpu.memory_space<vmem>> -> memref<64x64xf32, #tpu.memory_space<vmem>>
    %dma_start3A_568 = arith.constant 0 : i32
    %dma_start3A_569 = tpu.memref_slice %arg5[%dma_start3A_562, %dma_start3A_568] : memref<200x64xi32, #tpu.memory_space<vmem>> -> memref<1x64xi32, #tpu.memory_space<vmem>>
    %dma_start3A_570 = tpu.memref_squeeze %dma_start3A_569 : memref<1x64xi32, #tpu.memory_space<vmem>> -> memref<64xi32, #tpu.memory_space<vmem>>
    %dma_start3A_571 = arith.constant 0 : i32
    %dma_start3A_572 = arith.constant 0 : i32
    %dma_start3A_573 = tpu.memref_slice %arg2[%dma_start3A_571, %dma_start3A_572] : memref<1000000x64xf32, #tpu.memory_space<hbm>> -> memref<1000000x64xf32, #tpu.memory_space<hbm>>
    tpu.enqueue_indirect_dma source(%dma_start3A_573 : memref<1000000x64xf32, #tpu.memory_space<hbm>>) target(%dma_start3A_567 : memref<64x64xf32, #tpu.memory_space<vmem>>) offsets(%dma_start3A_570 : memref<64xi32, #tpu.memory_space<vmem>>) semaphore(%arg13 : memref<!tpu.dma_semaphore, #tpu.memory_space<semaphore_mem>>)
    %dma_wait3A_574 = arith.constant 0 : i32
    %dma_wait3A_575 = arith.constant 3 : i32
    %dma_wait3A_576 = arith.constant 0 : i32
    %dma_wait3A_577 = arith.constant 0 : i32
    %dma_wait3A_578 = tpu.memref_slice %arg6[%dma_wait3A_575, %dma_wait3A_576, %dma_wait3A_577] : memref<8x64x64xf32, #tpu.memory_space<vmem>> -> memref<1x64x64xf32, #tpu.memory_space<vmem>>
    %dma_wait3A_579 = tpu.memref_squeeze %dma_wait3A_578 : memref<1x64x64xf32, #tpu.memory_space<vmem>> -> memref<64x64xf32, #tpu.memory_space<vmem>>
    %dma_wait3A_580 = arith.constant 0 : i32
    %dma_wait3A_581 = tpu.memref_slice %arg5[%dma_wait3A_574, %dma_wait3A_580] : memref<200x64xi32, #tpu.memory_space<vmem>> -> memref<1x64xi32, #tpu.memory_space<vmem>>
    %dma_wait3A_582 = tpu.memref_squeeze %dma_wait3A_581 : memref<1x64xi32, #tpu.memory_space<vmem>> -> memref<64xi32, #tpu.memory_space<vmem>>
    %dma_wait3A_583 = arith.constant 0 : i32
    %dma_wait3A_584 = arith.constant 0 : i32
    %dma_wait3A_585 = tpu.memref_slice %arg2[%dma_wait3A_583, %dma_wait3A_584] : memref<1000000x64xf32, #tpu.memory_space<hbm>> -> memref<1000000x64xf32, #tpu.memory_space<hbm>>
    tpu.wait_indirect_dma semaphore(%arg10 : memref<!tpu.dma_semaphore, #tpu.memory_space<semaphore_mem>>) src(%dma_wait3A_585 : memref<1000000x64xf32, #tpu.memory_space<hbm>>) dst(%dma_wait3A_579 : memref<64x64xf32, #tpu.memory_space<vmem>>)
    %add3A_586 = arith.constant 12480 : i32
    %add3A_587 = arith.addi %mul3A_2, %add3A_586 : i32
    %dma_start3A_588 = arith.constant 3 : i32
    %dma_start3A_589 = arith.constant 0 : i32
    %dma_start3A_590 = arith.constant 0 : i32
    %dma_start3A_591 = tpu.memref_slice %arg6[%dma_start3A_588, %dma_start3A_589, %dma_start3A_590] : memref<8x64x64xf32, #tpu.memory_space<vmem>> -> memref<1x64x64xf32, #tpu.memory_space<vmem>>
    %dma_start3A_592 = tpu.memref_squeeze %dma_start3A_591 : memref<1x64x64xf32, #tpu.memory_space<vmem>> -> memref<64x64xf32, #tpu.memory_space<vmem>>
    %dma_start3A_593 = arith.constant 0 : i32
    %dma_start3A_594 = tpu.memref_slice %arg4[%add3A_587, %dma_start3A_593] : memref<409600x64xf32, #tpu.memory_space<hbm>> -> memref<64x64xf32, #tpu.memory_space<hbm>>
    %dma_start3A_595 = arith.constant 0 : i32
    %dma_start3A_596 = tpu.memref_slice %arg4[%add3A_587, %dma_start3A_595] : memref<409600x64xf32, #tpu.memory_space<hbm>> -> memref<64x64xf32, #tpu.memory_space<hbm>>
    %dma_start3A_597 = arith.constant 0 : i32
    %dma_start3A_598 = arith.constant 0 : i32
    %dma_start3A_599 = tpu.memref_slice %arg6[%dma_start3A_588, %dma_start3A_597, %dma_start3A_598] : memref<8x64x64xf32, #tpu.memory_space<vmem>> -> memref<1x64x64xf32, #tpu.memory_space<vmem>>
    %dma_start3A_600 = tpu.memref_squeeze %dma_start3A_599 : memref<1x64x64xf32, #tpu.memory_space<vmem>> -> memref<64x64xf32, #tpu.memory_space<vmem>>
    tpu.enqueue_dma source(%dma_start3A_600 : memref<64x64xf32, #tpu.memory_space<vmem>>) target(%dma_start3A_596 : memref<64x64xf32, #tpu.memory_space<hbm>>) target_semaphore(%arg18 : memref<!tpu.dma_semaphore, #tpu.memory_space<semaphore_mem>>)
    %dma_wait3A_601 = arith.constant 7 : i32
    %dma_wait3A_602 = arith.constant 0 : i32
    %dma_wait3A_603 = arith.constant 0 : i32
    %dma_wait3A_604 = tpu.memref_slice %arg6[%dma_wait3A_601, %dma_wait3A_602, %dma_wait3A_603] : memref<8x64x64xf32, #tpu.memory_space<vmem>> -> memref<1x64x64xf32, #tpu.memory_space<vmem>>
    %dma_wait3A_605 = tpu.memref_squeeze %dma_wait3A_604 : memref<1x64x64xf32, #tpu.memory_space<vmem>> -> memref<64x64xf32, #tpu.memory_space<vmem>>
    %dma_wait3A_606 = arith.constant 0 : i32
    %dma_wait3A_607 = tpu.memref_slice %arg4[%mul3A_2, %dma_wait3A_606] : memref<409600x64xf32, #tpu.memory_space<hbm>> -> memref<64x64xf32, #tpu.memory_space<hbm>>
    %dma_wait3A_608 = arith.constant 0 : i32
    %dma_wait3A_609 = tpu.memref_slice %arg4[%mul3A_2, %dma_wait3A_608] : memref<409600x64xf32, #tpu.memory_space<hbm>> -> memref<64x64xf32, #tpu.memory_space<hbm>>
    %dma_wait3A_610 = arith.constant 0 : i32
    %dma_wait3A_611 = arith.constant 0 : i32
    %dma_wait3A_612 = tpu.memref_slice %arg6[%dma_wait3A_601, %dma_wait3A_610, %dma_wait3A_611] : memref<8x64x64xf32, #tpu.memory_space<vmem>> -> memref<1x64x64xf32, #tpu.memory_space<vmem>>
    %dma_wait3A_613 = tpu.memref_squeeze %dma_wait3A_612 : memref<1x64x64xf32, #tpu.memory_space<vmem>> -> memref<64x64xf32, #tpu.memory_space<vmem>>
    tpu.wait_dma2 semaphore(%arg22 : memref<!tpu.dma_semaphore, #tpu.memory_space<semaphore_mem>>) src(%dma_wait3A_613 : memref<64x64xf32, #tpu.memory_space<vmem>>) dst(%dma_wait3A_609 : memref<64x64xf32, #tpu.memory_space<hbm>>)
    %dma_start3A_614 = arith.constant 199 : i32
    %dma_start3A_615 = arith.constant 7 : i32
    %dma_start3A_616 = arith.constant 0 : i32
    %dma_start3A_617 = arith.constant 0 : i32
    %dma_start3A_618 = tpu.memref_slice %arg6[%dma_start3A_615, %dma_start3A_616, %dma_start3A_617] : memref<8x64x64xf32, #tpu.memory_space<vmem>> -> memref<1x64x64xf32, #tpu.memory_space<vmem>>
    %dma_start3A_619 = tpu.memref_squeeze %dma_start3A_618 : memref<1x64x64xf32, #tpu.memory_space<vmem>> -> memref<64x64xf32, #tpu.memory_space<vmem>>
    %dma_start3A_620 = arith.constant 0 : i32
    %dma_start3A_621 = tpu.memref_slice %arg5[%dma_start3A_614, %dma_start3A_620] : memref<200x64xi32, #tpu.memory_space<vmem>> -> memref<1x64xi32, #tpu.memory_space<vmem>>
    %dma_start3A_622 = tpu.memref_squeeze %dma_start3A_621 : memref<1x64xi32, #tpu.memory_space<vmem>> -> memref<64xi32, #tpu.memory_space<vmem>>
    %dma_start3A_623 = arith.constant 0 : i32
    %dma_start3A_624 = arith.constant 0 : i32
    %dma_start3A_625 = tpu.memref_slice %arg2[%dma_start3A_623, %dma_start3A_624] : memref<1000000x64xf32, #tpu.memory_space<hbm>> -> memref<1000000x64xf32, #tpu.memory_space<hbm>>
    tpu.enqueue_indirect_dma source(%dma_start3A_625 : memref<1000000x64xf32, #tpu.memory_space<hbm>>) target(%dma_start3A_619 : memref<64x64xf32, #tpu.memory_space<vmem>>) offsets(%dma_start3A_622 : memref<64xi32, #tpu.memory_space<vmem>>) semaphore(%arg14 : memref<!tpu.dma_semaphore, #tpu.memory_space<semaphore_mem>>)
    %dma_wait3A_626 = arith.constant 0 : i32
    %dma_wait3A_627 = arith.constant 4 : i32
    %dma_wait3A_628 = arith.constant 0 : i32
    %dma_wait3A_629 = arith.constant 0 : i32
    %dma_wait3A_630 = tpu.memref_slice %arg6[%dma_wait3A_627, %dma_wait3A_628, %dma_wait3A_629] : memref<8x64x64xf32, #tpu.memory_space<vmem>> -> memref<1x64x64xf32, #tpu.memory_space<vmem>>
    %dma_wait3A_631 = tpu.memref_squeeze %dma_wait3A_630 : memref<1x64x64xf32, #tpu.memory_space<vmem>> -> memref<64x64xf32, #tpu.memory_space<vmem>>
    %dma_wait3A_632 = arith.constant 0 : i32
    %dma_wait3A_633 = tpu.memref_slice %arg5[%dma_wait3A_626, %dma_wait3A_632] : memref<200x64xi32, #tpu.memory_space<vmem>> -> memref<1x64xi32, #tpu.memory_space<vmem>>
    %dma_wait3A_634 = tpu.memref_squeeze %dma_wait3A_633 : memref<1x64xi32, #tpu.memory_space<vmem>> -> memref<64xi32, #tpu.memory_space<vmem>>
    %dma_wait3A_635 = arith.constant 0 : i32
    %dma_wait3A_636 = arith.constant 0 : i32
    %dma_wait3A_637 = tpu.memref_slice %arg2[%dma_wait3A_635, %dma_wait3A_636] : memref<1000000x64xf32, #tpu.memory_space<hbm>> -> memref<1000000x64xf32, #tpu.memory_space<hbm>>
    tpu.wait_indirect_dma semaphore(%arg11 : memref<!tpu.dma_semaphore, #tpu.memory_space<semaphore_mem>>) src(%dma_wait3A_637 : memref<1000000x64xf32, #tpu.memory_space<hbm>>) dst(%dma_wait3A_631 : memref<64x64xf32, #tpu.memory_space<vmem>>)
    %add3A_638 = arith.constant 12544 : i32
    %add3A_639 = arith.addi %mul3A_2, %add3A_638 : i32
    %dma_start3A_640 = arith.constant 4 : i32
    %dma_start3A_641 = arith.constant 0 : i32
    %dma_start3A_642 = arith.constant 0 : i32
    %dma_start3A_643 = tpu.memref_slice %arg6[%dma_start3A_640, %dma_start3A_641, %dma_start3A_642] : memref<8x64x64xf32, #tpu.memory_space<vmem>> -> memref<1x64x64xf32, #tpu.memory_space<vmem>>
    %dma_start3A_644 = tpu.memref_squeeze %dma_start3A_643 : memref<1x64x64xf32, #tpu.memory_space<vmem>> -> memref<64x64xf32, #tpu.memory_space<vmem>>
    %dma_start3A_645 = arith.constant 0 : i32
    %dma_start3A_646 = tpu.memref_slice %arg4[%add3A_639, %dma_start3A_645] : memref<409600x64xf32, #tpu.memory_space<hbm>> -> memref<64x64xf32, #tpu.memory_space<hbm>>
    %dma_start3A_647 = arith.constant 0 : i32
    %dma_start3A_648 = tpu.memref_slice %arg4[%add3A_639, %dma_start3A_647] : memref<409600x64xf32, #tpu.memory_space<hbm>> -> memref<64x64xf32, #tpu.memory_space<hbm>>
    %dma_start3A_649 = arith.constant 0 : i32
    %dma_start3A_650 = arith.constant 0 : i32
    %dma_start3A_651 = tpu.memref_slice %arg6[%dma_start3A_640, %dma_start3A_649, %dma_start3A_650] : memref<8x64x64xf32, #tpu.memory_space<vmem>> -> memref<1x64x64xf32, #tpu.memory_space<vmem>>
    %dma_start3A_652 = tpu.memref_squeeze %dma_start3A_651 : memref<1x64x64xf32, #tpu.memory_space<vmem>> -> memref<64x64xf32, #tpu.memory_space<vmem>>
    tpu.enqueue_dma source(%dma_start3A_652 : memref<64x64xf32, #tpu.memory_space<vmem>>) target(%dma_start3A_648 : memref<64x64xf32, #tpu.memory_space<hbm>>) target_semaphore(%arg19 : memref<!tpu.dma_semaphore, #tpu.memory_space<semaphore_mem>>)
    %dma_wait3A_653 = arith.constant 0 : i32
    %dma_wait3A_654 = arith.constant 5 : i32
    %dma_wait3A_655 = arith.constant 0 : i32
    %dma_wait3A_656 = arith.constant 0 : i32
    %dma_wait3A_657 = tpu.memref_slice %arg6[%dma_wait3A_654, %dma_wait3A_655, %dma_wait3A_656] : memref<8x64x64xf32, #tpu.memory_space<vmem>> -> memref<1x64x64xf32, #tpu.memory_space<vmem>>
    %dma_wait3A_658 = tpu.memref_squeeze %dma_wait3A_657 : memref<1x64x64xf32, #tpu.memory_space<vmem>> -> memref<64x64xf32, #tpu.memory_space<vmem>>
    %dma_wait3A_659 = arith.constant 0 : i32
    %dma_wait3A_660 = tpu.memref_slice %arg5[%dma_wait3A_653, %dma_wait3A_659] : memref<200x64xi32, #tpu.memory_space<vmem>> -> memref<1x64xi32, #tpu.memory_space<vmem>>
    %dma_wait3A_661 = tpu.memref_squeeze %dma_wait3A_660 : memref<1x64xi32, #tpu.memory_space<vmem>> -> memref<64xi32, #tpu.memory_space<vmem>>
    %dma_wait3A_662 = arith.constant 0 : i32
    %dma_wait3A_663 = arith.constant 0 : i32
    %dma_wait3A_664 = tpu.memref_slice %arg2[%dma_wait3A_662, %dma_wait3A_663] : memref<1000000x64xf32, #tpu.memory_space<hbm>> -> memref<1000000x64xf32, #tpu.memory_space<hbm>>
    tpu.wait_indirect_dma semaphore(%arg12 : memref<!tpu.dma_semaphore, #tpu.memory_space<semaphore_mem>>) src(%dma_wait3A_664 : memref<1000000x64xf32, #tpu.memory_space<hbm>>) dst(%dma_wait3A_658 : memref<64x64xf32, #tpu.memory_space<vmem>>)
    %add3A_665 = arith.constant 12608 : i32
    %add3A_666 = arith.addi %mul3A_2, %add3A_665 : i32
    %dma_start3A_667 = arith.constant 5 : i32
    %dma_start3A_668 = arith.constant 0 : i32
    %dma_start3A_669 = arith.constant 0 : i32
    %dma_start3A_670 = tpu.memref_slice %arg6[%dma_start3A_667, %dma_start3A_668, %dma_start3A_669] : memref<8x64x64xf32, #tpu.memory_space<vmem>> -> memref<1x64x64xf32, #tpu.memory_space<vmem>>
    %dma_start3A_671 = tpu.memref_squeeze %dma_start3A_670 : memref<1x64x64xf32, #tpu.memory_space<vmem>> -> memref<64x64xf32, #tpu.memory_space<vmem>>
    %dma_start3A_672 = arith.constant 0 : i32
    %dma_start3A_673 = tpu.memref_slice %arg4[%add3A_666, %dma_start3A_672] : memref<409600x64xf32, #tpu.memory_space<hbm>> -> memref<64x64xf32, #tpu.memory_space<hbm>>
    %dma_start3A_674 = arith.constant 0 : i32
    %dma_start3A_675 = tpu.memref_slice %arg4[%add3A_666, %dma_start3A_674] : memref<409600x64xf32, #tpu.memory_space<hbm>> -> memref<64x64xf32, #tpu.memory_space<hbm>>
    %dma_start3A_676 = arith.constant 0 : i32
    %dma_start3A_677 = arith.constant 0 : i32
    %dma_start3A_678 = tpu.memref_slice %arg6[%dma_start3A_667, %dma_start3A_676, %dma_start3A_677] : memref<8x64x64xf32, #tpu.memory_space<vmem>> -> memref<1x64x64xf32, #tpu.memory_space<vmem>>
    %dma_start3A_679 = tpu.memref_squeeze %dma_start3A_678 : memref<1x64x64xf32, #tpu.memory_space<vmem>> -> memref<64x64xf32, #tpu.memory_space<vmem>>
    tpu.enqueue_dma source(%dma_start3A_679 : memref<64x64xf32, #tpu.memory_space<vmem>>) target(%dma_start3A_675 : memref<64x64xf32, #tpu.memory_space<hbm>>) target_semaphore(%arg20 : memref<!tpu.dma_semaphore, #tpu.memory_space<semaphore_mem>>)
    %dma_wait3A_680 = arith.constant 0 : i32
    %dma_wait3A_681 = arith.constant 6 : i32
    %dma_wait3A_682 = arith.constant 0 : i32
    %dma_wait3A_683 = arith.constant 0 : i32
    %dma_wait3A_684 = tpu.memref_slice %arg6[%dma_wait3A_681, %dma_wait3A_682, %dma_wait3A_683] : memref<8x64x64xf32, #tpu.memory_space<vmem>> -> memref<1x64x64xf32, #tpu.memory_space<vmem>>
    %dma_wait3A_685 = tpu.memref_squeeze %dma_wait3A_684 : memref<1x64x64xf32, #tpu.memory_space<vmem>> -> memref<64x64xf32, #tpu.memory_space<vmem>>
    %dma_wait3A_686 = arith.constant 0 : i32
    %dma_wait3A_687 = tpu.memref_slice %arg5[%dma_wait3A_680, %dma_wait3A_686] : memref<200x64xi32, #tpu.memory_space<vmem>> -> memref<1x64xi32, #tpu.memory_space<vmem>>
    %dma_wait3A_688 = tpu.memref_squeeze %dma_wait3A_687 : memref<1x64xi32, #tpu.memory_space<vmem>> -> memref<64xi32, #tpu.memory_space<vmem>>
    %dma_wait3A_689 = arith.constant 0 : i32
    %dma_wait3A_690 = arith.constant 0 : i32
    %dma_wait3A_691 = tpu.memref_slice %arg2[%dma_wait3A_689, %dma_wait3A_690] : memref<1000000x64xf32, #tpu.memory_space<hbm>> -> memref<1000000x64xf32, #tpu.memory_space<hbm>>
    tpu.wait_indirect_dma semaphore(%arg13 : memref<!tpu.dma_semaphore, #tpu.memory_space<semaphore_mem>>) src(%dma_wait3A_691 : memref<1000000x64xf32, #tpu.memory_space<hbm>>) dst(%dma_wait3A_685 : memref<64x64xf32, #tpu.memory_space<vmem>>)
    %add3A_692 = arith.constant 12672 : i32
    %add3A_693 = arith.addi %mul3A_2, %add3A_692 : i32
    %dma_start3A_694 = arith.constant 6 : i32
    %dma_start3A_695 = arith.constant 0 : i32
    %dma_start3A_696 = arith.constant 0 : i32
    %dma_start3A_697 = tpu.memref_slice %arg6[%dma_start3A_694, %dma_start3A_695, %dma_start3A_696] : memref<8x64x64xf32, #tpu.memory_space<vmem>> -> memref<1x64x64xf32, #tpu.memory_space<vmem>>
    %dma_start3A_698 = tpu.memref_squeeze %dma_start3A_697 : memref<1x64x64xf32, #tpu.memory_space<vmem>> -> memref<64x64xf32, #tpu.memory_space<vmem>>
    %dma_start3A_699 = arith.constant 0 : i32
    %dma_start3A_700 = tpu.memref_slice %arg4[%add3A_693, %dma_start3A_699] : memref<409600x64xf32, #tpu.memory_space<hbm>> -> memref<64x64xf32, #tpu.memory_space<hbm>>
    %dma_start3A_701 = arith.constant 0 : i32
    %dma_start3A_702 = tpu.memref_slice %arg4[%add3A_693, %dma_start3A_701] : memref<409600x64xf32, #tpu.memory_space<hbm>> -> memref<64x64xf32, #tpu.memory_space<hbm>>
    %dma_start3A_703 = arith.constant 0 : i32
    %dma_start3A_704 = arith.constant 0 : i32
    %dma_start3A_705 = tpu.memref_slice %arg6[%dma_start3A_694, %dma_start3A_703, %dma_start3A_704] : memref<8x64x64xf32, #tpu.memory_space<vmem>> -> memref<1x64x64xf32, #tpu.memory_space<vmem>>
    %dma_start3A_706 = tpu.memref_squeeze %dma_start3A_705 : memref<1x64x64xf32, #tpu.memory_space<vmem>> -> memref<64x64xf32, #tpu.memory_space<vmem>>
    tpu.enqueue_dma source(%dma_start3A_706 : memref<64x64xf32, #tpu.memory_space<vmem>>) target(%dma_start3A_702 : memref<64x64xf32, #tpu.memory_space<hbm>>) target_semaphore(%arg21 : memref<!tpu.dma_semaphore, #tpu.memory_space<semaphore_mem>>)
    %dma_wait3A_707 = arith.constant 0 : i32
    %dma_wait3A_708 = arith.constant 7 : i32
    %dma_wait3A_709 = arith.constant 0 : i32
    %dma_wait3A_710 = arith.constant 0 : i32
    %dma_wait3A_711 = tpu.memref_slice %arg6[%dma_wait3A_708, %dma_wait3A_709, %dma_wait3A_710] : memref<8x64x64xf32, #tpu.memory_space<vmem>> -> memref<1x64x64xf32, #tpu.memory_space<vmem>>
    %dma_wait3A_712 = tpu.memref_squeeze %dma_wait3A_711 : memref<1x64x64xf32, #tpu.memory_space<vmem>> -> memref<64x64xf32, #tpu.memory_space<vmem>>
    %dma_wait3A_713 = arith.constant 0 : i32
    %dma_wait3A_714 = tpu.memref_slice %arg5[%dma_wait3A_707, %dma_wait3A_713] : memref<200x64xi32, #tpu.memory_space<vmem>> -> memref<1x64xi32, #tpu.memory_space<vmem>>
    %dma_wait3A_715 = tpu.memref_squeeze %dma_wait3A_714 : memref<1x64xi32, #tpu.memory_space<vmem>> -> memref<64xi32, #tpu.memory_space<vmem>>
    %dma_wait3A_716 = arith.constant 0 : i32
    %dma_wait3A_717 = arith.constant 0 : i32
    %dma_wait3A_718 = tpu.memref_slice %arg2[%dma_wait3A_716, %dma_wait3A_717] : memref<1000000x64xf32, #tpu.memory_space<hbm>> -> memref<1000000x64xf32, #tpu.memory_space<hbm>>
    tpu.wait_indirect_dma semaphore(%arg14 : memref<!tpu.dma_semaphore, #tpu.memory_space<semaphore_mem>>) src(%dma_wait3A_718 : memref<1000000x64xf32, #tpu.memory_space<hbm>>) dst(%dma_wait3A_712 : memref<64x64xf32, #tpu.memory_space<vmem>>)
    %add3A_719 = arith.constant 12736 : i32
    %add3A_720 = arith.addi %mul3A_2, %add3A_719 : i32
    %dma_start3A_721 = arith.constant 7 : i32
    %dma_start3A_722 = arith.constant 0 : i32
    %dma_start3A_723 = arith.constant 0 : i32
    %dma_start3A_724 = tpu.memref_slice %arg6[%dma_start3A_721, %dma_start3A_722, %dma_start3A_723] : memref<8x64x64xf32, #tpu.memory_space<vmem>> -> memref<1x64x64xf32, #tpu.memory_space<vmem>>
    %dma_start3A_725 = tpu.memref_squeeze %dma_start3A_724 : memref<1x64x64xf32, #tpu.memory_space<vmem>> -> memref<64x64xf32, #tpu.memory_space<vmem>>
    %dma_start3A_726 = arith.constant 0 : i32
    %dma_start3A_727 = tpu.memref_slice %arg4[%add3A_720, %dma_start3A_726] : memref<409600x64xf32, #tpu.memory_space<hbm>> -> memref<64x64xf32, #tpu.memory_space<hbm>>
    %dma_start3A_728 = arith.constant 0 : i32
    %dma_start3A_729 = tpu.memref_slice %arg4[%add3A_720, %dma_start3A_728] : memref<409600x64xf32, #tpu.memory_space<hbm>> -> memref<64x64xf32, #tpu.memory_space<hbm>>
    %dma_start3A_730 = arith.constant 0 : i32
    %dma_start3A_731 = arith.constant 0 : i32
    %dma_start3A_732 = tpu.memref_slice %arg6[%dma_start3A_721, %dma_start3A_730, %dma_start3A_731] : memref<8x64x64xf32, #tpu.memory_space<vmem>> -> memref<1x64x64xf32, #tpu.memory_space<vmem>>
    %dma_start3A_733 = tpu.memref_squeeze %dma_start3A_732 : memref<1x64x64xf32, #tpu.memory_space<vmem>> -> memref<64x64xf32, #tpu.memory_space<vmem>>
    tpu.enqueue_dma source(%dma_start3A_733 : memref<64x64xf32, #tpu.memory_space<vmem>>) target(%dma_start3A_729 : memref<64x64xf32, #tpu.memory_space<hbm>>) target_semaphore(%arg22 : memref<!tpu.dma_semaphore, #tpu.memory_space<semaphore_mem>>)
    %dma_wait3A_734 = arith.constant 0 : i32
    %dma_wait3A_735 = arith.constant 0 : i32
    %dma_wait3A_736 = arith.constant 0 : i32
    %dma_wait3A_737 = tpu.memref_slice %arg6[%dma_wait3A_734, %dma_wait3A_735, %dma_wait3A_736] : memref<8x64x64xf32, #tpu.memory_space<vmem>> -> memref<1x64x64xf32, #tpu.memory_space<vmem>>
    %dma_wait3A_738 = tpu.memref_squeeze %dma_wait3A_737 : memref<1x64x64xf32, #tpu.memory_space<vmem>> -> memref<64x64xf32, #tpu.memory_space<vmem>>
    %dma_wait3A_739 = arith.constant 0 : i32
    %dma_wait3A_740 = tpu.memref_slice %arg4[%mul3A_2, %dma_wait3A_739] : memref<409600x64xf32, #tpu.memory_space<hbm>> -> memref<64x64xf32, #tpu.memory_space<hbm>>
    %dma_wait3A_741 = arith.constant 0 : i32
    %dma_wait3A_742 = tpu.memref_slice %arg4[%mul3A_2, %dma_wait3A_741] : memref<409600x64xf32, #tpu.memory_space<hbm>> -> memref<64x64xf32, #tpu.memory_space<hbm>>
    %dma_wait3A_743 = arith.constant 0 : i32
    %dma_wait3A_744 = arith.constant 0 : i32
    %dma_wait3A_745 = tpu.memref_slice %arg6[%dma_wait3A_734, %dma_wait3A_743, %dma_wait3A_744] : memref<8x64x64xf32, #tpu.memory_space<vmem>> -> memref<1x64x64xf32, #tpu.memory_space<vmem>>
    %dma_wait3A_746 = tpu.memref_squeeze %dma_wait3A_745 : memref<1x64x64xf32, #tpu.memory_space<vmem>> -> memref<64x64xf32, #tpu.memory_space<vmem>>
    tpu.wait_dma2 semaphore(%arg15 : memref<!tpu.dma_semaphore, #tpu.memory_space<semaphore_mem>>) src(%dma_wait3A_746 : memref<64x64xf32, #tpu.memory_space<vmem>>) dst(%dma_wait3A_742 : memref<64x64xf32, #tpu.memory_space<hbm>>)
    %dma_wait3A_747 = arith.constant 1 : i32
    %dma_wait3A_748 = arith.constant 0 : i32
    %dma_wait3A_749 = arith.constant 0 : i32
    %dma_wait3A_750 = tpu.memref_slice %arg6[%dma_wait3A_747, %dma_wait3A_748, %dma_wait3A_749] : memref<8x64x64xf32, #tpu.memory_space<vmem>> -> memref<1x64x64xf32, #tpu.memory_space<vmem>>
    %dma_wait3A_751 = tpu.memref_squeeze %dma_wait3A_750 : memref<1x64x64xf32, #tpu.memory_space<vmem>> -> memref<64x64xf32, #tpu.memory_space<vmem>>
    %dma_wait3A_752 = arith.constant 0 : i32
    %dma_wait3A_753 = tpu.memref_slice %arg4[%mul3A_2, %dma_wait3A_752] : memref<409600x64xf32, #tpu.memory_space<hbm>> -> memref<64x64xf32, #tpu.memory_space<hbm>>
    %dma_wait3A_754 = arith.constant 0 : i32
    %dma_wait3A_755 = tpu.memref_slice %arg4[%mul3A_2, %dma_wait3A_754] : memref<409600x64xf32, #tpu.memory_space<hbm>> -> memref<64x64xf32, #tpu.memory_space<hbm>>
    %dma_wait3A_756 = arith.constant 0 : i32
    %dma_wait3A_757 = arith.constant 0 : i32
    %dma_wait3A_758 = tpu.memref_slice %arg6[%dma_wait3A_747, %dma_wait3A_756, %dma_wait3A_757] : memref<8x64x64xf32, #tpu.memory_space<vmem>> -> memref<1x64x64xf32, #tpu.memory_space<vmem>>
    %dma_wait3A_759 = tpu.memref_squeeze %dma_wait3A_758 : memref<1x64x64xf32, #tpu.memory_space<vmem>> -> memref<64x64xf32, #tpu.memory_space<vmem>>
    tpu.wait_dma2 semaphore(%arg16 : memref<!tpu.dma_semaphore, #tpu.memory_space<semaphore_mem>>) src(%dma_wait3A_759 : memref<64x64xf32, #tpu.memory_space<vmem>>) dst(%dma_wait3A_755 : memref<64x64xf32, #tpu.memory_space<hbm>>)
    %dma_wait3A_760 = arith.constant 2 : i32
    %dma_wait3A_761 = arith.constant 0 : i32
    %dma_wait3A_762 = arith.constant 0 : i32
    %dma_wait3A_763 = tpu.memref_slice %arg6[%dma_wait3A_760, %dma_wait3A_761, %dma_wait3A_762] : memref<8x64x64xf32, #tpu.memory_space<vmem>> -> memref<1x64x64xf32, #tpu.memory_space<vmem>>
    %dma_wait3A_764 = tpu.memref_squeeze %dma_wait3A_763 : memref<1x64x64xf32, #tpu.memory_space<vmem>> -> memref<64x64xf32, #tpu.memory_space<vmem>>
    %dma_wait3A_765 = arith.constant 0 : i32
    %dma_wait3A_766 = tpu.memref_slice %arg4[%mul3A_2, %dma_wait3A_765] : memref<409600x64xf32, #tpu.memory_space<hbm>> -> memref<64x64xf32, #tpu.memory_space<hbm>>
    %dma_wait3A_767 = arith.constant 0 : i32
    %dma_wait3A_768 = tpu.memref_slice %arg4[%mul3A_2, %dma_wait3A_767] : memref<409600x64xf32, #tpu.memory_space<hbm>> -> memref<64x64xf32, #tpu.memory_space<hbm>>
    %dma_wait3A_769 = arith.constant 0 : i32
    %dma_wait3A_770 = arith.constant 0 : i32
    %dma_wait3A_771 = tpu.memref_slice %arg6[%dma_wait3A_760, %dma_wait3A_769, %dma_wait3A_770] : memref<8x64x64xf32, #tpu.memory_space<vmem>> -> memref<1x64x64xf32, #tpu.memory_space<vmem>>
    %dma_wait3A_772 = tpu.memref_squeeze %dma_wait3A_771 : memref<1x64x64xf32, #tpu.memory_space<vmem>> -> memref<64x64xf32, #tpu.memory_space<vmem>>
    tpu.wait_dma2 semaphore(%arg17 : memref<!tpu.dma_semaphore, #tpu.memory_space<semaphore_mem>>) src(%dma_wait3A_772 : memref<64x64xf32, #tpu.memory_space<vmem>>) dst(%dma_wait3A_768 : memref<64x64xf32, #tpu.memory_space<hbm>>)
    %dma_wait3A_773 = arith.constant 3 : i32
    %dma_wait3A_774 = arith.constant 0 : i32
    %dma_wait3A_775 = arith.constant 0 : i32
    %dma_wait3A_776 = tpu.memref_slice %arg6[%dma_wait3A_773, %dma_wait3A_774, %dma_wait3A_775] : memref<8x64x64xf32, #tpu.memory_space<vmem>> -> memref<1x64x64xf32, #tpu.memory_space<vmem>>
    %dma_wait3A_777 = tpu.memref_squeeze %dma_wait3A_776 : memref<1x64x64xf32, #tpu.memory_space<vmem>> -> memref<64x64xf32, #tpu.memory_space<vmem>>
    %dma_wait3A_778 = arith.constant 0 : i32
    %dma_wait3A_779 = tpu.memref_slice %arg4[%mul3A_2, %dma_wait3A_778] : memref<409600x64xf32, #tpu.memory_space<hbm>> -> memref<64x64xf32, #tpu.memory_space<hbm>>
    %dma_wait3A_780 = arith.constant 0 : i32
    %dma_wait3A_781 = tpu.memref_slice %arg4[%mul3A_2, %dma_wait3A_780] : memref<409600x64xf32, #tpu.memory_space<hbm>> -> memref<64x64xf32, #tpu.memory_space<hbm>>
    %dma_wait3A_782 = arith.constant 0 : i32
    %dma_wait3A_783 = arith.constant 0 : i32
    %dma_wait3A_784 = tpu.memref_slice %arg6[%dma_wait3A_773, %dma_wait3A_782, %dma_wait3A_783] : memref<8x64x64xf32, #tpu.memory_space<vmem>> -> memref<1x64x64xf32, #tpu.memory_space<vmem>>
    %dma_wait3A_785 = tpu.memref_squeeze %dma_wait3A_784 : memref<1x64x64xf32, #tpu.memory_space<vmem>> -> memref<64x64xf32, #tpu.memory_space<vmem>>
    tpu.wait_dma2 semaphore(%arg18 : memref<!tpu.dma_semaphore, #tpu.memory_space<semaphore_mem>>) src(%dma_wait3A_785 : memref<64x64xf32, #tpu.memory_space<vmem>>) dst(%dma_wait3A_781 : memref<64x64xf32, #tpu.memory_space<hbm>>)
    %dma_wait3A_786 = arith.constant 4 : i32
    %dma_wait3A_787 = arith.constant 0 : i32
    %dma_wait3A_788 = arith.constant 0 : i32
    %dma_wait3A_789 = tpu.memref_slice %arg6[%dma_wait3A_786, %dma_wait3A_787, %dma_wait3A_788] : memref<8x64x64xf32, #tpu.memory_space<vmem>> -> memref<1x64x64xf32, #tpu.memory_space<vmem>>
    %dma_wait3A_790 = tpu.memref_squeeze %dma_wait3A_789 : memref<1x64x64xf32, #tpu.memory_space<vmem>> -> memref<64x64xf32, #tpu.memory_space<vmem>>
    %dma_wait3A_791 = arith.constant 0 : i32
    %dma_wait3A_792 = tpu.memref_slice %arg4[%mul3A_2, %dma_wait3A_791] : memref<409600x64xf32, #tpu.memory_space<hbm>> -> memref<64x64xf32, #tpu.memory_space<hbm>>
    %dma_wait3A_793 = arith.constant 0 : i32
    %dma_wait3A_794 = tpu.memref_slice %arg4[%mul3A_2, %dma_wait3A_793] : memref<409600x64xf32, #tpu.memory_space<hbm>> -> memref<64x64xf32, #tpu.memory_space<hbm>>
    %dma_wait3A_795 = arith.constant 0 : i32
    %dma_wait3A_796 = arith.constant 0 : i32
    %dma_wait3A_797 = tpu.memref_slice %arg6[%dma_wait3A_786, %dma_wait3A_795, %dma_wait3A_796] : memref<8x64x64xf32, #tpu.memory_space<vmem>> -> memref<1x64x64xf32, #tpu.memory_space<vmem>>
    %dma_wait3A_798 = tpu.memref_squeeze %dma_wait3A_797 : memref<1x64x64xf32, #tpu.memory_space<vmem>> -> memref<64x64xf32, #tpu.memory_space<vmem>>
    tpu.wait_dma2 semaphore(%arg19 : memref<!tpu.dma_semaphore, #tpu.memory_space<semaphore_mem>>) src(%dma_wait3A_798 : memref<64x64xf32, #tpu.memory_space<vmem>>) dst(%dma_wait3A_794 : memref<64x64xf32, #tpu.memory_space<hbm>>)
    %dma_wait3A_799 = arith.constant 5 : i32
    %dma_wait3A_800 = arith.constant 0 : i32
    %dma_wait3A_801 = arith.constant 0 : i32
    %dma_wait3A_802 = tpu.memref_slice %arg6[%dma_wait3A_799, %dma_wait3A_800, %dma_wait3A_801] : memref<8x64x64xf32, #tpu.memory_space<vmem>> -> memref<1x64x64xf32, #tpu.memory_space<vmem>>
    %dma_wait3A_803 = tpu.memref_squeeze %dma_wait3A_802 : memref<1x64x64xf32, #tpu.memory_space<vmem>> -> memref<64x64xf32, #tpu.memory_space<vmem>>
    %dma_wait3A_804 = arith.constant 0 : i32
    %dma_wait3A_805 = tpu.memref_slice %arg4[%mul3A_2, %dma_wait3A_804] : memref<409600x64xf32, #tpu.memory_space<hbm>> -> memref<64x64xf32, #tpu.memory_space<hbm>>
    %dma_wait3A_806 = arith.constant 0 : i32
    %dma_wait3A_807 = tpu.memref_slice %arg4[%mul3A_2, %dma_wait3A_806] : memref<409600x64xf32, #tpu.memory_space<hbm>> -> memref<64x64xf32, #tpu.memory_space<hbm>>
    %dma_wait3A_808 = arith.constant 0 : i32
    %dma_wait3A_809 = arith.constant 0 : i32
    %dma_wait3A_810 = tpu.memref_slice %arg6[%dma_wait3A_799, %dma_wait3A_808, %dma_wait3A_809] : memref<8x64x64xf32, #tpu.memory_space<vmem>> -> memref<1x64x64xf32, #tpu.memory_space<vmem>>
    %dma_wait3A_811 = tpu.memref_squeeze %dma_wait3A_810 : memref<1x64x64xf32, #tpu.memory_space<vmem>> -> memref<64x64xf32, #tpu.memory_space<vmem>>
    tpu.wait_dma2 semaphore(%arg20 : memref<!tpu.dma_semaphore, #tpu.memory_space<semaphore_mem>>) src(%dma_wait3A_811 : memref<64x64xf32, #tpu.memory_space<vmem>>) dst(%dma_wait3A_807 : memref<64x64xf32, #tpu.memory_space<hbm>>)
    %dma_wait3A_812 = arith.constant 6 : i32
    %dma_wait3A_813 = arith.constant 0 : i32
    %dma_wait3A_814 = arith.constant 0 : i32
    %dma_wait3A_815 = tpu.memref_slice %arg6[%dma_wait3A_812, %dma_wait3A_813, %dma_wait3A_814] : memref<8x64x64xf32, #tpu.memory_space<vmem>> -> memref<1x64x64xf32, #tpu.memory_space<vmem>>
    %dma_wait3A_816 = tpu.memref_squeeze %dma_wait3A_815 : memref<1x64x64xf32, #tpu.memory_space<vmem>> -> memref<64x64xf32, #tpu.memory_space<vmem>>
    %dma_wait3A_817 = arith.constant 0 : i32
    %dma_wait3A_818 = tpu.memref_slice %arg4[%mul3A_2, %dma_wait3A_817] : memref<409600x64xf32, #tpu.memory_space<hbm>> -> memref<64x64xf32, #tpu.memory_space<hbm>>
    %dma_wait3A_819 = arith.constant 0 : i32
    %dma_wait3A_820 = tpu.memref_slice %arg4[%mul3A_2, %dma_wait3A_819] : memref<409600x64xf32, #tpu.memory_space<hbm>> -> memref<64x64xf32, #tpu.memory_space<hbm>>
    %dma_wait3A_821 = arith.constant 0 : i32
    %dma_wait3A_822 = arith.constant 0 : i32
    %dma_wait3A_823 = tpu.memref_slice %arg6[%dma_wait3A_812, %dma_wait3A_821, %dma_wait3A_822] : memref<8x64x64xf32, #tpu.memory_space<vmem>> -> memref<1x64x64xf32, #tpu.memory_space<vmem>>
    %dma_wait3A_824 = tpu.memref_squeeze %dma_wait3A_823 : memref<1x64x64xf32, #tpu.memory_space<vmem>> -> memref<64x64xf32, #tpu.memory_space<vmem>>
    tpu.wait_dma2 semaphore(%arg21 : memref<!tpu.dma_semaphore, #tpu.memory_space<semaphore_mem>>) src(%dma_wait3A_824 : memref<64x64xf32, #tpu.memory_space<vmem>>) dst(%dma_wait3A_820 : memref<64x64xf32, #tpu.memory_space<hbm>>)
    %dma_wait3A_825 = arith.constant 7 : i32
    %dma_wait3A_826 = arith.constant 0 : i32
    %dma_wait3A_827 = arith.constant 0 : i32
    %dma_wait3A_828 = tpu.memref_slice %arg6[%dma_wait3A_825, %dma_wait3A_826, %dma_wait3A_827] : memref<8x64x64xf32, #tpu.memory_space<vmem>> -> memref<1x64x64xf32, #tpu.memory_space<vmem>>
    %dma_wait3A_829 = tpu.memref_squeeze %dma_wait3A_828 : memref<1x64x64xf32, #tpu.memory_space<vmem>> -> memref<64x64xf32, #tpu.memory_space<vmem>>
    %dma_wait3A_830 = arith.constant 0 : i32
    %dma_wait3A_831 = tpu.memref_slice %arg4[%mul3A_2, %dma_wait3A_830] : memref<409600x64xf32, #tpu.memory_space<hbm>> -> memref<64x64xf32, #tpu.memory_space<hbm>>
    %dma_wait3A_832 = arith.constant 0 : i32
    %dma_wait3A_833 = tpu.memref_slice %arg4[%mul3A_2, %dma_wait3A_832] : memref<409600x64xf32, #tpu.memory_space<hbm>> -> memref<64x64xf32, #tpu.memory_space<hbm>>
    %dma_wait3A_834 = arith.constant 0 : i32
    %dma_wait3A_835 = arith.constant 0 : i32
    %dma_wait3A_836 = tpu.memref_slice %arg6[%dma_wait3A_825, %dma_wait3A_834, %dma_wait3A_835] : memref<8x64x64xf32, #tpu.memory_space<vmem>> -> memref<1x64x64xf32, #tpu.memory_space<vmem>>
    %dma_wait3A_837 = tpu.memref_squeeze %dma_wait3A_836 : memref<1x64x64xf32, #tpu.memory_space<vmem>> -> memref<64x64xf32, #tpu.memory_space<vmem>>
    tpu.wait_dma2 semaphore(%arg22 : memref<!tpu.dma_semaphore, #tpu.memory_space<semaphore_mem>>) src(%dma_wait3A_837 : memref<64x64xf32, #tpu.memory_space<vmem>>) dst(%dma_wait3A_833 : memref<64x64xf32, #tpu.memory_space<hbm>>)
    return
  }
}

</mosaic_0001>

<sc_bundles>
// kernel: kernel.4.cloned.1.call-start
scs
__scs_entry_jumppad:
0x0: {  	(pc) =	sbr.rel $0x88, $3  }
0x1: {  	(tag) =	ssettag $0x0;
	lr =	simm.s32 $0x1  }
0x2: {  	[smem:$0x3F9F] =	sst lr;
	_ =	strace $0xD0000000  }
0x3: {  	_ = 	snop  }
0x4: {  	_ = 	snop  }
0x5: {  	_ = 	snop  }
0x6: {  	_ = 	snop  }
0x7: {  	_ = 	snop  }
__scs_overlays_trampoline_lowered:
0x8: {  	[smem:$0x3FAE] =	sst s0  }
0x9: {  	[smem:$0x3FAF] =	sst s1  }
0xa: {  	[smem:$0x3FB0] =	sst s2  }
0xb: {  	[smem:$0x3FB1] =	sst s3  }
0xc: {  	[smem:$0x3FB2] =	sst s4  }
0xd: {  	[smem:$0x3FB3] =	sst s5  }
0xe: {  	[smem:$0x3FB4] =	sst s6  }
0xf: {  	[smem:$0x3FB5] =	sst s7  }
0x10: {  	[smem:$0x3FB6] =	sst s8  }
0x11: {  	[smem:$0x3FB7] =	sst s9;
	s0 =	simm.s32 @!p0 $0x0  }
0x12: {  	s1 =	sld [smem:$0x3F9D];
	s0 =	simm.s32 @p0 $0x1  }
0x13: {  	[smem:$0x3FB8] =	sst s0;
	s0 =	simm.s32 @!p1 $0x0  }
0x14: {  	s2 =	sld [smem:$0x3F9C];
	s0 =	simm.s32 @p1 $0x1  }
0x15: {  	[smem:$0x3FB9] =	sst s0;
	s0 =	simm.s32 @!p2 $0x0  }
0x16: {  	s3 =	sld [smem:$0x3FDB];
	s0 =	simm.s32 @p2 $0x1  }
0x17: {  	s4 =	simm.s32 $0x1BF5;
	[smem:$0x3FBB] =	sst s0  }
0x18: {  	s0 =	sld [smem:$0x3F9E];
	_ =	swait.ge [sflag:s4], $0x0  }
0x19: {  	s7 =	sld [smem:$0x3F9F]  }
0x1a: {  	s8 =	sadd.s32 $0xFFFFE003, lr  }
0x1b: {  	s9 =	sadd.s32 $0xFFFFFEF7, lr;
	s5 =	simm.s32 $0xFFFFFFFF;
	p2 =	slt.u32 s8, $0xFFFFF086  }
0x1c: {  	p1 =	slt.u32 s9, $0xF7A;
	s5 =	simm.s32 @!p2 $0x0  }
0x1d: {  	s5 =	simm.s32 @p1 $0x1;
	p0 =	seq.s32 s7, s2  }
0x1e: {  	s7 =	smul.u32 @!p0 $0xF7A, s2;
	p2 =	seq.s32 @!p0 s5, $0x0  }
0x1f: {  	s9 =	smul.u32 $0xF7A, s1;
	s8 =	simm.s32 @!p0 $0x1BF5;
	p2 =	por !p2, p0  }
0x20: {  	[sflag:s8] =	ssyncset.s32 @!p0 $0xFFFFF086;
	s6 =	sadd.s32 @!p0 s3, s7;
	s7 =	simm.s32 @!p0 $0x108  }
0x21: {  	s3 =	sadd.s32 s3, s9;
	s6 =	sadd.s32 @!p0 $0x88, s6;
	s7 =	simm.s32 @p2 $0x1082  }
0x22: {  	[simem:s7], [sflag:s8] =	dma.local @!p0 [hbm:s6], $0xF7A  }
0x23: {  	s9 =	sor.u32 $0xD0000000, s2;
	s6 =	simm.s32 $0x108;
	_ =	swait.ge @!p0 [sflag:s8], $0x0  }
0x24: {  	s3 =	sadd.s32 $0x88, s3;
	s6 =	simm.s32 @!p1 $0x1082;
	[sflag:s4] =	ssyncset.s32 $0xFFFFF086  }
0x25: {  	[simem:s6], [sflag:s4] =	dma.local [hbm:s3], $0xF7A  }
0x26: {  	[smem:$0x3F9F] =	sst s1;
	(tag) =	ssettag s2;
	_ =	strace s9  }
0x27: {  	s1 =	sld [smem:$0x3FAF]  }
0x28: {  	s2 =	sld [smem:$0x3FB0]  }
0x29: {  	s4 =	sld [smem:$0x3FB2]  }
0x2a: {  	p0 =	seq.s32 s5, $0x0;
	s5 =	sld [smem:$0x3FB3]  }
0x2b: {  	s6 =	sld [smem:$0x3FB4]  }
0x2c: {  	s7 =	sld [smem:$0x3FB5]  }
0x2d: {  	s3 =	simm.s32 $0x108;
	s8 =	sld [smem:$0x3FB6]  }
0x2e: {  	s3 =	simm.s32 @!p0 $0x1082;
	s9 =	sld [smem:$0x3FB7]  }
0x2f: {  	lr =	sadd.s32 s0, s3;
	s0 =	sld [smem:$0x3FAE]  }
0x30: {  	s3 =	sld [smem:$0x3FB1]  }
0x31: {  	[smem:$0x3FBA] =	sst s10  }
0x32: {  	s10 =	sld [smem:$0x3FB8];
	_ =	sdelay $0x3  }
0x33: {  	p0 =	seq.s32 s10, $0x1;
	s10 =	sld [smem:$0x3FBA];
	_ =	sdelay $0x3  }
0x34: {  	[smem:$0x3FBA] =	sst s10  }
0x35: {  	s10 =	sld [smem:$0x3FB9];
	_ =	sdelay $0x3  }
0x36: {  	p1 =	seq.s32 s10, $0x1;
	s10 =	sld [smem:$0x3FBA];
	_ =	sdelay $0x3  }
0x37: {  	[smem:$0x3FBA] =	sst s10  }
0x38: {  	s10 =	sld [smem:$0x3FBB]  }
0x39: {  	_ = 	snop;
	(pc) =	sbr.ind lr, $3  }
0x3a: {  	_ = 	snop  }
0x3b: {  	_ = 	snop  }
0x3c: {  	p2 =	seq.s32 s10, $0x1;
	s10 =	sld [smem:$0x3FBA]  }
0x3d: {  	_ =	shalt  }
0x3e: {  	_ =	shalt  }
0x3f: {  	_ =	shalt  }
0x40: {  	_ =	shalt  }
0x41: {  	_ =	shalt  }
0x42: {  	_ =	shalt  }
0x43: {  	_ =	shalt  }
0x44: {  	_ =	shalt  }
0x45: {  	_ =	shalt  }
0x46: {  	_ =	shalt  }
0x47: {  	_ =	shalt  }
0x48: {  	_ =	shalt  }
0x49: {  	_ =	shalt  }
0x4a: {  	_ =	shalt  }
0x4b: {  	_ =	shalt  }
0x4c: {  	_ =	shalt  }
0x4d: {  	_ =	shalt  }
0x4e: {  	_ =	shalt  }
0x4f: {  	_ =	shalt  }
0x50: {  	_ =	shalt  }
0x51: {  	_ =	shalt  }
0x52: {  	_ =	shalt  }
0x53: {  	_ =	shalt  }
0x54: {  	_ =	shalt  }
0x55: {  	_ =	shalt  }
0x56: {  	_ =	shalt  }
0x57: {  	_ =	shalt  }
0x58: {  	_ =	shalt  }
0x59: {  	_ =	shalt  }
0x5a: {  	_ =	shalt  }
0x5b: {  	_ =	shalt  }
0x5c: {  	_ =	shalt  }
0x5d: {  	_ =	shalt  }
0x5e: {  	_ =	shalt  }
0x5f: {  	_ =	shalt  }
0x60: {  	_ =	shalt  }
0x61: {  	_ =	shalt  }
0x62: {  	_ =	shalt  }
0x63: {  	_ =	shalt  }
0x64: {  	_ =	shalt  }
0x65: {  	_ =	shalt  }
0x66: {  	_ =	shalt  }
0x67: {  	_ =	shalt  }
0x68: {  	_ =	shalt  }
0x69: {  	_ =	shalt  }
0x6a: {  	_ =	shalt  }
0x6b: {  	_ =	shalt  }
0x6c: {  	_ =	shalt  }
0x6d: {  	_ =	shalt  }
0x6e: {  	_ =	shalt  }
0x6f: {  	_ =	shalt  }
0x70: {  	_ =	shalt  }
0x71: {  	_ =	shalt  }
0x72: {  	_ =	shalt  }
0x73: {  	_ =	shalt  }
0x74: {  	_ =	shalt  }
0x75: {  	_ =	shalt  }
0x76: {  	_ =	shalt  }
0x77: {  	_ =	shalt  }
0x78: {  	_ =	shalt  }
0x79: {  	_ =	shalt  }
0x7a: {  	_ =	shalt  }
0x7b: {  	_ =	shalt  }
0x7c: {  	_ =	shalt  }
0x7d: {  	_ =	shalt  }
0x7e: {  	_ =	shalt  }
0x7f: {  	_ =	shalt  }
0x80: {  	_ =	shalt  }
0x81: {  	_ =	shalt  }
0x82: {  	_ =	shalt  }
0x83: {  	_ =	shalt  }
0x84: {  	_ =	shalt  }
0x85: {  	_ =	shalt  }
0x86: {  	_ =	shalt  }
0x87: {  	_ =	shalt  }
.Lfunc_end0:
.L_simem_size_0:
called_computation.2_lowered:
.L_overlay_start_0:
0x88: {  	s2 =	sld [smem:$0x3FD9]  }
0x89: {  	s3 =	sld [smem:$0x3FFE];
	_ =	sdelay $0x1  }
0x8a: {  	s1 =	srdreg.scid  }
0x8b: {  	s0 =	sand.u32 $0x1, s1  }
0x8c: {  	s17 =	sshll.u32 s0, $0xA;
	s2 =	sadd.s32 s3, s2  }
0x8d: {  	s2 =	sadd.s32 s2, s17  }
0x8e: {  	[smem:$0x3FC6] =	sst s2  }
0x8f: {  	_ = 	snop  }
0x90: {  	s18 =	sld [smem:$0x3FD0];
	(tm) =	ssettm $0x1  }
0x91: {  	s19 =	sld [smem:$0x3FFB];
	_ =	sdelay $0x3  }
0x92: {  	_ =	strace s19  }
0x93: {  	s2 =	sld [smem:$0x3FFC];
	_ =	sdelay $0x3  }
0x94: {  	_ =	strace s2  }
0x95: {  	s2 =	sld [smem:$0x3FFD];
	_ =	sdelay $0x3  }
0x96: {  	_ =	strace s2  }
0x97: {  	_ =	strace $0x8FFFFFFF  }
0x98: {  	s20 =	sld [smem:$0x3FDB];
	_ =	sdelay $0x1  }
0x99: {  	s4 =	simm.s32 $_scs_section_size  }
0x9a: {  	s5 =	simm.s32 $_size__tile_overlayer_lowered;
	s6 =	simm.s32 $_tile_overlayer_lowered  }
0x9b: {  	s7 =	simm.s32 $0x1BFF;
	s21 =	sshll.u32 s6, $0x1;
	s4 =	sadd.s32 s4, s20  }
0x9c: {  	s22 =	simm.s32 $0x0;
	s5 =	sshll.u32 s5, $0x1;
	s6 =	sadd.s32 s21, s4  }
0x9d: {  	[timem:s22], [sflag:s7] =	dma.local [hbm:s6], s5  }
0x9e: {  	_ =	swait.ge [sflag:s7], s5  }
0x9f: {  	s5 =	ssub.s32 $0x0, s5;
	[sflag:s7] =	ssyncset.done $0x0  }
0xa0: {  	[sflag:s7] =	ssyncadd.s32 s5;
	_ =	sdelay $0x1  }
0xa1: {  	s23 =	simm.s32 $0x1B8B  }
0xa2: {  	_ =	swait.ge [sflag:s23], $0x1  }
0xa3: {  	[sflag:s23] =	ssyncset.done $0x0  }
0xa4: {  	[sflag:s23] =	ssyncadd.s32 $0xFFFFFFFF  }
0xa5: {  	s5 =	sld [smem:$0x0]  }
0xa6: {  	s6 =	sand.u32 $0xFFFFFFFE, s1  }
0xa7: {  	p0 =	sne.s32 s1, s6  }
0xa8: {  	s6 =	sshll.u32 @p0 s6, $0xE  }
0xa9: {  	s6 =	sadd.s32 @p0 $0x11B8D, s6;
	s7 =	sshll.u32 @p0 s5, $0x11  }
0xaa: {  	s6 =	sor.u32 @p0 s7, s6  }
0xab: {  	[sflag:s6] =	ssyncadd.remote.s32 @p0 $0x1;
	_ =	sdelay $0x1  }
0xac: {  	s6 =	simm.s32 @p0 $0x1B8D  }
0xad: {  	_ =	swait.eq @p0 [sflag:s6], $0x1  }
0xae: {  	[sflag:s6] =	ssyncadd.s32 @p0 $0xFFFFFFFF  }
0xaf: {  	s7 =	sshll.u32 @!p0 s1, $0xE  }
0xb0: {  	s7 =	sor.u32 @!p0 $0x4000, s7;
	s6 =	simm.s32 @!p0 $0x1B8D  }
0xb1: {  	s5 =	sshll.u32 @!p0 s5, $0x11;
	s7 =	sadd.s32 @!p0 $0x11B8D, s7;
	_ =	swait.eq @!p0 [sflag:s6], $0x1  }
0xb2: {  	s5 =	sor.u32 @!p0 s5, s7;
	[sflag:s6] =	ssyncadd.s32 @!p0 $0xFFFFFFFF  }
0xb3: {  	s25 =	simm.s32 $0x1B8E;
	s24 =	sld [smem:$0x3FFE];
	[sflag:s5] =	ssyncadd.remote.s32 @!p0 $0x1  }
0xb4: {  	s26 =	simm.s32 $execute0_lowered;
	[smem:$0x3FD2] =	sst s25  }
0xb5: {  	s6 =	sshll.u32 s26, $0x1;
	_ =	strace $0x80000049;
	[dreg:$0x1] =	wrdreg $0xFFFFFFFF  }
0xb6: {  	s28 =	simm.s32 $_size_execute0_lowered;
	s4 =	sadd.s32 s4, s6;
	[dreg:$0x0] =	wrdreg $0x0  }
0xb7: {  	s6 =	sshll.u32 s28, $0x1;
	[dreg:$0x2] =	wrdreg s4  }
0xb8: {  	[dreg:$0x3] =	wrdreg s6  }
0xb9: {  	[dreg:$0x4] =	wrdreg $0xC0  }
0xba: {  	_ =	task [dreg:s22], $0x5FFFF  }
0xbb: {  	[dreg:$0x1] =	wrdreg $0xFFFFFFFF  }
0xbc: {  	[dreg:$0x0] =	wrdreg $0x60  }
0xbd: {  	[dreg:$0x2] =	wrdreg s24  }
0xbe: {  	[dreg:$0x3] =	wrdreg s18  }
0xbf: {  	[dreg:$0x4] =	wrdreg $0xA  }
0xc0: {  	_ =	task.clear_ibuf [dreg:s22], $0x5FFFF;
	_ =	strace $0x90000049  }
0xc1: {  	s29 =	simm.s32 $0xA;
	_ =	strace $0x8000004B  }
0xc2: {  	_ =	swait.ge [sflag:s29], $0x1  }
0xc3: {  	[sflag:s29] =	ssyncadd.s32 $0xFFFFFFFF  }
0xc4: {  	_ =	strace $0x9000004B  }
0xc5: {  	_ =	sfence  }
0xc6: {  	s30 =	sld [smem:$0x0];
	_ =	sdelay $0x2  }
0xc7: {  	s31 =	sshll.u32 s1, $0xD;
	s1 =	sshrl.u32 s1, $0x2  }
0xc8: {  	s4 =	sand.u32 $0x4000, s31;
	s1 =	sadd.s32 s1, s30  }
0xc9: {  	s0 =	sor.u32 s4, s0;
	s1 =	sshll.u32 s1, $0x11  }
0xca: {  	s0 =	sor.u32 s1, s0  }
0xcb: {  	s0 =	sadd.s32 $0x8F2B, s0  }
0xcc: {  	[sflag:s0] =	ssyncadd.remote.s32 $0x1  }
0xcd: {  	_ =	sfence.sel $0xFFFF  }
0xce: {  	[dreg:$0x0] =	wrdreg $0xFFFFFFFF;
	(pc) =	sbr.abs _section_cstart, $3  }
0xcf: {  	[dreg:$0x1] =	wrdreg $0xFFFFFFFF  }
0xd0: {  	_ =	task.clear_ibuf [dreg:s22], $0x2FFFF;
	_ =	strace $0x9FFFFFFF  }
0xd1: {  	(tm) =	ssettm $0x7FFFFFFF  }
tec
execute0_lowered:
.L_overlay_start_1:
0x0: {  	(tag) =	ssettag $0x1  }
0x1: {  	s0 =	rddreg [dreg:$0x0]  }
0x2: {  	s1 =	srdreg.scid;
	s9 =	stileid.u32  }
0x3: {  	s28 =	rddreg [dreg:$0x1];
	s1 =	sand.u32 $0x1, s1;
	s19 =	smul.u32 $0x190000, s9  }
0x4: {  	s3 =	simm.s32 $0x0;
	s2 =	sshll.u32 s9, $0x1;
	s14 =	smul.u32 $0x3200, s1  }
0x5: {  	s2 =	sor.u32 s1, s2;
	s5 =	ssub.s32 $0x2, s1;
	s1 =	smul.u32 $0xC8000, s1  }
0x6: {  	[smem:$0x7FF] =	sst s3;
	s8 =	smul.u32 $0x19000, s2  }
0x7: {  	_ =	strace $0x8000004A;
	s4 =	smul.u32 $0x3200, s2;
	s7 =	sshrl.u32 s5, $0x1  }
0x8: {  	s5 =	ssub.s32 s5, s7;
	s1 =	sadd.s32 s1, s19;
	s30 =	sadd.s32 s28, s8  }
0x9: {  	s6 =	sshrl.u32 s4, $0x3;
	s5 =	smax.u32 s5, $0x1;
	[dreg:$0xb] =	wrdreg s30  }
0xa: {  	s4 =	sadd.s32 $0xF43A00, s0;
	s1 =	sadd.s32 $0x8000, s1;
	[dreg:$0x1b] =	wrdreg s5  }
0xb: {  	s0 =	sadd.s32 s6, s0;
	s6 =	sadd.s32 $0x200, s30;
	[dreg:$0x1c] =	wrdreg s1  }
0xc: {  	s8 =	sadd.s32 $0x400, s30;
	[dreg:$0xc] =	wrdreg s6  }
0xd: {  	s12 =	smul.u32 $0x6400, s9;
	s10 =	sadd.s32 $0x600, s30;
	[dreg:$0xd] =	wrdreg s8  }
0xe: {  	s31 =	smul.u32 $0xC8000, s2;
	s11 =	sadd.s32 $0x800, s30;
	[dreg:$0xe] =	wrdreg s10  }
0xf: {  	s2 =	sadd.s32 s14, s12;
	s13 =	sadd.s32 $0xA00, s30;
	[dreg:$0xf] =	wrdreg s11  }
0x10: {  	s2 =	sshll.u32 s2, $0x3;
	s7 =	sadd.s32 $0xE00, s30;
	[dreg:$0x10] =	wrdreg s13  }
0x11: {  	s21 =	sadd.s32 $0x1600, s2;
	[dreg:$0x12] =	wrdreg s7  }
0x12: {  	s23 =	sadd.s32 $0x1400, s2;
	[dreg:$0x3] =	wrdreg s21  }
0x13: {  	s24 =	sadd.s32 $0x1200, s2;
	[dreg:$0x4] =	wrdreg s23  }
0x14: {  	s26 =	sadd.s32 $0x1E00, s2;
	[dreg:$0x5] =	wrdreg s24  }
0x15: {  	s29 =	sadd.s32 $0x1C00, s2;
	[dreg:$0x6] =	wrdreg s26  }
0x16: {  	s0 =	sadd.s32 $0x32DE00, s0;
	[dreg:$0x7] =	wrdreg s29  }
0x17: {  	s8 =	sadd.s32 $0xC00, s30;
	[dreg:$0xa] =	wrdreg s0  }
0x18: {  	s30 =	sadd.s32 $0x1A00, s2;
	s0 =	sshrl.u32 s31, $0x3;
	[dreg:$0x11] =	wrdreg s8  }
0x19: {  	[dreg:$0x8] =	wrdreg s30;
	s31 =	sadd.s32 $0x1800, s2;
	s0 =	sadd.s32 s28, s0  }
0x1a: {  	s9 =	simm.s32 $0x4;
	[dreg:$0x9] =	wrdreg s31;
	s15 =	sadd.s32 $0x18000, s0  }
0x1b: {  	s12 =	simm.s32 $0x9;
	s16 =	sadd.s32 $0x18200, s0;
	[dreg:$0x13] =	wrdreg s15  }
0x1c: {  	s14 =	simm.s32 $0xA;
	s17 =	sadd.s32 $0x18400, s0;
	[dreg:$0x14] =	wrdreg s16  }
0x1d: {  	s19 =	simm.s32 $0xD;
	s18 =	sadd.s32 $0x18600, s0;
	[dreg:$0x15] =	wrdreg s17  }
0x1e: {  	s7 =	simm.s32 $0x3;
	s20 =	sadd.s32 $0x18800, s0;
	[dreg:$0x16] =	wrdreg s18  }
0x1f: {  	s11 =	simm.s32 $0x5;
	s22 =	sadd.s32 $0x18A00, s0;
	[dreg:$0x17] =	wrdreg s20  }
0x20: {  	s13 =	simm.s32 $0x6;
	s25 =	sadd.s32 $0x18C00, s0;
	[dreg:$0x18] =	wrdreg s22  }
0x21: {  	s21 =	simm.s32 $0xF;
	s0 =	sadd.s32 $0x18E00, s0;
	[dreg:$0x19] =	wrdreg s25  }
0x22: {  	[dreg:$0x1a] =	wrdreg s0;
	s25 =	simm.s32 $0x40;
	s15 =	simm.s32 $0x7  }
0x23: {  	s16 =	simm.s32 $0xB;
	s17 =	simm.s32 $0x8;
	s18 =	simm.s32 $0xC  }
0x24: {  	s20 =	simm.s32 $0xE;
	s22 =	simm.s32 $0x10;
	s0 =	simm.s32 $0x0  }
.LBB2_1:
0x25: {  	[dreg:$0x1d] =	wrdreg s0  }
0x26: {  	s2 =	rddreg [dreg:$0xa];
	s8 =	simm.s32 $0x11  }
0x27: {  	[tilespmem:s3], [sflag:$0x11] =	stream.linear.gather [hbm4b:s2+s3], $0x3200, $0x38;
	[tilespmem:$0xB200] =	vst v63  }
0x28: {  	_ =	swait.ge [sflag:s8], $0x3200  }
0x29: {  	[sflag:s8] =	ssyncset.done $0x0  }
0x2a: {  	s23 =	simm.s32 $0x3200;
	[sflag:s8] =	ssyncadd.s32 $0xFFFFCE00  }
0x2b: {  	[tilespmem:s23], [sflag:$0x1] =	stream.indirect.gather [hbm4b:s4+s25], $0x40, s3, s25, $0xb8;
	[tilespmem:$0xB200] =	vst v63  }
0x2c: {  	s1 =	simm.s32 $0x4200  }
0x2d: {  	[tilespmem:s1], [sflag:$0x2] =	stream.indirect.gather [hbm4b:s4+s25], $0x40, s25, s25, $0xb8;
	[tilespmem:$0xB200] =	vst v63  }
0x2e: {  	s10 =	simm.s32 $0x80;
	s24 =	simm.s32 $0x5200  }
0x2f: {  	[tilespmem:s24], [sflag:$0x3] =	stream.indirect.gather [hbm4b:s4+s25], $0x40, s10, s25, $0xb8;
	[tilespmem:$0xB200] =	vst v63  }
0x30: {  	s26 =	simm.s32 $0xC0;
	s5 =	simm.s32 $0x6200;
	s0 =	simm.s32 $0x1  }
0x31: {  	[tilespmem:s5], [sflag:$0x4] =	stream.indirect.gather [hbm4b:s4+s25], $0x40, s26, s25, $0xb8;
	[tilespmem:$0xB200] =	vst v63  }
0x32: {  	_ =	swait.ge [sflag:s0], $0x1000  }
0x33: {  	[sflag:s0] =	ssyncset.done $0x0  }
0x34: {  	s29 =	rddreg [dreg:$0xb];
	[sflag:s0] =	ssyncadd.s32 $0xFFFFF000  }
0x35: {  	[hbm4b:s29+s3] =	stream.linear.scatter [tilespmem:s23], [sflag:$0x9], $0x1000, $0x38;
	[tilespmem:$0xB200] =	vst v63  }
0x36: {  	s30 =	simm.s32 $0x100;
	s26 =	simm.s32 $0x7200;
	s29 =	simm.s32 $0x2  }
0x37: {  	[tilespmem:s26], [sflag:$0x5] =	stream.indirect.gather [hbm4b:s4+s25], $0x40, s30, s25, $0xb8;
	[tilespmem:$0xB200] =	vst v63  }
0x38: {  	_ =	swait.ge [sflag:s29], $0x1000  }
0x39: {  	[sflag:s29] =	ssyncset.done $0x0  }
0x3a: {  	s31 =	rddreg [dreg:$0xc];
	[sflag:s29] =	ssyncadd.s32 $0xFFFFF000  }
0x3b: {  	[hbm4b:s31+s3] =	stream.linear.scatter [tilespmem:s1], [sflag:$0xA], $0x1000, $0x38;
	[tilespmem:$0xB200] =	vst v63  }
0x3c: {  	s6 =	simm.s32 $0x140;
	s8 =	simm.s32 $0x8200  }
0x3d: {  	[tilespmem:s8], [sflag:$0x6] =	stream.indirect.gather [hbm4b:s4+s25], $0x40, s6, s25, $0xb8;
	[tilespmem:$0xB200] =	vst v63  }
0x3e: {  	_ =	swait.ge [sflag:s7], $0x1000  }
0x3f: {  	[sflag:s7] =	ssyncset.done $0x0  }
0x40: {  	s10 =	rddreg [dreg:$0xd];
	[sflag:s7] =	ssyncadd.s32 $0xFFFFF000  }
0x41: {  	[hbm4b:s10+s3] =	stream.linear.scatter [tilespmem:s24], [sflag:$0xB], $0x1000, $0x38;
	[tilespmem:$0xB200] =	vst v63  }
0x42: {  	s30 =	simm.s32 $0x180;
	s10 =	simm.s32 $0x9200  }
0x43: {  	[tilespmem:s10], [sflag:$0x7] =	stream.indirect.gather [hbm4b:s4+s25], $0x40, s30, s25, $0xb8;
	[tilespmem:$0xB200] =	vst v63  }
0x44: {  	_ =	swait.ge [sflag:s9], $0x1000  }
0x45: {  	[sflag:s9] =	ssyncset.done $0x0  }
0x46: {  	s31 =	rddreg [dreg:$0xe];
	[sflag:s9] =	ssyncadd.s32 $0xFFFFF000  }
0x47: {  	[hbm4b:s31+s3] =	stream.linear.scatter [tilespmem:s5], [sflag:$0xC], $0x1000, $0x38;
	[tilespmem:$0xB200] =	vst v63  }
0x48: {  	s6 =	simm.s32 $0x1C0;
	s30 =	simm.s32 $0xA200  }
0x49: {  	[tilespmem:s30], [sflag:$0x8] =	stream.indirect.gather [hbm4b:s4+s25], $0x40, s6, s25, $0xb8;
	[tilespmem:$0xB200] =	vst v63  }
0x4a: {  	_ =	swait.ge [sflag:s11], $0x1000  }
0x4b: {  	[sflag:s11] =	ssyncset.done $0x0  }
0x4c: {  	s31 =	rddreg [dreg:$0xf];
	[sflag:s11] =	ssyncadd.s32 $0xFFFFF000  }
0x4d: {  	[hbm4b:s31+s3] =	stream.linear.scatter [tilespmem:s26], [sflag:$0xD], $0x1000, $0x38;
	[tilespmem:$0xB200] =	vst v63  }
0x4e: {  	_ =	swait.ge [sflag:s12], $0x1000  }
0x4f: {  	[sflag:s12] =	ssyncset.done $0x0  }
0x50: {  	s6 =	simm.s32 $0x200;
	[sflag:s12] =	ssyncadd.s32 $0xFFFFF000  }
0x51: {  	[tilespmem:s23], [sflag:$0x1] =	stream.indirect.gather [hbm4b:s4+s25], $0x40, s6, s25, $0xb8;
	[tilespmem:$0xB200] =	vst v63  }
0x52: {  	_ =	swait.ge [sflag:s13], $0x1000  }
0x53: {  	[sflag:s13] =	ssyncset.done $0x0  }
0x54: {  	s31 =	rddreg [dreg:$0x10];
	[sflag:s13] =	ssyncadd.s32 $0xFFFFF000  }
0x55: {  	[hbm4b:s31+s3] =	stream.linear.scatter [tilespmem:s8], [sflag:$0xE], $0x1000, $0x38;
	[tilespmem:$0xB200] =	vst v63  }
0x56: {  	_ =	swait.ge [sflag:s14], $0x1000  }
0x57: {  	[sflag:s14] =	ssyncset.done $0x0  }
0x58: {  	s6 =	simm.s32 $0x240;
	[sflag:s14] =	ssyncadd.s32 $0xFFFFF000  }
0x59: {  	[tilespmem:s1], [sflag:$0x2] =	stream.indirect.gather [hbm4b:s4+s25], $0x40, s6, s25, $0xb8;
	[tilespmem:$0xB200] =	vst v63  }
0x5a: {  	_ =	swait.ge [sflag:s15], $0x1000  }
0x5b: {  	[sflag:s15] =	ssyncset.done $0x0  }
0x5c: {  	s31 =	rddreg [dreg:$0x11];
	[sflag:s15] =	ssyncadd.s32 $0xFFFFF000  }
0x5d: {  	[hbm4b:s31+s3] =	stream.linear.scatter [tilespmem:s10], [sflag:$0xF], $0x1000, $0x38;
	[tilespmem:$0xB200] =	vst v63  }
0x5e: {  	_ =	swait.ge [sflag:s16], $0x1000  }
0x5f: {  	[sflag:s16] =	ssyncset.done $0x0  }
0x60: {  	s6 =	simm.s32 $0x280;
	[sflag:s16] =	ssyncadd.s32 $0xFFFFF000  }
0x61: {  	[tilespmem:s24], [sflag:$0x3] =	stream.indirect.gather [hbm4b:s4+s25], $0x40, s6, s25, $0xb8;
	[tilespmem:$0xB200] =	vst v63  }
0x62: {  	_ =	swait.ge [sflag:s17], $0x1000  }
0x63: {  	[sflag:s17] =	ssyncset.done $0x0  }
0x64: {  	s31 =	rddreg [dreg:$0x12];
	[sflag:s17] =	ssyncadd.s32 $0xFFFFF000  }
0x65: {  	[hbm4b:s31+s3] =	stream.linear.scatter [tilespmem:s30], [sflag:$0x10], $0x1000, $0x38;
	[tilespmem:$0xB200] =	vst v63  }
0x66: {  	_ =	swait.ge [sflag:s18], $0x1000  }
0x67: {  	[sflag:s18] =	ssyncset.done $0x0  }
0x68: {  	s6 =	simm.s32 $0x2C0;
	[sflag:s18] =	ssyncadd.s32 $0xFFFFF000  }
0x69: {  	[tilespmem:s5], [sflag:$0x4] =	stream.indirect.gather [hbm4b:s4+s25], $0x40, s6, s25, $0xb8;
	[tilespmem:$0xB200] =	vst v63  }
0x6a: {  	_ =	swait.ge [sflag:s0], $0x1000  }
0x6b: {  	s6 =	rddreg [dreg:$0x1c]  }
0x6c: {  	[sflag:s0] =	ssyncset.done $0x0;
	s31 =	sshrl.u32 s6, $0x3  }
0x6d: {  	[sflag:s0] =	ssyncadd.s32 $0xFFFFF000;
	s2 =	sadd.s32 s28, s31  }
0x6e: {  	[hbm4b:s2+s3] =	stream.linear.scatter [tilespmem:s23], [sflag:$0x9], $0x1000, $0x38;
	[tilespmem:$0xB200] =	vst v63  }
0x6f: {  	_ =	swait.ge [sflag:s19], $0x1000  }
0x70: {  	[sflag:s19] =	ssyncset.done $0x0  }
0x71: {  	s0 =	simm.s32 $0x300;
	[sflag:s19] =	ssyncadd.s32 $0xFFFFF000  }
0x72: {  	[tilespmem:s26], [sflag:$0x5] =	stream.indirect.gather [hbm4b:s4+s25], $0x40, s0, s25, $0xb8;
	[tilespmem:$0xB200] =	vst v63  }
0x73: {  	_ =	swait.ge [sflag:s29], $0x1000  }
0x74: {  	s31 =	rddreg [dreg:$0x5];
	[sflag:s29] =	ssyncset.done $0x0  }
0x75: {  	[sflag:s29] =	ssyncadd.s32 $0xFFFFF000;
	s2 =	sadd.s32 s28, s31  }
0x76: {  	[hbm4b:s2+s3] =	stream.linear.scatter [tilespmem:s1], [sflag:$0xA], $0x1000, $0x38;
	[tilespmem:$0xB200] =	vst v63  }
0x77: {  	_ =	swait.ge [sflag:s20], $0x1000  }
0x78: {  	[sflag:s20] =	ssyncset.done $0x0  }
0x79: {  	s0 =	simm.s32 $0x340;
	[sflag:s20] =	ssyncadd.s32 $0xFFFFF000  }
0x7a: {  	[tilespmem:s8], [sflag:$0x6] =	stream.indirect.gather [hbm4b:s4+s25], $0x40, s0, s25, $0xb8;
	[tilespmem:$0xB200] =	vst v63  }
0x7b: {  	_ =	swait.ge [sflag:s7], $0x1000  }
0x7c: {  	s29 =	rddreg [dreg:$0x4];
	[sflag:s7] =	ssyncset.done $0x0  }
0x7d: {  	[sflag:s7] =	ssyncadd.s32 $0xFFFFF000;
	s2 =	sadd.s32 s28, s29  }
0x7e: {  	[hbm4b:s2+s3] =	stream.linear.scatter [tilespmem:s24], [sflag:$0xB], $0x1000, $0x38;
	[tilespmem:$0xB200] =	vst v63  }
0x7f: {  	_ =	swait.ge [sflag:s21], $0x1000  }
0x80: {  	[sflag:s21] =	ssyncset.done $0x0  }
0x81: {  	s31 =	simm.s32 $0x380;
	[sflag:s21] =	ssyncadd.s32 $0xFFFFF000  }
0x82: {  	[tilespmem:s10], [sflag:$0x7] =	stream.indirect.gather [hbm4b:s4+s25], $0x40, s31, s25, $0xb8;
	[tilespmem:$0xB200] =	vst v63  }
0x83: {  	_ =	swait.ge [sflag:s9], $0x1000  }
0x84: {  	s0 =	rddreg [dreg:$0x3];
	[sflag:s9] =	ssyncset.done $0x0  }
0x85: {  	[sflag:s9] =	ssyncadd.s32 $0xFFFFF000;
	s2 =	sadd.s32 s28, s0  }
0x86: {  	[hbm4b:s2+s3] =	stream.linear.scatter [tilespmem:s5], [sflag:$0xC], $0x1000, $0x38;
	[tilespmem:$0xB200] =	vst v63  }
0x87: {  	_ =	swait.ge [sflag:s22], $0x1000  }
0x88: {  	[sflag:s22] =	ssyncset.done $0x0  }
0x89: {  	s29 =	simm.s32 $0x3C0;
	[sflag:s22] =	ssyncadd.s32 $0xFFFFF000  }
0x8a: {  	[tilespmem:s30], [sflag:$0x8] =	stream.indirect.gather [hbm4b:s4+s25], $0x40, s29, s25, $0xb8;
	[tilespmem:$0xB200] =	vst v63  }
0x8b: {  	_ =	swait.ge [sflag:s11], $0x1000  }
0x8c: {  	s31 =	rddreg [dreg:$0x9];
	[sflag:s11] =	ssyncset.done $0x0  }
0x8d: {  	[sflag:s11] =	ssyncadd.s32 $0xFFFFF000;
	s2 =	sadd.s32 s28, s31  }
0x8e: {  	[hbm4b:s2+s3] =	stream.linear.scatter [tilespmem:s26], [sflag:$0xD], $0x1000, $0x38;
	[tilespmem:$0xB200] =	vst v63  }
0x8f: {  	_ =	swait.ge [sflag:s12], $0x1000  }
0x90: {  	[sflag:s12] =	ssyncset.done $0x0  }
0x91: {  	s0 =	simm.s32 $0x400;
	[sflag:s12] =	ssyncadd.s32 $0xFFFFF000  }
0x92: {  	[tilespmem:s23], [sflag:$0x1] =	stream.indirect.gather [hbm4b:s4+s25], $0x40, s0, s25, $0xb8;
	[tilespmem:$0xB200] =	vst v63  }
0x93: {  	_ =	swait.ge [sflag:s13], $0x1000  }
0x94: {  	s5 =	rddreg [dreg:$0x8];
	[sflag:s13] =	ssyncset.done $0x0  }
0x95: {  	[sflag:s13] =	ssyncadd.s32 $0xFFFFF000;
	s2 =	sadd.s32 s28, s5  }
0x96: {  	[hbm4b:s2+s3] =	stream.linear.scatter [tilespmem:s8], [sflag:$0xE], $0x1000, $0x38;
	[tilespmem:$0xB200] =	vst v63  }
0x97: {  	_ =	swait.ge [sflag:s14], $0x1000  }
0x98: {  	[sflag:s14] =	ssyncset.done $0x0  }
0x99: {  	s23 =	simm.s32 $0x440;
	[sflag:s14] =	ssyncadd.s32 $0xFFFFF000  }
0x9a: {  	[tilespmem:s1], [sflag:$0x2] =	stream.indirect.gather [hbm4b:s4+s25], $0x40, s23, s25, $0xb8;
	[tilespmem:$0xB200] =	vst v63  }
0x9b: {  	_ =	swait.ge [sflag:s15], $0x1000  }
0x9c: {  	s26 =	rddreg [dreg:$0x7];
	[sflag:s15] =	ssyncset.done $0x0  }
0x9d: {  	[sflag:s15] =	ssyncadd.s32 $0xFFFFF000;
	s2 =	sadd.s32 s28, s26  }
0x9e: {  	[hbm4b:s2+s3] =	stream.linear.scatter [tilespmem:s10], [sflag:$0xF], $0x1000, $0x38;
	[tilespmem:$0xB200] =	vst v63  }
0x9f: {  	_ =	swait.ge [sflag:s16], $0x1000  }
0xa0: {  	[sflag:s16] =	ssyncset.done $0x0  }
0xa1: {  	s29 =	simm.s32 $0x480;
	[sflag:s16] =	ssyncadd.s32 $0xFFFFF000  }
0xa2: {  	[tilespmem:s24], [sflag:$0x3] =	stream.indirect.gather [hbm4b:s4+s25], $0x40, s29, s25, $0xb8;
	[tilespmem:$0xB200] =	vst v63  }
0xa3: {  	_ =	swait.ge [sflag:s17], $0x1000  }
0xa4: {  	s31 =	rddreg [dreg:$0x6];
	[sflag:s17] =	ssyncset.done $0x0  }
0xa5: {  	[sflag:s17] =	ssyncadd.s32 $0xFFFFF000;
	s2 =	sadd.s32 s28, s31  }
0xa6: {  	[hbm4b:s2+s3] =	stream.linear.scatter [tilespmem:s30], [sflag:$0x10], $0x1000, $0x38;
	[tilespmem:$0xB200] =	vst v63  }
0xa7: {  	_ =	swait.ge [sflag:s18], $0x1000  }
0xa8: {  	s6 =	sadd.s32 $0x8000, s6;
	s23 =	sadd.s32 $0x1000, s28;
	[sflag:s18] =	ssyncset.done $0x0  }
0xa9: {  	s24 =	simm.s32 $0x800;
	s2 =	simm.s32 $0x4C0;
	[sflag:s18] =	ssyncadd.s32 $0xFFFFF000  }
.LBB2_2:
0xaa: {  	s1 =	simm.s32 $0x6200;
	s0 =	simm.s32 $0x1  }
0xab: {  	[tilespmem:s1], [sflag:$0x4] =	stream.indirect.gather [hbm4b:s4+s25], $0x40, s2, s25, $0xb8;
	[tilespmem:$0xB200] =	vst v63  }
0xac: {  	_ =	swait.ge [sflag:s0], $0x1000  }
0xad: {  	s26 =	sshrl.u32 s6, $0x3;
	[sflag:s0] =	ssyncset.done $0x0  }
0xae: {  	s30 =	simm.s32 $0x3200;
	s26 =	sadd.s32 s28, s26;
	[sflag:s0] =	ssyncadd.s32 $0xFFFFF000  }
0xaf: {  	[hbm4b:s26+s3] =	stream.linear.scatter [tilespmem:s30], [sflag:$0x9], $0x1000, $0x38;
	[tilespmem:$0xB200] =	vst v63  }
0xb0: {  	s8 =	smov.u32 s24;
	_ =	swait.ge [sflag:s19], $0x1000  }
0xb1: {  	s2 =	sshra.s32 s8, $0x2;
	s8 =	simm.s32 $0x7200;
	[sflag:s19] =	ssyncset.done $0x0  }
0xb2: {  	s10 =	sadd.s32 $0x300, s2;
	s26 =	simm.s32 $0x2;
	[sflag:s19] =	ssyncadd.s32 $0xFFFFF000  }
0xb3: {  	[tilespmem:s8], [sflag:$0x5] =	stream.indirect.gather [hbm4b:s4+s25], $0x40, s10, s25, $0xb8;
	[tilespmem:$0xB200] =	vst v63  }
0xb4: {  	_ =	swait.ge [sflag:s26], $0x1000  }
0xb5: {  	s29 =	rddreg [dreg:$0x5];
	[sflag:s26] =	ssyncset.done $0x0  }
0xb6: {  	s31 =	simm.s32 $0x4200;
	[sflag:s26] =	ssyncadd.s32 $0xFFFFF000;
	s26 =	sadd.s32 s23, s29  }
0xb7: {  	[hbm4b:s26+s3] =	stream.linear.scatter [tilespmem:s31], [sflag:$0xA], $0x1000, $0x38;
	[tilespmem:$0xB200] =	vst v63  }
0xb8: {  	_ =	swait.ge [sflag:s20], $0x1000  }
0xb9: {  	[sflag:s20] =	ssyncset.done $0x0  }
0xba: {  	s0 =	sadd.s32 $0x340, s2;
	s10 =	simm.s32 $0x8200;
	[sflag:s20] =	ssyncadd.s32 $0xFFFFF000  }
0xbb: {  	[tilespmem:s10], [sflag:$0x6] =	stream.indirect.gather [hbm4b:s4+s25], $0x40, s0, s25, $0xb8;
	[tilespmem:$0xB200] =	vst v63  }
0xbc: {  	_ =	swait.ge [sflag:s7], $0x1000  }
0xbd: {  	s5 =	rddreg [dreg:$0x4];
	[sflag:s7] =	ssyncset.done $0x0  }
0xbe: {  	[sflag:s7] =	ssyncadd.s32 $0xFFFFF000;
	s26 =	sadd.s32 s23, s5;
	s5 =	simm.s32 $0x5200  }
0xbf: {  	[hbm4b:s26+s3] =	stream.linear.scatter [tilespmem:s5], [sflag:$0xB], $0x1000, $0x38;
	[tilespmem:$0xB200] =	vst v63  }
0xc0: {  	_ =	swait.ge [sflag:s21], $0x1000  }
0xc1: {  	[sflag:s21] =	ssyncset.done $0x0  }
0xc2: {  	s29 =	sadd.s32 $0x380, s2;
	s0 =	simm.s32 $0x9200;
	[sflag:s21] =	ssyncadd.s32 $0xFFFFF000  }
0xc3: {  	[tilespmem:s0], [sflag:$0x7] =	stream.indirect.gather [hbm4b:s4+s25], $0x40, s29, s25, $0xb8;
	[tilespmem:$0xB200] =	vst v63  }
0xc4: {  	_ =	swait.ge [sflag:s9], $0x1000  }
0xc5: {  	s29 =	rddreg [dreg:$0x3];
	[sflag:s9] =	ssyncset.done $0x0  }
0xc6: {  	[sflag:s9] =	ssyncadd.s32 $0xFFFFF000;
	s26 =	sadd.s32 s23, s29  }
0xc7: {  	[hbm4b:s26+s3] =	stream.linear.scatter [tilespmem:s1], [sflag:$0xC], $0x1000, $0x38;
	[tilespmem:$0xB200] =	vst v63  }
0xc8: {  	_ =	swait.ge [sflag:s22], $0x1000  }
0xc9: {  	[sflag:s22] =	ssyncset.done $0x0  }
0xca: {  	s29 =	simm.s32 $0xA200;
	s1 =	sadd.s32 $0x3C0, s2;
	[sflag:s22] =	ssyncadd.s32 $0xFFFFF000  }
0xcb: {  	[tilespmem:s29], [sflag:$0x8] =	stream.indirect.gather [hbm4b:s4+s25], $0x40, s1, s25, $0xb8;
	[tilespmem:$0xB200] =	vst v63  }
0xcc: {  	_ =	swait.ge [sflag:s11], $0x1000  }
0xcd: {  	s1 =	rddreg [dreg:$0x9];
	[sflag:s11] =	ssyncset.done $0x0  }
0xce: {  	[sflag:s11] =	ssyncadd.s32 $0xFFFFF000;
	s26 =	sadd.s32 s23, s1  }
0xcf: {  	[hbm4b:s26+s3] =	stream.linear.scatter [tilespmem:s8], [sflag:$0xD], $0x1000, $0x38;
	[tilespmem:$0xB200] =	vst v63  }
0xd0: {  	_ =	swait.ge [sflag:s12], $0x1000  }
0xd1: {  	[sflag:s12] =	ssyncset.done $0x0  }
0xd2: {  	s8 =	sadd.s32 $0x400, s2;
	[sflag:s12] =	ssyncadd.s32 $0xFFFFF000  }
0xd3: {  	[tilespmem:s30], [sflag:$0x1] =	stream.indirect.gather [hbm4b:s4+s25], $0x40, s8, s25, $0xb8;
	[tilespmem:$0xB200] =	vst v63  }
0xd4: {  	_ =	swait.ge [sflag:s13], $0x1000  }
0xd5: {  	s8 =	rddreg [dreg:$0x8];
	[sflag:s13] =	ssyncset.done $0x0  }
0xd6: {  	[sflag:s13] =	ssyncadd.s32 $0xFFFFF000;
	s26 =	sadd.s32 s23, s8  }
0xd7: {  	[hbm4b:s26+s3] =	stream.linear.scatter [tilespmem:s10], [sflag:$0xE], $0x1000, $0x38;
	[tilespmem:$0xB200] =	vst v63  }
0xd8: {  	_ =	swait.ge [sflag:s14], $0x1000  }
0xd9: {  	[sflag:s14] =	ssyncset.done $0x0  }
0xda: {  	s8 =	sadd.s32 $0x440, s2;
	[sflag:s14] =	ssyncadd.s32 $0xFFFFF000  }
0xdb: {  	[tilespmem:s31], [sflag:$0x2] =	stream.indirect.gather [hbm4b:s4+s25], $0x40, s8, s25, $0xb8;
	[tilespmem:$0xB200] =	vst v63  }
0xdc: {  	_ =	swait.ge [sflag:s15], $0x1000  }
0xdd: {  	s10 =	rddreg [dreg:$0x7];
	[sflag:s15] =	ssyncset.done $0x0  }
0xde: {  	[sflag:s15] =	ssyncadd.s32 $0xFFFFF000;
	s26 =	sadd.s32 s23, s10  }
0xdf: {  	[hbm4b:s26+s3] =	stream.linear.scatter [tilespmem:s0], [sflag:$0xF], $0x1000, $0x38;
	[tilespmem:$0xB200] =	vst v63  }
0xe0: {  	_ =	swait.ge [sflag:s16], $0x1000  }
0xe1: {  	[sflag:s16] =	ssyncset.done $0x0  }
0xe2: {  	s8 =	sadd.s32 $0x480, s2;
	[sflag:s16] =	ssyncadd.s32 $0xFFFFF000  }
0xe3: {  	[tilespmem:s5], [sflag:$0x3] =	stream.indirect.gather [hbm4b:s4+s25], $0x40, s8, s25, $0xb8;
	[tilespmem:$0xB200] =	vst v63  }
0xe4: {  	p0 =	sne.s32 s24, $0xB000;
	_ =	swait.ge [sflag:s17], $0x1000  }
0xe5: {  	s24 =	sadd.s32 $0x800, s24;
	s10 =	rddreg [dreg:$0x6];
	[sflag:s17] =	ssyncset.done $0x0  }
.Ltmp0:
0xe6: {  	[sflag:s17] =	ssyncadd.s32 $0xFFFFF000;
	s26 =	sadd.s32 s23, s10;
	(pc) =	sbr.rel @p0 .LBB2_2-.Ltmp0, $4  }
0xe7: {  	[hbm4b:s26+s3] =	stream.linear.scatter [tilespmem:s29], [sflag:$0x10], $0x1000, $0x38;
	[tilespmem:$0xB200] =	vst v63  }
0xe8: {  	s6 =	sadd.s32 $0x8000, s6;
	s1 =	simm.s32 $0x3200;
	_ =	swait.ge [sflag:s18], $0x1000  }
0xe9: {  	s30 =	simm.s32 $0x4200;
	s31 =	simm.s32 $0x5200;
	[sflag:s18] =	ssyncset.done $0x0  }
0xea: {  	s2 =	sadd.s32 $0x4C0, s2;
	s23 =	sadd.s32 $0x1000, s23;
	[sflag:s18] =	ssyncadd.s32 $0xFFFFF000  }
0xeb: {  	s5 =	simm.s32 $0x6200;
	s0 =	simm.s32 $0x1  }
0xec: {  	[tilespmem:s5], [sflag:$0x4] =	stream.indirect.gather [hbm4b:s4+s25], $0x40, s2, s25, $0xb8;
	[tilespmem:$0xB200] =	vst v63  }
0xed: {  	_ =	swait.ge [sflag:s0], $0x1000  }
0xee: {  	[sflag:s0] =	ssyncset.done $0x0  }
0xef: {  	s6 =	rddreg [dreg:$0x13];
	[sflag:s0] =	ssyncadd.s32 $0xFFFFF000  }
0xf0: {  	[hbm4b:s6+s3] =	stream.linear.scatter [tilespmem:s1], [sflag:$0x9], $0x1000, $0x38;
	[tilespmem:$0xB200] =	vst v63  }
0xf1: {  	_ =	swait.ge [sflag:s19], $0x1000  }
0xf2: {  	s8 =	simm.s32 $0x3100;
	[sflag:s19] =	ssyncset.done $0x0  }
0xf3: {  	s10 =	simm.s32 $0x2;
	s1 =	simm.s32 $0x7200;
	[sflag:s19] =	ssyncadd.s32 $0xFFFFF000  }
0xf4: {  	[tilespmem:s1], [sflag:$0x5] =	stream.indirect.gather [hbm4b:s4+s25], $0x40, s8, s25, $0xb8;
	[tilespmem:$0xB200] =	vst v63  }
0xf5: {  	_ =	swait.ge [sflag:s10], $0x1000  }
0xf6: {  	[sflag:s10] =	ssyncset.done $0x0  }
0xf7: {  	s23 =	rddreg [dreg:$0x14];
	[sflag:s10] =	ssyncadd.s32 $0xFFFFF000  }
0xf8: {  	[hbm4b:s23+s3] =	stream.linear.scatter [tilespmem:s30], [sflag:$0xA], $0x1000, $0x38;
	[tilespmem:$0xB200] =	vst v63  }
0xf9: {  	_ =	swait.ge [sflag:s20], $0x1000  }
0xfa: {  	[sflag:s20] =	ssyncset.done $0x0  }
0xfb: {  	s24 =	simm.s32 $0x3140;
	s6 =	simm.s32 $0x8200;
	[sflag:s20] =	ssyncadd.s32 $0xFFFFF000  }
0xfc: {  	[tilespmem:s6], [sflag:$0x6] =	stream.indirect.gather [hbm4b:s4+s25], $0x40, s24, s25, $0xb8;
	[tilespmem:$0xB200] =	vst v63  }
0xfd: {  	_ =	swait.ge [sflag:s7], $0x1000  }
0xfe: {  	[sflag:s7] =	ssyncset.done $0x0  }
0xff: {  	s26 =	rddreg [dreg:$0x15];
	[sflag:s7] =	ssyncadd.s32 $0xFFFFF000  }
0x100: {  	[hbm4b:s26+s3] =	stream.linear.scatter [tilespmem:s31], [sflag:$0xB], $0x1000, $0x38;
	[tilespmem:$0xB200] =	vst v63  }
0x101: {  	_ =	swait.ge [sflag:s21], $0x1000  }
0x102: {  	[sflag:s21] =	ssyncset.done $0x0  }
0x103: {  	s29 =	simm.s32 $0x9200;
	s30 =	simm.s32 $0x3180;
	[sflag:s21] =	ssyncadd.s32 $0xFFFFF000  }
0x104: {  	[tilespmem:s29], [sflag:$0x7] =	stream.indirect.gather [hbm4b:s4+s25], $0x40, s30, s25, $0xb8;
	[tilespmem:$0xB200] =	vst v63  }
0x105: {  	_ =	swait.ge [sflag:s9], $0x1000  }
0x106: {  	[sflag:s9] =	ssyncset.done $0x0  }
0x107: {  	s31 =	rddreg [dreg:$0x16];
	[sflag:s9] =	ssyncadd.s32 $0xFFFFF000  }
0x108: {  	[hbm4b:s31+s3] =	stream.linear.scatter [tilespmem:s5], [sflag:$0xC], $0x1000, $0x38;
	[tilespmem:$0xB200] =	vst v63  }
0x109: {  	_ =	swait.ge [sflag:s22], $0x1000  }
0x10a: {  	[sflag:s22] =	ssyncset.done $0x0  }
0x10b: {  	s8 =	simm.s32 $0xA200;
	s10 =	simm.s32 $0x31C0;
	[sflag:s22] =	ssyncadd.s32 $0xFFFFF000  }
0x10c: {  	[tilespmem:s8], [sflag:$0x8] =	stream.indirect.gather [hbm4b:s4+s25], $0x40, s10, s25, $0xb8;
	[tilespmem:$0xB200] =	vst v63  }
0x10d: {  	_ =	swait.ge [sflag:s11], $0x1000  }
0x10e: {  	[sflag:s11] =	ssyncset.done $0x0  }
0x10f: {  	s23 =	rddreg [dreg:$0x17];
	[sflag:s11] =	ssyncadd.s32 $0xFFFFF000  }
0x110: {  	[hbm4b:s23+s3] =	stream.linear.scatter [tilespmem:s1], [sflag:$0xD], $0x1000, $0x38;
	[tilespmem:$0xB200] =	vst v63  }
0x111: {  	_ =	swait.ge [sflag:s13], $0x1000  }
0x112: {  	[sflag:s13] =	ssyncset.done $0x0  }
0x113: {  	s24 =	rddreg [dreg:$0x18];
	[sflag:s13] =	ssyncadd.s32 $0xFFFFF000  }
0x114: {  	[hbm4b:s24+s3] =	stream.linear.scatter [tilespmem:s6], [sflag:$0xE], $0x1000, $0x38;
	[tilespmem:$0xB200] =	vst v63  }
0x115: {  	_ =	swait.ge [sflag:s15], $0x1000  }
0x116: {  	[sflag:s15] =	ssyncset.done $0x0  }
0x117: {  	s26 =	rddreg [dreg:$0x19];
	[sflag:s15] =	ssyncadd.s32 $0xFFFFF000  }
0x118: {  	[hbm4b:s26+s3] =	stream.linear.scatter [tilespmem:s29], [sflag:$0xF], $0x1000, $0x38;
	[tilespmem:$0xB200] =	vst v63  }
0x119: {  	_ =	swait.ge [sflag:s17], $0x1000  }
0x11a: {  	[sflag:s17] =	ssyncset.done $0x0  }
0x11b: {  	s29 =	rddreg [dreg:$0x1a];
	[sflag:s17] =	ssyncadd.s32 $0xFFFFF000  }
0x11c: {  	[hbm4b:s29+s3] =	stream.linear.scatter [tilespmem:s8], [sflag:$0x10], $0x1000, $0x38;
	[tilespmem:$0xB200] =	vst v63  }
0x11d: {  	_ =	swait.ge [sflag:s12], $0x1000  }
0x11e: {  	[sflag:s12] =	ssyncset.done $0x0  }
0x11f: {  	[sflag:s12] =	ssyncadd.s32 $0xFFFFF000  }
0x120: {  	_ =	swait.ge [sflag:s14], $0x1000  }
0x121: {  	[sflag:s14] =	ssyncset.done $0x0  }
0x122: {  	[sflag:s14] =	ssyncadd.s32 $0xFFFFF000  }
0x123: {  	_ =	swait.ge [sflag:s16], $0x1000  }
0x124: {  	[sflag:s16] =	ssyncset.done $0x0  }
0x125: {  	[sflag:s16] =	ssyncadd.s32 $0xFFFFF000  }
0x126: {  	_ =	swait.ge [sflag:s18], $0x1000  }
0x127: {  	[sflag:s18] =	ssyncset.done $0x0  }
0x128: {  	[sflag:s18] =	ssyncadd.s32 $0xFFFFF000  }
0x129: {  	_ =	swait.ge [sflag:s19], $0x1000  }
0x12a: {  	[sflag:s19] =	ssyncset.done $0x0  }
0x12b: {  	[sflag:s19] =	ssyncadd.s32 $0xFFFFF000  }
0x12c: {  	_ =	swait.ge [sflag:s20], $0x1000  }
0x12d: {  	[sflag:s20] =	ssyncset.done $0x0  }
0x12e: {  	[sflag:s20] =	ssyncadd.s32 $0xFFFFF000  }
0x12f: {  	_ =	swait.ge [sflag:s21], $0x1000  }
0x130: {  	[sflag:s21] =	ssyncset.done $0x0  }
0x131: {  	[sflag:s21] =	ssyncadd.s32 $0xFFFFF000  }
0x132: {  	_ =	swait.ge [sflag:s22], $0x1000  }
0x133: {  	s30 =	rddreg [dreg:$0x1d]  }
0x134: {  	s31 =	rddreg [dreg:$0x1b];
	s0 =	sadd.s32 $0x1, s30  }
0x135: {  	p0 =	sne.s32 s0, s31  }
.Ltmp1:
0x136: {  	_ = 	snop;
	(pc) =	sbr.rel @p0 .LBB2_1-.Ltmp1, $3  }
0x137: {  	_ =	sdelay $0x1  }
0x138: {  	[sflag:s22] =	ssyncset.done $0x0  }
0x139: {  	[sflag:s22] =	ssyncadd.s32 $0xFFFFF000  }
0x13a: {  	_ =	sfence.sel $0x180000  }
0x13b: {  	[bflag:$0x0] =	sbarrier.arrive $0xFFFF  }
0x13c: {  	_ =	strace $0x9000004A  }
0x13d: {  	s0 =	stileid.u32;
	[bflag:$0x2] =	sbarrier.arrive $0xFFFF  }
0x13e: {  	p0 =	sne.s32 s0, $0x0;
	s0 =	rddreg [dreg:$0x2]  }
0x13f: {  	s0 =	sadd.s32 @!p0 $0x100000, s0  }
0x140: {  	[sflag:s0] =	ssyncadd.tile.s32 @!p0 $0x1;
	_ =	shalt  }
.Lfunc_end2:
_tile_overlayer_lowered:
.L_overlay_start_2:
0x141: {  	(tag) =	ssettag $0x2  }
0x142: {  	s0 =	rddreg [dreg:$0x0];
	s2 =	stileid.u32  }
0x143: {  	s1 =	rddreg [dreg:$0x1];
	p0 =	sne.s32 s2, $0x0  }
0x144: {  	s3 =	rddreg [dreg:$0x2];
	[bflag:$0x3] =	sbarrier.arrive $0xFFFF;
	s2 =	simm.s32 @!p0 $0x1C11  }
0x145: {  	[timem:s3], [sflag:s2] =	dma.local @!p0 [hbm:s0], s1  }
0x146: {  	s0 =	simm.s32 @!p0 $0x11  }
0x147: {  	_ =	swait.ge @!p0 [sflag:s0], s1  }
0x148: {  	s1 =	ssub.s32 @!p0 $0x0, s1;
	[sflag:s0] =	ssyncset.done @!p0 $0x0  }
0x149: {  	[sflag:s0] =	ssyncadd.s32 @!p0 s1  }
0x14a: {  	[bflag:$0x3] =	sbarrier.arrive $0xFFFF  }
0x14b: {  	_ =	shalt  }

// kernel: kernel.7.cloned.1.call-start
scs
__scs_entry_jumppad:
0x0: {  	(pc) =	sbr.rel $0x88, $3  }
0x1: {  	(tag) =	ssettag $0x0;
	lr =	simm.s32 $0x1  }
0x2: {  	[smem:$0x3F9F] =	sst lr;
	_ =	strace $0xD0000000  }
0x3: {  	_ = 	snop  }
0x4: {  	_ = 	snop  }
0x5: {  	_ = 	snop  }
0x6: {  	_ = 	snop  }
0x7: {  	_ = 	snop  }
__scs_overlays_trampoline_lowered:
0x8: {  	[smem:$0x3FAE] =	sst s0  }
0x9: {  	[smem:$0x3FAF] =	sst s1  }
0xa: {  	[smem:$0x3FB0] =	sst s2  }
0xb: {  	[smem:$0x3FB1] =	sst s3  }
0xc: {  	[smem:$0x3FB2] =	sst s4  }
0xd: {  	[smem:$0x3FB3] =	sst s5  }
0xe: {  	[smem:$0x3FB4] =	sst s6  }
0xf: {  	[smem:$0x3FB5] =	sst s7  }
0x10: {  	[smem:$0x3FB6] =	sst s8  }
0x11: {  	[smem:$0x3FB7] =	sst s9;
	s0 =	simm.s32 @!p0 $0x0  }
0x12: {  	s1 =	sld [smem:$0x3F9D];
	s0 =	simm.s32 @p0 $0x1  }
0x13: {  	[smem:$0x3FB8] =	sst s0;
	s0 =	simm.s32 @!p1 $0x0  }
0x14: {  	s2 =	sld [smem:$0x3F9C];
	s0 =	simm.s32 @p1 $0x1  }
0x15: {  	[smem:$0x3FB9] =	sst s0;
	s0 =	simm.s32 @!p2 $0x0  }
0x16: {  	s3 =	sld [smem:$0x3FDB];
	s0 =	simm.s32 @p2 $0x1  }
0x17: {  	s4 =	simm.s32 $0x1BF5;
	[smem:$0x3FBB] =	sst s0  }
0x18: {  	s0 =	sld [smem:$0x3F9E];
	_ =	swait.ge [sflag:s4], $0x0  }
0x19: {  	s7 =	sld [smem:$0x3F9F]  }
0x1a: {  	s8 =	sadd.s32 $0xFFFFE003, lr  }
0x1b: {  	s9 =	sadd.s32 $0xFFFFFEF7, lr;
	s5 =	simm.s32 $0xFFFFFFFF;
	p2 =	slt.u32 s8, $0xFFFFF086  }
0x1c: {  	p1 =	slt.u32 s9, $0xF7A;
	s5 =	simm.s32 @!p2 $0x0  }
0x1d: {  	s5 =	simm.s32 @p1 $0x1;
	p0 =	seq.s32 s7, s2  }
0x1e: {  	s7 =	smul.u32 @!p0 $0xF7A, s2;
	p2 =	seq.s32 @!p0 s5, $0x0  }
0x1f: {  	s9 =	smul.u32 $0xF7A, s1;
	s8 =	simm.s32 @!p0 $0x1BF5;
	p2 =	por !p2, p0  }
0x20: {  	[sflag:s8] =	ssyncset.s32 @!p0 $0xFFFFF086;
	s6 =	sadd.s32 @!p0 s3, s7;
	s7 =	simm.s32 @!p0 $0x108  }
0x21: {  	s3 =	sadd.s32 s3, s9;
	s6 =	sadd.s32 @!p0 $0x88, s6;
	s7 =	simm.s32 @p2 $0x1082  }
0x22: {  	[simem:s7], [sflag:s8] =	dma.local @!p0 [hbm:s6], $0xF7A  }
0x23: {  	s9 =	sor.u32 $0xD0000000, s2;
	s6 =	simm.s32 $0x108;
	_ =	swait.ge @!p0 [sflag:s8], $0x0  }
0x24: {  	s3 =	sadd.s32 $0x88, s3;
	s6 =	simm.s32 @!p1 $0x1082;
	[sflag:s4] =	ssyncset.s32 $0xFFFFF086  }
0x25: {  	[simem:s6], [sflag:s4] =	dma.local [hbm:s3], $0xF7A  }
0x26: {  	[smem:$0x3F9F] =	sst s1;
	(tag) =	ssettag s2;
	_ =	strace s9  }
0x27: {  	s1 =	sld [smem:$0x3FAF]  }
0x28: {  	s2 =	sld [smem:$0x3FB0]  }
0x29: {  	s4 =	sld [smem:$0x3FB2]  }
0x2a: {  	p0 =	seq.s32 s5, $0x0;
	s5 =	sld [smem:$0x3FB3]  }
0x2b: {  	s6 =	sld [smem:$0x3FB4]  }
0x2c: {  	s7 =	sld [smem:$0x3FB5]  }
0x2d: {  	s3 =	simm.s32 $0x108;
	s8 =	sld [smem:$0x3FB6]  }
0x2e: {  	s3 =	simm.s32 @!p0 $0x1082;
	s9 =	sld [smem:$0x3FB7]  }
0x2f: {  	lr =	sadd.s32 s0, s3;
	s0 =	sld [smem:$0x3FAE]  }
0x30: {  	s3 =	sld [smem:$0x3FB1]  }
0x31: {  	[smem:$0x3FBA] =	sst s10  }
0x32: {  	s10 =	sld [smem:$0x3FB8];
	_ =	sdelay $0x3  }
0x33: {  	p0 =	seq.s32 s10, $0x1;
	s10 =	sld [smem:$0x3FBA];
	_ =	sdelay $0x3  }
0x34: {  	[smem:$0x3FBA] =	sst s10  }
0x35: {  	s10 =	sld [smem:$0x3FB9];
	_ =	sdelay $0x3  }
0x36: {  	p1 =	seq.s32 s10, $0x1;
	s10 =	sld [smem:$0x3FBA];
	_ =	sdelay $0x3  }
0x37: {  	[smem:$0x3FBA] =	sst s10  }
0x38: {  	s10 =	sld [smem:$0x3FBB]  }
0x39: {  	_ = 	snop;
	(pc) =	sbr.ind lr, $3  }
0x3a: {  	_ = 	snop  }
0x3b: {  	_ = 	snop  }
0x3c: {  	p2 =	seq.s32 s10, $0x1;
	s10 =	sld [smem:$0x3FBA]  }
0x3d: {  	_ =	shalt  }
0x3e: {  	_ =	shalt  }
0x3f: {  	_ =	shalt  }
0x40: {  	_ =	shalt  }
0x41: {  	_ =	shalt  }
0x42: {  	_ =	shalt  }
0x43: {  	_ =	shalt  }
0x44: {  	_ =	shalt  }
0x45: {  	_ =	shalt  }
0x46: {  	_ =	shalt  }
0x47: {  	_ =	shalt  }
0x48: {  	_ =	shalt  }
0x49: {  	_ =	shalt  }
0x4a: {  	_ =	shalt  }
0x4b: {  	_ =	shalt  }
0x4c: {  	_ =	shalt  }
0x4d: {  	_ =	shalt  }
0x4e: {  	_ =	shalt  }
0x4f: {  	_ =	shalt  }
0x50: {  	_ =	shalt  }
0x51: {  	_ =	shalt  }
0x52: {  	_ =	shalt  }
0x53: {  	_ =	shalt  }
0x54: {  	_ =	shalt  }
0x55: {  	_ =	shalt  }
0x56: {  	_ =	shalt  }
0x57: {  	_ =	shalt  }
0x58: {  	_ =	shalt  }
0x59: {  	_ =	shalt  }
0x5a: {  	_ =	shalt  }
0x5b: {  	_ =	shalt  }
0x5c: {  	_ =	shalt  }
0x5d: {  	_ =	shalt  }
0x5e: {  	_ =	shalt  }
0x5f: {  	_ =	shalt  }
0x60: {  	_ =	shalt  }
0x61: {  	_ =	shalt  }
0x62: {  	_ =	shalt  }
0x63: {  	_ =	shalt  }
0x64: {  	_ =	shalt  }
0x65: {  	_ =	shalt  }
0x66: {  	_ =	shalt  }
0x67: {  	_ =	shalt  }
0x68: {  	_ =	shalt  }
0x69: {  	_ =	shalt  }
0x6a: {  	_ =	shalt  }
0x6b: {  	_ =	shalt  }
0x6c: {  	_ =	shalt  }
0x6d: {  	_ =	shalt  }
0x6e: {  	_ =	shalt  }
0x6f: {  	_ =	shalt  }
0x70: {  	_ =	shalt  }
0x71: {  	_ =	shalt  }
0x72: {  	_ =	shalt  }
0x73: {  	_ =	shalt  }
0x74: {  	_ =	shalt  }
0x75: {  	_ =	shalt  }
0x76: {  	_ =	shalt  }
0x77: {  	_ =	shalt  }
0x78: {  	_ =	shalt  }
0x79: {  	_ =	shalt  }
0x7a: {  	_ =	shalt  }
0x7b: {  	_ =	shalt  }
0x7c: {  	_ =	shalt  }
0x7d: {  	_ =	shalt  }
0x7e: {  	_ =	shalt  }
0x7f: {  	_ =	shalt  }
0x80: {  	_ =	shalt  }
0x81: {  	_ =	shalt  }
0x82: {  	_ =	shalt  }
0x83: {  	_ =	shalt  }
0x84: {  	_ =	shalt  }
0x85: {  	_ =	shalt  }
0x86: {  	_ =	shalt  }
0x87: {  	_ =	shalt  }
.Lfunc_end0:
.L_simem_size_0:
called_computation.3_lowered:
.L_overlay_start_0:
0x88: {  	s2 =	sld [smem:$0x3FD9]  }
0x89: {  	s3 =	sld [smem:$0x3FFE];
	_ =	sdelay $0x1  }
0x8a: {  	s1 =	srdreg.scid  }
0x8b: {  	s0 =	sand.u32 $0x1, s1  }
0x8c: {  	s16 =	sshll.u32 s0, $0xA;
	s2 =	sadd.s32 s3, s2  }
0x8d: {  	s2 =	sadd.s32 s2, s16  }
0x8e: {  	[smem:$0x3FC6] =	sst s2  }
0x8f: {  	_ = 	snop  }
0x90: {  	(tm) =	ssettm $0x1  }
0x91: {  	s17 =	sld [smem:$0x3FFB];
	_ =	sdelay $0x3  }
0x92: {  	_ =	strace s17  }
0x93: {  	s2 =	sld [smem:$0x3FFC];
	_ =	sdelay $0x3  }
0x94: {  	_ =	strace s2  }
0x95: {  	s2 =	sld [smem:$0x3FFD];
	_ =	sdelay $0x3  }
0x96: {  	_ =	strace s2  }
0x97: {  	_ =	strace $0x8FFFFFFF  }
0x98: {  	s18 =	sld [smem:$0x3FDB];
	_ =	sdelay $0x1  }
0x99: {  	s19 =	simm.s32 $_scs_section_size  }
0x9a: {  	s4 =	simm.s32 $_size__tile_overlayer_lowered;
	s5 =	simm.s32 $_tile_overlayer_lowered  }
0x9b: {  	s22 =	simm.s32 $0x1BFF;
	s21 =	sshll.u32 s5, $0x1;
	s2 =	sadd.s32 s19, s18  }
0x9c: {  	s6 =	simm.s32 $0x0;
	s20 =	sshll.u32 s4, $0x1;
	s4 =	sadd.s32 s21, s2  }
0x9d: {  	[timem:s6], [sflag:s22] =	dma.local [hbm:s4], s20  }
0x9e: {  	_ =	swait.ge [sflag:s22], s20  }
0x9f: {  	s3 =	ssub.s32 $0x0, s20;
	[sflag:s22] =	ssyncset.done $0x0  }
0xa0: {  	[sflag:s22] =	ssyncadd.s32 s3;
	_ =	sdelay $0x1  }
0xa1: {  	s23 =	simm.s32 $0x1B8B  }
0xa2: {  	_ =	swait.ge [sflag:s23], $0x1  }
0xa3: {  	[sflag:s23] =	ssyncset.done $0x0  }
0xa4: {  	s25 =	simm.s32 $0x1B8E;
	s24 =	sld [smem:$0x3FFE];
	[sflag:s23] =	ssyncadd.s32 $0xFFFFFFFF  }
0xa5: {  	s26 =	simm.s32 $execute0_lowered;
	[smem:$0x3FD2] =	sst s25  }
0xa6: {  	s4 =	sshll.u32 s26, $0x1;
	_ =	strace $0x80000046;
	[dreg:$0x1] =	wrdreg $0xFFFFFFFF  }
0xa7: {  	s28 =	simm.s32 $_size_execute0_lowered;
	s2 =	sadd.s32 s2, s4;
	[dreg:$0x0] =	wrdreg $0x0  }
0xa8: {  	s4 =	sshll.u32 s28, $0x1;
	[dreg:$0x2] =	wrdreg s2  }
0xa9: {  	[dreg:$0x3] =	wrdreg s4  }
0xaa: {  	[dreg:$0x4] =	wrdreg $0xC0  }
0xab: {  	_ =	task [dreg:s6], $0x5FFFF  }
0xac: {  	[dreg:$0x1] =	wrdreg $0xFFFFFFFF  }
0xad: {  	[dreg:$0x0] =	wrdreg $0x60  }
0xae: {  	[dreg:$0x2] =	wrdreg s24  }
0xaf: {  	[dreg:$0x3] =	wrdreg $0x9  }
0xb0: {  	_ =	task.clear_ibuf [dreg:s6], $0x4FFFF;
	_ =	strace $0x90000046  }
0xb1: {  	s29 =	simm.s32 $0x9;
	_ =	strace $0x80000048  }
0xb2: {  	_ =	swait.ge [sflag:s29], $0x1  }
0xb3: {  	[sflag:s29] =	ssyncadd.s32 $0xFFFFFFFF  }
0xb4: {  	_ =	strace $0x90000048  }
0xb5: {  	_ =	sfence  }
0xb6: {  	s30 =	sld [smem:$0x0];
	_ =	sdelay $0x2  }
0xb7: {  	s31 =	sshll.u32 s1, $0xD;
	s1 =	sshrl.u32 s1, $0x2  }
0xb8: {  	s3 =	sand.u32 $0x4000, s31;
	s1 =	sadd.s32 s1, s30  }
0xb9: {  	s0 =	sor.u32 s3, s0;
	s1 =	sshll.u32 s1, $0x11  }
0xba: {  	s0 =	sor.u32 s1, s0  }
0xbb: {  	s0 =	sadd.s32 $0x8F2B, s0  }
0xbc: {  	[sflag:s0] =	ssyncadd.remote.s32 $0x1  }
0xbd: {  	_ =	sfence.sel $0xFFFF  }
0xbe: {  	[dreg:$0x0] =	wrdreg $0xFFFFFFFF;
	(pc) =	sbr.abs _section_cstart, $3  }
0xbf: {  	[dreg:$0x1] =	wrdreg $0xFFFFFFFF  }
0xc0: {  	_ =	task.clear_ibuf [dreg:s6], $0x2FFFF;
	_ =	strace $0x9FFFFFFF  }
0xc1: {  	(tm) =	ssettm $0x7FFFFFFF  }
tec
execute0_lowered:
.L_overlay_start_1:
0x0: {  	(tag) =	ssettag $0x1  }
0x1: {  	s0 =	srdreg.scid;
	s9 =	stileid.u32  }
0x2: {  	s0 =	sand.u32 $0x1, s0;
	s19 =	smul.u32 $0x190000, s9  }
0x3: {  	s3 =	sshll.u32 s9, $0x1;
	s14 =	smul.u32 $0x3200, s0  }
0x4: {  	s4 =	sor.u32 s0, s3;
	s6 =	ssub.s32 $0x2, s0;
	s0 =	smul.u32 $0xC8000, s0  }
0x5: {  	s1 =	rddreg [dreg:$0x0];
	s2 =	simm.s32 $0x0;
	s8 =	smul.u32 $0x19000, s4  }
0x6: {  	[smem:$0x7FF] =	sst s2;
	s28 =	sadd.s32 $0xDE00, s1  }
0x7: {  	_ =	strace $0x80000047;
	s0 =	sadd.s32 s0, s19;
	s31 =	sadd.s32 s28, s8  }
0x8: {  	s7 =	sshrl.u32 s6, $0x1;
	s0 =	sadd.s32 $0x8000, s0;
	[dreg:$0xa] =	wrdreg s31  }
0x9: {  	s30 =	ssub.s32 s6, s7;
	s6 =	sadd.s32 $0x200, s31;
	[dreg:$0x1b] =	wrdreg s0  }
0xa: {  	s8 =	sadd.s32 $0x400, s31;
	[dreg:$0xb] =	wrdreg s6  }
0xb: {  	s3 =	sadd.s32 $0xF43A00, s1;
	s10 =	sadd.s32 $0x600, s31;
	[dreg:$0xc] =	wrdreg s8  }
0xc: {  	s5 =	smul.u32 $0x3200, s4;
	s11 =	sadd.s32 $0x800, s31;
	[dreg:$0xd] =	wrdreg s10  }
0xd: {  	s4 =	smul.u32 $0xC8000, s4;
	s13 =	sadd.s32 $0xA00, s31;
	[dreg:$0xe] =	wrdreg s11  }
0xe: {  	s5 =	sshrl.u32 s5, $0x3;
	s7 =	sadd.s32 $0xE00, s31;
	[dreg:$0xf] =	wrdreg s13  }
0xf: {  	s5 =	sadd.s32 s5, s1;
	s1 =	smax.u32 s30, $0x1;
	[dreg:$0x11] =	wrdreg s7  }
0x10: {  	s4 =	sshrl.u32 s4, $0x3;
	s5 =	sadd.s32 $0x1600, s5;
	[dreg:$0x1a] =	wrdreg s1  }
0x11: {  	s4 =	sadd.s32 s28, s4;
	s8 =	sadd.s32 $0xC00, s31;
	[dreg:$0x9] =	wrdreg s5  }
0x12: {  	s15 =	sadd.s32 $0x18000, s4;
	[dreg:$0x10] =	wrdreg s8  }
0x13: {  	s12 =	smul.u32 $0x6400, s9;
	s16 =	sadd.s32 $0x18200, s4;
	[dreg:$0x12] =	wrdreg s15  }
0x14: {  	s9 =	simm.s32 $0x4;
	s17 =	sadd.s32 $0x18400, s4;
	[dreg:$0x13] =	wrdreg s16  }
0x15: {  	s19 =	simm.s32 $0xD;
	s18 =	sadd.s32 $0x18600, s4;
	[dreg:$0x14] =	wrdreg s17  }
0x16: {  	s0 =	simm.s32 $0x0;
	s20 =	sadd.s32 $0x18800, s4;
	[dreg:$0x15] =	wrdreg s18  }
0x17: {  	s22 =	sadd.s32 $0x18A00, s4;
	s25 =	sadd.s32 $0x18C00, s4;
	[dreg:$0x16] =	wrdreg s20  }
0x18: {  	s4 =	sadd.s32 $0x18E00, s4;
	s7 =	simm.s32 $0x3;
	[dreg:$0x17] =	wrdreg s22  }
0x19: {  	s11 =	simm.s32 $0x5;
	s5 =	sadd.s32 s14, s12;
	[dreg:$0x18] =	wrdreg s25  }
0x1a: {  	s13 =	simm.s32 $0x6;
	[dreg:$0x19] =	wrdreg s4;
	s5 =	sshll.u32 s5, $0x3  }
0x1b: {  	s25 =	simm.s32 $0x40;
	s12 =	simm.s32 $0x9;
	s21 =	sadd.s32 $0x1600, s5  }
0x1c: {  	s14 =	simm.s32 $0xA;
	s23 =	sadd.s32 $0x1400, s5;
	[dreg:$0x2] =	wrdreg s21  }
0x1d: {  	s15 =	simm.s32 $0x7;
	s24 =	sadd.s32 $0x1200, s5;
	[dreg:$0x3] =	wrdreg s23  }
0x1e: {  	s16 =	simm.s32 $0xB;
	s26 =	sadd.s32 $0x1E00, s5;
	[dreg:$0x4] =	wrdreg s24  }
0x1f: {  	s17 =	simm.s32 $0x8;
	s29 =	sadd.s32 $0x1C00, s5;
	[dreg:$0x5] =	wrdreg s26  }
0x20: {  	s18 =	simm.s32 $0xC;
	s30 =	sadd.s32 $0x1A00, s5;
	[dreg:$0x6] =	wrdreg s29  }
0x21: {  	s20 =	simm.s32 $0xE;
	s31 =	sadd.s32 $0x1800, s5;
	[dreg:$0x7] =	wrdreg s30  }
0x22: {  	s22 =	simm.s32 $0x10;
	[dreg:$0x8] =	wrdreg s31;
	s21 =	simm.s32 $0xF  }
.LBB2_1:
0x23: {  	[dreg:$0x1c] =	wrdreg s0  }
0x24: {  	s4 =	rddreg [dreg:$0x9];
	s8 =	simm.s32 $0x11  }
0x25: {  	[tilespmem:s2], [sflag:$0x11] =	stream.linear.gather [hbm4b:s4+s2], $0x3200, $0x38;
	[tilespmem:$0xB200] =	vst v63  }
0x26: {  	_ =	swait.ge [sflag:s8], $0x3200  }
0x27: {  	[sflag:s8] =	ssyncset.done $0x0  }
0x28: {  	s23 =	simm.s32 $0x3200;
	[sflag:s8] =	ssyncadd.s32 $0xFFFFCE00  }
0x29: {  	[tilespmem:s23], [sflag:$0x1] =	stream.indirect.gather [hbm4b:s3+s25], $0x40, s2, s25, $0xb8;
	[tilespmem:$0xB200] =	vst v63  }
0x2a: {  	s1 =	simm.s32 $0x4200  }
0x2b: {  	[tilespmem:s1], [sflag:$0x2] =	stream.indirect.gather [hbm4b:s3+s25], $0x40, s25, s25, $0xb8;
	[tilespmem:$0xB200] =	vst v63  }
0x2c: {  	s10 =	simm.s32 $0x80;
	s24 =	simm.s32 $0x5200  }
0x2d: {  	[tilespmem:s24], [sflag:$0x3] =	stream.indirect.gather [hbm4b:s3+s25], $0x40, s10, s25, $0xb8;
	[tilespmem:$0xB200] =	vst v63  }
0x2e: {  	s26 =	simm.s32 $0xC0;
	s5 =	simm.s32 $0x6200;
	s0 =	simm.s32 $0x1  }
0x2f: {  	[tilespmem:s5], [sflag:$0x4] =	stream.indirect.gather [hbm4b:s3+s25], $0x40, s26, s25, $0xb8;
	[tilespmem:$0xB200] =	vst v63  }
0x30: {  	_ =	swait.ge [sflag:s0], $0x1000  }
0x31: {  	[sflag:s0] =	ssyncset.done $0x0  }
0x32: {  	s29 =	rddreg [dreg:$0xa];
	[sflag:s0] =	ssyncadd.s32 $0xFFFFF000  }
0x33: {  	[hbm4b:s29+s2] =	stream.linear.scatter [tilespmem:s23], [sflag:$0x9], $0x1000, $0x38;
	[tilespmem:$0xB200] =	vst v63  }
0x34: {  	s30 =	simm.s32 $0x100;
	s26 =	simm.s32 $0x7200;
	s29 =	simm.s32 $0x2  }
0x35: {  	[tilespmem:s26], [sflag:$0x5] =	stream.indirect.gather [hbm4b:s3+s25], $0x40, s30, s25, $0xb8;
	[tilespmem:$0xB200] =	vst v63  }
0x36: {  	_ =	swait.ge [sflag:s29], $0x1000  }
0x37: {  	[sflag:s29] =	ssyncset.done $0x0  }
0x38: {  	s31 =	rddreg [dreg:$0xb];
	[sflag:s29] =	ssyncadd.s32 $0xFFFFF000  }
0x39: {  	[hbm4b:s31+s2] =	stream.linear.scatter [tilespmem:s1], [sflag:$0xA], $0x1000, $0x38;
	[tilespmem:$0xB200] =	vst v63  }
0x3a: {  	s6 =	simm.s32 $0x140;
	s8 =	simm.s32 $0x8200  }
0x3b: {  	[tilespmem:s8], [sflag:$0x6] =	stream.indirect.gather [hbm4b:s3+s25], $0x40, s6, s25, $0xb8;
	[tilespmem:$0xB200] =	vst v63  }
0x3c: {  	_ =	swait.ge [sflag:s7], $0x1000  }
0x3d: {  	[sflag:s7] =	ssyncset.done $0x0  }
0x3e: {  	s10 =	rddreg [dreg:$0xc];
	[sflag:s7] =	ssyncadd.s32 $0xFFFFF000  }
0x3f: {  	[hbm4b:s10+s2] =	stream.linear.scatter [tilespmem:s24], [sflag:$0xB], $0x1000, $0x38;
	[tilespmem:$0xB200] =	vst v63  }
0x40: {  	s30 =	simm.s32 $0x180;
	s10 =	simm.s32 $0x9200  }
0x41: {  	[tilespmem:s10], [sflag:$0x7] =	stream.indirect.gather [hbm4b:s3+s25], $0x40, s30, s25, $0xb8;
	[tilespmem:$0xB200] =	vst v63  }
0x42: {  	_ =	swait.ge [sflag:s9], $0x1000  }
0x43: {  	[sflag:s9] =	ssyncset.done $0x0  }
0x44: {  	s31 =	rddreg [dreg:$0xd];
	[sflag:s9] =	ssyncadd.s32 $0xFFFFF000  }
0x45: {  	[hbm4b:s31+s2] =	stream.linear.scatter [tilespmem:s5], [sflag:$0xC], $0x1000, $0x38;
	[tilespmem:$0xB200] =	vst v63  }
0x46: {  	s6 =	simm.s32 $0x1C0;
	s30 =	simm.s32 $0xA200  }
0x47: {  	[tilespmem:s30], [sflag:$0x8] =	stream.indirect.gather [hbm4b:s3+s25], $0x40, s6, s25, $0xb8;
	[tilespmem:$0xB200] =	vst v63  }
0x48: {  	_ =	swait.ge [sflag:s11], $0x1000  }
0x49: {  	[sflag:s11] =	ssyncset.done $0x0  }
0x4a: {  	s31 =	rddreg [dreg:$0xe];
	[sflag:s11] =	ssyncadd.s32 $0xFFFFF000  }
0x4b: {  	[hbm4b:s31+s2] =	stream.linear.scatter [tilespmem:s26], [sflag:$0xD], $0x1000, $0x38;
	[tilespmem:$0xB200] =	vst v63  }
0x4c: {  	_ =	swait.ge [sflag:s12], $0x1000  }
0x4d: {  	[sflag:s12] =	ssyncset.done $0x0  }
0x4e: {  	s6 =	simm.s32 $0x200;
	[sflag:s12] =	ssyncadd.s32 $0xFFFFF000  }
0x4f: {  	[tilespmem:s23], [sflag:$0x1] =	stream.indirect.gather [hbm4b:s3+s25], $0x40, s6, s25, $0xb8;
	[tilespmem:$0xB200] =	vst v63  }
0x50: {  	_ =	swait.ge [sflag:s13], $0x1000  }
0x51: {  	[sflag:s13] =	ssyncset.done $0x0  }
0x52: {  	s31 =	rddreg [dreg:$0xf];
	[sflag:s13] =	ssyncadd.s32 $0xFFFFF000  }
0x53: {  	[hbm4b:s31+s2] =	stream.linear.scatter [tilespmem:s8], [sflag:$0xE], $0x1000, $0x38;
	[tilespmem:$0xB200] =	vst v63  }
0x54: {  	_ =	swait.ge [sflag:s14], $0x1000  }
0x55: {  	[sflag:s14] =	ssyncset.done $0x0  }
0x56: {  	s6 =	simm.s32 $0x240;
	[sflag:s14] =	ssyncadd.s32 $0xFFFFF000  }
0x57: {  	[tilespmem:s1], [sflag:$0x2] =	stream.indirect.gather [hbm4b:s3+s25], $0x40, s6, s25, $0xb8;
	[tilespmem:$0xB200] =	vst v63  }
0x58: {  	_ =	swait.ge [sflag:s15], $0x1000  }
0x59: {  	[sflag:s15] =	ssyncset.done $0x0  }
0x5a: {  	s31 =	rddreg [dreg:$0x10];
	[sflag:s15] =	ssyncadd.s32 $0xFFFFF000  }
0x5b: {  	[hbm4b:s31+s2] =	stream.linear.scatter [tilespmem:s10], [sflag:$0xF], $0x1000, $0x38;
	[tilespmem:$0xB200] =	vst v63  }
0x5c: {  	_ =	swait.ge [sflag:s16], $0x1000  }
0x5d: {  	[sflag:s16] =	ssyncset.done $0x0  }
0x5e: {  	s6 =	simm.s32 $0x280;
	[sflag:s16] =	ssyncadd.s32 $0xFFFFF000  }
0x5f: {  	[tilespmem:s24], [sflag:$0x3] =	stream.indirect.gather [hbm4b:s3+s25], $0x40, s6, s25, $0xb8;
	[tilespmem:$0xB200] =	vst v63  }
0x60: {  	_ =	swait.ge [sflag:s17], $0x1000  }
0x61: {  	[sflag:s17] =	ssyncset.done $0x0  }
0x62: {  	s31 =	rddreg [dreg:$0x11];
	[sflag:s17] =	ssyncadd.s32 $0xFFFFF000  }
0x63: {  	[hbm4b:s31+s2] =	stream.linear.scatter [tilespmem:s30], [sflag:$0x10], $0x1000, $0x38;
	[tilespmem:$0xB200] =	vst v63  }
0x64: {  	_ =	swait.ge [sflag:s18], $0x1000  }
0x65: {  	[sflag:s18] =	ssyncset.done $0x0  }
0x66: {  	s6 =	simm.s32 $0x2C0;
	[sflag:s18] =	ssyncadd.s32 $0xFFFFF000  }
0x67: {  	[tilespmem:s5], [sflag:$0x4] =	stream.indirect.gather [hbm4b:s3+s25], $0x40, s6, s25, $0xb8;
	[tilespmem:$0xB200] =	vst v63  }
0x68: {  	_ =	swait.ge [sflag:s0], $0x1000  }
0x69: {  	s6 =	rddreg [dreg:$0x1b]  }
0x6a: {  	[sflag:s0] =	ssyncset.done $0x0;
	s31 =	sshrl.u32 s6, $0x3  }
0x6b: {  	[sflag:s0] =	ssyncadd.s32 $0xFFFFF000;
	s4 =	sadd.s32 s28, s31  }
0x6c: {  	[hbm4b:s4+s2] =	stream.linear.scatter [tilespmem:s23], [sflag:$0x9], $0x1000, $0x38;
	[tilespmem:$0xB200] =	vst v63  }
0x6d: {  	_ =	swait.ge [sflag:s19], $0x1000  }
0x6e: {  	[sflag:s19] =	ssyncset.done $0x0  }
0x6f: {  	s0 =	simm.s32 $0x300;
	[sflag:s19] =	ssyncadd.s32 $0xFFFFF000  }
0x70: {  	[tilespmem:s26], [sflag:$0x5] =	stream.indirect.gather [hbm4b:s3+s25], $0x40, s0, s25, $0xb8;
	[tilespmem:$0xB200] =	vst v63  }
0x71: {  	_ =	swait.ge [sflag:s29], $0x1000  }
0x72: {  	s31 =	rddreg [dreg:$0x4];
	[sflag:s29] =	ssyncset.done $0x0  }
0x73: {  	[sflag:s29] =	ssyncadd.s32 $0xFFFFF000;
	s4 =	sadd.s32 s28, s31  }
0x74: {  	[hbm4b:s4+s2] =	stream.linear.scatter [tilespmem:s1], [sflag:$0xA], $0x1000, $0x38;
	[tilespmem:$0xB200] =	vst v63  }
0x75: {  	_ =	swait.ge [sflag:s20], $0x1000  }
0x76: {  	[sflag:s20] =	ssyncset.done $0x0  }
0x77: {  	s0 =	simm.s32 $0x340;
	[sflag:s20] =	ssyncadd.s32 $0xFFFFF000  }
0x78: {  	[tilespmem:s8], [sflag:$0x6] =	stream.indirect.gather [hbm4b:s3+s25], $0x40, s0, s25, $0xb8;
	[tilespmem:$0xB200] =	vst v63  }
0x79: {  	_ =	swait.ge [sflag:s7], $0x1000  }
0x7a: {  	s29 =	rddreg [dreg:$0x3];
	[sflag:s7] =	ssyncset.done $0x0  }
0x7b: {  	[sflag:s7] =	ssyncadd.s32 $0xFFFFF000;
	s4 =	sadd.s32 s28, s29  }
0x7c: {  	[hbm4b:s4+s2] =	stream.linear.scatter [tilespmem:s24], [sflag:$0xB], $0x1000, $0x38;
	[tilespmem:$0xB200] =	vst v63  }
0x7d: {  	_ =	swait.ge [sflag:s21], $0x1000  }
0x7e: {  	[sflag:s21] =	ssyncset.done $0x0  }
0x7f: {  	s31 =	simm.s32 $0x380;
	[sflag:s21] =	ssyncadd.s32 $0xFFFFF000  }
0x80: {  	[tilespmem:s10], [sflag:$0x7] =	stream.indirect.gather [hbm4b:s3+s25], $0x40, s31, s25, $0xb8;
	[tilespmem:$0xB200] =	vst v63  }
0x81: {  	_ =	swait.ge [sflag:s9], $0x1000  }
0x82: {  	s0 =	rddreg [dreg:$0x2];
	[sflag:s9] =	ssyncset.done $0x0  }
0x83: {  	[sflag:s9] =	ssyncadd.s32 $0xFFFFF000;
	s4 =	sadd.s32 s28, s0  }
0x84: {  	[hbm4b:s4+s2] =	stream.linear.scatter [tilespmem:s5], [sflag:$0xC], $0x1000, $0x38;
	[tilespmem:$0xB200] =	vst v63  }
0x85: {  	_ =	swait.ge [sflag:s22], $0x1000  }
0x86: {  	[sflag:s22] =	ssyncset.done $0x0  }
0x87: {  	s29 =	simm.s32 $0x3C0;
	[sflag:s22] =	ssyncadd.s32 $0xFFFFF000  }
0x88: {  	[tilespmem:s30], [sflag:$0x8] =	stream.indirect.gather [hbm4b:s3+s25], $0x40, s29, s25, $0xb8;
	[tilespmem:$0xB200] =	vst v63  }
0x89: {  	_ =	swait.ge [sflag:s11], $0x1000  }
0x8a: {  	s31 =	rddreg [dreg:$0x8];
	[sflag:s11] =	ssyncset.done $0x0  }
0x8b: {  	[sflag:s11] =	ssyncadd.s32 $0xFFFFF000;
	s4 =	sadd.s32 s28, s31  }
0x8c: {  	[hbm4b:s4+s2] =	stream.linear.scatter [tilespmem:s26], [sflag:$0xD], $0x1000, $0x38;
	[tilespmem:$0xB200] =	vst v63  }
0x8d: {  	_ =	swait.ge [sflag:s12], $0x1000  }
0x8e: {  	[sflag:s12] =	ssyncset.done $0x0  }
0x8f: {  	s0 =	simm.s32 $0x400;
	[sflag:s12] =	ssyncadd.s32 $0xFFFFF000  }
0x90: {  	[tilespmem:s23], [sflag:$0x1] =	stream.indirect.gather [hbm4b:s3+s25], $0x40, s0, s25, $0xb8;
	[tilespmem:$0xB200] =	vst v63  }
0x91: {  	_ =	swait.ge [sflag:s13], $0x1000  }
0x92: {  	s5 =	rddreg [dreg:$0x7];
	[sflag:s13] =	ssyncset.done $0x0  }
0x93: {  	[sflag:s13] =	ssyncadd.s32 $0xFFFFF000;
	s4 =	sadd.s32 s28, s5  }
0x94: {  	[hbm4b:s4+s2] =	stream.linear.scatter [tilespmem:s8], [sflag:$0xE], $0x1000, $0x38;
	[tilespmem:$0xB200] =	vst v63  }
0x95: {  	_ =	swait.ge [sflag:s14], $0x1000  }
0x96: {  	[sflag:s14] =	ssyncset.done $0x0  }
0x97: {  	s23 =	simm.s32 $0x440;
	[sflag:s14] =	ssyncadd.s32 $0xFFFFF000  }
0x98: {  	[tilespmem:s1], [sflag:$0x2] =	stream.indirect.gather [hbm4b:s3+s25], $0x40, s23, s25, $0xb8;
	[tilespmem:$0xB200] =	vst v63  }
0x99: {  	_ =	swait.ge [sflag:s15], $0x1000  }
0x9a: {  	s26 =	rddreg [dreg:$0x6];
	[sflag:s15] =	ssyncset.done $0x0  }
0x9b: {  	[sflag:s15] =	ssyncadd.s32 $0xFFFFF000;
	s4 =	sadd.s32 s28, s26  }
0x9c: {  	[hbm4b:s4+s2] =	stream.linear.scatter [tilespmem:s10], [sflag:$0xF], $0x1000, $0x38;
	[tilespmem:$0xB200] =	vst v63  }
0x9d: {  	_ =	swait.ge [sflag:s16], $0x1000  }
0x9e: {  	[sflag:s16] =	ssyncset.done $0x0  }
0x9f: {  	s29 =	simm.s32 $0x480;
	[sflag:s16] =	ssyncadd.s32 $0xFFFFF000  }
0xa0: {  	[tilespmem:s24], [sflag:$0x3] =	stream.indirect.gather [hbm4b:s3+s25], $0x40, s29, s25, $0xb8;
	[tilespmem:$0xB200] =	vst v63  }
0xa1: {  	_ =	swait.ge [sflag:s17], $0x1000  }
0xa2: {  	s31 =	rddreg [dreg:$0x5];
	[sflag:s17] =	ssyncset.done $0x0  }
0xa3: {  	[sflag:s17] =	ssyncadd.s32 $0xFFFFF000;
	s4 =	sadd.s32 s28, s31  }
0xa4: {  	[hbm4b:s4+s2] =	stream.linear.scatter [tilespmem:s30], [sflag:$0x10], $0x1000, $0x38;
	[tilespmem:$0xB200] =	vst v63  }
0xa5: {  	_ =	swait.ge [sflag:s18], $0x1000  }
0xa6: {  	s6 =	sadd.s32 $0x8000, s6;
	s23 =	sadd.s32 $0x1000, s28;
	[sflag:s18] =	ssyncset.done $0x0  }
0xa7: {  	s24 =	simm.s32 $0x800;
	s4 =	simm.s32 $0x4C0;
	[sflag:s18] =	ssyncadd.s32 $0xFFFFF000  }
.LBB2_2:
0xa8: {  	s1 =	simm.s32 $0x6200;
	s0 =	simm.s32 $0x1  }
0xa9: {  	[tilespmem:s1], [sflag:$0x4] =	stream.indirect.gather [hbm4b:s3+s25], $0x40, s4, s25, $0xb8;
	[tilespmem:$0xB200] =	vst v63  }
0xaa: {  	_ =	swait.ge [sflag:s0], $0x1000  }
0xab: {  	s26 =	sshrl.u32 s6, $0x3;
	[sflag:s0] =	ssyncset.done $0x0  }
0xac: {  	s30 =	simm.s32 $0x3200;
	s26 =	sadd.s32 s28, s26;
	[sflag:s0] =	ssyncadd.s32 $0xFFFFF000  }
0xad: {  	[hbm4b:s26+s2] =	stream.linear.scatter [tilespmem:s30], [sflag:$0x9], $0x1000, $0x38;
	[tilespmem:$0xB200] =	vst v63  }
0xae: {  	s8 =	smov.u32 s24;
	_ =	swait.ge [sflag:s19], $0x1000  }
0xaf: {  	s4 =	sshra.s32 s8, $0x2;
	s8 =	simm.s32 $0x7200;
	[sflag:s19] =	ssyncset.done $0x0  }
0xb0: {  	s10 =	sadd.s32 $0x300, s4;
	s26 =	simm.s32 $0x2;
	[sflag:s19] =	ssyncadd.s32 $0xFFFFF000  }
0xb1: {  	[tilespmem:s8], [sflag:$0x5] =	stream.indirect.gather [hbm4b:s3+s25], $0x40, s10, s25, $0xb8;
	[tilespmem:$0xB200] =	vst v63  }
0xb2: {  	_ =	swait.ge [sflag:s26], $0x1000  }
0xb3: {  	s29 =	rddreg [dreg:$0x4];
	[sflag:s26] =	ssyncset.done $0x0  }
0xb4: {  	s31 =	simm.s32 $0x4200;
	[sflag:s26] =	ssyncadd.s32 $0xFFFFF000;
	s26 =	sadd.s32 s23, s29  }
0xb5: {  	[hbm4b:s26+s2] =	stream.linear.scatter [tilespmem:s31], [sflag:$0xA], $0x1000, $0x38;
	[tilespmem:$0xB200] =	vst v63  }
0xb6: {  	_ =	swait.ge [sflag:s20], $0x1000  }
0xb7: {  	[sflag:s20] =	ssyncset.done $0x0  }
0xb8: {  	s0 =	sadd.s32 $0x340, s4;
	s10 =	simm.s32 $0x8200;
	[sflag:s20] =	ssyncadd.s32 $0xFFFFF000  }
0xb9: {  	[tilespmem:s10], [sflag:$0x6] =	stream.indirect.gather [hbm4b:s3+s25], $0x40, s0, s25, $0xb8;
	[tilespmem:$0xB200] =	vst v63  }
0xba: {  	_ =	swait.ge [sflag:s7], $0x1000  }
0xbb: {  	s5 =	rddreg [dreg:$0x3];
	[sflag:s7] =	ssyncset.done $0x0  }
0xbc: {  	[sflag:s7] =	ssyncadd.s32 $0xFFFFF000;
	s26 =	sadd.s32 s23, s5;
	s5 =	simm.s32 $0x5200  }
0xbd: {  	[hbm4b:s26+s2] =	stream.linear.scatter [tilespmem:s5], [sflag:$0xB], $0x1000, $0x38;
	[tilespmem:$0xB200] =	vst v63  }
0xbe: {  	_ =	swait.ge [sflag:s21], $0x1000  }
0xbf: {  	[sflag:s21] =	ssyncset.done $0x0  }
0xc0: {  	s29 =	sadd.s32 $0x380, s4;
	s0 =	simm.s32 $0x9200;
	[sflag:s21] =	ssyncadd.s32 $0xFFFFF000  }
0xc1: {  	[tilespmem:s0], [sflag:$0x7] =	stream.indirect.gather [hbm4b:s3+s25], $0x40, s29, s25, $0xb8;
	[tilespmem:$0xB200] =	vst v63  }
0xc2: {  	_ =	swait.ge [sflag:s9], $0x1000  }
0xc3: {  	s29 =	rddreg [dreg:$0x2];
	[sflag:s9] =	ssyncset.done $0x0  }
0xc4: {  	[sflag:s9] =	ssyncadd.s32 $0xFFFFF000;
	s26 =	sadd.s32 s23, s29  }
0xc5: {  	[hbm4b:s26+s2] =	stream.linear.scatter [tilespmem:s1], [sflag:$0xC], $0x1000, $0x38;
	[tilespmem:$0xB200] =	vst v63  }
0xc6: {  	_ =	swait.ge [sflag:s22], $0x1000  }
0xc7: {  	[sflag:s22] =	ssyncset.done $0x0  }
0xc8: {  	s29 =	simm.s32 $0xA200;
	s1 =	sadd.s32 $0x3C0, s4;
	[sflag:s22] =	ssyncadd.s32 $0xFFFFF000  }
0xc9: {  	[tilespmem:s29], [sflag:$0x8] =	stream.indirect.gather [hbm4b:s3+s25], $0x40, s1, s25, $0xb8;
	[tilespmem:$0xB200] =	vst v63  }
0xca: {  	_ =	swait.ge [sflag:s11], $0x1000  }
0xcb: {  	s1 =	rddreg [dreg:$0x8];
	[sflag:s11] =	ssyncset.done $0x0  }
0xcc: {  	[sflag:s11] =	ssyncadd.s32 $0xFFFFF000;
	s26 =	sadd.s32 s23, s1  }
0xcd: {  	[hbm4b:s26+s2] =	stream.linear.scatter [tilespmem:s8], [sflag:$0xD], $0x1000, $0x38;
	[tilespmem:$0xB200] =	vst v63  }
0xce: {  	_ =	swait.ge [sflag:s12], $0x1000  }
0xcf: {  	[sflag:s12] =	ssyncset.done $0x0  }
0xd0: {  	s8 =	sadd.s32 $0x400, s4;
	[sflag:s12] =	ssyncadd.s32 $0xFFFFF000  }
0xd1: {  	[tilespmem:s30], [sflag:$0x1] =	stream.indirect.gather [hbm4b:s3+s25], $0x40, s8, s25, $0xb8;
	[tilespmem:$0xB200] =	vst v63  }
0xd2: {  	_ =	swait.ge [sflag:s13], $0x1000  }
0xd3: {  	s8 =	rddreg [dreg:$0x7];
	[sflag:s13] =	ssyncset.done $0x0  }
0xd4: {  	[sflag:s13] =	ssyncadd.s32 $0xFFFFF000;
	s26 =	sadd.s32 s23, s8  }
0xd5: {  	[hbm4b:s26+s2] =	stream.linear.scatter [tilespmem:s10], [sflag:$0xE], $0x1000, $0x38;
	[tilespmem:$0xB200] =	vst v63  }
0xd6: {  	_ =	swait.ge [sflag:s14], $0x1000  }
0xd7: {  	[sflag:s14] =	ssyncset.done $0x0  }
0xd8: {  	s8 =	sadd.s32 $0x440, s4;
	[sflag:s14] =	ssyncadd.s32 $0xFFFFF000  }
0xd9: {  	[tilespmem:s31], [sflag:$0x2] =	stream.indirect.gather [hbm4b:s3+s25], $0x40, s8, s25, $0xb8;
	[tilespmem:$0xB200] =	vst v63  }
0xda: {  	_ =	swait.ge [sflag:s15], $0x1000  }
0xdb: {  	s10 =	rddreg [dreg:$0x6];
	[sflag:s15] =	ssyncset.done $0x0  }
0xdc: {  	[sflag:s15] =	ssyncadd.s32 $0xFFFFF000;
	s26 =	sadd.s32 s23, s10  }
0xdd: {  	[hbm4b:s26+s2] =	stream.linear.scatter [tilespmem:s0], [sflag:$0xF], $0x1000, $0x38;
	[tilespmem:$0xB200] =	vst v63  }
0xde: {  	_ =	swait.ge [sflag:s16], $0x1000  }
0xdf: {  	[sflag:s16] =	ssyncset.done $0x0  }
0xe0: {  	s8 =	sadd.s32 $0x480, s4;
	[sflag:s16] =	ssyncadd.s32 $0xFFFFF000  }
0xe1: {  	[tilespmem:s5], [sflag:$0x3] =	stream.indirect.gather [hbm4b:s3+s25], $0x40, s8, s25, $0xb8;
	[tilespmem:$0xB200] =	vst v63  }
0xe2: {  	p0 =	sne.s32 s24, $0xB000;
	_ =	swait.ge [sflag:s17], $0x1000  }
0xe3: {  	s24 =	sadd.s32 $0x800, s24;
	s10 =	rddreg [dreg:$0x5];
	[sflag:s17] =	ssyncset.done $0x0  }
.Ltmp0:
0xe4: {  	[sflag:s17] =	ssyncadd.s32 $0xFFFFF000;
	s26 =	sadd.s32 s23, s10;
	(pc) =	sbr.rel @p0 .LBB2_2-.Ltmp0, $4  }
0xe5: {  	[hbm4b:s26+s2] =	stream.linear.scatter [tilespmem:s29], [sflag:$0x10], $0x1000, $0x38;
	[tilespmem:$0xB200] =	vst v63  }
0xe6: {  	s6 =	sadd.s32 $0x8000, s6;
	s1 =	simm.s32 $0x3200;
	_ =	swait.ge [sflag:s18], $0x1000  }
0xe7: {  	s30 =	simm.s32 $0x4200;
	s31 =	simm.s32 $0x5200;
	[sflag:s18] =	ssyncset.done $0x0  }
0xe8: {  	s4 =	sadd.s32 $0x4C0, s4;
	s23 =	sadd.s32 $0x1000, s23;
	[sflag:s18] =	ssyncadd.s32 $0xFFFFF000  }
0xe9: {  	s5 =	simm.s32 $0x6200;
	s0 =	simm.s32 $0x1  }
0xea: {  	[tilespmem:s5], [sflag:$0x4] =	stream.indirect.gather [hbm4b:s3+s25], $0x40, s4, s25, $0xb8;
	[tilespmem:$0xB200] =	vst v63  }
0xeb: {  	_ =	swait.ge [sflag:s0], $0x1000  }
0xec: {  	[sflag:s0] =	ssyncset.done $0x0  }
0xed: {  	s6 =	rddreg [dreg:$0x12];
	[sflag:s0] =	ssyncadd.s32 $0xFFFFF000  }
0xee: {  	[hbm4b:s6+s2] =	stream.linear.scatter [tilespmem:s1], [sflag:$0x9], $0x1000, $0x38;
	[tilespmem:$0xB200] =	vst v63  }
0xef: {  	_ =	swait.ge [sflag:s19], $0x1000  }
0xf0: {  	s8 =	simm.s32 $0x3100;
	[sflag:s19] =	ssyncset.done $0x0  }
0xf1: {  	s10 =	simm.s32 $0x2;
	s1 =	simm.s32 $0x7200;
	[sflag:s19] =	ssyncadd.s32 $0xFFFFF000  }
0xf2: {  	[tilespmem:s1], [sflag:$0x5] =	stream.indirect.gather [hbm4b:s3+s25], $0x40, s8, s25, $0xb8;
	[tilespmem:$0xB200] =	vst v63  }
0xf3: {  	_ =	swait.ge [sflag:s10], $0x1000  }
0xf4: {  	[sflag:s10] =	ssyncset.done $0x0  }
0xf5: {  	s23 =	rddreg [dreg:$0x13];
	[sflag:s10] =	ssyncadd.s32 $0xFFFFF000  }
0xf6: {  	[hbm4b:s23+s2] =	stream.linear.scatter [tilespmem:s30], [sflag:$0xA], $0x1000, $0x38;
	[tilespmem:$0xB200] =	vst v63  }
0xf7: {  	_ =	swait.ge [sflag:s20], $0x1000  }
0xf8: {  	[sflag:s20] =	ssyncset.done $0x0  }
0xf9: {  	s24 =	simm.s32 $0x3140;
	s6 =	simm.s32 $0x8200;
	[sflag:s20] =	ssyncadd.s32 $0xFFFFF000  }
0xfa: {  	[tilespmem:s6], [sflag:$0x6] =	stream.indirect.gather [hbm4b:s3+s25], $0x40, s24, s25, $0xb8;
	[tilespmem:$0xB200] =	vst v63  }
0xfb: {  	_ =	swait.ge [sflag:s7], $0x1000  }
0xfc: {  	[sflag:s7] =	ssyncset.done $0x0  }
0xfd: {  	s26 =	rddreg [dreg:$0x14];
	[sflag:s7] =	ssyncadd.s32 $0xFFFFF000  }
0xfe: {  	[hbm4b:s26+s2] =	stream.linear.scatter [tilespmem:s31], [sflag:$0xB], $0x1000, $0x38;
	[tilespmem:$0xB200] =	vst v63  }
0xff: {  	_ =	swait.ge [sflag:s21], $0x1000  }
0x100: {  	[sflag:s21] =	ssyncset.done $0x0  }
0x101: {  	s29 =	simm.s32 $0x9200;
	s30 =	simm.s32 $0x3180;
	[sflag:s21] =	ssyncadd.s32 $0xFFFFF000  }
0x102: {  	[tilespmem:s29], [sflag:$0x7] =	stream.indirect.gather [hbm4b:s3+s25], $0x40, s30, s25, $0xb8;
	[tilespmem:$0xB200] =	vst v63  }
0x103: {  	_ =	swait.ge [sflag:s9], $0x1000  }
0x104: {  	[sflag:s9] =	ssyncset.done $0x0  }
0x105: {  	s31 =	rddreg [dreg:$0x15];
	[sflag:s9] =	ssyncadd.s32 $0xFFFFF000  }
0x106: {  	[hbm4b:s31+s2] =	stream.linear.scatter [tilespmem:s5], [sflag:$0xC], $0x1000, $0x38;
	[tilespmem:$0xB200] =	vst v63  }
0x107: {  	_ =	swait.ge [sflag:s22], $0x1000  }
0x108: {  	[sflag:s22] =	ssyncset.done $0x0  }
0x109: {  	s8 =	simm.s32 $0xA200;
	s10 =	simm.s32 $0x31C0;
	[sflag:s22] =	ssyncadd.s32 $0xFFFFF000  }
0x10a: {  	[tilespmem:s8], [sflag:$0x8] =	stream.indirect.gather [hbm4b:s3+s25], $0x40, s10, s25, $0xb8;
	[tilespmem:$0xB200] =	vst v63  }
0x10b: {  	_ =	swait.ge [sflag:s11], $0x1000  }
0x10c: {  	[sflag:s11] =	ssyncset.done $0x0  }
0x10d: {  	s23 =	rddreg [dreg:$0x16];
	[sflag:s11] =	ssyncadd.s32 $0xFFFFF000  }
0x10e: {  	[hbm4b:s23+s2] =	stream.linear.scatter [tilespmem:s1], [sflag:$0xD], $0x1000, $0x38;
	[tilespmem:$0xB200] =	vst v63  }
0x10f: {  	_ =	swait.ge [sflag:s13], $0x1000  }
0x110: {  	[sflag:s13] =	ssyncset.done $0x0  }
0x111: {  	s24 =	rddreg [dreg:$0x17];
	[sflag:s13] =	ssyncadd.s32 $0xFFFFF000  }
0x112: {  	[hbm4b:s24+s2] =	stream.linear.scatter [tilespmem:s6], [sflag:$0xE], $0x1000, $0x38;
	[tilespmem:$0xB200] =	vst v63  }
0x113: {  	_ =	swait.ge [sflag:s15], $0x1000  }
0x114: {  	[sflag:s15] =	ssyncset.done $0x0  }
0x115: {  	s26 =	rddreg [dreg:$0x18];
	[sflag:s15] =	ssyncadd.s32 $0xFFFFF000  }
0x116: {  	[hbm4b:s26+s2] =	stream.linear.scatter [tilespmem:s29], [sflag:$0xF], $0x1000, $0x38;
	[tilespmem:$0xB200] =	vst v63  }
0x117: {  	_ =	swait.ge [sflag:s17], $0x1000  }
0x118: {  	[sflag:s17] =	ssyncset.done $0x0  }
0x119: {  	s29 =	rddreg [dreg:$0x19];
	[sflag:s17] =	ssyncadd.s32 $0xFFFFF000  }
0x11a: {  	[hbm4b:s29+s2] =	stream.linear.scatter [tilespmem:s8], [sflag:$0x10], $0x1000, $0x38;
	[tilespmem:$0xB200] =	vst v63  }
0x11b: {  	_ =	swait.ge [sflag:s12], $0x1000  }
0x11c: {  	[sflag:s12] =	ssyncset.done $0x0  }
0x11d: {  	[sflag:s12] =	ssyncadd.s32 $0xFFFFF000  }
0x11e: {  	_ =	swait.ge [sflag:s14], $0x1000  }
0x11f: {  	[sflag:s14] =	ssyncset.done $0x0  }
0x120: {  	[sflag:s14] =	ssyncadd.s32 $0xFFFFF000  }
0x121: {  	_ =	swait.ge [sflag:s16], $0x1000  }
0x122: {  	[sflag:s16] =	ssyncset.done $0x0  }
0x123: {  	[sflag:s16] =	ssyncadd.s32 $0xFFFFF000  }
0x124: {  	_ =	swait.ge [sflag:s18], $0x1000  }
0x125: {  	[sflag:s18] =	ssyncset.done $0x0  }
0x126: {  	[sflag:s18] =	ssyncadd.s32 $0xFFFFF000  }
0x127: {  	_ =	swait.ge [sflag:s19], $0x1000  }
0x128: {  	[sflag:s19] =	ssyncset.done $0x0  }
0x129: {  	[sflag:s19] =	ssyncadd.s32 $0xFFFFF000  }
0x12a: {  	_ =	swait.ge [sflag:s20], $0x1000  }
0x12b: {  	[sflag:s20] =	ssyncset.done $0x0  }
0x12c: {  	[sflag:s20] =	ssyncadd.s32 $0xFFFFF000  }
0x12d: {  	_ =	swait.ge [sflag:s21], $0x1000  }
0x12e: {  	[sflag:s21] =	ssyncset.done $0x0  }
0x12f: {  	[sflag:s21] =	ssyncadd.s32 $0xFFFFF000  }
0x130: {  	_ =	swait.ge [sflag:s22], $0x1000  }
0x131: {  	s30 =	rddreg [dreg:$0x1c]  }
0x132: {  	s31 =	rddreg [dreg:$0x1a];
	s0 =	sadd.s32 $0x1, s30  }
0x133: {  	p0 =	sne.s32 s0, s31  }
.Ltmp1:
0x134: {  	_ = 	snop;
	(pc) =	sbr.rel @p0 .LBB2_1-.Ltmp1, $3  }
0x135: {  	_ =	sdelay $0x1  }
0x136: {  	[sflag:s22] =	ssyncset.done $0x0  }
0x137: {  	[sflag:s22] =	ssyncadd.s32 $0xFFFFF000  }
0x138: {  	_ =	sfence.sel $0x180000  }
0x139: {  	[bflag:$0x0] =	sbarrier.arrive $0xFFFF  }
0x13a: {  	_ =	strace $0x90000047  }
0x13b: {  	s0 =	stileid.u32;
	[bflag:$0x2] =	sbarrier.arrive $0xFFFF  }
0x13c: {  	p0 =	sne.s32 s0, $0x0;
	s0 =	rddreg [dreg:$0x1]  }
0x13d: {  	s0 =	sadd.s32 @!p0 $0x100000, s0  }
0x13e: {  	[sflag:s0] =	ssyncadd.tile.s32 @!p0 $0x1;
	_ =	shalt  }
.Lfunc_end2:
_tile_overlayer_lowered:
.L_overlay_start_2:
0x13f: {  	(tag) =	ssettag $0x2  }
0x140: {  	s0 =	rddreg [dreg:$0x0];
	s2 =	stileid.u32  }
0x141: {  	s1 =	rddreg [dreg:$0x1];
	p0 =	sne.s32 s2, $0x0  }
0x142: {  	s3 =	rddreg [dreg:$0x2];
	[bflag:$0x3] =	sbarrier.arrive $0xFFFF;
	s2 =	simm.s32 @!p0 $0x1C11  }
0x143: {  	[timem:s3], [sflag:s2] =	dma.local @!p0 [hbm:s0], s1  }
0x144: {  	s0 =	simm.s32 @!p0 $0x11  }
0x145: {  	_ =	swait.ge @!p0 [sflag:s0], s1  }
0x146: {  	s1 =	ssub.s32 @!p0 $0x0, s1;
	[sflag:s0] =	ssyncset.done @!p0 $0x0  }
0x147: {  	[sflag:s0] =	ssyncadd.s32 @!p0 s1  }
0x148: {  	[bflag:$0x3] =	sbarrier.arrive $0xFFFF  }
0x149: {  	_ =	shalt  }

// kernel: sparse-core-data-format-call.1.cloned.1.call-start
scs
called_computation.1_lowered:
.L_overlay_start_0:
0x0: {  	s2 =	sld [smem:$0x3FD9]  }
0x1: {  	s3 =	sld [smem:$0x3FFE];
	_ =	sdelay $0x1  }
0x2: {  	s1 =	srdreg.scid  }
0x3: {  	s0 =	sand.u32 $0x1, s1  }
0x4: {  	s18 =	sshll.u32 s0, $0xA;
	s2 =	sadd.s32 s3, s2  }
0x5: {  	s2 =	sadd.s32 s2, s18  }
0x6: {  	[smem:$0x3FC6] =	sst s2  }
0x7: {  	_ = 	snop  }
0x8: {  	(tm) =	ssettm $0x1  }
0x9: {  	s19 =	sld [smem:$0x3FFB];
	_ =	sdelay $0x3  }
0xa: {  	_ =	strace s19  }
0xb: {  	s2 =	sld [smem:$0x3FFC];
	_ =	sdelay $0x3  }
0xc: {  	_ =	strace s2  }
0xd: {  	s2 =	sld [smem:$0x3FFD];
	_ =	sdelay $0x3  }
0xe: {  	_ =	strace s2  }
0xf: {  	_ =	strace $0x8FFFFFFF  }
0x10: {  	s20 =	sld [smem:$0x3FDB];
	_ =	sdelay $0x1  }
0x11: {  	s21 =	simm.s32 $_scs_section_size  }
0x12: {  	s4 =	simm.s32 $_size__tile_overlayer_lowered;
	s5 =	simm.s32 $_tile_overlayer_lowered  }
0x13: {  	s6 =	simm.s32 $0x1BFF;
	s22 =	sshll.u32 s5, $0x1;
	s3 =	sadd.s32 s21, s20  }
0x14: {  	s23 =	simm.s32 $0x0;
	s4 =	sshll.u32 s4, $0x1;
	s5 =	sadd.s32 s22, s3  }
0x15: {  	[timem:s23], [sflag:s6] =	dma.local [hbm:s5], s4  }
0x16: {  	_ =	swait.ge [sflag:s6], s4  }
0x17: {  	s4 =	ssub.s32 $0x0, s4;
	[sflag:s6] =	ssyncset.done $0x0  }
0x18: {  	[sflag:s6] =	ssyncadd.s32 s4;
	_ =	sdelay $0x1  }
0x19: {  	s24 =	simm.s32 $0x1B8B  }
0x1a: {  	_ =	swait.ge [sflag:s24], $0x1  }
0x1b: {  	[sflag:s24] =	ssyncset.done $0x0  }
0x1c: {  	[sflag:s24] =	ssyncadd.s32 $0xFFFFFFFF  }
0x1d: {  	s4 =	sld [smem:$0x0]  }
0x1e: {  	s5 =	sand.u32 $0xFFFFFFFE, s1  }
0x1f: {  	p0 =	sne.s32 s1, s5  }
0x20: {  	s5 =	sshll.u32 @p0 s5, $0xE  }
0x21: {  	s5 =	sadd.s32 @p0 $0x11B8D, s5;
	s6 =	sshll.u32 @p0 s4, $0x11  }
0x22: {  	s5 =	sor.u32 @p0 s6, s5  }
0x23: {  	[sflag:s5] =	ssyncadd.remote.s32 @p0 $0x1;
	_ =	sdelay $0x1  }
0x24: {  	s5 =	simm.s32 @p0 $0x1B8D  }
0x25: {  	_ =	swait.eq @p0 [sflag:s5], $0x1  }
0x26: {  	[sflag:s5] =	ssyncadd.s32 @p0 $0xFFFFFFFF  }
0x27: {  	s6 =	sshll.u32 @!p0 s1, $0xE  }
0x28: {  	s6 =	sor.u32 @!p0 $0x4000, s6;
	s5 =	simm.s32 @!p0 $0x1B8D  }
0x29: {  	s4 =	sshll.u32 @!p0 s4, $0x11;
	s6 =	sadd.s32 @!p0 $0x11B8D, s6;
	_ =	swait.eq @!p0 [sflag:s5], $0x1  }
0x2a: {  	s4 =	sor.u32 @!p0 s4, s6;
	[sflag:s5] =	ssyncadd.s32 @!p0 $0xFFFFFFFF  }
0x2b: {  	s26 =	simm.s32 $0x1B8E;
	s25 =	sld [smem:$0x3FFE];
	[sflag:s4] =	ssyncadd.remote.s32 @!p0 $0x1  }
0x2c: {  	s27 =	simm.s32 $execute0_lowered;
	[smem:$0x3FD2] =	sst s26  }
0x2d: {  	s5 =	sshll.u32 s27, $0x1;
	_ =	strace $0x8000004C;
	[dreg:$0x1] =	wrdreg $0xFFFFFFFF  }
0x2e: {  	s28 =	simm.s32 $_size_execute0_lowered;
	s3 =	sadd.s32 s3, s5;
	[dreg:$0x0] =	wrdreg $0x0  }
0x2f: {  	s5 =	sshll.u32 s28, $0x1;
	[dreg:$0x2] =	wrdreg s3  }
0x30: {  	[dreg:$0x3] =	wrdreg s5  }
0x31: {  	[dreg:$0x4] =	wrdreg $0xC0  }
0x32: {  	_ =	task [dreg:s23], $0x5FFFF  }
0x33: {  	[dreg:$0x1] =	wrdreg $0xFFFFFFFF  }
0x34: {  	[dreg:$0x0] =	wrdreg $0x60  }
0x35: {  	[dreg:$0x2] =	wrdreg s25  }
0x36: {  	[dreg:$0x3] =	wrdreg $0x9  }
0x37: {  	_ =	task.clear_ibuf [dreg:s23], $0x4FFFF;
	_ =	strace $0x9000004C  }
0x38: {  	s29 =	simm.s32 $0x9;
	_ =	strace $0x8000004E  }
0x39: {  	_ =	swait.ge [sflag:s29], $0x1  }
0x3a: {  	[sflag:s29] =	ssyncadd.s32 $0xFFFFFFFF  }
0x3b: {  	_ =	strace $0x9000004E  }
0x3c: {  	_ =	sfence  }
0x3d: {  	s30 =	sld [smem:$0x0];
	_ =	sdelay $0x2  }
0x3e: {  	s31 =	sshll.u32 s1, $0xD;
	s1 =	sshrl.u32 s1, $0x2  }
0x3f: {  	s4 =	sand.u32 $0x4000, s31;
	s1 =	sadd.s32 s1, s30  }
0x40: {  	s0 =	sor.u32 s4, s0;
	s1 =	sshll.u32 s1, $0x11  }
0x41: {  	s0 =	sor.u32 s1, s0  }
0x42: {  	s0 =	sadd.s32 $0x8F2B, s0  }
0x43: {  	[sflag:s0] =	ssyncadd.remote.s32 $0x1  }
0x44: {  	_ =	sfence.sel $0xFFFF  }
0x45: {  	[dreg:$0x0] =	wrdreg $0xFFFFFFFF;
	(pc) =	sbr.abs _section_cstart, $3  }
0x46: {  	[dreg:$0x1] =	wrdreg $0xFFFFFFFF  }
0x47: {  	_ =	task.clear_ibuf [dreg:s23], $0x2FFFF;
	_ =	strace $0x9FFFFFFF  }
0x48: {  	(tm) =	ssettm $0x7FFFFFFF  }
0x49: {  	_ =	shalt  }
tec
execute0_lowered:
.L_overlay_start_1:
0x0: {  	(tag) =	ssettag $0x1  }
0x1: {  	s0 =	srdreg.scid  }
0x2: {  	s1 =	sshll.u32 s0, $0x4  }
0x3: {  	s0 =	stileid.u32;
	s1 =	sand.u32 $0x10, s1  }
0x4: {  	s1 =	sor.u32 s0, s1  }
0x5: {  	s6 =	rddreg [dreg:$0x0];
	s7 =	simm.s32 $0x2;
	s2 =	sshll.u32 s1, $0x7  }
0x6: {  	s12 =	simm.s32 $0x0;
	s8 =	simm.s32 $0x10000;
	s1 =	ssub.s32 $0x2000, s2  }
0x7: {  	s13 =	simm.s32 $0x0;
	s9 =	simm.s32 $0x0;
	s3 =	sand.u32 $0xF80, s1  }
0x8: {  	s11 =	simm.s32 $0x0;
	p0 =	sne.s32 s3, $0x0;
	s3 =	simm.s32 $0x1  }
.Ltmp0:
0x9: {  	s4 =	sshrl.u32 s1, $0xC;
	s3 =	simm.s32 @!p0 $0x0;
	(pc) =	sbr.rel .LBB1_1-.Ltmp0, $4  }
0xa: {  	s5 =	sadd.s32 $0x33A600, s6;
	s1 =	rddreg [dreg:$0x1];
	s4 =	sadd.s32 s3, s4  }
0xb: {  	_ =	strace $0x8000004D;
	s3 =	simm.s32 $0x1;
	s4 =	smul.u32 $0x32, s4  }
0xc: {  	s6 =	sadd.s32 $0x1600, s6;
	s10 =	smov.u32 s2;
	[sflag:s3] =	ssyncpa.u1 $0x0  }
0xd: {  	p0 =	por $0x0, $0x0;
	[sflag:s7] =	ssyncpa.u1 $0x0;
	s7 =	sor.u32 $0x1, s4  }
.LBB1_4:
0xe: {  	s16 =	sshll.u32 s13, $0x3;
	s17 =	sand.u32 $0x78, s13  }
0xf: {  	s30 =	sand.u32 $0xFC00, s13;
	s12 =	sshll.u32 s12, $0x10;
	s16 =	sand.u32 $0x1C00, s16  }
0x10: {  	[tilespmem:s15+$0x810 ss:$0x81] =	vst.msk $0xffff, v2;
	s31 =	sand.u32 $0x7, s13;
	s16 =	sor.u32 s17, s16;
	s17 =	sadd.s32 s6, s30  }
0x11: {  	[tilespmem:s15+$0x1020 ss:$0x81] =	vst.msk $0xffff, v0;
	s13 =	sshll.u32 s31, $0x12;
	s12 =	sadd.s32 s12, s17;
	s16 =	sshrl.u32 s16, $0x3  }
0x12: {  	[tilespmem:s15+$0x0 ss:$0x81] =	vst.msk $0xffff, v1;
	s13 =	sor.u32 $0x400, s13;
	s12 =	sadd.s32 s16, s12  }
0x13: {  	[hbm4b:s12+s13] =	stream.strided.scatter [tilespmem:s14], [sflag:$0x2], $0x2000, s8, s13, $0x20;
	[tilespmem:$0x8080] =	vst v63  }
.LBB1_5:
0x14: {  	s14 =	sadd.s32 $0x1, s9  }
0x15: {  	s12 =	sadd.s32 $0x1000, s10;
	s16 =	smov.u32 s10;
	p2 =	sgt.s32 s14, $0x31  }
0x16: {  	s16 =	smov.u32 @p2 s12  }
0x17: {  	s14 =	simm.s32 @p2 $0x0;
	p2 =	sgt.s32 s16, $0x1FFF  }
0x18: {  	s16 =	smov.u32 @p2 s2;
	p2 =	sne.s32 s11, s7  }
.Ltmp1:
0x19: {  	p1 =	slt.u32 s11, $0x2;
	(pc) =	sbr.rel @!p2 .LBB1_6-.Ltmp1, $4  }
0x1a: {  	s15 =	simm.s32 @!p1 $0x2  }
0x1b: {  	s13 =	smov.u32 s10;
	p0 =	por !p0, !p0;
	_ =	swait.ge @!p1 [sflag:s15], $0x2000  }
0x1c: {  	s12 =	smov.u32 s9;
	[sflag:s15] =	ssyncset.done @!p1 $0x0;
	s9 =	smov.u32 s14  }
0x1d: {  	s11 =	sadd.s32 $0x1, s11;
	[sflag:s15] =	ssyncadd.s32 @!p1 $0xFFFFE000;
	s10 =	smov.u32 s16  }
.LBB1_1:
0x1e: {  	p1 =	sge.u32 s11, s4  }
0x1f: {  	s14 =	sand.u32 @!p1 $0x1FFFFFF, s9  }
0x20: {  	s15 =	smulhi.u32 @!p1 $0x4924925, s14;
	_ =	sdelay $0x1  }
0x21: {  	s15 =	smul.u32 @!p1 $0x38, s15  }
0x22: {  	s16 =	sxor.u32 @!p1 $0xFFFFFFFF, s11;
	s17 =	smul.u32 @!p1 $0x380, s10  }
0x23: {  	s31 =	sadd.s32 $0xFFFFFFFF, s11;
	s16 =	sshll.u32 @!p1 s16, $0xD;
	s14 =	ssub.s32 @!p1 s14, s15  }
0x24: {  	s15 =	sand.u32 @!p1 $0x2000, s16;
	s16 =	sadd.s32 @!p1 s5, s17;
	s14 =	sshll.u32 @!p1 s14, $0x4  }
0x25: {  	s17 =	simm.s32 @!p1 $0x1C00;
	s14 =	sadd.s32 @!p1 s14, s16;
	s16 =	simm.s32 @!p1 $0x40  }
0x26: {  	[tilespmem:s15], [sflag:$0x1] =	stream.strided.gather @!p1 [hbm4b:s14+s16], $0x2000, s17, s16, $0x38;
	[tilespmem:$0x8080] =	vst v63  }
0x27: {  	p1 =	sge.u32 s31, s4  }
.Ltmp2:
0x28: {  	_ = 	snop;
	(pc) =	sbr.rel @p1 .LBB1_5-.Ltmp2, $1  }
0x29: {  	_ =	sdelay $0x3  }
0x2a: {  	s14 =	simm.s32 $0x1  }
0x2b: {  	_ =	swait.ge [sflag:s3], $0x2000;
	s14 =	simm.s32 @!p0 $0x0  }
0x2c: {  	[sflag:s3] =	ssyncset.done $0x0;
	s15 =	sshll.u32 s14, $0xD  }
0x2d: {  	[sflag:s3] =	ssyncadd.s32 $0xFFFFE000;
	s18 =	sor.u32 $0x20, s15  }
0x2e: {  	s14 =	smul.u32 $0x8100, s14;
	v3 =	vld [tilespmem:s18+$0x10]  }
0x2f: {  	s30 =	sand.u32 $0x1, s11;
	v2 =	vld [tilespmem:s18+$0xFFFFFFF0]  }
0x30: {  	s15 =	smul.u32 $0x8100, s30;
	s14 =	sshrl.u32 s14, $0x2;
	v0 =	vld [tilespmem:s18+$0x0]  }
0x31: {  	v1 =	vld [tilespmem:s18+$0xFFFFFFE0];
	s16 =	sor.u32 $0x4000, s14  }
0x32: {  	s31 =	sshrl.u32 s15, $0x2;
	s15 =	sadd.s32 $0x0, s16  }
0x33: {  	s17 =	simm.s32 $0x4;
	s18 =	sadd.s32 $0x40, s18;
	s14 =	sor.u32 $0x4000, s31;
	[tilespmem:s15+$0x1830 ss:$0x81] =	vst.msk $0xffff, v3  }
.LBB1_3:
0x34: {  	v3 =	vld [tilespmem:s18+$0x10];
	p1 =	sne.s32 s17, $0x1FC;
	[tilespmem:s15+$0x810 ss:$0x81] =	vst.msk $0xffff, v2;
	s19 =	smov.u32 s17;
	s17 =	sadd.s32 $0x4, s17  }
.Ltmp3:
0x35: {  	v2 =	vld [tilespmem:s18+$0xFFFFFFF0];
	[tilespmem:s15+$0x1020 ss:$0x81] =	vst.msk $0xffff, v0;
	(pc) =	sbr.rel @p1 .LBB1_3-.Ltmp3, $4  }
0x36: {  	v0 =	vld [tilespmem:s18+$0x0];
	[tilespmem:s15+$0x0 ss:$0x81] =	vst.msk $0xffff, v1  }
0x37: {  	s15 =	sshra.s32 s19, $0x2;
	v1 =	vld [tilespmem:s18+$0xFFFFFFE0]  }
0x38: {  	s15 =	sadd.s32 s15, s16  }
0x39: {  	s18 =	sadd.s32 $0x40, s18;
	[tilespmem:s15+$0x1830 ss:$0x81] =	vst.msk $0xffff, v3  }
.Ltmp4:
0x3a: {  	_ = 	snop;
	(pc) =	sbr.rel .LBB1_4-.Ltmp4, $1  }
0x3b: {  	_ =	sdelay $0x3  }
.LBB1_6:
0x3c: {  	_ =	sfence.sel $0x180000  }
0x3d: {  	s2 =	simm.s32 $0x1;
	[bflag:$0x0] =	sbarrier.arrive $0xFFFF  }
0x3e: {  	s31 =	simm.s32 $0x2;
	[sflag:s2] =	ssyncpa.u1 $0x1  }
0x3f: {  	[sflag:s31] =	ssyncpa.u1 $0x1  }
0x40: {  	p0 =	sne.s32 s0, $0x0;
	_ =	strace $0x9000004D  }
0x41: {  	s0 =	sadd.s32 @!p0 $0x100000, s1;
	[bflag:$0x2] =	sbarrier.arrive $0xFFFF  }
0x42: {  	[sflag:s0] =	ssyncadd.tile.s32 @!p0 $0x1;
	_ =	shalt  }
.Lfunc_end1:
_tile_overlayer_lowered:
.L_overlay_start_2:
0x43: {  	(tag) =	ssettag $0x2  }
0x44: {  	s0 =	rddreg [dreg:$0x0];
	s2 =	stileid.u32  }
0x45: {  	s1 =	rddreg [dreg:$0x1];
	p0 =	sne.s32 s2, $0x0  }
0x46: {  	s3 =	rddreg [dreg:$0x2];
	[bflag:$0x3] =	sbarrier.arrive $0xFFFF;
	s2 =	simm.s32 @!p0 $0x1C01  }
0x47: {  	[timem:s3], [sflag:s2] =	dma.local @!p0 [hbm:s0], s1  }
0x48: {  	s0 =	simm.s32 @!p0 $0x1  }
0x49: {  	_ =	swait.ge @!p0 [sflag:s0], s1  }
0x4a: {  	s1 =	ssub.s32 @!p0 $0x0, s1;
	[sflag:s0] =	ssyncset.done @!p0 $0x0  }
0x4b: {  	[sflag:s0] =	ssyncadd.s32 @!p0 s1  }
0x4c: {  	[bflag:$0x3] =	sbarrier.arrive $0xFFFF  }
0x4d: {  	_ =	shalt  }

// kernel: sparse-core-data-format-call.cloned.1.call-start
scs
called_computation_lowered:
.L_overlay_start_0:
0x0: {  	s2 =	sld [smem:$0x3FD9]  }
0x1: {  	s3 =	sld [smem:$0x3FFE];
	_ =	sdelay $0x1  }
0x2: {  	s1 =	srdreg.scid  }
0x3: {  	s0 =	sand.u32 $0x1, s1  }
0x4: {  	s18 =	sshll.u32 s0, $0xA;
	s2 =	sadd.s32 s3, s2  }
0x5: {  	s2 =	sadd.s32 s2, s18  }
0x6: {  	[smem:$0x3FC6] =	sst s2  }
0x7: {  	_ = 	snop  }
0x8: {  	(tm) =	ssettm $0x1  }
0x9: {  	s19 =	sld [smem:$0x3FFB];
	_ =	sdelay $0x3  }
0xa: {  	_ =	strace s19  }
0xb: {  	s2 =	sld [smem:$0x3FFC];
	_ =	sdelay $0x3  }
0xc: {  	_ =	strace s2  }
0xd: {  	s2 =	sld [smem:$0x3FFD];
	_ =	sdelay $0x3  }
0xe: {  	_ =	strace s2  }
0xf: {  	_ =	strace $0x8FFFFFFF  }
0x10: {  	s20 =	sld [smem:$0x3FDB];
	_ =	sdelay $0x1  }
0x11: {  	s21 =	simm.s32 $_scs_section_size  }
0x12: {  	s4 =	simm.s32 $_size__tile_overlayer_lowered;
	s5 =	simm.s32 $_tile_overlayer_lowered  }
0x13: {  	s6 =	simm.s32 $0x1BFF;
	s22 =	sshll.u32 s5, $0x1;
	s3 =	sadd.s32 s21, s20  }
0x14: {  	s23 =	simm.s32 $0x0;
	s4 =	sshll.u32 s4, $0x1;
	s5 =	sadd.s32 s22, s3  }
0x15: {  	[timem:s23], [sflag:s6] =	dma.local [hbm:s5], s4  }
0x16: {  	_ =	swait.ge [sflag:s6], s4  }
0x17: {  	s4 =	ssub.s32 $0x0, s4;
	[sflag:s6] =	ssyncset.done $0x0  }
0x18: {  	[sflag:s6] =	ssyncadd.s32 s4;
	_ =	sdelay $0x1  }
0x19: {  	s24 =	simm.s32 $0x1B8B  }
0x1a: {  	_ =	swait.ge [sflag:s24], $0x1  }
0x1b: {  	[sflag:s24] =	ssyncset.done $0x0  }
0x1c: {  	[sflag:s24] =	ssyncadd.s32 $0xFFFFFFFF  }
0x1d: {  	s4 =	sld [smem:$0x0]  }
0x1e: {  	s5 =	sand.u32 $0xFFFFFFFE, s1  }
0x1f: {  	p0 =	sne.s32 s1, s5  }
0x20: {  	s5 =	sshll.u32 @p0 s5, $0xE  }
0x21: {  	s5 =	sadd.s32 @p0 $0x11B8D, s5;
	s6 =	sshll.u32 @p0 s4, $0x11  }
0x22: {  	s5 =	sor.u32 @p0 s6, s5  }
0x23: {  	[sflag:s5] =	ssyncadd.remote.s32 @p0 $0x1;
	_ =	sdelay $0x1  }
0x24: {  	s5 =	simm.s32 @p0 $0x1B8D  }
0x25: {  	_ =	swait.eq @p0 [sflag:s5], $0x1  }
0x26: {  	[sflag:s5] =	ssyncadd.s32 @p0 $0xFFFFFFFF  }
0x27: {  	s6 =	sshll.u32 @!p0 s1, $0xE  }
0x28: {  	s6 =	sor.u32 @!p0 $0x4000, s6;
	s5 =	simm.s32 @!p0 $0x1B8D  }
0x29: {  	s4 =	sshll.u32 @!p0 s4, $0x11;
	s6 =	sadd.s32 @!p0 $0x11B8D, s6;
	_ =	swait.eq @!p0 [sflag:s5], $0x1  }
0x2a: {  	s4 =	sor.u32 @!p0 s4, s6;
	[sflag:s5] =	ssyncadd.s32 @!p0 $0xFFFFFFFF  }
0x2b: {  	s26 =	simm.s32 $0x1B8E;
	s25 =	sld [smem:$0x3FFE];
	[sflag:s4] =	ssyncadd.remote.s32 @!p0 $0x1  }
0x2c: {  	s27 =	simm.s32 $execute0_lowered;
	[smem:$0x3FD2] =	sst s26  }
0x2d: {  	s5 =	sshll.u32 s27, $0x1;
	_ =	strace $0x8000004F;
	[dreg:$0x1] =	wrdreg $0xFFFFFFFF  }
0x2e: {  	s28 =	simm.s32 $_size_execute0_lowered;
	s3 =	sadd.s32 s3, s5;
	[dreg:$0x0] =	wrdreg $0x0  }
0x2f: {  	s5 =	sshll.u32 s28, $0x1;
	[dreg:$0x2] =	wrdreg s3  }
0x30: {  	[dreg:$0x3] =	wrdreg s5  }
0x31: {  	[dreg:$0x4] =	wrdreg $0xC0  }
0x32: {  	_ =	task [dreg:s23], $0x5FFFF  }
0x33: {  	[dreg:$0x1] =	wrdreg $0xFFFFFFFF  }
0x34: {  	[dreg:$0x0] =	wrdreg $0x60  }
0x35: {  	[dreg:$0x2] =	wrdreg s25  }
0x36: {  	[dreg:$0x3] =	wrdreg $0xA  }
0x37: {  	_ =	task.clear_ibuf [dreg:s23], $0x4FFFF;
	_ =	strace $0x9000004F  }
0x38: {  	s29 =	simm.s32 $0xA;
	_ =	strace $0x80000051  }
0x39: {  	_ =	swait.ge [sflag:s29], $0x1  }
0x3a: {  	[sflag:s29] =	ssyncadd.s32 $0xFFFFFFFF  }
0x3b: {  	_ =	strace $0x90000051  }
0x3c: {  	_ =	sfence  }
0x3d: {  	s30 =	sld [smem:$0x0];
	_ =	sdelay $0x2  }
0x3e: {  	s31 =	sshll.u32 s1, $0xD;
	s1 =	sshrl.u32 s1, $0x2  }
0x3f: {  	s4 =	sand.u32 $0x4000, s31;
	s1 =	sadd.s32 s1, s30  }
0x40: {  	s0 =	sor.u32 s4, s0;
	s1 =	sshll.u32 s1, $0x11  }
0x41: {  	s0 =	sor.u32 s1, s0  }
0x42: {  	s0 =	sadd.s32 $0x8F2B, s0  }
0x43: {  	[sflag:s0] =	ssyncadd.remote.s32 $0x1  }
0x44: {  	_ =	sfence.sel $0xFFFF  }
0x45: {  	[dreg:$0x0] =	wrdreg $0xFFFFFFFF;
	(pc) =	sbr.abs _section_cstart, $3  }
0x46: {  	[dreg:$0x1] =	wrdreg $0xFFFFFFFF  }
0x47: {  	_ =	task.clear_ibuf [dreg:s23], $0x2FFFF;
	_ =	strace $0x9FFFFFFF  }
0x48: {  	(tm) =	ssettm $0x7FFFFFFF  }
0x49: {  	_ =	shalt  }
tec
execute0_lowered:
.L_overlay_start_1:
0x0: {  	(tag) =	ssettag $0x1  }
0x1: {  	s0 =	srdreg.scid  }
0x2: {  	s1 =	sshll.u32 s0, $0x4  }
0x3: {  	s0 =	stileid.u32;
	s1 =	sand.u32 $0x10, s1  }
0x4: {  	s1 =	sor.u32 s0, s1  }
0x5: {  	s6 =	rddreg [dreg:$0x0];
	s7 =	simm.s32 $0x2;
	s2 =	sshll.u32 s1, $0x7  }
0x6: {  	s12 =	simm.s32 $0x0;
	s8 =	simm.s32 $0x10000;
	s1 =	ssub.s32 $0x2000, s2  }
0x7: {  	s13 =	simm.s32 $0x0;
	s9 =	simm.s32 $0x0;
	s3 =	sand.u32 $0xF80, s1  }
0x8: {  	s11 =	simm.s32 $0x0;
	p0 =	sne.s32 s3, $0x0;
	s3 =	simm.s32 $0x1  }
.Ltmp0:
0x9: {  	s4 =	sshrl.u32 s1, $0xC;
	s3 =	simm.s32 @!p0 $0x0;
	(pc) =	sbr.rel .LBB1_1-.Ltmp0, $4  }
0xa: {  	s5 =	sadd.s32 $0xA3A600, s6;
	s1 =	rddreg [dreg:$0x1];
	s4 =	sadd.s32 s3, s4  }
0xb: {  	_ =	strace $0x80000050;
	s3 =	simm.s32 $0x1;
	s4 =	smul.u32 $0x32, s4  }
0xc: {  	s6 =	sadd.s32 $0x113A600, s6;
	s10 =	smov.u32 s2;
	[sflag:s3] =	ssyncpa.u1 $0x0  }
0xd: {  	p0 =	por $0x0, $0x0;
	[sflag:s7] =	ssyncpa.u1 $0x0;
	s7 =	sor.u32 $0x1, s4  }
.LBB1_4:
0xe: {  	s16 =	sshll.u32 s13, $0x3;
	s17 =	sand.u32 $0x78, s13  }
0xf: {  	s30 =	sand.u32 $0xFC00, s13;
	s12 =	sshll.u32 s12, $0x10;
	s16 =	sand.u32 $0x1C00, s16  }
0x10: {  	[tilespmem:s15+$0x810 ss:$0x81] =	vst.msk $0xffff, v2;
	s31 =	sand.u32 $0x7, s13;
	s16 =	sor.u32 s17, s16;
	s17 =	sadd.s32 s6, s30  }
0x11: {  	[tilespmem:s15+$0x1020 ss:$0x81] =	vst.msk $0xffff, v0;
	s13 =	sshll.u32 s31, $0x12;
	s12 =	sadd.s32 s12, s17;
	s16 =	sshrl.u32 s16, $0x3  }
0x12: {  	[tilespmem:s15+$0x0 ss:$0x81] =	vst.msk $0xffff, v1;
	s13 =	sor.u32 $0x400, s13;
	s12 =	sadd.s32 s16, s12  }
0x13: {  	[hbm4b:s12+s13] =	stream.strided.scatter [tilespmem:s14], [sflag:$0x2], $0x2000, s8, s13, $0x20;
	[tilespmem:$0x8080] =	vst v63  }
.LBB1_5:
0x14: {  	s14 =	sadd.s32 $0x1, s9  }
0x15: {  	s12 =	sadd.s32 $0x1000, s10;
	s16 =	smov.u32 s10;
	p2 =	sgt.s32 s14, $0x31  }
0x16: {  	s16 =	smov.u32 @p2 s12  }
0x17: {  	s14 =	simm.s32 @p2 $0x0;
	p2 =	sgt.s32 s16, $0x1FFF  }
0x18: {  	s16 =	smov.u32 @p2 s2;
	p2 =	sne.s32 s11, s7  }
.Ltmp1:
0x19: {  	p1 =	slt.u32 s11, $0x2;
	(pc) =	sbr.rel @!p2 .LBB1_6-.Ltmp1, $4  }
0x1a: {  	s15 =	simm.s32 @!p1 $0x2  }
0x1b: {  	s13 =	smov.u32 s10;
	p0 =	por !p0, !p0;
	_ =	swait.ge @!p1 [sflag:s15], $0x2000  }
0x1c: {  	s12 =	smov.u32 s9;
	[sflag:s15] =	ssyncset.done @!p1 $0x0;
	s9 =	smov.u32 s14  }
0x1d: {  	s11 =	sadd.s32 $0x1, s11;
	[sflag:s15] =	ssyncadd.s32 @!p1 $0xFFFFE000;
	s10 =	smov.u32 s16  }
.LBB1_1:
0x1e: {  	p1 =	sge.u32 s11, s4  }
0x1f: {  	s14 =	sand.u32 @!p1 $0x1FFFFFF, s9  }
0x20: {  	s15 =	smulhi.u32 @!p1 $0x4924925, s14;
	_ =	sdelay $0x1  }
0x21: {  	s15 =	smul.u32 @!p1 $0x38, s15  }
0x22: {  	s16 =	sxor.u32 @!p1 $0xFFFFFFFF, s11;
	s17 =	smul.u32 @!p1 $0x380, s10  }
0x23: {  	s31 =	sadd.s32 $0xFFFFFFFF, s11;
	s16 =	sshll.u32 @!p1 s16, $0xD;
	s14 =	ssub.s32 @!p1 s14, s15  }
0x24: {  	s15 =	sand.u32 @!p1 $0x2000, s16;
	s16 =	sadd.s32 @!p1 s5, s17;
	s14 =	sshll.u32 @!p1 s14, $0x4  }
0x25: {  	s17 =	simm.s32 @!p1 $0x1C00;
	s14 =	sadd.s32 @!p1 s14, s16;
	s16 =	simm.s32 @!p1 $0x40  }
0x26: {  	[tilespmem:s15], [sflag:$0x1] =	stream.strided.gather @!p1 [hbm4b:s14+s16], $0x2000, s17, s16, $0x38;
	[tilespmem:$0x8080] =	vst v63  }
0x27: {  	p1 =	sge.u32 s31, s4  }
.Ltmp2:
0x28: {  	_ = 	snop;
	(pc) =	sbr.rel @p1 .LBB1_5-.Ltmp2, $1  }
0x29: {  	_ =	sdelay $0x3  }
0x2a: {  	s14 =	simm.s32 $0x1  }
0x2b: {  	_ =	swait.ge [sflag:s3], $0x2000;
	s14 =	simm.s32 @!p0 $0x0  }
0x2c: {  	[sflag:s3] =	ssyncset.done $0x0;
	s15 =	sshll.u32 s14, $0xD  }
0x2d: {  	[sflag:s3] =	ssyncadd.s32 $0xFFFFE000;
	s18 =	sor.u32 $0x20, s15  }
0x2e: {  	s14 =	smul.u32 $0x8100, s14;
	v3 =	vld [tilespmem:s18+$0x10]  }
0x2f: {  	s30 =	sand.u32 $0x1, s11;
	v2 =	vld [tilespmem:s18+$0xFFFFFFF0]  }
0x30: {  	s15 =	smul.u32 $0x8100, s30;
	s14 =	sshrl.u32 s14, $0x2;
	v0 =	vld [tilespmem:s18+$0x0]  }
0x31: {  	v1 =	vld [tilespmem:s18+$0xFFFFFFE0];
	s16 =	sor.u32 $0x4000, s14  }
0x32: {  	s31 =	sshrl.u32 s15, $0x2;
	s15 =	sadd.s32 $0x0, s16  }
0x33: {  	s17 =	simm.s32 $0x4;
	s18 =	sadd.s32 $0x40, s18;
	s14 =	sor.u32 $0x4000, s31;
	[tilespmem:s15+$0x1830 ss:$0x81] =	vst.msk $0xffff, v3  }
.LBB1_3:
0x34: {  	v3 =	vld [tilespmem:s18+$0x10];
	p1 =	sne.s32 s17, $0x1FC;
	[tilespmem:s15+$0x810 ss:$0x81] =	vst.msk $0xffff, v2;
	s19 =	smov.u32 s17;
	s17 =	sadd.s32 $0x4, s17  }
.Ltmp3:
0x35: {  	v2 =	vld [tilespmem:s18+$0xFFFFFFF0];
	[tilespmem:s15+$0x1020 ss:$0x81] =	vst.msk $0xffff, v0;
	(pc) =	sbr.rel @p1 .LBB1_3-.Ltmp3, $4  }
0x36: {  	v0 =	vld [tilespmem:s18+$0x0];
	[tilespmem:s15+$0x0 ss:$0x81] =	vst.msk $0xffff, v1  }
0x37: {  	s15 =	sshra.s32 s19, $0x2;
	v1 =	vld [tilespmem:s18+$0xFFFFFFE0]  }
0x38: {  	s15 =	sadd.s32 s15, s16  }
0x39: {  	s18 =	sadd.s32 $0x40, s18;
	[tilespmem:s15+$0x1830 ss:$0x81] =	vst.msk $0xffff, v3  }
.Ltmp4:
0x3a: {  	_ = 	snop;
	(pc) =	sbr.rel .LBB1_4-.Ltmp4, $1  }
0x3b: {  	_ =	sdelay $0x3  }
.LBB1_6:
0x3c: {  	_ =	sfence.sel $0x180000  }
0x3d: {  	s2 =	simm.s32 $0x1;
	[bflag:$0x0] =	sbarrier.arrive $0xFFFF  }
0x3e: {  	s31 =	simm.s32 $0x2;
	[sflag:s2] =	ssyncpa.u1 $0x1  }
0x3f: {  	[sflag:s31] =	ssyncpa.u1 $0x1  }
0x40: {  	p0 =	sne.s32 s0, $0x0;
	_ =	strace $0x90000050  }
0x41: {  	s0 =	sadd.s32 @!p0 $0x100000, s1;
	[bflag:$0x2] =	sbarrier.arrive $0xFFFF  }
0x42: {  	[sflag:s0] =	ssyncadd.tile.s32 @!p0 $0x1;
	_ =	shalt  }
.Lfunc_end1:
_tile_overlayer_lowered:
.L_overlay_start_2:
0x43: {  	(tag) =	ssettag $0x2  }
0x44: {  	s0 =	rddreg [dreg:$0x0];
	s2 =	stileid.u32  }
0x45: {  	s1 =	rddreg [dreg:$0x1];
	p0 =	sne.s32 s2, $0x0  }
0x46: {  	s3 =	rddreg [dreg:$0x2];
	[bflag:$0x3] =	sbarrier.arrive $0xFFFF;
	s2 =	simm.s32 @!p0 $0x1C01  }
0x47: {  	[timem:s3], [sflag:s2] =	dma.local @!p0 [hbm:s0], s1  }
0x48: {  	s0 =	simm.s32 @!p0 $0x1  }
0x49: {  	_ =	swait.ge @!p0 [sflag:s0], s1  }
0x4a: {  	s1 =	ssub.s32 @!p0 $0x0, s1;
	[sflag:s0] =	ssyncset.done @!p0 $0x0  }
0x4b: {  	[sflag:s0] =	ssyncadd.s32 @!p0 s1  }
0x4c: {  	[bflag:$0x3] =	sbarrier.arrive $0xFFFF  }
0x4d: {  	_ =	shalt  }

</sc_bundles>
